<compile_context>
chip_gen: v7x
topology: tpu7x:2x2x1
jax: 0.10.2.dev20260603
libtpu: 0.0.44.dev20260713+nightly
codegen_flags: <defaults>
</compile_context>

<pallas_src>
import functools

import numpy as np
import jax
import jax.numpy as jnp
from jax import lax
from jax.experimental import pallas as pl
from jax.experimental.pallas import tpu as pltpu
from jax.experimental.pallas import tpu_sc as plsc

DM = 768
NB = 64
BATCH = 2
SEQ = 8192
CHUNK = SEQ // NB
TILE = 256
NT = SEQ // TILE
NC, NS = 2, 16
NW = NC * NS
RPW = SEQ // NW
SCH = 32
NBUF = 5


def _perm_body(buck_ref, out_ref):
    buck = buck_ref[0, 0, :]
    cid = lax.broadcasted_iota(jnp.int32, (NB, SEQ), 0)
    oh = jnp.where(cid == buck[None, :], 1.0, 0.0).astype(jnp.float32)

    r = lax.broadcasted_iota(jnp.int32, (TILE, TILE), 0)
    c = lax.broadcasted_iota(jnp.int32, (TILE, TILE), 1)
    tri = jnp.where(r <= c, 1.0, 0.0).astype(jnp.float32)

    lane_last = lax.broadcasted_iota(jnp.int32, (NB, TILE), 1) == (TILE - 1)
    run = jnp.zeros((NB, 1), jnp.float32)
    parts = []
    for t in range(NT):
        oh_t = oh[:, t * TILE:(t + 1) * TILE]
        c_t = lax.dot_general(oh_t, tri, (((1,), (0,)), ((), ())),
                              preferred_element_type=jnp.float32)
        c_t = c_t + run
        run = jnp.sum(jnp.where(lane_last, c_t, 0.0), axis=1, keepdims=True)
        parts.append(c_t)
    csum = jnp.concatenate(parts, axis=1)

    hi = jnp.floor(run * (1.0 / 32.0))
    lo = run - hi * 32.0
    rr = lax.broadcasted_iota(jnp.int32, (NB, NB), 0)
    cc = lax.broadcasted_iota(jnp.int32, (NB, NB), 1)
    lstrict = jnp.where(cc < rr, 1.0, 0.0).astype(jnp.float32)
    dn = (((1,), (0,)), ((), ()))
    starts = (lax.dot_general(lstrict, hi, dn, preferred_element_type=jnp.float32) * 32.0
              + lax.dot_general(lstrict, lo, dn, preferred_element_type=jnp.float32))

    val = oh * (csum + starts - 1.0)
    pos = jnp.sum(val, axis=0)
    out_ref[0, 0, :] = pos.astype(jnp.int32)


def _build_perm(buckets3):
    return pl.pallas_call(
        _perm_body,
        grid=(BATCH,),
        in_specs=[pl.BlockSpec((1, 1, SEQ), lambda i: (i, 0, 0))],
        out_specs=pl.BlockSpec((1, 1, SEQ), lambda i: (i, 0, 0)),
        out_shape=jax.ShapeDtypeStruct((BATCH, 1, SEQ), jnp.int32),
    )(buckets3)


def _sc_scatter_body(qf, kf, vf, didx, qg, kg, vg, *scr):
    cid = lax.axis_index("c")
    sid = lax.axis_index("s")
    base = (sid * NC + cid) * RPW
    srcs = (qf, kf, vf)
    dsts = (qg, kg, vg)
    idxb = scr[:NBUF]
    rowb = scr[NBUF:2 * NBUF]
    isem = scr[2 * NBUF:3 * NBUF]
    gsem = scr[3 * NBUF:4 * NBUF]
    ssem = scr[4 * NBUF:5 * NBUF]
    nch = RPW // SCH
    ni = 3 * BATCH * nch

    def chunk(i):
        t, r = divmod(i, BATCH * nch)
        b, ch = divmod(r, nch)
        return t, b * SEQ + base + ch * SCH

    gdesc = {}

    def prefetch(i):
        s = i % NBUF
        t, row = chunk(i)
        d1 = pltpu.async_copy(didx.at[pl.ds(row, SCH)], idxb[s], isem[s])
        d2 = pltpu.async_copy(srcs[t].at[pl.ds(row, SCH)], rowb[s], gsem[s])
        gdesc[i] = (d1, d2)

    sdesc = {}
    for i in range(NBUF - 1):
        prefetch(i)
    for i in range(ni):
        s = i % NBUF
        t, _ = chunk(i)
        d1, d2 = gdesc.pop(i)
        d1.wait()
        d2.wait()
        sdesc[i] = pltpu.async_copy(rowb[s], dsts[t].at[idxb[s]], ssem[s])
        if i + NBUF - 1 < ni:
            if i >= 1:
                sdesc.pop(i - 1).wait()
            prefetch(i + NBUF - 1)
        elif i >= 1 and (i - 1) in sdesc:
            sdesc.pop(i - 1).wait()
    for j in sorted(sdesc):
        sdesc.pop(j).wait()


@functools.cache
def _sc_scatter():
    rows = jax.ShapeDtypeStruct((BATCH * SEQ, DM), jnp.float32)
    mesh = plsc.VectorSubcoreMesh(core_axis_name="c", subcore_axis_name="s",
                                  num_cores=NC, num_subcores=NS)
    return pl.kernel(
        _sc_scatter_body,
        out_type=(rows, rows, rows),
        mesh=mesh,
        scratch_types=(
            tuple(pltpu.VMEM((SCH,), jnp.int32) for _ in range(NBUF))
            + tuple(pltpu.VMEM((SCH, DM), jnp.float32) for _ in range(NBUF))
            + tuple(pltpu.SemaphoreType.DMA for _ in range(3 * NBUF))
        ),
    )


ABLK = 1024


def _attn_body(q_ref, k_ref, v_ref, o_ref):
    for c in range(ABLK // CHUNK):
        sl = pl.ds(c * CHUNK, CHUNK)
        qb = q_ref[sl, :]
        kb = k_ref[sl, :]
        vb = v_ref[sl, :]
        s = lax.dot_general(qb, kb, (((1,), (1,)), ((), ())),
                            preferred_element_type=jnp.float32)
        s = s / np.float32(np.sqrt(DM))
        m = jnp.max(s, axis=-1, keepdims=True)
        e = jnp.exp(s - m)
        p = e / jnp.sum(e, axis=-1, keepdims=True)
        o = lax.dot_general(p, vb, (((1,), (0,)), ((), ())),
                            preferred_element_type=jnp.float32)
        o_ref[sl, :] = o * np.float32(1.0 / NB)


def _attn(qg, kg, vg):
    spec = pl.BlockSpec((ABLK, DM), lambda i: (i, 0))
    return pl.pallas_call(
        _attn_body,
        grid=(BATCH * SEQ // ABLK,),
        in_specs=[spec, spec, spec],
        out_specs=spec,
        out_shape=jax.ShapeDtypeStruct((BATCH * SEQ, DM), jnp.float32),
    )(qg, kg, vg)


def kernel(q, k, v, projection_matrix):
    projected = jnp.matmul(q, projection_matrix)
    hashes = jnp.sign(projected)
    bucket_range = jnp.asarray([2.0 ** i for i in range(NB // 2)],
                               dtype=jnp.float32)
    bucket_ids = jnp.sum(hashes * bucket_range, axis=-1)
    bucket_ids = bucket_ids.astype(jnp.int32) % NB

    didx = _build_perm(bucket_ids.reshape(BATCH, 1, SEQ))
    didx_flat = (didx.reshape(BATCH, SEQ)
                 + jnp.arange(BATCH, dtype=jnp.int32)[:, None] * SEQ
                 ).reshape(BATCH * SEQ)

    qf = q.reshape(BATCH * SEQ, DM)
    kf = k.reshape(BATCH * SEQ, DM)
    vf = v.reshape(BATCH * SEQ, DM)
    qg, kg, vg = _sc_scatter()(qf, kf, vf, didx_flat)

    out = _attn(qg, kg, vg)
    return out.reshape(BATCH, SEQ, DM)

# --- scband reference (transcript-rebuilt; emitter-appended) ---
"""Pipeline reference for scband-lshattention-11974368821327 (READ-ONLY COPY).

The authoritative reference and input builder live on the scoring server;
editing this copy changes nothing except your own understanding.
"""

import jax, jax.numpy as jnp
import numpy as np

D_MODEL = 768
N_BUCKETS = 64
BATCH = 2
SEQ = 8192


def setup_inputs(seed: int = 0) -> dict:
    key = jax.random.key(seed)
    k1, k2, k3, k4 = jax.random.split(key, 4)
    q = jax.random.normal(k1, (BATCH, SEQ, D_MODEL), dtype=jnp.float32)
    k = jax.random.normal(k2, (BATCH, SEQ, D_MODEL), dtype=jnp.float32)
    v = jax.random.normal(k3, (BATCH, SEQ, D_MODEL), dtype=jnp.float32)
    # keras 'random_normal' initializer: stddev=0.05
    projection_matrix = jax.random.normal(k4, (D_MODEL, N_BUCKETS // 2), dtype=jnp.float32) * 0.05
    return {"q": q, "k": k, "v": v, "projection_matrix": projection_matrix}


def _hash_vectors(x, projection_matrix):
    projected = jnp.matmul(x, projection_matrix)
    hashes = jnp.sign(projected)
    bucket_range = jnp.asarray([2.0 ** i for i in range(N_BUCKETS // 2)], dtype=jnp.float32)
    bucket_ids = jnp.sum(hashes * bucket_range, axis=-1)
    bucket_ids = bucket_ids.astype(jnp.int32) % N_BUCKETS
    return bucket_ids


def _split_buckets(x):
    b, s = x.shape[0], x.shape[1]
    return x.reshape(b, N_BUCKETS, s // N_BUCKETS, -1)


def reference(q, k, v, projection_matrix):
    batch_size, seq_len, _ = q.shape
    buckets = _hash_vectors(q, projection_matrix)
    idxs = jnp.argsort(buckets, axis=-1)
    qg = jnp.take_along_axis(q, idxs[:, :, None], axis=1)
    kg = jnp.take_along_axis(k, idxs[:, :, None], axis=1)
    vg = jnp.take_along_axis(v, idxs[:, :, None], axis=1)
    qs, ks, vs = _split_buckets(qg), _split_buckets(kg), _split_buckets(vg)
    scores = jnp.einsum('bhie,bhje->bhij', qs, ks) / np.sqrt(D_MODEL)
    attn = jax.nn.softmax(scores, axis=-1)
    output = jnp.einsum('bhij,bhje->bhie', attn, vs)
    output = output.reshape(batch_size, seq_len, -1)
    output = output / jnp.float32(N_BUCKETS)
    return output

if __name__ == "__main__":
    import jax
    _d = setup_inputs()
    print(jax.jit(kernel)(*tuple(_d.values())))

</pallas_src>

<mosaic_0001>
#map = affine_map<(d0, d1) -> (0, 0)>
#map1 = affine_map<(d0, d1) -> (0)>
module attributes {stable_mosaic.version = 14 : i64} {
  func.func @_sc_scatter_body(%arg0: i32, %arg1: i32, %arg2: memref<16384x768xf32, #tpu.memory_space<hbm>>, %arg3: memref<16384x768xf32, #tpu.memory_space<hbm>>, %arg4: memref<16384x768xf32, #tpu.memory_space<hbm>>, %arg5: memref<16384xi32, #tpu.memory_space<hbm>>, %arg6: memref<16384x768xf32, #tpu.memory_space<hbm>>, %arg7: memref<16384x768xf32, #tpu.memory_space<hbm>>, %arg8: memref<16384x768xf32, #tpu.memory_space<hbm>>, %arg9: memref<32xi32, #tpu.memory_space<vmem>>, %arg10: memref<32xi32, #tpu.memory_space<vmem>>, %arg11: memref<32xi32, #tpu.memory_space<vmem>>, %arg12: memref<32xi32, #tpu.memory_space<vmem>>, %arg13: memref<32xi32, #tpu.memory_space<vmem>>, %arg14: memref<32x768xf32, #tpu.memory_space<vmem>>, %arg15: memref<32x768xf32, #tpu.memory_space<vmem>>, %arg16: memref<32x768xf32, #tpu.memory_space<vmem>>, %arg17: memref<32x768xf32, #tpu.memory_space<vmem>>, %arg18: memref<32x768xf32, #tpu.memory_space<vmem>>, %arg19: memref<!tpu.dma_semaphore, #tpu.memory_space<semaphore_mem>>, %arg20: memref<!tpu.dma_semaphore, #tpu.memory_space<semaphore_mem>>, %arg21: memref<!tpu.dma_semaphore, #tpu.memory_space<semaphore_mem>>, %arg22: memref<!tpu.dma_semaphore, #tpu.memory_space<semaphore_mem>>, %arg23: memref<!tpu.dma_semaphore, #tpu.memory_space<semaphore_mem>>, %arg24: memref<!tpu.dma_semaphore, #tpu.memory_space<semaphore_mem>>, %arg25: memref<!tpu.dma_semaphore, #tpu.memory_space<semaphore_mem>>, %arg26: memref<!tpu.dma_semaphore, #tpu.memory_space<semaphore_mem>>, %arg27: memref<!tpu.dma_semaphore, #tpu.memory_space<semaphore_mem>>, %arg28: memref<!tpu.dma_semaphore, #tpu.memory_space<semaphore_mem>>, %arg29: memref<!tpu.dma_semaphore, #tpu.memory_space<semaphore_mem>>, %arg30: memref<!tpu.dma_semaphore, #tpu.memory_space<semaphore_mem>>, %arg31: memref<!tpu.dma_semaphore, #tpu.memory_space<semaphore_mem>>, %arg32: memref<!tpu.dma_semaphore, #tpu.memory_space<semaphore_mem>>, %arg33: memref<!tpu.dma_semaphore, #tpu.memory_space<semaphore_mem>>) attributes {dimension_semantics = [#tpu.dimension_semantics<core_parallel>, #tpu.dimension_semantics<subcore_parallel>], iteration_bounds = array<i64: 2, 16>, scalar_prefetch = 0 : i64, scratch_operands = 25 : i64, tpu.core_type = #tpu.core_type<sc_vector_subcore>, window_params = [{transform_indices = #map}, {transform_indices = #map}, {transform_indices = #map}, {transform_indices = #map1}, {transform_indices = #map}, {transform_indices = #map}, {transform_indices = #map}]} {
    %mul3A = arith.constant 2 : i32
    %mul3A_0 = arith.muli %arg1, %mul3A : i32
    %add3A = arith.addi %mul3A_0, %arg0 : i32
    %mul3A_1 = arith.constant 256 : i32
    %mul3A_2 = arith.muli %add3A, %mul3A_1 : i32
    %add3A_3 = arith.constant 0 : i32
    %add3A_4 = arith.addi %add3A_3, %mul3A_2 : i32
    %add3A_5 = arith.constant 0 : i32
    %add3A_6 = arith.addi %add3A_4, %add3A_5 : i32
    %dma_start3A = tpu.memref_slice %arg5[%add3A_6] : memref<16384xi32, #tpu.memory_space<hbm>> -> memref<32xi32, #tpu.memory_space<hbm>>
    %dma_start3A_7 = tpu.memref_slice %arg5[%add3A_6] : memref<16384xi32, #tpu.memory_space<hbm>> -> memref<32xi32, #tpu.memory_space<hbm>>
    tpu.enqueue_dma source(%dma_start3A_7 : memref<32xi32, #tpu.memory_space<hbm>>) target(%arg9 : memref<32xi32, #tpu.memory_space<vmem>>) target_semaphore(%arg19 : memref<!tpu.dma_semaphore, #tpu.memory_space<semaphore_mem>>)
    %dma_start3A_8 = arith.constant 0 : i32
    %dma_start3A_9 = tpu.memref_slice %arg2[%add3A_6, %dma_start3A_8] : memref<16384x768xf32, #tpu.memory_space<hbm>> -> memref<32x768xf32, #tpu.memory_space<hbm>>
    %dma_start3A_10 = arith.constant 0 : i32
    %dma_start3A_11 = tpu.memref_slice %arg2[%add3A_6, %dma_start3A_10] : memref<16384x768xf32, #tpu.memory_space<hbm>> -> memref<32x768xf32, #tpu.memory_space<hbm>>
    tpu.enqueue_dma source(%dma_start3A_11 : memref<32x768xf32, #tpu.memory_space<hbm>>) target(%arg14 : memref<32x768xf32, #tpu.memory_space<vmem>>) target_semaphore(%arg24 : memref<!tpu.dma_semaphore, #tpu.memory_space<semaphore_mem>>)
    %add3A_12 = arith.constant 0 : i32
    %add3A_13 = arith.addi %add3A_12, %mul3A_2 : i32
    %add3A_14 = arith.constant 32 : i32
    %add3A_15 = arith.addi %add3A_13, %add3A_14 : i32
    %dma_start3A_16 = tpu.memref_slice %arg5[%add3A_15] : memref<16384xi32, #tpu.memory_space<hbm>> -> memref<32xi32, #tpu.memory_space<hbm>>
    %dma_start3A_17 = tpu.memref_slice %arg5[%add3A_15] : memref<16384xi32, #tpu.memory_space<hbm>> -> memref<32xi32, #tpu.memory_space<hbm>>
    tpu.enqueue_dma source(%dma_start3A_17 : memref<32xi32, #tpu.memory_space<hbm>>) target(%arg10 : memref<32xi32, #tpu.memory_space<vmem>>) target_semaphore(%arg20 : memref<!tpu.dma_semaphore, #tpu.memory_space<semaphore_mem>>)
    %dma_start3A_18 = arith.constant 0 : i32
    %dma_start3A_19 = tpu.memref_slice %arg2[%add3A_15, %dma_start3A_18] : memref<16384x768xf32, #tpu.memory_space<hbm>> -> memref<32x768xf32, #tpu.memory_space<hbm>>
    %dma_start3A_20 = arith.constant 0 : i32
    %dma_start3A_21 = tpu.memref_slice %arg2[%add3A_15, %dma_start3A_20] : memref<16384x768xf32, #tpu.memory_space<hbm>> -> memref<32x768xf32, #tpu.memory_space<hbm>>
    tpu.enqueue_dma source(%dma_start3A_21 : memref<32x768xf32, #tpu.memory_space<hbm>>) target(%arg15 : memref<32x768xf32, #tpu.memory_space<vmem>>) target_semaphore(%arg25 : memref<!tpu.dma_semaphore, #tpu.memory_space<semaphore_mem>>)
    %add3A_22 = arith.constant 0 : i32
    %add3A_23 = arith.addi %add3A_22, %mul3A_2 : i32
    %add3A_24 = arith.constant 64 : i32
    %add3A_25 = arith.addi %add3A_23, %add3A_24 : i32
    %dma_start3A_26 = tpu.memref_slice %arg5[%add3A_25] : memref<16384xi32, #tpu.memory_space<hbm>> -> memref<32xi32, #tpu.memory_space<hbm>>
    %dma_start3A_27 = tpu.memref_slice %arg5[%add3A_25] : memref<16384xi32, #tpu.memory_space<hbm>> -> memref<32xi32, #tpu.memory_space<hbm>>
    tpu.enqueue_dma source(%dma_start3A_27 : memref<32xi32, #tpu.memory_space<hbm>>) target(%arg11 : memref<32xi32, #tpu.memory_space<vmem>>) target_semaphore(%arg21 : memref<!tpu.dma_semaphore, #tpu.memory_space<semaphore_mem>>)
    %dma_start3A_28 = arith.constant 0 : i32
    %dma_start3A_29 = tpu.memref_slice %arg2[%add3A_25, %dma_start3A_28] : memref<16384x768xf32, #tpu.memory_space<hbm>> -> memref<32x768xf32, #tpu.memory_space<hbm>>
    %dma_start3A_30 = arith.constant 0 : i32
    %dma_start3A_31 = tpu.memref_slice %arg2[%add3A_25, %dma_start3A_30] : memref<16384x768xf32, #tpu.memory_space<hbm>> -> memref<32x768xf32, #tpu.memory_space<hbm>>
    tpu.enqueue_dma source(%dma_start3A_31 : memref<32x768xf32, #tpu.memory_space<hbm>>) target(%arg16 : memref<32x768xf32, #tpu.memory_space<vmem>>) target_semaphore(%arg26 : memref<!tpu.dma_semaphore, #tpu.memory_space<semaphore_mem>>)
    %add3A_32 = arith.constant 0 : i32
    %add3A_33 = arith.addi %add3A_32, %mul3A_2 : i32
    %add3A_34 = arith.constant 96 : i32
    %add3A_35 = arith.addi %add3A_33, %add3A_34 : i32
    %dma_start3A_36 = tpu.memref_slice %arg5[%add3A_35] : memref<16384xi32, #tpu.memory_space<hbm>> -> memref<32xi32, #tpu.memory_space<hbm>>
    %dma_start3A_37 = tpu.memref_slice %arg5[%add3A_35] : memref<16384xi32, #tpu.memory_space<hbm>> -> memref<32xi32, #tpu.memory_space<hbm>>
    tpu.enqueue_dma source(%dma_start3A_37 : memref<32xi32, #tpu.memory_space<hbm>>) target(%arg12 : memref<32xi32, #tpu.memory_space<vmem>>) target_semaphore(%arg22 : memref<!tpu.dma_semaphore, #tpu.memory_space<semaphore_mem>>)
    %dma_start3A_38 = arith.constant 0 : i32
    %dma_start3A_39 = tpu.memref_slice %arg2[%add3A_35, %dma_start3A_38] : memref<16384x768xf32, #tpu.memory_space<hbm>> -> memref<32x768xf32, #tpu.memory_space<hbm>>
    %dma_start3A_40 = arith.constant 0 : i32
    %dma_start3A_41 = tpu.memref_slice %arg2[%add3A_35, %dma_start3A_40] : memref<16384x768xf32, #tpu.memory_space<hbm>> -> memref<32x768xf32, #tpu.memory_space<hbm>>
    tpu.enqueue_dma source(%dma_start3A_41 : memref<32x768xf32, #tpu.memory_space<hbm>>) target(%arg17 : memref<32x768xf32, #tpu.memory_space<vmem>>) target_semaphore(%arg27 : memref<!tpu.dma_semaphore, #tpu.memory_space<semaphore_mem>>)
    %add3A_42 = arith.constant 0 : i32
    %add3A_43 = arith.addi %add3A_42, %mul3A_2 : i32
    %add3A_44 = arith.constant 0 : i32
    %add3A_45 = arith.addi %add3A_43, %add3A_44 : i32
    %dma_wait3A = tpu.memref_slice %arg5[%add3A_6] : memref<16384xi32, #tpu.memory_space<hbm>> -> memref<32xi32, #tpu.memory_space<hbm>>
    %dma_wait3A_46 = tpu.memref_slice %arg5[%add3A_6] : memref<16384xi32, #tpu.memory_space<hbm>> -> memref<32xi32, #tpu.memory_space<hbm>>
    tpu.wait_dma2 semaphore(%arg19 : memref<!tpu.dma_semaphore, #tpu.memory_space<semaphore_mem>>) src(%dma_wait3A_46 : memref<32xi32, #tpu.memory_space<hbm>>) dst(%arg9 : memref<32xi32, #tpu.memory_space<vmem>>)
    %dma_wait3A_47 = arith.constant 0 : i32
    %dma_wait3A_48 = tpu.memref_slice %arg2[%add3A_6, %dma_wait3A_47] : memref<16384x768xf32, #tpu.memory_space<hbm>> -> memref<32x768xf32, #tpu.memory_space<hbm>>
    %dma_wait3A_49 = arith.constant 0 : i32
    %dma_wait3A_50 = tpu.memref_slice %arg2[%add3A_6, %dma_wait3A_49] : memref<16384x768xf32, #tpu.memory_space<hbm>> -> memref<32x768xf32, #tpu.memory_space<hbm>>
    tpu.wait_dma2 semaphore(%arg24 : memref<!tpu.dma_semaphore, #tpu.memory_space<semaphore_mem>>) src(%dma_wait3A_50 : memref<32x768xf32, #tpu.memory_space<hbm>>) dst(%arg14 : memref<32x768xf32, #tpu.memory_space<vmem>>)
    %dma_start3A_51 = arith.constant 0 : i32
    %dma_start3A_52 = arith.constant 0 : i32
    %dma_start3A_53 = tpu.memref_slice %arg6[%dma_start3A_51, %dma_start3A_52] : memref<16384x768xf32, #tpu.memory_space<hbm>> -> memref<16384x768xf32, #tpu.memory_space<hbm>>
    tpu.enqueue_indirect_dma source(%arg14 : memref<32x768xf32, #tpu.memory_space<vmem>>) target(%dma_start3A_53 : memref<16384x768xf32, #tpu.memory_space<hbm>>) offsets(%arg9 : memref<32xi32, #tpu.memory_space<vmem>>) semaphore(%arg29 : memref<!tpu.dma_semaphore, #tpu.memory_space<semaphore_mem>>)
    %add3A_54 = arith.constant 0 : i32
    %add3A_55 = arith.addi %add3A_54, %mul3A_2 : i32
    %add3A_56 = arith.constant 128 : i32
    %add3A_57 = arith.addi %add3A_55, %add3A_56 : i32
    %dma_start3A_58 = tpu.memref_slice %arg5[%add3A_57] : memref<16384xi32, #tpu.memory_space<hbm>> -> memref<32xi32, #tpu.memory_space<hbm>>
    %dma_start3A_59 = tpu.memref_slice %arg5[%add3A_57] : memref<16384xi32, #tpu.memory_space<hbm>> -> memref<32xi32, #tpu.memory_space<hbm>>
    tpu.enqueue_dma source(%dma_start3A_59 : memref<32xi32, #tpu.memory_space<hbm>>) target(%arg13 : memref<32xi32, #tpu.memory_space<vmem>>) target_semaphore(%arg23 : memref<!tpu.dma_semaphore, #tpu.memory_space<semaphore_mem>>)
    %dma_start3A_60 = arith.constant 0 : i32
    %dma_start3A_61 = tpu.memref_slice %arg2[%add3A_57, %dma_start3A_60] : memref<16384x768xf32, #tpu.memory_space<hbm>> -> memref<32x768xf32, #tpu.memory_space<hbm>>
    %dma_start3A_62 = arith.constant 0 : i32
    %dma_start3A_63 = tpu.memref_slice %arg2[%add3A_57, %dma_start3A_62] : memref<16384x768xf32, #tpu.memory_space<hbm>> -> memref<32x768xf32, #tpu.memory_space<hbm>>
    tpu.enqueue_dma source(%dma_start3A_63 : memref<32x768xf32, #tpu.memory_space<hbm>>) target(%arg18 : memref<32x768xf32, #tpu.memory_space<vmem>>) target_semaphore(%arg28 : memref<!tpu.dma_semaphore, #tpu.memory_space<semaphore_mem>>)
    %add3A_64 = arith.constant 0 : i32
    %add3A_65 = arith.addi %add3A_64, %mul3A_2 : i32
    %add3A_66 = arith.constant 32 : i32
    %add3A_67 = arith.addi %add3A_65, %add3A_66 : i32
    %dma_wait3A_68 = tpu.memref_slice %arg5[%add3A_15] : memref<16384xi32, #tpu.memory_space<hbm>> -> memref<32xi32, #tpu.memory_space<hbm>>
    %dma_wait3A_69 = tpu.memref_slice %arg5[%add3A_15] : memref<16384xi32, #tpu.memory_space<hbm>> -> memref<32xi32, #tpu.memory_space<hbm>>
    tpu.wait_dma2 semaphore(%arg20 : memref<!tpu.dma_semaphore, #tpu.memory_space<semaphore_mem>>) src(%dma_wait3A_69 : memref<32xi32, #tpu.memory_space<hbm>>) dst(%arg10 : memref<32xi32, #tpu.memory_space<vmem>>)
    %dma_wait3A_70 = arith.constant 0 : i32
    %dma_wait3A_71 = tpu.memref_slice %arg2[%add3A_15, %dma_wait3A_70] : memref<16384x768xf32, #tpu.memory_space<hbm>> -> memref<32x768xf32, #tpu.memory_space<hbm>>
    %dma_wait3A_72 = arith.constant 0 : i32
    %dma_wait3A_73 = tpu.memref_slice %arg2[%add3A_15, %dma_wait3A_72] : memref<16384x768xf32, #tpu.memory_space<hbm>> -> memref<32x768xf32, #tpu.memory_space<hbm>>
    tpu.wait_dma2 semaphore(%arg25 : memref<!tpu.dma_semaphore, #tpu.memory_space<semaphore_mem>>) src(%dma_wait3A_73 : memref<32x768xf32, #tpu.memory_space<hbm>>) dst(%arg15 : memref<32x768xf32, #tpu.memory_space<vmem>>)
    %dma_start3A_74 = arith.constant 0 : i32
    %dma_start3A_75 = arith.constant 0 : i32
    %dma_start3A_76 = tpu.memref_slice %arg6[%dma_start3A_74, %dma_start3A_75] : memref<16384x768xf32, #tpu.memory_space<hbm>> -> memref<16384x768xf32, #tpu.memory_space<hbm>>
    tpu.enqueue_indirect_dma source(%arg15 : memref<32x768xf32, #tpu.memory_space<vmem>>) target(%dma_start3A_76 : memref<16384x768xf32, #tpu.memory_space<hbm>>) offsets(%arg10 : memref<32xi32, #tpu.memory_space<vmem>>) semaphore(%arg30 : memref<!tpu.dma_semaphore, #tpu.memory_space<semaphore_mem>>)
    %dma_wait3A_77 = arith.constant 0 : i32
    %dma_wait3A_78 = arith.constant 0 : i32
    %dma_wait3A_79 = tpu.memref_slice %arg6[%dma_wait3A_77, %dma_wait3A_78] : memref<16384x768xf32, #tpu.memory_space<hbm>> -> memref<16384x768xf32, #tpu.memory_space<hbm>>
    tpu.wait_indirect_dma semaphore(%arg29 : memref<!tpu.dma_semaphore, #tpu.memory_space<semaphore_mem>>) src(%arg14 : memref<32x768xf32, #tpu.memory_space<vmem>>) dst(%dma_wait3A_79 : memref<16384x768xf32, #tpu.memory_space<hbm>>)
    %add3A_80 = arith.constant 0 : i32
    %add3A_81 = arith.addi %add3A_80, %mul3A_2 : i32
    %add3A_82 = arith.constant 160 : i32
    %add3A_83 = arith.addi %add3A_81, %add3A_82 : i32
    %dma_start3A_84 = tpu.memref_slice %arg5[%add3A_83] : memref<16384xi32, #tpu.memory_space<hbm>> -> memref<32xi32, #tpu.memory_space<hbm>>
    %dma_start3A_85 = tpu.memref_slice %arg5[%add3A_83] : memref<16384xi32, #tpu.memory_space<hbm>> -> memref<32xi32, #tpu.memory_space<hbm>>
    tpu.enqueue_dma source(%dma_start3A_85 : memref<32xi32, #tpu.memory_space<hbm>>) target(%arg9 : memref<32xi32, #tpu.memory_space<vmem>>) target_semaphore(%arg19 : memref<!tpu.dma_semaphore, #tpu.memory_space<semaphore_mem>>)
    %dma_start3A_86 = arith.constant 0 : i32
    %dma_start3A_87 = tpu.memref_slice %arg2[%add3A_83, %dma_start3A_86] : memref<16384x768xf32, #tpu.memory_space<hbm>> -> memref<32x768xf32, #tpu.memory_space<hbm>>
    %dma_start3A_88 = arith.constant 0 : i32
    %dma_start3A_89 = tpu.memref_slice %arg2[%add3A_83, %dma_start3A_88] : memref<16384x768xf32, #tpu.memory_space<hbm>> -> memref<32x768xf32, #tpu.memory_space<hbm>>
    tpu.enqueue_dma source(%dma_start3A_89 : memref<32x768xf32, #tpu.memory_space<hbm>>) target(%arg14 : memref<32x768xf32, #tpu.memory_space<vmem>>) target_semaphore(%arg24 : memref<!tpu.dma_semaphore, #tpu.memory_space<semaphore_mem>>)
    %add3A_90 = arith.constant 0 : i32
    %add3A_91 = arith.addi %add3A_90, %mul3A_2 : i32
    %add3A_92 = arith.constant 64 : i32
    %add3A_93 = arith.addi %add3A_91, %add3A_92 : i32
    %dma_wait3A_94 = tpu.memref_slice %arg5[%add3A_25] : memref<16384xi32, #tpu.memory_space<hbm>> -> memref<32xi32, #tpu.memory_space<hbm>>
    %dma_wait3A_95 = tpu.memref_slice %arg5[%add3A_25] : memref<16384xi32, #tpu.memory_space<hbm>> -> memref<32xi32, #tpu.memory_space<hbm>>
    tpu.wait_dma2 semaphore(%arg21 : memref<!tpu.dma_semaphore, #tpu.memory_space<semaphore_mem>>) src(%dma_wait3A_95 : memref<32xi32, #tpu.memory_space<hbm>>) dst(%arg11 : memref<32xi32, #tpu.memory_space<vmem>>)
    %dma_wait3A_96 = arith.constant 0 : i32
    %dma_wait3A_97 = tpu.memref_slice %arg2[%add3A_25, %dma_wait3A_96] : memref<16384x768xf32, #tpu.memory_space<hbm>> -> memref<32x768xf32, #tpu.memory_space<hbm>>
    %dma_wait3A_98 = arith.constant 0 : i32
    %dma_wait3A_99 = tpu.memref_slice %arg2[%add3A_25, %dma_wait3A_98] : memref<16384x768xf32, #tpu.memory_space<hbm>> -> memref<32x768xf32, #tpu.memory_space<hbm>>
    tpu.wait_dma2 semaphore(%arg26 : memref<!tpu.dma_semaphore, #tpu.memory_space<semaphore_mem>>) src(%dma_wait3A_99 : memref<32x768xf32, #tpu.memory_space<hbm>>) dst(%arg16 : memref<32x768xf32, #tpu.memory_space<vmem>>)
    %dma_start3A_100 = arith.constant 0 : i32
    %dma_start3A_101 = arith.constant 0 : i32
    %dma_start3A_102 = tpu.memref_slice %arg6[%dma_start3A_100, %dma_start3A_101] : memref<16384x768xf32, #tpu.memory_space<hbm>> -> memref<16384x768xf32, #tpu.memory_space<hbm>>
    tpu.enqueue_indirect_dma source(%arg16 : memref<32x768xf32, #tpu.memory_space<vmem>>) target(%dma_start3A_102 : memref<16384x768xf32, #tpu.memory_space<hbm>>) offsets(%arg11 : memref<32xi32, #tpu.memory_space<vmem>>) semaphore(%arg31 : memref<!tpu.dma_semaphore, #tpu.memory_space<semaphore_mem>>)
    %dma_wait3A_103 = arith.constant 0 : i32
    %dma_wait3A_104 = arith.constant 0 : i32
    %dma_wait3A_105 = tpu.memref_slice %arg6[%dma_wait3A_103, %dma_wait3A_104] : memref<16384x768xf32, #tpu.memory_space<hbm>> -> memref<16384x768xf32, #tpu.memory_space<hbm>>
    tpu.wait_indirect_dma semaphore(%arg30 : memref<!tpu.dma_semaphore, #tpu.memory_space<semaphore_mem>>) src(%arg15 : memref<32x768xf32, #tpu.memory_space<vmem>>) dst(%dma_wait3A_105 : memref<16384x768xf32, #tpu.memory_space<hbm>>)
    %add3A_106 = arith.constant 0 : i32
    %add3A_107 = arith.addi %add3A_106, %mul3A_2 : i32
    %add3A_108 = arith.constant 192 : i32
    %add3A_109 = arith.addi %add3A_107, %add3A_108 : i32
    %dma_start3A_110 = tpu.memref_slice %arg5[%add3A_109] : memref<16384xi32, #tpu.memory_space<hbm>> -> memref<32xi32, #tpu.memory_space<hbm>>
    %dma_start3A_111 = tpu.memref_slice %arg5[%add3A_109] : memref<16384xi32, #tpu.memory_space<hbm>> -> memref<32xi32, #tpu.memory_space<hbm>>
    tpu.enqueue_dma source(%dma_start3A_111 : memref<32xi32, #tpu.memory_space<hbm>>) target(%arg10 : memref<32xi32, #tpu.memory_space<vmem>>) target_semaphore(%arg20 : memref<!tpu.dma_semaphore, #tpu.memory_space<semaphore_mem>>)
    %dma_start3A_112 = arith.constant 0 : i32
    %dma_start3A_113 = tpu.memref_slice %arg2[%add3A_109, %dma_start3A_112] : memref<16384x768xf32, #tpu.memory_space<hbm>> -> memref<32x768xf32, #tpu.memory_space<hbm>>
    %dma_start3A_114 = arith.constant 0 : i32
    %dma_start3A_115 = tpu.memref_slice %arg2[%add3A_109, %dma_start3A_114] : memref<16384x768xf32, #tpu.memory_space<hbm>> -> memref<32x768xf32, #tpu.memory_space<hbm>>
    tpu.enqueue_dma source(%dma_start3A_115 : memref<32x768xf32, #tpu.memory_space<hbm>>) target(%arg15 : memref<32x768xf32, #tpu.memory_space<vmem>>) target_semaphore(%arg25 : memref<!tpu.dma_semaphore, #tpu.memory_space<semaphore_mem>>)
    %add3A_116 = arith.constant 0 : i32
    %add3A_117 = arith.addi %add3A_116, %mul3A_2 : i32
    %add3A_118 = arith.constant 96 : i32
    %add3A_119 = arith.addi %add3A_117, %add3A_118 : i32
    %dma_wait3A_120 = tpu.memref_slice %arg5[%add3A_35] : memref<16384xi32, #tpu.memory_space<hbm>> -> memref<32xi32, #tpu.memory_space<hbm>>
    %dma_wait3A_121 = tpu.memref_slice %arg5[%add3A_35] : memref<16384xi32, #tpu.memory_space<hbm>> -> memref<32xi32, #tpu.memory_space<hbm>>
    tpu.wait_dma2 semaphore(%arg22 : memref<!tpu.dma_semaphore, #tpu.memory_space<semaphore_mem>>) src(%dma_wait3A_121 : memref<32xi32, #tpu.memory_space<hbm>>) dst(%arg12 : memref<32xi32, #tpu.memory_space<vmem>>)
    %dma_wait3A_122 = arith.constant 0 : i32
    %dma_wait3A_123 = tpu.memref_slice %arg2[%add3A_35, %dma_wait3A_122] : memref<16384x768xf32, #tpu.memory_space<hbm>> -> memref<32x768xf32, #tpu.memory_space<hbm>>
    %dma_wait3A_124 = arith.constant 0 : i32
    %dma_wait3A_125 = tpu.memref_slice %arg2[%add3A_35, %dma_wait3A_124] : memref<16384x768xf32, #tpu.memory_space<hbm>> -> memref<32x768xf32, #tpu.memory_space<hbm>>
    tpu.wait_dma2 semaphore(%arg27 : memref<!tpu.dma_semaphore, #tpu.memory_space<semaphore_mem>>) src(%dma_wait3A_125 : memref<32x768xf32, #tpu.memory_space<hbm>>) dst(%arg17 : memref<32x768xf32, #tpu.memory_space<vmem>>)
    %dma_start3A_126 = arith.constant 0 : i32
    %dma_start3A_127 = arith.constant 0 : i32
    %dma_start3A_128 = tpu.memref_slice %arg6[%dma_start3A_126, %dma_start3A_127] : memref<16384x768xf32, #tpu.memory_space<hbm>> -> memref<16384x768xf32, #tpu.memory_space<hbm>>
    tpu.enqueue_indirect_dma source(%arg17 : memref<32x768xf32, #tpu.memory_space<vmem>>) target(%dma_start3A_128 : memref<16384x768xf32, #tpu.memory_space<hbm>>) offsets(%arg12 : memref<32xi32, #tpu.memory_space<vmem>>) semaphore(%arg32 : memref<!tpu.dma_semaphore, #tpu.memory_space<semaphore_mem>>)
    %dma_wait3A_129 = arith.constant 0 : i32
    %dma_wait3A_130 = arith.constant 0 : i32
    %dma_wait3A_131 = tpu.memref_slice %arg6[%dma_wait3A_129, %dma_wait3A_130] : memref<16384x768xf32, #tpu.memory_space<hbm>> -> memref<16384x768xf32, #tpu.memory_space<hbm>>
    tpu.wait_indirect_dma semaphore(%arg31 : memref<!tpu.dma_semaphore, #tpu.memory_space<semaphore_mem>>) src(%arg16 : memref<32x768xf32, #tpu.memory_space<vmem>>) dst(%dma_wait3A_131 : memref<16384x768xf32, #tpu.memory_space<hbm>>)
    %add3A_132 = arith.constant 0 : i32
    %add3A_133 = arith.addi %add3A_132, %mul3A_2 : i32
    %add3A_134 = arith.constant 224 : i32
    %add3A_135 = arith.addi %add3A_133, %add3A_134 : i32
    %dma_start3A_136 = tpu.memref_slice %arg5[%add3A_135] : memref<16384xi32, #tpu.memory_space<hbm>> -> memref<32xi32, #tpu.memory_space<hbm>>
    %dma_start3A_137 = tpu.memref_slice %arg5[%add3A_135] : memref<16384xi32, #tpu.memory_space<hbm>> -> memref<32xi32, #tpu.memory_space<hbm>>
    tpu.enqueue_dma source(%dma_start3A_137 : memref<32xi32, #tpu.memory_space<hbm>>) target(%arg11 : memref<32xi32, #tpu.memory_space<vmem>>) target_semaphore(%arg21 : memref<!tpu.dma_semaphore, #tpu.memory_space<semaphore_mem>>)
    %dma_start3A_138 = arith.constant 0 : i32
    %dma_start3A_139 = tpu.memref_slice %arg2[%add3A_135, %dma_start3A_138] : memref<16384x768xf32, #tpu.memory_space<hbm>> -> memref<32x768xf32, #tpu.memory_space<hbm>>
    %dma_start3A_140 = arith.constant 0 : i32
    %dma_start3A_141 = tpu.memref_slice %arg2[%add3A_135, %dma_start3A_140] : memref<16384x768xf32, #tpu.memory_space<hbm>> -> memref<32x768xf32, #tpu.memory_space<hbm>>
    tpu.enqueue_dma source(%dma_start3A_141 : memref<32x768xf32, #tpu.memory_space<hbm>>) target(%arg16 : memref<32x768xf32, #tpu.memory_space<vmem>>) target_semaphore(%arg26 : memref<!tpu.dma_semaphore, #tpu.memory_space<semaphore_mem>>)
    %add3A_142 = arith.constant 0 : i32
    %add3A_143 = arith.addi %add3A_142, %mul3A_2 : i32
    %add3A_144 = arith.constant 128 : i32
    %add3A_145 = arith.addi %add3A_143, %add3A_144 : i32
    %dma_wait3A_146 = tpu.memref_slice %arg5[%add3A_57] : memref<16384xi32, #tpu.memory_space<hbm>> -> memref<32xi32, #tpu.memory_space<hbm>>
    %dma_wait3A_147 = tpu.memref_slice %arg5[%add3A_57] : memref<16384xi32, #tpu.memory_space<hbm>> -> memref<32xi32, #tpu.memory_space<hbm>>
    tpu.wait_dma2 semaphore(%arg23 : memref<!tpu.dma_semaphore, #tpu.memory_space<semaphore_mem>>) src(%dma_wait3A_147 : memref<32xi32, #tpu.memory_space<hbm>>) dst(%arg13 : memref<32xi32, #tpu.memory_space<vmem>>)
    %dma_wait3A_148 = arith.constant 0 : i32
    %dma_wait3A_149 = tpu.memref_slice %arg2[%add3A_57, %dma_wait3A_148] : memref<16384x768xf32, #tpu.memory_space<hbm>> -> memref<32x768xf32, #tpu.memory_space<hbm>>
    %dma_wait3A_150 = arith.constant 0 : i32
    %dma_wait3A_151 = tpu.memref_slice %arg2[%add3A_57, %dma_wait3A_150] : memref<16384x768xf32, #tpu.memory_space<hbm>> -> memref<32x768xf32, #tpu.memory_space<hbm>>
    tpu.wait_dma2 semaphore(%arg28 : memref<!tpu.dma_semaphore, #tpu.memory_space<semaphore_mem>>) src(%dma_wait3A_151 : memref<32x768xf32, #tpu.memory_space<hbm>>) dst(%arg18 : memref<32x768xf32, #tpu.memory_space<vmem>>)
    %dma_start3A_152 = arith.constant 0 : i32
    %dma_start3A_153 = arith.constant 0 : i32
    %dma_start3A_154 = tpu.memref_slice %arg6[%dma_start3A_152, %dma_start3A_153] : memref<16384x768xf32, #tpu.memory_space<hbm>> -> memref<16384x768xf32, #tpu.memory_space<hbm>>
    tpu.enqueue_indirect_dma source(%arg18 : memref<32x768xf32, #tpu.memory_space<vmem>>) target(%dma_start3A_154 : memref<16384x768xf32, #tpu.memory_space<hbm>>) offsets(%arg13 : memref<32xi32, #tpu.memory_space<vmem>>) semaphore(%arg33 : memref<!tpu.dma_semaphore, #tpu.memory_space<semaphore_mem>>)
    %dma_wait3A_155 = arith.constant 0 : i32
    %dma_wait3A_156 = arith.constant 0 : i32
    %dma_wait3A_157 = tpu.memref_slice %arg6[%dma_wait3A_155, %dma_wait3A_156] : memref<16384x768xf32, #tpu.memory_space<hbm>> -> memref<16384x768xf32, #tpu.memory_space<hbm>>
    tpu.wait_indirect_dma semaphore(%arg32 : memref<!tpu.dma_semaphore, #tpu.memory_space<semaphore_mem>>) src(%arg17 : memref<32x768xf32, #tpu.memory_space<vmem>>) dst(%dma_wait3A_157 : memref<16384x768xf32, #tpu.memory_space<hbm>>)
    %add3A_158 = arith.constant 8192 : i32
    %add3A_159 = arith.addi %add3A_158, %mul3A_2 : i32
    %add3A_160 = arith.constant 0 : i32
    %add3A_161 = arith.addi %add3A_159, %add3A_160 : i32
    %dma_start3A_162 = tpu.memref_slice %arg5[%add3A_161] : memref<16384xi32, #tpu.memory_space<hbm>> -> memref<32xi32, #tpu.memory_space<hbm>>
    %dma_start3A_163 = tpu.memref_slice %arg5[%add3A_161] : memref<16384xi32, #tpu.memory_space<hbm>> -> memref<32xi32, #tpu.memory_space<hbm>>
    tpu.enqueue_dma source(%dma_start3A_163 : memref<32xi32, #tpu.memory_space<hbm>>) target(%arg12 : memref<32xi32, #tpu.memory_space<vmem>>) target_semaphore(%arg22 : memref<!tpu.dma_semaphore, #tpu.memory_space<semaphore_mem>>)
    %dma_start3A_164 = arith.constant 0 : i32
    %dma_start3A_165 = tpu.memref_slice %arg2[%add3A_161, %dma_start3A_164] : memref<16384x768xf32, #tpu.memory_space<hbm>> -> memref<32x768xf32, #tpu.memory_space<hbm>>
    %dma_start3A_166 = arith.constant 0 : i32
    %dma_start3A_167 = tpu.memref_slice %arg2[%add3A_161, %dma_start3A_166] : memref<16384x768xf32, #tpu.memory_space<hbm>> -> memref<32x768xf32, #tpu.memory_space<hbm>>
    tpu.enqueue_dma source(%dma_start3A_167 : memref<32x768xf32, #tpu.memory_space<hbm>>) target(%arg17 : memref<32x768xf32, #tpu.memory_space<vmem>>) target_semaphore(%arg27 : memref<!tpu.dma_semaphore, #tpu.memory_space<semaphore_mem>>)
    %add3A_168 = arith.constant 0 : i32
    %add3A_169 = arith.addi %add3A_168, %mul3A_2 : i32
    %add3A_170 = arith.constant 160 : i32
    %add3A_171 = arith.addi %add3A_169, %add3A_170 : i32
    %dma_wait3A_172 = tpu.memref_slice %arg5[%add3A_83] : memref<16384xi32, #tpu.memory_space<hbm>> -> memref<32xi32, #tpu.memory_space<hbm>>
    %dma_wait3A_173 = tpu.memref_slice %arg5[%add3A_83] : memref<16384xi32, #tpu.memory_space<hbm>> -> memref<32xi32, #tpu.memory_space<hbm>>
    tpu.wait_dma2 semaphore(%arg19 : memref<!tpu.dma_semaphore, #tpu.memory_space<semaphore_mem>>) src(%dma_wait3A_173 : memref<32xi32, #tpu.memory_space<hbm>>) dst(%arg9 : memref<32xi32, #tpu.memory_space<vmem>>)
    %dma_wait3A_174 = arith.constant 0 : i32
    %dma_wait3A_175 = tpu.memref_slice %arg2[%add3A_83, %dma_wait3A_174] : memref<16384x768xf32, #tpu.memory_space<hbm>> -> memref<32x768xf32, #tpu.memory_space<hbm>>
    %dma_wait3A_176 = arith.constant 0 : i32
    %dma_wait3A_177 = tpu.memref_slice %arg2[%add3A_83, %dma_wait3A_176] : memref<16384x768xf32, #tpu.memory_space<hbm>> -> memref<32x768xf32, #tpu.memory_space<hbm>>
    tpu.wait_dma2 semaphore(%arg24 : memref<!tpu.dma_semaphore, #tpu.memory_space<semaphore_mem>>) src(%dma_wait3A_177 : memref<32x768xf32, #tpu.memory_space<hbm>>) dst(%arg14 : memref<32x768xf32, #tpu.memory_space<vmem>>)
    %dma_start3A_178 = arith.constant 0 : i32
    %dma_start3A_179 = arith.constant 0 : i32
    %dma_start3A_180 = tpu.memref_slice %arg6[%dma_start3A_178, %dma_start3A_179] : memref<16384x768xf32, #tpu.memory_space<hbm>> -> memref<16384x768xf32, #tpu.memory_space<hbm>>
    tpu.enqueue_indirect_dma source(%arg14 : memref<32x768xf32, #tpu.memory_space<vmem>>) target(%dma_start3A_180 : memref<16384x768xf32, #tpu.memory_space<hbm>>) offsets(%arg9 : memref<32xi32, #tpu.memory_space<vmem>>) semaphore(%arg29 : memref<!tpu.dma_semaphore, #tpu.memory_space<semaphore_mem>>)
    %dma_wait3A_181 = arith.constant 0 : i32
    %dma_wait3A_182 = arith.constant 0 : i32
    %dma_wait3A_183 = tpu.memref_slice %arg6[%dma_wait3A_181, %dma_wait3A_182] : memref<16384x768xf32, #tpu.memory_space<hbm>> -> memref<16384x768xf32, #tpu.memory_space<hbm>>
    tpu.wait_indirect_dma semaphore(%arg33 : memref<!tpu.dma_semaphore, #tpu.memory_space<semaphore_mem>>) src(%arg18 : memref<32x768xf32, #tpu.memory_space<vmem>>) dst(%dma_wait3A_183 : memref<16384x768xf32, #tpu.memory_space<hbm>>)
    %add3A_184 = arith.constant 8192 : i32
    %add3A_185 = arith.addi %add3A_184, %mul3A_2 : i32
    %add3A_186 = arith.constant 32 : i32
    %add3A_187 = arith.addi %add3A_185, %add3A_186 : i32
    %dma_start3A_188 = tpu.memref_slice %arg5[%add3A_187] : memref<16384xi32, #tpu.memory_space<hbm>> -> memref<32xi32, #tpu.memory_space<hbm>>
    %dma_start3A_189 = tpu.memref_slice %arg5[%add3A_187] : memref<16384xi32, #tpu.memory_space<hbm>> -> memref<32xi32, #tpu.memory_space<hbm>>
    tpu.enqueue_dma source(%dma_start3A_189 : memref<32xi32, #tpu.memory_space<hbm>>) target(%arg13 : memref<32xi32, #tpu.memory_space<vmem>>) target_semaphore(%arg23 : memref<!tpu.dma_semaphore, #tpu.memory_space<semaphore_mem>>)
    %dma_start3A_190 = arith.constant 0 : i32
    %dma_start3A_191 = tpu.memref_slice %arg2[%add3A_187, %dma_start3A_190] : memref<16384x768xf32, #tpu.memory_space<hbm>> -> memref<32x768xf32, #tpu.memory_space<hbm>>
    %dma_start3A_192 = arith.constant 0 : i32
    %dma_start3A_193 = tpu.memref_slice %arg2[%add3A_187, %dma_start3A_192] : memref<16384x768xf32, #tpu.memory_space<hbm>> -> memref<32x768xf32, #tpu.memory_space<hbm>>
    tpu.enqueue_dma source(%dma_start3A_193 : memref<32x768xf32, #tpu.memory_space<hbm>>) target(%arg18 : memref<32x768xf32, #tpu.memory_space<vmem>>) target_semaphore(%arg28 : memref<!tpu.dma_semaphore, #tpu.memory_space<semaphore_mem>>)
    %add3A_194 = arith.constant 0 : i32
    %add3A_195 = arith.addi %add3A_194, %mul3A_2 : i32
    %add3A_196 = arith.constant 192 : i32
    %add3A_197 = arith.addi %add3A_195, %add3A_196 : i32
    %dma_wait3A_198 = tpu.memref_slice %arg5[%add3A_109] : memref<16384xi32, #tpu.memory_space<hbm>> -> memref<32xi32, #tpu.memory_space<hbm>>
    %dma_wait3A_199 = tpu.memref_slice %arg5[%add3A_109] : memref<16384xi32, #tpu.memory_space<hbm>> -> memref<32xi32, #tpu.memory_space<hbm>>
    tpu.wait_dma2 semaphore(%arg20 : memref<!tpu.dma_semaphore, #tpu.memory_space<semaphore_mem>>) src(%dma_wait3A_199 : memref<32xi32, #tpu.memory_space<hbm>>) dst(%arg10 : memref<32xi32, #tpu.memory_space<vmem>>)
    %dma_wait3A_200 = arith.constant 0 : i32
    %dma_wait3A_201 = tpu.memref_slice %arg2[%add3A_109, %dma_wait3A_200] : memref<16384x768xf32, #tpu.memory_space<hbm>> -> memref<32x768xf32, #tpu.memory_space<hbm>>
    %dma_wait3A_202 = arith.constant 0 : i32
    %dma_wait3A_203 = tpu.memref_slice %arg2[%add3A_109, %dma_wait3A_202] : memref<16384x768xf32, #tpu.memory_space<hbm>> -> memref<32x768xf32, #tpu.memory_space<hbm>>
    tpu.wait_dma2 semaphore(%arg25 : memref<!tpu.dma_semaphore, #tpu.memory_space<semaphore_mem>>) src(%dma_wait3A_203 : memref<32x768xf32, #tpu.memory_space<hbm>>) dst(%arg15 : memref<32x768xf32, #tpu.memory_space<vmem>>)
    %dma_start3A_204 = arith.constant 0 : i32
    %dma_start3A_205 = arith.constant 0 : i32
    %dma_start3A_206 = tpu.memref_slice %arg6[%dma_start3A_204, %dma_start3A_205] : memref<16384x768xf32, #tpu.memory_space<hbm>> -> memref<16384x768xf32, #tpu.memory_space<hbm>>
    tpu.enqueue_indirect_dma source(%arg15 : memref<32x768xf32, #tpu.memory_space<vmem>>) target(%dma_start3A_206 : memref<16384x768xf32, #tpu.memory_space<hbm>>) offsets(%arg10 : memref<32xi32, #tpu.memory_space<vmem>>) semaphore(%arg30 : memref<!tpu.dma_semaphore, #tpu.memory_space<semaphore_mem>>)
    %dma_wait3A_207 = arith.constant 0 : i32
    %dma_wait3A_208 = arith.constant 0 : i32
    %dma_wait3A_209 = tpu.memref_slice %arg6[%dma_wait3A_207, %dma_wait3A_208] : memref<16384x768xf32, #tpu.memory_space<hbm>> -> memref<16384x768xf32, #tpu.memory_space<hbm>>
    tpu.wait_indirect_dma semaphore(%arg29 : memref<!tpu.dma_semaphore, #tpu.memory_space<semaphore_mem>>) src(%arg14 : memref<32x768xf32, #tpu.memory_space<vmem>>) dst(%dma_wait3A_209 : memref<16384x768xf32, #tpu.memory_space<hbm>>)
    %add3A_210 = arith.constant 8192 : i32
    %add3A_211 = arith.addi %add3A_210, %mul3A_2 : i32
    %add3A_212 = arith.constant 64 : i32
    %add3A_213 = arith.addi %add3A_211, %add3A_212 : i32
    %dma_start3A_214 = tpu.memref_slice %arg5[%add3A_213] : memref<16384xi32, #tpu.memory_space<hbm>> -> memref<32xi32, #tpu.memory_space<hbm>>
    %dma_start3A_215 = tpu.memref_slice %arg5[%add3A_213] : memref<16384xi32, #tpu.memory_space<hbm>> -> memref<32xi32, #tpu.memory_space<hbm>>
    tpu.enqueue_dma source(%dma_start3A_215 : memref<32xi32, #tpu.memory_space<hbm>>) target(%arg9 : memref<32xi32, #tpu.memory_space<vmem>>) target_semaphore(%arg19 : memref<!tpu.dma_semaphore, #tpu.memory_space<semaphore_mem>>)
    %dma_start3A_216 = arith.constant 0 : i32
    %dma_start3A_217 = tpu.memref_slice %arg2[%add3A_213, %dma_start3A_216] : memref<16384x768xf32, #tpu.memory_space<hbm>> -> memref<32x768xf32, #tpu.memory_space<hbm>>
    %dma_start3A_218 = arith.constant 0 : i32
    %dma_start3A_219 = tpu.memref_slice %arg2[%add3A_213, %dma_start3A_218] : memref<16384x768xf32, #tpu.memory_space<hbm>> -> memref<32x768xf32, #tpu.memory_space<hbm>>
    tpu.enqueue_dma source(%dma_start3A_219 : memref<32x768xf32, #tpu.memory_space<hbm>>) target(%arg14 : memref<32x768xf32, #tpu.memory_space<vmem>>) target_semaphore(%arg24 : memref<!tpu.dma_semaphore, #tpu.memory_space<semaphore_mem>>)
    %add3A_220 = arith.constant 0 : i32
    %add3A_221 = arith.addi %add3A_220, %mul3A_2 : i32
    %add3A_222 = arith.constant 224 : i32
    %add3A_223 = arith.addi %add3A_221, %add3A_222 : i32
    %dma_wait3A_224 = tpu.memref_slice %arg5[%add3A_135] : memref<16384xi32, #tpu.memory_space<hbm>> -> memref<32xi32, #tpu.memory_space<hbm>>
    %dma_wait3A_225 = tpu.memref_slice %arg5[%add3A_135] : memref<16384xi32, #tpu.memory_space<hbm>> -> memref<32xi32, #tpu.memory_space<hbm>>
    tpu.wait_dma2 semaphore(%arg21 : memref<!tpu.dma_semaphore, #tpu.memory_space<semaphore_mem>>) src(%dma_wait3A_225 : memref<32xi32, #tpu.memory_space<hbm>>) dst(%arg11 : memref<32xi32, #tpu.memory_space<vmem>>)
    %dma_wait3A_226 = arith.constant 0 : i32
    %dma_wait3A_227 = tpu.memref_slice %arg2[%add3A_135, %dma_wait3A_226] : memref<16384x768xf32, #tpu.memory_space<hbm>> -> memref<32x768xf32, #tpu.memory_space<hbm>>
    %dma_wait3A_228 = arith.constant 0 : i32
    %dma_wait3A_229 = tpu.memref_slice %arg2[%add3A_135, %dma_wait3A_228] : memref<16384x768xf32, #tpu.memory_space<hbm>> -> memref<32x768xf32, #tpu.memory_space<hbm>>
    tpu.wait_dma2 semaphore(%arg26 : memref<!tpu.dma_semaphore, #tpu.memory_space<semaphore_mem>>) src(%dma_wait3A_229 : memref<32x768xf32, #tpu.memory_space<hbm>>) dst(%arg16 : memref<32x768xf32, #tpu.memory_space<vmem>>)
    %dma_start3A_230 = arith.constant 0 : i32
    %dma_start3A_231 = arith.constant 0 : i32
    %dma_start3A_232 = tpu.memref_slice %arg6[%dma_start3A_230, %dma_start3A_231] : memref<16384x768xf32, #tpu.memory_space<hbm>> -> memref<16384x768xf32, #tpu.memory_space<hbm>>
    tpu.enqueue_indirect_dma source(%arg16 : memref<32x768xf32, #tpu.memory_space<vmem>>) target(%dma_start3A_232 : memref<16384x768xf32, #tpu.memory_space<hbm>>) offsets(%arg11 : memref<32xi32, #tpu.memory_space<vmem>>) semaphore(%arg31 : memref<!tpu.dma_semaphore, #tpu.memory_space<semaphore_mem>>)
    %dma_wait3A_233 = arith.constant 0 : i32
    %dma_wait3A_234 = arith.constant 0 : i32
    %dma_wait3A_235 = tpu.memref_slice %arg6[%dma_wait3A_233, %dma_wait3A_234] : memref<16384x768xf32, #tpu.memory_space<hbm>> -> memref<16384x768xf32, #tpu.memory_space<hbm>>
    tpu.wait_indirect_dma semaphore(%arg30 : memref<!tpu.dma_semaphore, #tpu.memory_space<semaphore_mem>>) src(%arg15 : memref<32x768xf32, #tpu.memory_space<vmem>>) dst(%dma_wait3A_235 : memref<16384x768xf32, #tpu.memory_space<hbm>>)
    %add3A_236 = arith.constant 8192 : i32
    %add3A_237 = arith.addi %add3A_236, %mul3A_2 : i32
    %add3A_238 = arith.constant 96 : i32
    %add3A_239 = arith.addi %add3A_237, %add3A_238 : i32
    %dma_start3A_240 = tpu.memref_slice %arg5[%add3A_239] : memref<16384xi32, #tpu.memory_space<hbm>> -> memref<32xi32, #tpu.memory_space<hbm>>
    %dma_start3A_241 = tpu.memref_slice %arg5[%add3A_239] : memref<16384xi32, #tpu.memory_space<hbm>> -> memref<32xi32, #tpu.memory_space<hbm>>
    tpu.enqueue_dma source(%dma_start3A_241 : memref<32xi32, #tpu.memory_space<hbm>>) target(%arg10 : memref<32xi32, #tpu.memory_space<vmem>>) target_semaphore(%arg20 : memref<!tpu.dma_semaphore, #tpu.memory_space<semaphore_mem>>)
    %dma_start3A_242 = arith.constant 0 : i32
    %dma_start3A_243 = tpu.memref_slice %arg2[%add3A_239, %dma_start3A_242] : memref<16384x768xf32, #tpu.memory_space<hbm>> -> memref<32x768xf32, #tpu.memory_space<hbm>>
    %dma_start3A_244 = arith.constant 0 : i32
    %dma_start3A_245 = tpu.memref_slice %arg2[%add3A_239, %dma_start3A_244] : memref<16384x768xf32, #tpu.memory_space<hbm>> -> memref<32x768xf32, #tpu.memory_space<hbm>>
    tpu.enqueue_dma source(%dma_start3A_245 : memref<32x768xf32, #tpu.memory_space<hbm>>) target(%arg15 : memref<32x768xf32, #tpu.memory_space<vmem>>) target_semaphore(%arg25 : memref<!tpu.dma_semaphore, #tpu.memory_space<semaphore_mem>>)
    %add3A_246 = arith.constant 8192 : i32
    %add3A_247 = arith.addi %add3A_246, %mul3A_2 : i32
    %add3A_248 = arith.constant 0 : i32
    %add3A_249 = arith.addi %add3A_247, %add3A_248 : i32
    %dma_wait3A_250 = tpu.memref_slice %arg5[%add3A_161] : memref<16384xi32, #tpu.memory_space<hbm>> -> memref<32xi32, #tpu.memory_space<hbm>>
    %dma_wait3A_251 = tpu.memref_slice %arg5[%add3A_161] : memref<16384xi32, #tpu.memory_space<hbm>> -> memref<32xi32, #tpu.memory_space<hbm>>
    tpu.wait_dma2 semaphore(%arg22 : memref<!tpu.dma_semaphore, #tpu.memory_space<semaphore_mem>>) src(%dma_wait3A_251 : memref<32xi32, #tpu.memory_space<hbm>>) dst(%arg12 : memref<32xi32, #tpu.memory_space<vmem>>)
    %dma_wait3A_252 = arith.constant 0 : i32
    %dma_wait3A_253 = tpu.memref_slice %arg2[%add3A_161, %dma_wait3A_252] : memref<16384x768xf32, #tpu.memory_space<hbm>> -> memref<32x768xf32, #tpu.memory_space<hbm>>
    %dma_wait3A_254 = arith.constant 0 : i32
    %dma_wait3A_255 = tpu.memref_slice %arg2[%add3A_161, %dma_wait3A_254] : memref<16384x768xf32, #tpu.memory_space<hbm>> -> memref<32x768xf32, #tpu.memory_space<hbm>>
    tpu.wait_dma2 semaphore(%arg27 : memref<!tpu.dma_semaphore, #tpu.memory_space<semaphore_mem>>) src(%dma_wait3A_255 : memref<32x768xf32, #tpu.memory_space<hbm>>) dst(%arg17 : memref<32x768xf32, #tpu.memory_space<vmem>>)
    %dma_start3A_256 = arith.constant 0 : i32
    %dma_start3A_257 = arith.constant 0 : i32
    %dma_start3A_258 = tpu.memref_slice %arg6[%dma_start3A_256, %dma_start3A_257] : memref<16384x768xf32, #tpu.memory_space<hbm>> -> memref<16384x768xf32, #tpu.memory_space<hbm>>
    tpu.enqueue_indirect_dma source(%arg17 : memref<32x768xf32, #tpu.memory_space<vmem>>) target(%dma_start3A_258 : memref<16384x768xf32, #tpu.memory_space<hbm>>) offsets(%arg12 : memref<32xi32, #tpu.memory_space<vmem>>) semaphore(%arg32 : memref<!tpu.dma_semaphore, #tpu.memory_space<semaphore_mem>>)
    %dma_wait3A_259 = arith.constant 0 : i32
    %dma_wait3A_260 = arith.constant 0 : i32
    %dma_wait3A_261 = tpu.memref_slice %arg6[%dma_wait3A_259, %dma_wait3A_260] : memref<16384x768xf32, #tpu.memory_space<hbm>> -> memref<16384x768xf32, #tpu.memory_space<hbm>>
    tpu.wait_indirect_dma semaphore(%arg31 : memref<!tpu.dma_semaphore, #tpu.memory_space<semaphore_mem>>) src(%arg16 : memref<32x768xf32, #tpu.memory_space<vmem>>) dst(%dma_wait3A_261 : memref<16384x768xf32, #tpu.memory_space<hbm>>)
    %add3A_262 = arith.constant 8192 : i32
    %add3A_263 = arith.addi %add3A_262, %mul3A_2 : i32
    %add3A_264 = arith.constant 128 : i32
    %add3A_265 = arith.addi %add3A_263, %add3A_264 : i32
    %dma_start3A_266 = tpu.memref_slice %arg5[%add3A_265] : memref<16384xi32, #tpu.memory_space<hbm>> -> memref<32xi32, #tpu.memory_space<hbm>>
    %dma_start3A_267 = tpu.memref_slice %arg5[%add3A_265] : memref<16384xi32, #tpu.memory_space<hbm>> -> memref<32xi32, #tpu.memory_space<hbm>>
    tpu.enqueue_dma source(%dma_start3A_267 : memref<32xi32, #tpu.memory_space<hbm>>) target(%arg11 : memref<32xi32, #tpu.memory_space<vmem>>) target_semaphore(%arg21 : memref<!tpu.dma_semaphore, #tpu.memory_space<semaphore_mem>>)
    %dma_start3A_268 = arith.constant 0 : i32
    %dma_start3A_269 = tpu.memref_slice %arg2[%add3A_265, %dma_start3A_268] : memref<16384x768xf32, #tpu.memory_space<hbm>> -> memref<32x768xf32, #tpu.memory_space<hbm>>
    %dma_start3A_270 = arith.constant 0 : i32
    %dma_start3A_271 = tpu.memref_slice %arg2[%add3A_265, %dma_start3A_270] : memref<16384x768xf32, #tpu.memory_space<hbm>> -> memref<32x768xf32, #tpu.memory_space<hbm>>
    tpu.enqueue_dma source(%dma_start3A_271 : memref<32x768xf32, #tpu.memory_space<hbm>>) target(%arg16 : memref<32x768xf32, #tpu.memory_space<vmem>>) target_semaphore(%arg26 : memref<!tpu.dma_semaphore, #tpu.memory_space<semaphore_mem>>)
    %add3A_272 = arith.constant 8192 : i32
    %add3A_273 = arith.addi %add3A_272, %mul3A_2 : i32
    %add3A_274 = arith.constant 32 : i32
    %add3A_275 = arith.addi %add3A_273, %add3A_274 : i32
    %dma_wait3A_276 = tpu.memref_slice %arg5[%add3A_187] : memref<16384xi32, #tpu.memory_space<hbm>> -> memref<32xi32, #tpu.memory_space<hbm>>
    %dma_wait3A_277 = tpu.memref_slice %arg5[%add3A_187] : memref<16384xi32, #tpu.memory_space<hbm>> -> memref<32xi32, #tpu.memory_space<hbm>>
    tpu.wait_dma2 semaphore(%arg23 : memref<!tpu.dma_semaphore, #tpu.memory_space<semaphore_mem>>) src(%dma_wait3A_277 : memref<32xi32, #tpu.memory_space<hbm>>) dst(%arg13 : memref<32xi32, #tpu.memory_space<vmem>>)
    %dma_wait3A_278 = arith.constant 0 : i32
    %dma_wait3A_279 = tpu.memref_slice %arg2[%add3A_187, %dma_wait3A_278] : memref<16384x768xf32, #tpu.memory_space<hbm>> -> memref<32x768xf32, #tpu.memory_space<hbm>>
    %dma_wait3A_280 = arith.constant 0 : i32
    %dma_wait3A_281 = tpu.memref_slice %arg2[%add3A_187, %dma_wait3A_280] : memref<16384x768xf32, #tpu.memory_space<hbm>> -> memref<32x768xf32, #tpu.memory_space<hbm>>
    tpu.wait_dma2 semaphore(%arg28 : memref<!tpu.dma_semaphore, #tpu.memory_space<semaphore_mem>>) src(%dma_wait3A_281 : memref<32x768xf32, #tpu.memory_space<hbm>>) dst(%arg18 : memref<32x768xf32, #tpu.memory_space<vmem>>)
    %dma_start3A_282 = arith.constant 0 : i32
    %dma_start3A_283 = arith.constant 0 : i32
    %dma_start3A_284 = tpu.memref_slice %arg6[%dma_start3A_282, %dma_start3A_283] : memref<16384x768xf32, #tpu.memory_space<hbm>> -> memref<16384x768xf32, #tpu.memory_space<hbm>>
    tpu.enqueue_indirect_dma source(%arg18 : memref<32x768xf32, #tpu.memory_space<vmem>>) target(%dma_start3A_284 : memref<16384x768xf32, #tpu.memory_space<hbm>>) offsets(%arg13 : memref<32xi32, #tpu.memory_space<vmem>>) semaphore(%arg33 : memref<!tpu.dma_semaphore, #tpu.memory_space<semaphore_mem>>)
    %dma_wait3A_285 = arith.constant 0 : i32
    %dma_wait3A_286 = arith.constant 0 : i32
    %dma_wait3A_287 = tpu.memref_slice %arg6[%dma_wait3A_285, %dma_wait3A_286] : memref<16384x768xf32, #tpu.memory_space<hbm>> -> memref<16384x768xf32, #tpu.memory_space<hbm>>
    tpu.wait_indirect_dma semaphore(%arg32 : memref<!tpu.dma_semaphore, #tpu.memory_space<semaphore_mem>>) src(%arg17 : memref<32x768xf32, #tpu.memory_space<vmem>>) dst(%dma_wait3A_287 : memref<16384x768xf32, #tpu.memory_space<hbm>>)
    %add3A_288 = arith.constant 8192 : i32
    %add3A_289 = arith.addi %add3A_288, %mul3A_2 : i32
    %add3A_290 = arith.constant 160 : i32
    %add3A_291 = arith.addi %add3A_289, %add3A_290 : i32
    %dma_start3A_292 = tpu.memref_slice %arg5[%add3A_291] : memref<16384xi32, #tpu.memory_space<hbm>> -> memref<32xi32, #tpu.memory_space<hbm>>
    %dma_start3A_293 = tpu.memref_slice %arg5[%add3A_291] : memref<16384xi32, #tpu.memory_space<hbm>> -> memref<32xi32, #tpu.memory_space<hbm>>
    tpu.enqueue_dma source(%dma_start3A_293 : memref<32xi32, #tpu.memory_space<hbm>>) target(%arg12 : memref<32xi32, #tpu.memory_space<vmem>>) target_semaphore(%arg22 : memref<!tpu.dma_semaphore, #tpu.memory_space<semaphore_mem>>)
    %dma_start3A_294 = arith.constant 0 : i32
    %dma_start3A_295 = tpu.memref_slice %arg2[%add3A_291, %dma_start3A_294] : memref<16384x768xf32, #tpu.memory_space<hbm>> -> memref<32x768xf32, #tpu.memory_space<hbm>>
    %dma_start3A_296 = arith.constant 0 : i32
    %dma_start3A_297 = tpu.memref_slice %arg2[%add3A_291, %dma_start3A_296] : memref<16384x768xf32, #tpu.memory_space<hbm>> -> memref<32x768xf32, #tpu.memory_space<hbm>>
    tpu.enqueue_dma source(%dma_start3A_297 : memref<32x768xf32, #tpu.memory_space<hbm>>) target(%arg17 : memref<32x768xf32, #tpu.memory_space<vmem>>) target_semaphore(%arg27 : memref<!tpu.dma_semaphore, #tpu.memory_space<semaphore_mem>>)
    %add3A_298 = arith.constant 8192 : i32
    %add3A_299 = arith.addi %add3A_298, %mul3A_2 : i32
    %add3A_300 = arith.constant 64 : i32
    %add3A_301 = arith.addi %add3A_299, %add3A_300 : i32
    %dma_wait3A_302 = tpu.memref_slice %arg5[%add3A_213] : memref<16384xi32, #tpu.memory_space<hbm>> -> memref<32xi32, #tpu.memory_space<hbm>>
    %dma_wait3A_303 = tpu.memref_slice %arg5[%add3A_213] : memref<16384xi32, #tpu.memory_space<hbm>> -> memref<32xi32, #tpu.memory_space<hbm>>
    tpu.wait_dma2 semaphore(%arg19 : memref<!tpu.dma_semaphore, #tpu.memory_space<semaphore_mem>>) src(%dma_wait3A_303 : memref<32xi32, #tpu.memory_space<hbm>>) dst(%arg9 : memref<32xi32, #tpu.memory_space<vmem>>)
    %dma_wait3A_304 = arith.constant 0 : i32
    %dma_wait3A_305 = tpu.memref_slice %arg2[%add3A_213, %dma_wait3A_304] : memref<16384x768xf32, #tpu.memory_space<hbm>> -> memref<32x768xf32, #tpu.memory_space<hbm>>
    %dma_wait3A_306 = arith.constant 0 : i32
    %dma_wait3A_307 = tpu.memref_slice %arg2[%add3A_213, %dma_wait3A_306] : memref<16384x768xf32, #tpu.memory_space<hbm>> -> memref<32x768xf32, #tpu.memory_space<hbm>>
    tpu.wait_dma2 semaphore(%arg24 : memref<!tpu.dma_semaphore, #tpu.memory_space<semaphore_mem>>) src(%dma_wait3A_307 : memref<32x768xf32, #tpu.memory_space<hbm>>) dst(%arg14 : memref<32x768xf32, #tpu.memory_space<vmem>>)
    %dma_start3A_308 = arith.constant 0 : i32
    %dma_start3A_309 = arith.constant 0 : i32
    %dma_start3A_310 = tpu.memref_slice %arg6[%dma_start3A_308, %dma_start3A_309] : memref<16384x768xf32, #tpu.memory_space<hbm>> -> memref<16384x768xf32, #tpu.memory_space<hbm>>
    tpu.enqueue_indirect_dma source(%arg14 : memref<32x768xf32, #tpu.memory_space<vmem>>) target(%dma_start3A_310 : memref<16384x768xf32, #tpu.memory_space<hbm>>) offsets(%arg9 : memref<32xi32, #tpu.memory_space<vmem>>) semaphore(%arg29 : memref<!tpu.dma_semaphore, #tpu.memory_space<semaphore_mem>>)
    %dma_wait3A_311 = arith.constant 0 : i32
    %dma_wait3A_312 = arith.constant 0 : i32
    %dma_wait3A_313 = tpu.memref_slice %arg6[%dma_wait3A_311, %dma_wait3A_312] : memref<16384x768xf32, #tpu.memory_space<hbm>> -> memref<16384x768xf32, #tpu.memory_space<hbm>>
    tpu.wait_indirect_dma semaphore(%arg33 : memref<!tpu.dma_semaphore, #tpu.memory_space<semaphore_mem>>) src(%arg18 : memref<32x768xf32, #tpu.memory_space<vmem>>) dst(%dma_wait3A_313 : memref<16384x768xf32, #tpu.memory_space<hbm>>)
    %add3A_314 = arith.constant 8192 : i32
    %add3A_315 = arith.addi %add3A_314, %mul3A_2 : i32
    %add3A_316 = arith.constant 192 : i32
    %add3A_317 = arith.addi %add3A_315, %add3A_316 : i32
    %dma_start3A_318 = tpu.memref_slice %arg5[%add3A_317] : memref<16384xi32, #tpu.memory_space<hbm>> -> memref<32xi32, #tpu.memory_space<hbm>>
    %dma_start3A_319 = tpu.memref_slice %arg5[%add3A_317] : memref<16384xi32, #tpu.memory_space<hbm>> -> memref<32xi32, #tpu.memory_space<hbm>>
    tpu.enqueue_dma source(%dma_start3A_319 : memref<32xi32, #tpu.memory_space<hbm>>) target(%arg13 : memref<32xi32, #tpu.memory_space<vmem>>) target_semaphore(%arg23 : memref<!tpu.dma_semaphore, #tpu.memory_space<semaphore_mem>>)
    %dma_start3A_320 = arith.constant 0 : i32
    %dma_start3A_321 = tpu.memref_slice %arg2[%add3A_317, %dma_start3A_320] : memref<16384x768xf32, #tpu.memory_space<hbm>> -> memref<32x768xf32, #tpu.memory_space<hbm>>
    %dma_start3A_322 = arith.constant 0 : i32
    %dma_start3A_323 = tpu.memref_slice %arg2[%add3A_317, %dma_start3A_322] : memref<16384x768xf32, #tpu.memory_space<hbm>> -> memref<32x768xf32, #tpu.memory_space<hbm>>
    tpu.enqueue_dma source(%dma_start3A_323 : memref<32x768xf32, #tpu.memory_space<hbm>>) target(%arg18 : memref<32x768xf32, #tpu.memory_space<vmem>>) target_semaphore(%arg28 : memref<!tpu.dma_semaphore, #tpu.memory_space<semaphore_mem>>)
    %add3A_324 = arith.constant 8192 : i32
    %add3A_325 = arith.addi %add3A_324, %mul3A_2 : i32
    %add3A_326 = arith.constant 96 : i32
    %add3A_327 = arith.addi %add3A_325, %add3A_326 : i32
    %dma_wait3A_328 = tpu.memref_slice %arg5[%add3A_239] : memref<16384xi32, #tpu.memory_space<hbm>> -> memref<32xi32, #tpu.memory_space<hbm>>
    %dma_wait3A_329 = tpu.memref_slice %arg5[%add3A_239] : memref<16384xi32, #tpu.memory_space<hbm>> -> memref<32xi32, #tpu.memory_space<hbm>>
    tpu.wait_dma2 semaphore(%arg20 : memref<!tpu.dma_semaphore, #tpu.memory_space<semaphore_mem>>) src(%dma_wait3A_329 : memref<32xi32, #tpu.memory_space<hbm>>) dst(%arg10 : memref<32xi32, #tpu.memory_space<vmem>>)
    %dma_wait3A_330 = arith.constant 0 : i32
    %dma_wait3A_331 = tpu.memref_slice %arg2[%add3A_239, %dma_wait3A_330] : memref<16384x768xf32, #tpu.memory_space<hbm>> -> memref<32x768xf32, #tpu.memory_space<hbm>>
    %dma_wait3A_332 = arith.constant 0 : i32
    %dma_wait3A_333 = tpu.memref_slice %arg2[%add3A_239, %dma_wait3A_332] : memref<16384x768xf32, #tpu.memory_space<hbm>> -> memref<32x768xf32, #tpu.memory_space<hbm>>
    tpu.wait_dma2 semaphore(%arg25 : memref<!tpu.dma_semaphore, #tpu.memory_space<semaphore_mem>>) src(%dma_wait3A_333 : memref<32x768xf32, #tpu.memory_space<hbm>>) dst(%arg15 : memref<32x768xf32, #tpu.memory_space<vmem>>)
    %dma_start3A_334 = arith.constant 0 : i32
    %dma_start3A_335 = arith.constant 0 : i32
    %dma_start3A_336 = tpu.memref_slice %arg6[%dma_start3A_334, %dma_start3A_335] : memref<16384x768xf32, #tpu.memory_space<hbm>> -> memref<16384x768xf32, #tpu.memory_space<hbm>>
    tpu.enqueue_indirect_dma source(%arg15 : memref<32x768xf32, #tpu.memory_space<vmem>>) target(%dma_start3A_336 : memref<16384x768xf32, #tpu.memory_space<hbm>>) offsets(%arg10 : memref<32xi32, #tpu.memory_space<vmem>>) semaphore(%arg30 : memref<!tpu.dma_semaphore, #tpu.memory_space<semaphore_mem>>)
    %dma_wait3A_337 = arith.constant 0 : i32
    %dma_wait3A_338 = arith.constant 0 : i32
    %dma_wait3A_339 = tpu.memref_slice %arg6[%dma_wait3A_337, %dma_wait3A_338] : memref<16384x768xf32, #tpu.memory_space<hbm>> -> memref<16384x768xf32, #tpu.memory_space<hbm>>
    tpu.wait_indirect_dma semaphore(%arg29 : memref<!tpu.dma_semaphore, #tpu.memory_space<semaphore_mem>>) src(%arg14 : memref<32x768xf32, #tpu.memory_space<vmem>>) dst(%dma_wait3A_339 : memref<16384x768xf32, #tpu.memory_space<hbm>>)
    %add3A_340 = arith.constant 8192 : i32
    %add3A_341 = arith.addi %add3A_340, %mul3A_2 : i32
    %add3A_342 = arith.constant 224 : i32
    %add3A_343 = arith.addi %add3A_341, %add3A_342 : i32
    %dma_start3A_344 = tpu.memref_slice %arg5[%add3A_343] : memref<16384xi32, #tpu.memory_space<hbm>> -> memref<32xi32, #tpu.memory_space<hbm>>
    %dma_start3A_345 = tpu.memref_slice %arg5[%add3A_343] : memref<16384xi32, #tpu.memory_space<hbm>> -> memref<32xi32, #tpu.memory_space<hbm>>
    tpu.enqueue_dma source(%dma_start3A_345 : memref<32xi32, #tpu.memory_space<hbm>>) target(%arg9 : memref<32xi32, #tpu.memory_space<vmem>>) target_semaphore(%arg19 : memref<!tpu.dma_semaphore, #tpu.memory_space<semaphore_mem>>)
    %dma_start3A_346 = arith.constant 0 : i32
    %dma_start3A_347 = tpu.memref_slice %arg2[%add3A_343, %dma_start3A_346] : memref<16384x768xf32, #tpu.memory_space<hbm>> -> memref<32x768xf32, #tpu.memory_space<hbm>>
    %dma_start3A_348 = arith.constant 0 : i32
    %dma_start3A_349 = tpu.memref_slice %arg2[%add3A_343, %dma_start3A_348] : memref<16384x768xf32, #tpu.memory_space<hbm>> -> memref<32x768xf32, #tpu.memory_space<hbm>>
    tpu.enqueue_dma source(%dma_start3A_349 : memref<32x768xf32, #tpu.memory_space<hbm>>) target(%arg14 : memref<32x768xf32, #tpu.memory_space<vmem>>) target_semaphore(%arg24 : memref<!tpu.dma_semaphore, #tpu.memory_space<semaphore_mem>>)
    %add3A_350 = arith.constant 8192 : i32
    %add3A_351 = arith.addi %add3A_350, %mul3A_2 : i32
    %add3A_352 = arith.constant 128 : i32
    %add3A_353 = arith.addi %add3A_351, %add3A_352 : i32
    %dma_wait3A_354 = tpu.memref_slice %arg5[%add3A_265] : memref<16384xi32, #tpu.memory_space<hbm>> -> memref<32xi32, #tpu.memory_space<hbm>>
    %dma_wait3A_355 = tpu.memref_slice %arg5[%add3A_265] : memref<16384xi32, #tpu.memory_space<hbm>> -> memref<32xi32, #tpu.memory_space<hbm>>
    tpu.wait_dma2 semaphore(%arg21 : memref<!tpu.dma_semaphore, #tpu.memory_space<semaphore_mem>>) src(%dma_wait3A_355 : memref<32xi32, #tpu.memory_space<hbm>>) dst(%arg11 : memref<32xi32, #tpu.memory_space<vmem>>)
    %dma_wait3A_356 = arith.constant 0 : i32
    %dma_wait3A_357 = tpu.memref_slice %arg2[%add3A_265, %dma_wait3A_356] : memref<16384x768xf32, #tpu.memory_space<hbm>> -> memref<32x768xf32, #tpu.memory_space<hbm>>
    %dma_wait3A_358 = arith.constant 0 : i32
    %dma_wait3A_359 = tpu.memref_slice %arg2[%add3A_265, %dma_wait3A_358] : memref<16384x768xf32, #tpu.memory_space<hbm>> -> memref<32x768xf32, #tpu.memory_space<hbm>>
    tpu.wait_dma2 semaphore(%arg26 : memref<!tpu.dma_semaphore, #tpu.memory_space<semaphore_mem>>) src(%dma_wait3A_359 : memref<32x768xf32, #tpu.memory_space<hbm>>) dst(%arg16 : memref<32x768xf32, #tpu.memory_space<vmem>>)
    %dma_start3A_360 = arith.constant 0 : i32
    %dma_start3A_361 = arith.constant 0 : i32
    %dma_start3A_362 = tpu.memref_slice %arg6[%dma_start3A_360, %dma_start3A_361] : memref<16384x768xf32, #tpu.memory_space<hbm>> -> memref<16384x768xf32, #tpu.memory_space<hbm>>
    tpu.enqueue_indirect_dma source(%arg16 : memref<32x768xf32, #tpu.memory_space<vmem>>) target(%dma_start3A_362 : memref<16384x768xf32, #tpu.memory_space<hbm>>) offsets(%arg11 : memref<32xi32, #tpu.memory_space<vmem>>) semaphore(%arg31 : memref<!tpu.dma_semaphore, #tpu.memory_space<semaphore_mem>>)
    %dma_wait3A_363 = arith.constant 0 : i32
    %dma_wait3A_364 = arith.constant 0 : i32
    %dma_wait3A_365 = tpu.memref_slice %arg6[%dma_wait3A_363, %dma_wait3A_364] : memref<16384x768xf32, #tpu.memory_space<hbm>> -> memref<16384x768xf32, #tpu.memory_space<hbm>>
    tpu.wait_indirect_dma semaphore(%arg30 : memref<!tpu.dma_semaphore, #tpu.memory_space<semaphore_mem>>) src(%arg15 : memref<32x768xf32, #tpu.memory_space<vmem>>) dst(%dma_wait3A_365 : memref<16384x768xf32, #tpu.memory_space<hbm>>)
    %add3A_366 = arith.constant 0 : i32
    %add3A_367 = arith.addi %add3A_366, %mul3A_2 : i32
    %add3A_368 = arith.constant 0 : i32
    %add3A_369 = arith.addi %add3A_367, %add3A_368 : i32
    %dma_start3A_370 = tpu.memref_slice %arg5[%add3A_369] : memref<16384xi32, #tpu.memory_space<hbm>> -> memref<32xi32, #tpu.memory_space<hbm>>
    %dma_start3A_371 = tpu.memref_slice %arg5[%add3A_369] : memref<16384xi32, #tpu.memory_space<hbm>> -> memref<32xi32, #tpu.memory_space<hbm>>
    tpu.enqueue_dma source(%dma_start3A_371 : memref<32xi32, #tpu.memory_space<hbm>>) target(%arg10 : memref<32xi32, #tpu.memory_space<vmem>>) target_semaphore(%arg20 : memref<!tpu.dma_semaphore, #tpu.memory_space<semaphore_mem>>)
    %dma_start3A_372 = arith.constant 0 : i32
    %dma_start3A_373 = tpu.memref_slice %arg3[%add3A_369, %dma_start3A_372] : memref<16384x768xf32, #tpu.memory_space<hbm>> -> memref<32x768xf32, #tpu.memory_space<hbm>>
    %dma_start3A_374 = arith.constant 0 : i32
    %dma_start3A_375 = tpu.memref_slice %arg3[%add3A_369, %dma_start3A_374] : memref<16384x768xf32, #tpu.memory_space<hbm>> -> memref<32x768xf32, #tpu.memory_space<hbm>>
    tpu.enqueue_dma source(%dma_start3A_375 : memref<32x768xf32, #tpu.memory_space<hbm>>) target(%arg15 : memref<32x768xf32, #tpu.memory_space<vmem>>) target_semaphore(%arg25 : memref<!tpu.dma_semaphore, #tpu.memory_space<semaphore_mem>>)
    %add3A_376 = arith.constant 8192 : i32
    %add3A_377 = arith.addi %add3A_376, %mul3A_2 : i32
    %add3A_378 = arith.constant 160 : i32
    %add3A_379 = arith.addi %add3A_377, %add3A_378 : i32
    %dma_wait3A_380 = tpu.memref_slice %arg5[%add3A_291] : memref<16384xi32, #tpu.memory_space<hbm>> -> memref<32xi32, #tpu.memory_space<hbm>>
    %dma_wait3A_381 = tpu.memref_slice %arg5[%add3A_291] : memref<16384xi32, #tpu.memory_space<hbm>> -> memref<32xi32, #tpu.memory_space<hbm>>
    tpu.wait_dma2 semaphore(%arg22 : memref<!tpu.dma_semaphore, #tpu.memory_space<semaphore_mem>>) src(%dma_wait3A_381 : memref<32xi32, #tpu.memory_space<hbm>>) dst(%arg12 : memref<32xi32, #tpu.memory_space<vmem>>)
    %dma_wait3A_382 = arith.constant 0 : i32
    %dma_wait3A_383 = tpu.memref_slice %arg2[%add3A_291, %dma_wait3A_382] : memref<16384x768xf32, #tpu.memory_space<hbm>> -> memref<32x768xf32, #tpu.memory_space<hbm>>
    %dma_wait3A_384 = arith.constant 0 : i32
    %dma_wait3A_385 = tpu.memref_slice %arg2[%add3A_291, %dma_wait3A_384] : memref<16384x768xf32, #tpu.memory_space<hbm>> -> memref<32x768xf32, #tpu.memory_space<hbm>>
    tpu.wait_dma2 semaphore(%arg27 : memref<!tpu.dma_semaphore, #tpu.memory_space<semaphore_mem>>) src(%dma_wait3A_385 : memref<32x768xf32, #tpu.memory_space<hbm>>) dst(%arg17 : memref<32x768xf32, #tpu.memory_space<vmem>>)
    %dma_start3A_386 = arith.constant 0 : i32
    %dma_start3A_387 = arith.constant 0 : i32
    %dma_start3A_388 = tpu.memref_slice %arg6[%dma_start3A_386, %dma_start3A_387] : memref<16384x768xf32, #tpu.memory_space<hbm>> -> memref<16384x768xf32, #tpu.memory_space<hbm>>
    tpu.enqueue_indirect_dma source(%arg17 : memref<32x768xf32, #tpu.memory_space<vmem>>) target(%dma_start3A_388 : memref<16384x768xf32, #tpu.memory_space<hbm>>) offsets(%arg12 : memref<32xi32, #tpu.memory_space<vmem>>) semaphore(%arg32 : memref<!tpu.dma_semaphore, #tpu.memory_space<semaphore_mem>>)
    %dma_wait3A_389 = arith.constant 0 : i32
    %dma_wait3A_390 = arith.constant 0 : i32
    %dma_wait3A_391 = tpu.memref_slice %arg6[%dma_wait3A_389, %dma_wait3A_390] : memref<16384x768xf32, #tpu.memory_space<hbm>> -> memref<16384x768xf32, #tpu.memory_space<hbm>>
    tpu.wait_indirect_dma semaphore(%arg31 : memref<!tpu.dma_semaphore, #tpu.memory_space<semaphore_mem>>) src(%arg16 : memref<32x768xf32, #tpu.memory_space<vmem>>) dst(%dma_wait3A_391 : memref<16384x768xf32, #tpu.memory_space<hbm>>)
    %add3A_392 = arith.constant 0 : i32
    %add3A_393 = arith.addi %add3A_392, %mul3A_2 : i32
    %add3A_394 = arith.constant 32 : i32
    %add3A_395 = arith.addi %add3A_393, %add3A_394 : i32
    %dma_start3A_396 = tpu.memref_slice %arg5[%add3A_395] : memref<16384xi32, #tpu.memory_space<hbm>> -> memref<32xi32, #tpu.memory_space<hbm>>
    %dma_start3A_397 = tpu.memref_slice %arg5[%add3A_395] : memref<16384xi32, #tpu.memory_space<hbm>> -> memref<32xi32, #tpu.memory_space<hbm>>
    tpu.enqueue_dma source(%dma_start3A_397 : memref<32xi32, #tpu.memory_space<hbm>>) target(%arg11 : memref<32xi32, #tpu.memory_space<vmem>>) target_semaphore(%arg21 : memref<!tpu.dma_semaphore, #tpu.memory_space<semaphore_mem>>)
    %dma_start3A_398 = arith.constant 0 : i32
    %dma_start3A_399 = tpu.memref_slice %arg3[%add3A_395, %dma_start3A_398] : memref<16384x768xf32, #tpu.memory_space<hbm>> -> memref<32x768xf32, #tpu.memory_space<hbm>>
    %dma_start3A_400 = arith.constant 0 : i32
    %dma_start3A_401 = tpu.memref_slice %arg3[%add3A_395, %dma_start3A_400] : memref<16384x768xf32, #tpu.memory_space<hbm>> -> memref<32x768xf32, #tpu.memory_space<hbm>>
    tpu.enqueue_dma source(%dma_start3A_401 : memref<32x768xf32, #tpu.memory_space<hbm>>) target(%arg16 : memref<32x768xf32, #tpu.memory_space<vmem>>) target_semaphore(%arg26 : memref<!tpu.dma_semaphore, #tpu.memory_space<semaphore_mem>>)
    %add3A_402 = arith.constant 8192 : i32
    %add3A_403 = arith.addi %add3A_402, %mul3A_2 : i32
    %add3A_404 = arith.constant 192 : i32
    %add3A_405 = arith.addi %add3A_403, %add3A_404 : i32
    %dma_wait3A_406 = tpu.memref_slice %arg5[%add3A_317] : memref<16384xi32, #tpu.memory_space<hbm>> -> memref<32xi32, #tpu.memory_space<hbm>>
    %dma_wait3A_407 = tpu.memref_slice %arg5[%add3A_317] : memref<16384xi32, #tpu.memory_space<hbm>> -> memref<32xi32, #tpu.memory_space<hbm>>
    tpu.wait_dma2 semaphore(%arg23 : memref<!tpu.dma_semaphore, #tpu.memory_space<semaphore_mem>>) src(%dma_wait3A_407 : memref<32xi32, #tpu.memory_space<hbm>>) dst(%arg13 : memref<32xi32, #tpu.memory_space<vmem>>)
    %dma_wait3A_408 = arith.constant 0 : i32
    %dma_wait3A_409 = tpu.memref_slice %arg2[%add3A_317, %dma_wait3A_408] : memref<16384x768xf32, #tpu.memory_space<hbm>> -> memref<32x768xf32, #tpu.memory_space<hbm>>
    %dma_wait3A_410 = arith.constant 0 : i32
    %dma_wait3A_411 = tpu.memref_slice %arg2[%add3A_317, %dma_wait3A_410] : memref<16384x768xf32, #tpu.memory_space<hbm>> -> memref<32x768xf32, #tpu.memory_space<hbm>>
    tpu.wait_dma2 semaphore(%arg28 : memref<!tpu.dma_semaphore, #tpu.memory_space<semaphore_mem>>) src(%dma_wait3A_411 : memref<32x768xf32, #tpu.memory_space<hbm>>) dst(%arg18 : memref<32x768xf32, #tpu.memory_space<vmem>>)
    %dma_start3A_412 = arith.constant 0 : i32
    %dma_start3A_413 = arith.constant 0 : i32
    %dma_start3A_414 = tpu.memref_slice %arg6[%dma_start3A_412, %dma_start3A_413] : memref<16384x768xf32, #tpu.memory_space<hbm>> -> memref<16384x768xf32, #tpu.memory_space<hbm>>
    tpu.enqueue_indirect_dma source(%arg18 : memref<32x768xf32, #tpu.memory_space<vmem>>) target(%dma_start3A_414 : memref<16384x768xf32, #tpu.memory_space<hbm>>) offsets(%arg13 : memref<32xi32, #tpu.memory_space<vmem>>) semaphore(%arg33 : memref<!tpu.dma_semaphore, #tpu.memory_space<semaphore_mem>>)
    %dma_wait3A_415 = arith.constant 0 : i32
    %dma_wait3A_416 = arith.constant 0 : i32
    %dma_wait3A_417 = tpu.memref_slice %arg6[%dma_wait3A_415, %dma_wait3A_416] : memref<16384x768xf32, #tpu.memory_space<hbm>> -> memref<16384x768xf32, #tpu.memory_space<hbm>>
    tpu.wait_indirect_dma semaphore(%arg32 : memref<!tpu.dma_semaphore, #tpu.memory_space<semaphore_mem>>) src(%arg17 : memref<32x768xf32, #tpu.memory_space<vmem>>) dst(%dma_wait3A_417 : memref<16384x768xf32, #tpu.memory_space<hbm>>)
    %add3A_418 = arith.constant 0 : i32
    %add3A_419 = arith.addi %add3A_418, %mul3A_2 : i32
    %add3A_420 = arith.constant 64 : i32
    %add3A_421 = arith.addi %add3A_419, %add3A_420 : i32
    %dma_start3A_422 = tpu.memref_slice %arg5[%add3A_421] : memref<16384xi32, #tpu.memory_space<hbm>> -> memref<32xi32, #tpu.memory_space<hbm>>
    %dma_start3A_423 = tpu.memref_slice %arg5[%add3A_421] : memref<16384xi32, #tpu.memory_space<hbm>> -> memref<32xi32, #tpu.memory_space<hbm>>
    tpu.enqueue_dma source(%dma_start3A_423 : memref<32xi32, #tpu.memory_space<hbm>>) target(%arg12 : memref<32xi32, #tpu.memory_space<vmem>>) target_semaphore(%arg22 : memref<!tpu.dma_semaphore, #tpu.memory_space<semaphore_mem>>)
    %dma_start3A_424 = arith.constant 0 : i32
    %dma_start3A_425 = tpu.memref_slice %arg3[%add3A_421, %dma_start3A_424] : memref<16384x768xf32, #tpu.memory_space<hbm>> -> memref<32x768xf32, #tpu.memory_space<hbm>>
    %dma_start3A_426 = arith.constant 0 : i32
    %dma_start3A_427 = tpu.memref_slice %arg3[%add3A_421, %dma_start3A_426] : memref<16384x768xf32, #tpu.memory_space<hbm>> -> memref<32x768xf32, #tpu.memory_space<hbm>>
    tpu.enqueue_dma source(%dma_start3A_427 : memref<32x768xf32, #tpu.memory_space<hbm>>) target(%arg17 : memref<32x768xf32, #tpu.memory_space<vmem>>) target_semaphore(%arg27 : memref<!tpu.dma_semaphore, #tpu.memory_space<semaphore_mem>>)
    %add3A_428 = arith.constant 8192 : i32
    %add3A_429 = arith.addi %add3A_428, %mul3A_2 : i32
    %add3A_430 = arith.constant 224 : i32
    %add3A_431 = arith.addi %add3A_429, %add3A_430 : i32
    %dma_wait3A_432 = tpu.memref_slice %arg5[%add3A_343] : memref<16384xi32, #tpu.memory_space<hbm>> -> memref<32xi32, #tpu.memory_space<hbm>>
    %dma_wait3A_433 = tpu.memref_slice %arg5[%add3A_343] : memref<16384xi32, #tpu.memory_space<hbm>> -> memref<32xi32, #tpu.memory_space<hbm>>
    tpu.wait_dma2 semaphore(%arg19 : memref<!tpu.dma_semaphore, #tpu.memory_space<semaphore_mem>>) src(%dma_wait3A_433 : memref<32xi32, #tpu.memory_space<hbm>>) dst(%arg9 : memref<32xi32, #tpu.memory_space<vmem>>)
    %dma_wait3A_434 = arith.constant 0 : i32
    %dma_wait3A_435 = tpu.memref_slice %arg2[%add3A_343, %dma_wait3A_434] : memref<16384x768xf32, #tpu.memory_space<hbm>> -> memref<32x768xf32, #tpu.memory_space<hbm>>
    %dma_wait3A_436 = arith.constant 0 : i32
    %dma_wait3A_437 = tpu.memref_slice %arg2[%add3A_343, %dma_wait3A_436] : memref<16384x768xf32, #tpu.memory_space<hbm>> -> memref<32x768xf32, #tpu.memory_space<hbm>>
    tpu.wait_dma2 semaphore(%arg24 : memref<!tpu.dma_semaphore, #tpu.memory_space<semaphore_mem>>) src(%dma_wait3A_437 : memref<32x768xf32, #tpu.memory_space<hbm>>) dst(%arg14 : memref<32x768xf32, #tpu.memory_space<vmem>>)
    %dma_start3A_438 = arith.constant 0 : i32
    %dma_start3A_439 = arith.constant 0 : i32
    %dma_start3A_440 = tpu.memref_slice %arg6[%dma_start3A_438, %dma_start3A_439] : memref<16384x768xf32, #tpu.memory_space<hbm>> -> memref<16384x768xf32, #tpu.memory_space<hbm>>
    tpu.enqueue_indirect_dma source(%arg14 : memref<32x768xf32, #tpu.memory_space<vmem>>) target(%dma_start3A_440 : memref<16384x768xf32, #tpu.memory_space<hbm>>) offsets(%arg9 : memref<32xi32, #tpu.memory_space<vmem>>) semaphore(%arg29 : memref<!tpu.dma_semaphore, #tpu.memory_space<semaphore_mem>>)
    %dma_wait3A_441 = arith.constant 0 : i32
    %dma_wait3A_442 = arith.constant 0 : i32
    %dma_wait3A_443 = tpu.memref_slice %arg6[%dma_wait3A_441, %dma_wait3A_442] : memref<16384x768xf32, #tpu.memory_space<hbm>> -> memref<16384x768xf32, #tpu.memory_space<hbm>>
    tpu.wait_indirect_dma semaphore(%arg33 : memref<!tpu.dma_semaphore, #tpu.memory_space<semaphore_mem>>) src(%arg18 : memref<32x768xf32, #tpu.memory_space<vmem>>) dst(%dma_wait3A_443 : memref<16384x768xf32, #tpu.memory_space<hbm>>)
    %add3A_444 = arith.constant 0 : i32
    %add3A_445 = arith.addi %add3A_444, %mul3A_2 : i32
    %add3A_446 = arith.constant 96 : i32
    %add3A_447 = arith.addi %add3A_445, %add3A_446 : i32
    %dma_start3A_448 = tpu.memref_slice %arg5[%add3A_447] : memref<16384xi32, #tpu.memory_space<hbm>> -> memref<32xi32, #tpu.memory_space<hbm>>
    %dma_start3A_449 = tpu.memref_slice %arg5[%add3A_447] : memref<16384xi32, #tpu.memory_space<hbm>> -> memref<32xi32, #tpu.memory_space<hbm>>
    tpu.enqueue_dma source(%dma_start3A_449 : memref<32xi32, #tpu.memory_space<hbm>>) target(%arg13 : memref<32xi32, #tpu.memory_space<vmem>>) target_semaphore(%arg23 : memref<!tpu.dma_semaphore, #tpu.memory_space<semaphore_mem>>)
    %dma_start3A_450 = arith.constant 0 : i32
    %dma_start3A_451 = tpu.memref_slice %arg3[%add3A_447, %dma_start3A_450] : memref<16384x768xf32, #tpu.memory_space<hbm>> -> memref<32x768xf32, #tpu.memory_space<hbm>>
    %dma_start3A_452 = arith.constant 0 : i32
    %dma_start3A_453 = tpu.memref_slice %arg3[%add3A_447, %dma_start3A_452] : memref<16384x768xf32, #tpu.memory_space<hbm>> -> memref<32x768xf32, #tpu.memory_space<hbm>>
    tpu.enqueue_dma source(%dma_start3A_453 : memref<32x768xf32, #tpu.memory_space<hbm>>) target(%arg18 : memref<32x768xf32, #tpu.memory_space<vmem>>) target_semaphore(%arg28 : memref<!tpu.dma_semaphore, #tpu.memory_space<semaphore_mem>>)
    %add3A_454 = arith.constant 0 : i32
    %add3A_455 = arith.addi %add3A_454, %mul3A_2 : i32
    %add3A_456 = arith.constant 0 : i32
    %add3A_457 = arith.addi %add3A_455, %add3A_456 : i32
    %dma_wait3A_458 = tpu.memref_slice %arg5[%add3A_369] : memref<16384xi32, #tpu.memory_space<hbm>> -> memref<32xi32, #tpu.memory_space<hbm>>
    %dma_wait3A_459 = tpu.memref_slice %arg5[%add3A_369] : memref<16384xi32, #tpu.memory_space<hbm>> -> memref<32xi32, #tpu.memory_space<hbm>>
    tpu.wait_dma2 semaphore(%arg20 : memref<!tpu.dma_semaphore, #tpu.memory_space<semaphore_mem>>) src(%dma_wait3A_459 : memref<32xi32, #tpu.memory_space<hbm>>) dst(%arg10 : memref<32xi32, #tpu.memory_space<vmem>>)
    %dma_wait3A_460 = arith.constant 0 : i32
    %dma_wait3A_461 = tpu.memref_slice %arg3[%add3A_369, %dma_wait3A_460] : memref<16384x768xf32, #tpu.memory_space<hbm>> -> memref<32x768xf32, #tpu.memory_space<hbm>>
    %dma_wait3A_462 = arith.constant 0 : i32
    %dma_wait3A_463 = tpu.memref_slice %arg3[%add3A_369, %dma_wait3A_462] : memref<16384x768xf32, #tpu.memory_space<hbm>> -> memref<32x768xf32, #tpu.memory_space<hbm>>
    tpu.wait_dma2 semaphore(%arg25 : memref<!tpu.dma_semaphore, #tpu.memory_space<semaphore_mem>>) src(%dma_wait3A_463 : memref<32x768xf32, #tpu.memory_space<hbm>>) dst(%arg15 : memref<32x768xf32, #tpu.memory_space<vmem>>)
    %dma_start3A_464 = arith.constant 0 : i32
    %dma_start3A_465 = arith.constant 0 : i32
    %dma_start3A_466 = tpu.memref_slice %arg7[%dma_start3A_464, %dma_start3A_465] : memref<16384x768xf32, #tpu.memory_space<hbm>> -> memref<16384x768xf32, #tpu.memory_space<hbm>>
    tpu.enqueue_indirect_dma source(%arg15 : memref<32x768xf32, #tpu.memory_space<vmem>>) target(%dma_start3A_466 : memref<16384x768xf32, #tpu.memory_space<hbm>>) offsets(%arg10 : memref<32xi32, #tpu.memory_space<vmem>>) semaphore(%arg30 : memref<!tpu.dma_semaphore, #tpu.memory_space<semaphore_mem>>)
    %dma_wait3A_467 = arith.constant 0 : i32
    %dma_wait3A_468 = arith.constant 0 : i32
    %dma_wait3A_469 = tpu.memref_slice %arg6[%dma_wait3A_467, %dma_wait3A_468] : memref<16384x768xf32, #tpu.memory_space<hbm>> -> memref<16384x768xf32, #tpu.memory_space<hbm>>
    tpu.wait_indirect_dma semaphore(%arg29 : memref<!tpu.dma_semaphore, #tpu.memory_space<semaphore_mem>>) src(%arg14 : memref<32x768xf32, #tpu.memory_space<vmem>>) dst(%dma_wait3A_469 : memref<16384x768xf32, #tpu.memory_space<hbm>>)
    %add3A_470 = arith.constant 0 : i32
    %add3A_471 = arith.addi %add3A_470, %mul3A_2 : i32
    %add3A_472 = arith.constant 128 : i32
    %add3A_473 = arith.addi %add3A_471, %add3A_472 : i32
    %dma_start3A_474 = tpu.memref_slice %arg5[%add3A_473] : memref<16384xi32, #tpu.memory_space<hbm>> -> memref<32xi32, #tpu.memory_space<hbm>>
    %dma_start3A_475 = tpu.memref_slice %arg5[%add3A_473] : memref<16384xi32, #tpu.memory_space<hbm>> -> memref<32xi32, #tpu.memory_space<hbm>>
    tpu.enqueue_dma source(%dma_start3A_475 : memref<32xi32, #tpu.memory_space<hbm>>) target(%arg9 : memref<32xi32, #tpu.memory_space<vmem>>) target_semaphore(%arg19 : memref<!tpu.dma_semaphore, #tpu.memory_space<semaphore_mem>>)
    %dma_start3A_476 = arith.constant 0 : i32
    %dma_start3A_477 = tpu.memref_slice %arg3[%add3A_473, %dma_start3A_476] : memref<16384x768xf32, #tpu.memory_space<hbm>> -> memref<32x768xf32, #tpu.memory_space<hbm>>
    %dma_start3A_478 = arith.constant 0 : i32
    %dma_start3A_479 = tpu.memref_slice %arg3[%add3A_473, %dma_start3A_478] : memref<16384x768xf32, #tpu.memory_space<hbm>> -> memref<32x768xf32, #tpu.memory_space<hbm>>
    tpu.enqueue_dma source(%dma_start3A_479 : memref<32x768xf32, #tpu.memory_space<hbm>>) target(%arg14 : memref<32x768xf32, #tpu.memory_space<vmem>>) target_semaphore(%arg24 : memref<!tpu.dma_semaphore, #tpu.memory_space<semaphore_mem>>)
    %add3A_480 = arith.constant 0 : i32
    %add3A_481 = arith.addi %add3A_480, %mul3A_2 : i32
    %add3A_482 = arith.constant 32 : i32
    %add3A_483 = arith.addi %add3A_481, %add3A_482 : i32
    %dma_wait3A_484 = tpu.memref_slice %arg5[%add3A_395] : memref<16384xi32, #tpu.memory_space<hbm>> -> memref<32xi32, #tpu.memory_space<hbm>>
    %dma_wait3A_485 = tpu.memref_slice %arg5[%add3A_395] : memref<16384xi32, #tpu.memory_space<hbm>> -> memref<32xi32, #tpu.memory_space<hbm>>
    tpu.wait_dma2 semaphore(%arg21 : memref<!tpu.dma_semaphore, #tpu.memory_space<semaphore_mem>>) src(%dma_wait3A_485 : memref<32xi32, #tpu.memory_space<hbm>>) dst(%arg11 : memref<32xi32, #tpu.memory_space<vmem>>)
    %dma_wait3A_486 = arith.constant 0 : i32
    %dma_wait3A_487 = tpu.memref_slice %arg3[%add3A_395, %dma_wait3A_486] : memref<16384x768xf32, #tpu.memory_space<hbm>> -> memref<32x768xf32, #tpu.memory_space<hbm>>
    %dma_wait3A_488 = arith.constant 0 : i32
    %dma_wait3A_489 = tpu.memref_slice %arg3[%add3A_395, %dma_wait3A_488] : memref<16384x768xf32, #tpu.memory_space<hbm>> -> memref<32x768xf32, #tpu.memory_space<hbm>>
    tpu.wait_dma2 semaphore(%arg26 : memref<!tpu.dma_semaphore, #tpu.memory_space<semaphore_mem>>) src(%dma_wait3A_489 : memref<32x768xf32, #tpu.memory_space<hbm>>) dst(%arg16 : memref<32x768xf32, #tpu.memory_space<vmem>>)
    %dma_start3A_490 = arith.constant 0 : i32
    %dma_start3A_491 = arith.constant 0 : i32
    %dma_start3A_492 = tpu.memref_slice %arg7[%dma_start3A_490, %dma_start3A_491] : memref<16384x768xf32, #tpu.memory_space<hbm>> -> memref<16384x768xf32, #tpu.memory_space<hbm>>
    tpu.enqueue_indirect_dma source(%arg16 : memref<32x768xf32, #tpu.memory_space<vmem>>) target(%dma_start3A_492 : memref<16384x768xf32, #tpu.memory_space<hbm>>) offsets(%arg11 : memref<32xi32, #tpu.memory_space<vmem>>) semaphore(%arg31 : memref<!tpu.dma_semaphore, #tpu.memory_space<semaphore_mem>>)
    %dma_wait3A_493 = arith.constant 0 : i32
    %dma_wait3A_494 = arith.constant 0 : i32
    %dma_wait3A_495 = tpu.memref_slice %arg7[%dma_wait3A_493, %dma_wait3A_494] : memref<16384x768xf32, #tpu.memory_space<hbm>> -> memref<16384x768xf32, #tpu.memory_space<hbm>>
    tpu.wait_indirect_dma semaphore(%arg30 : memref<!tpu.dma_semaphore, #tpu.memory_space<semaphore_mem>>) src(%arg15 : memref<32x768xf32, #tpu.memory_space<vmem>>) dst(%dma_wait3A_495 : memref<16384x768xf32, #tpu.memory_space<hbm>>)
    %add3A_496 = arith.constant 0 : i32
    %add3A_497 = arith.addi %add3A_496, %mul3A_2 : i32
    %add3A_498 = arith.constant 160 : i32
    %add3A_499 = arith.addi %add3A_497, %add3A_498 : i32
    %dma_start3A_500 = tpu.memref_slice %arg5[%add3A_499] : memref<16384xi32, #tpu.memory_space<hbm>> -> memref<32xi32, #tpu.memory_space<hbm>>
    %dma_start3A_501 = tpu.memref_slice %arg5[%add3A_499] : memref<16384xi32, #tpu.memory_space<hbm>> -> memref<32xi32, #tpu.memory_space<hbm>>
    tpu.enqueue_dma source(%dma_start3A_501 : memref<32xi32, #tpu.memory_space<hbm>>) target(%arg10 : memref<32xi32, #tpu.memory_space<vmem>>) target_semaphore(%arg20 : memref<!tpu.dma_semaphore, #tpu.memory_space<semaphore_mem>>)
    %dma_start3A_502 = arith.constant 0 : i32
    %dma_start3A_503 = tpu.memref_slice %arg3[%add3A_499, %dma_start3A_502] : memref<16384x768xf32, #tpu.memory_space<hbm>> -> memref<32x768xf32, #tpu.memory_space<hbm>>
    %dma_start3A_504 = arith.constant 0 : i32
    %dma_start3A_505 = tpu.memref_slice %arg3[%add3A_499, %dma_start3A_504] : memref<16384x768xf32, #tpu.memory_space<hbm>> -> memref<32x768xf32, #tpu.memory_space<hbm>>
    tpu.enqueue_dma source(%dma_start3A_505 : memref<32x768xf32, #tpu.memory_space<hbm>>) target(%arg15 : memref<32x768xf32, #tpu.memory_space<vmem>>) target_semaphore(%arg25 : memref<!tpu.dma_semaphore, #tpu.memory_space<semaphore_mem>>)
    %add3A_506 = arith.constant 0 : i32
    %add3A_507 = arith.addi %add3A_506, %mul3A_2 : i32
    %add3A_508 = arith.constant 64 : i32
    %add3A_509 = arith.addi %add3A_507, %add3A_508 : i32
    %dma_wait3A_510 = tpu.memref_slice %arg5[%add3A_421] : memref<16384xi32, #tpu.memory_space<hbm>> -> memref<32xi32, #tpu.memory_space<hbm>>
    %dma_wait3A_511 = tpu.memref_slice %arg5[%add3A_421] : memref<16384xi32, #tpu.memory_space<hbm>> -> memref<32xi32, #tpu.memory_space<hbm>>
    tpu.wait_dma2 semaphore(%arg22 : memref<!tpu.dma_semaphore, #tpu.memory_space<semaphore_mem>>) src(%dma_wait3A_511 : memref<32xi32, #tpu.memory_space<hbm>>) dst(%arg12 : memref<32xi32, #tpu.memory_space<vmem>>)
    %dma_wait3A_512 = arith.constant 0 : i32
    %dma_wait3A_513 = tpu.memref_slice %arg3[%add3A_421, %dma_wait3A_512] : memref<16384x768xf32, #tpu.memory_space<hbm>> -> memref<32x768xf32, #tpu.memory_space<hbm>>
    %dma_wait3A_514 = arith.constant 0 : i32
    %dma_wait3A_515 = tpu.memref_slice %arg3[%add3A_421, %dma_wait3A_514] : memref<16384x768xf32, #tpu.memory_space<hbm>> -> memref<32x768xf32, #tpu.memory_space<hbm>>
    tpu.wait_dma2 semaphore(%arg27 : memref<!tpu.dma_semaphore, #tpu.memory_space<semaphore_mem>>) src(%dma_wait3A_515 : memref<32x768xf32, #tpu.memory_space<hbm>>) dst(%arg17 : memref<32x768xf32, #tpu.memory_space<vmem>>)
    %dma_start3A_516 = arith.constant 0 : i32
    %dma_start3A_517 = arith.constant 0 : i32
    %dma_start3A_518 = tpu.memref_slice %arg7[%dma_start3A_516, %dma_start3A_517] : memref<16384x768xf32, #tpu.memory_space<hbm>> -> memref<16384x768xf32, #tpu.memory_space<hbm>>
    tpu.enqueue_indirect_dma source(%arg17 : memref<32x768xf32, #tpu.memory_space<vmem>>) target(%dma_start3A_518 : memref<16384x768xf32, #tpu.memory_space<hbm>>) offsets(%arg12 : memref<32xi32, #tpu.memory_space<vmem>>) semaphore(%arg32 : memref<!tpu.dma_semaphore, #tpu.memory_space<semaphore_mem>>)
    %dma_wait3A_519 = arith.constant 0 : i32
    %dma_wait3A_520 = arith.constant 0 : i32
    %dma_wait3A_521 = tpu.memref_slice %arg7[%dma_wait3A_519, %dma_wait3A_520] : memref<16384x768xf32, #tpu.memory_space<hbm>> -> memref<16384x768xf32, #tpu.memory_space<hbm>>
    tpu.wait_indirect_dma semaphore(%arg31 : memref<!tpu.dma_semaphore, #tpu.memory_space<semaphore_mem>>) src(%arg16 : memref<32x768xf32, #tpu.memory_space<vmem>>) dst(%dma_wait3A_521 : memref<16384x768xf32, #tpu.memory_space<hbm>>)
    %add3A_522 = arith.constant 0 : i32
    %add3A_523 = arith.addi %add3A_522, %mul3A_2 : i32
    %add3A_524 = arith.constant 192 : i32
    %add3A_525 = arith.addi %add3A_523, %add3A_524 : i32
    %dma_start3A_526 = tpu.memref_slice %arg5[%add3A_525] : memref<16384xi32, #tpu.memory_space<hbm>> -> memref<32xi32, #tpu.memory_space<hbm>>
    %dma_start3A_527 = tpu.memref_slice %arg5[%add3A_525] : memref<16384xi32, #tpu.memory_space<hbm>> -> memref<32xi32, #tpu.memory_space<hbm>>
    tpu.enqueue_dma source(%dma_start3A_527 : memref<32xi32, #tpu.memory_space<hbm>>) target(%arg11 : memref<32xi32, #tpu.memory_space<vmem>>) target_semaphore(%arg21 : memref<!tpu.dma_semaphore, #tpu.memory_space<semaphore_mem>>)
    %dma_start3A_528 = arith.constant 0 : i32
    %dma_start3A_529 = tpu.memref_slice %arg3[%add3A_525, %dma_start3A_528] : memref<16384x768xf32, #tpu.memory_space<hbm>> -> memref<32x768xf32, #tpu.memory_space<hbm>>
    %dma_start3A_530 = arith.constant 0 : i32
    %dma_start3A_531 = tpu.memref_slice %arg3[%add3A_525, %dma_start3A_530] : memref<16384x768xf32, #tpu.memory_space<hbm>> -> memref<32x768xf32, #tpu.memory_space<hbm>>
    tpu.enqueue_dma source(%dma_start3A_531 : memref<32x768xf32, #tpu.memory_space<hbm>>) target(%arg16 : memref<32x768xf32, #tpu.memory_space<vmem>>) target_semaphore(%arg26 : memref<!tpu.dma_semaphore, #tpu.memory_space<semaphore_mem>>)
    %add3A_532 = arith.constant 0 : i32
    %add3A_533 = arith.addi %add3A_532, %mul3A_2 : i32
    %add3A_534 = arith.constant 96 : i32
    %add3A_535 = arith.addi %add3A_533, %add3A_534 : i32
    %dma_wait3A_536 = tpu.memref_slice %arg5[%add3A_447] : memref<16384xi32, #tpu.memory_space<hbm>> -> memref<32xi32, #tpu.memory_space<hbm>>
    %dma_wait3A_537 = tpu.memref_slice %arg5[%add3A_447] : memref<16384xi32, #tpu.memory_space<hbm>> -> memref<32xi32, #tpu.memory_space<hbm>>
    tpu.wait_dma2 semaphore(%arg23 : memref<!tpu.dma_semaphore, #tpu.memory_space<semaphore_mem>>) src(%dma_wait3A_537 : memref<32xi32, #tpu.memory_space<hbm>>) dst(%arg13 : memref<32xi32, #tpu.memory_space<vmem>>)
    %dma_wait3A_538 = arith.constant 0 : i32
    %dma_wait3A_539 = tpu.memref_slice %arg3[%add3A_447, %dma_wait3A_538] : memref<16384x768xf32, #tpu.memory_space<hbm>> -> memref<32x768xf32, #tpu.memory_space<hbm>>
    %dma_wait3A_540 = arith.constant 0 : i32
    %dma_wait3A_541 = tpu.memref_slice %arg3[%add3A_447, %dma_wait3A_540] : memref<16384x768xf32, #tpu.memory_space<hbm>> -> memref<32x768xf32, #tpu.memory_space<hbm>>
    tpu.wait_dma2 semaphore(%arg28 : memref<!tpu.dma_semaphore, #tpu.memory_space<semaphore_mem>>) src(%dma_wait3A_541 : memref<32x768xf32, #tpu.memory_space<hbm>>) dst(%arg18 : memref<32x768xf32, #tpu.memory_space<vmem>>)
    %dma_start3A_542 = arith.constant 0 : i32
    %dma_start3A_543 = arith.constant 0 : i32
    %dma_start3A_544 = tpu.memref_slice %arg7[%dma_start3A_542, %dma_start3A_543] : memref<16384x768xf32, #tpu.memory_space<hbm>> -> memref<16384x768xf32, #tpu.memory_space<hbm>>
    tpu.enqueue_indirect_dma source(%arg18 : memref<32x768xf32, #tpu.memory_space<vmem>>) target(%dma_start3A_544 : memref<16384x768xf32, #tpu.memory_space<hbm>>) offsets(%arg13 : memref<32xi32, #tpu.memory_space<vmem>>) semaphore(%arg33 : memref<!tpu.dma_semaphore, #tpu.memory_space<semaphore_mem>>)
    %dma_wait3A_545 = arith.constant 0 : i32
    %dma_wait3A_546 = arith.constant 0 : i32
    %dma_wait3A_547 = tpu.memref_slice %arg7[%dma_wait3A_545, %dma_wait3A_546] : memref<16384x768xf32, #tpu.memory_space<hbm>> -> memref<16384x768xf32, #tpu.memory_space<hbm>>
    tpu.wait_indirect_dma semaphore(%arg32 : memref<!tpu.dma_semaphore, #tpu.memory_space<semaphore_mem>>) src(%arg17 : memref<32x768xf32, #tpu.memory_space<vmem>>) dst(%dma_wait3A_547 : memref<16384x768xf32, #tpu.memory_space<hbm>>)
    %add3A_548 = arith.constant 0 : i32
    %add3A_549 = arith.addi %add3A_548, %mul3A_2 : i32
    %add3A_550 = arith.constant 224 : i32
    %add3A_551 = arith.addi %add3A_549, %add3A_550 : i32
    %dma_start3A_552 = tpu.memref_slice %arg5[%add3A_551] : memref<16384xi32, #tpu.memory_space<hbm>> -> memref<32xi32, #tpu.memory_space<hbm>>
    %dma_start3A_553 = tpu.memref_slice %arg5[%add3A_551] : memref<16384xi32, #tpu.memory_space<hbm>> -> memref<32xi32, #tpu.memory_space<hbm>>
    tpu.enqueue_dma source(%dma_start3A_553 : memref<32xi32, #tpu.memory_space<hbm>>) target(%arg12 : memref<32xi32, #tpu.memory_space<vmem>>) target_semaphore(%arg22 : memref<!tpu.dma_semaphore, #tpu.memory_space<semaphore_mem>>)
    %dma_start3A_554 = arith.constant 0 : i32
    %dma_start3A_555 = tpu.memref_slice %arg3[%add3A_551, %dma_start3A_554] : memref<16384x768xf32, #tpu.memory_space<hbm>> -> memref<32x768xf32, #tpu.memory_space<hbm>>
    %dma_start3A_556 = arith.constant 0 : i32
    %dma_start3A_557 = tpu.memref_slice %arg3[%add3A_551, %dma_start3A_556] : memref<16384x768xf32, #tpu.memory_space<hbm>> -> memref<32x768xf32, #tpu.memory_space<hbm>>
    tpu.enqueue_dma source(%dma_start3A_557 : memref<32x768xf32, #tpu.memory_space<hbm>>) target(%arg17 : memref<32x768xf32, #tpu.memory_space<vmem>>) target_semaphore(%arg27 : memref<!tpu.dma_semaphore, #tpu.memory_space<semaphore_mem>>)
    %add3A_558 = arith.constant 0 : i32
    %add3A_559 = arith.addi %add3A_558, %mul3A_2 : i32
    %add3A_560 = arith.constant 128 : i32
    %add3A_561 = arith.addi %add3A_559, %add3A_560 : i32
    %dma_wait3A_562 = tpu.memref_slice %arg5[%add3A_473] : memref<16384xi32, #tpu.memory_space<hbm>> -> memref<32xi32, #tpu.memory_space<hbm>>
    %dma_wait3A_563 = tpu.memref_slice %arg5[%add3A_473] : memref<16384xi32, #tpu.memory_space<hbm>> -> memref<32xi32, #tpu.memory_space<hbm>>
    tpu.wait_dma2 semaphore(%arg19 : memref<!tpu.dma_semaphore, #tpu.memory_space<semaphore_mem>>) src(%dma_wait3A_563 : memref<32xi32, #tpu.memory_space<hbm>>) dst(%arg9 : memref<32xi32, #tpu.memory_space<vmem>>)
    %dma_wait3A_564 = arith.constant 0 : i32
    %dma_wait3A_565 = tpu.memref_slice %arg3[%add3A_473, %dma_wait3A_564] : memref<16384x768xf32, #tpu.memory_space<hbm>> -> memref<32x768xf32, #tpu.memory_space<hbm>>
    %dma_wait3A_566 = arith.constant 0 : i32
    %dma_wait3A_567 = tpu.memref_slice %arg3[%add3A_473, %dma_wait3A_566] : memref<16384x768xf32, #tpu.memory_space<hbm>> -> memref<32x768xf32, #tpu.memory_space<hbm>>
    tpu.wait_dma2 semaphore(%arg24 : memref<!tpu.dma_semaphore, #tpu.memory_space<semaphore_mem>>) src(%dma_wait3A_567 : memref<32x768xf32, #tpu.memory_space<hbm>>) dst(%arg14 : memref<32x768xf32, #tpu.memory_space<vmem>>)
    %dma_start3A_568 = arith.constant 0 : i32
    %dma_start3A_569 = arith.constant 0 : i32
    %dma_start3A_570 = tpu.memref_slice %arg7[%dma_start3A_568, %dma_start3A_569] : memref<16384x768xf32, #tpu.memory_space<hbm>> -> memref<16384x768xf32, #tpu.memory_space<hbm>>
    tpu.enqueue_indirect_dma source(%arg14 : memref<32x768xf32, #tpu.memory_space<vmem>>) target(%dma_start3A_570 : memref<16384x768xf32, #tpu.memory_space<hbm>>) offsets(%arg9 : memref<32xi32, #tpu.memory_space<vmem>>) semaphore(%arg29 : memref<!tpu.dma_semaphore, #tpu.memory_space<semaphore_mem>>)
    %dma_wait3A_571 = arith.constant 0 : i32
    %dma_wait3A_572 = arith.constant 0 : i32
    %dma_wait3A_573 = tpu.memref_slice %arg7[%dma_wait3A_571, %dma_wait3A_572] : memref<16384x768xf32, #tpu.memory_space<hbm>> -> memref<16384x768xf32, #tpu.memory_space<hbm>>
    tpu.wait_indirect_dma semaphore(%arg33 : memref<!tpu.dma_semaphore, #tpu.memory_space<semaphore_mem>>) src(%arg18 : memref<32x768xf32, #tpu.memory_space<vmem>>) dst(%dma_wait3A_573 : memref<16384x768xf32, #tpu.memory_space<hbm>>)
    %add3A_574 = arith.constant 8192 : i32
    %add3A_575 = arith.addi %add3A_574, %mul3A_2 : i32
    %add3A_576 = arith.constant 0 : i32
    %add3A_577 = arith.addi %add3A_575, %add3A_576 : i32
    %dma_start3A_578 = tpu.memref_slice %arg5[%add3A_577] : memref<16384xi32, #tpu.memory_space<hbm>> -> memref<32xi32, #tpu.memory_space<hbm>>
    %dma_start3A_579 = tpu.memref_slice %arg5[%add3A_577] : memref<16384xi32, #tpu.memory_space<hbm>> -> memref<32xi32, #tpu.memory_space<hbm>>
    tpu.enqueue_dma source(%dma_start3A_579 : memref<32xi32, #tpu.memory_space<hbm>>) target(%arg13 : memref<32xi32, #tpu.memory_space<vmem>>) target_semaphore(%arg23 : memref<!tpu.dma_semaphore, #tpu.memory_space<semaphore_mem>>)
    %dma_start3A_580 = arith.constant 0 : i32
    %dma_start3A_581 = tpu.memref_slice %arg3[%add3A_577, %dma_start3A_580] : memref<16384x768xf32, #tpu.memory_space<hbm>> -> memref<32x768xf32, #tpu.memory_space<hbm>>
    %dma_start3A_582 = arith.constant 0 : i32
    %dma_start3A_583 = tpu.memref_slice %arg3[%add3A_577, %dma_start3A_582] : memref<16384x768xf32, #tpu.memory_space<hbm>> -> memref<32x768xf32, #tpu.memory_space<hbm>>
    tpu.enqueue_dma source(%dma_start3A_583 : memref<32x768xf32, #tpu.memory_space<hbm>>) target(%arg18 : memref<32x768xf32, #tpu.memory_space<vmem>>) target_semaphore(%arg28 : memref<!tpu.dma_semaphore, #tpu.memory_space<semaphore_mem>>)
    %add3A_584 = arith.constant 0 : i32
    %add3A_585 = arith.addi %add3A_584, %mul3A_2 : i32
    %add3A_586 = arith.constant 160 : i32
    %add3A_587 = arith.addi %add3A_585, %add3A_586 : i32
    %dma_wait3A_588 = tpu.memref_slice %arg5[%add3A_499] : memref<16384xi32, #tpu.memory_space<hbm>> -> memref<32xi32, #tpu.memory_space<hbm>>
    %dma_wait3A_589 = tpu.memref_slice %arg5[%add3A_499] : memref<16384xi32, #tpu.memory_space<hbm>> -> memref<32xi32, #tpu.memory_space<hbm>>
    tpu.wait_dma2 semaphore(%arg20 : memref<!tpu.dma_semaphore, #tpu.memory_space<semaphore_mem>>) src(%dma_wait3A_589 : memref<32xi32, #tpu.memory_space<hbm>>) dst(%arg10 : memref<32xi32, #tpu.memory_space<vmem>>)
    %dma_wait3A_590 = arith.constant 0 : i32
    %dma_wait3A_591 = tpu.memref_slice %arg3[%add3A_499, %dma_wait3A_590] : memref<16384x768xf32, #tpu.memory_space<hbm>> -> memref<32x768xf32, #tpu.memory_space<hbm>>
    %dma_wait3A_592 = arith.constant 0 : i32
    %dma_wait3A_593 = tpu.memref_slice %arg3[%add3A_499, %dma_wait3A_592] : memref<16384x768xf32, #tpu.memory_space<hbm>> -> memref<32x768xf32, #tpu.memory_space<hbm>>
    tpu.wait_dma2 semaphore(%arg25 : memref<!tpu.dma_semaphore, #tpu.memory_space<semaphore_mem>>) src(%dma_wait3A_593 : memref<32x768xf32, #tpu.memory_space<hbm>>) dst(%arg15 : memref<32x768xf32, #tpu.memory_space<vmem>>)
    %dma_start3A_594 = arith.constant 0 : i32
    %dma_start3A_595 = arith.constant 0 : i32
    %dma_start3A_596 = tpu.memref_slice %arg7[%dma_start3A_594, %dma_start3A_595] : memref<16384x768xf32, #tpu.memory_space<hbm>> -> memref<16384x768xf32, #tpu.memory_space<hbm>>
    tpu.enqueue_indirect_dma source(%arg15 : memref<32x768xf32, #tpu.memory_space<vmem>>) target(%dma_start3A_596 : memref<16384x768xf32, #tpu.memory_space<hbm>>) offsets(%arg10 : memref<32xi32, #tpu.memory_space<vmem>>) semaphore(%arg30 : memref<!tpu.dma_semaphore, #tpu.memory_space<semaphore_mem>>)
    %dma_wait3A_597 = arith.constant 0 : i32
    %dma_wait3A_598 = arith.constant 0 : i32
    %dma_wait3A_599 = tpu.memref_slice %arg7[%dma_wait3A_597, %dma_wait3A_598] : memref<16384x768xf32, #tpu.memory_space<hbm>> -> memref<16384x768xf32, #tpu.memory_space<hbm>>
    tpu.wait_indirect_dma semaphore(%arg29 : memref<!tpu.dma_semaphore, #tpu.memory_space<semaphore_mem>>) src(%arg14 : memref<32x768xf32, #tpu.memory_space<vmem>>) dst(%dma_wait3A_599 : memref<16384x768xf32, #tpu.memory_space<hbm>>)
    %add3A_600 = arith.constant 8192 : i32
    %add3A_601 = arith.addi %add3A_600, %mul3A_2 : i32
    %add3A_602 = arith.constant 32 : i32
    %add3A_603 = arith.addi %add3A_601, %add3A_602 : i32
    %dma_start3A_604 = tpu.memref_slice %arg5[%add3A_603] : memref<16384xi32, #tpu.memory_space<hbm>> -> memref<32xi32, #tpu.memory_space<hbm>>
    %dma_start3A_605 = tpu.memref_slice %arg5[%add3A_603] : memref<16384xi32, #tpu.memory_space<hbm>> -> memref<32xi32, #tpu.memory_space<hbm>>
    tpu.enqueue_dma source(%dma_start3A_605 : memref<32xi32, #tpu.memory_space<hbm>>) target(%arg9 : memref<32xi32, #tpu.memory_space<vmem>>) target_semaphore(%arg19 : memref<!tpu.dma_semaphore, #tpu.memory_space<semaphore_mem>>)
    %dma_start3A_606 = arith.constant 0 : i32
    %dma_start3A_607 = tpu.memref_slice %arg3[%add3A_603, %dma_start3A_606] : memref<16384x768xf32, #tpu.memory_space<hbm>> -> memref<32x768xf32, #tpu.memory_space<hbm>>
    %dma_start3A_608 = arith.constant 0 : i32
    %dma_start3A_609 = tpu.memref_slice %arg3[%add3A_603, %dma_start3A_608] : memref<16384x768xf32, #tpu.memory_space<hbm>> -> memref<32x768xf32, #tpu.memory_space<hbm>>
    tpu.enqueue_dma source(%dma_start3A_609 : memref<32x768xf32, #tpu.memory_space<hbm>>) target(%arg14 : memref<32x768xf32, #tpu.memory_space<vmem>>) target_semaphore(%arg24 : memref<!tpu.dma_semaphore, #tpu.memory_space<semaphore_mem>>)
    %add3A_610 = arith.constant 0 : i32
    %add3A_611 = arith.addi %add3A_610, %mul3A_2 : i32
    %add3A_612 = arith.constant 192 : i32
    %add3A_613 = arith.addi %add3A_611, %add3A_612 : i32
    %dma_wait3A_614 = tpu.memref_slice %arg5[%add3A_525] : memref<16384xi32, #tpu.memory_space<hbm>> -> memref<32xi32, #tpu.memory_space<hbm>>
    %dma_wait3A_615 = tpu.memref_slice %arg5[%add3A_525] : memref<16384xi32, #tpu.memory_space<hbm>> -> memref<32xi32, #tpu.memory_space<hbm>>
    tpu.wait_dma2 semaphore(%arg21 : memref<!tpu.dma_semaphore, #tpu.memory_space<semaphore_mem>>) src(%dma_wait3A_615 : memref<32xi32, #tpu.memory_space<hbm>>) dst(%arg11 : memref<32xi32, #tpu.memory_space<vmem>>)
    %dma_wait3A_616 = arith.constant 0 : i32
    %dma_wait3A_617 = tpu.memref_slice %arg3[%add3A_525, %dma_wait3A_616] : memref<16384x768xf32, #tpu.memory_space<hbm>> -> memref<32x768xf32, #tpu.memory_space<hbm>>
    %dma_wait3A_618 = arith.constant 0 : i32
    %dma_wait3A_619 = tpu.memref_slice %arg3[%add3A_525, %dma_wait3A_618] : memref<16384x768xf32, #tpu.memory_space<hbm>> -> memref<32x768xf32, #tpu.memory_space<hbm>>
    tpu.wait_dma2 semaphore(%arg26 : memref<!tpu.dma_semaphore, #tpu.memory_space<semaphore_mem>>) src(%dma_wait3A_619 : memref<32x768xf32, #tpu.memory_space<hbm>>) dst(%arg16 : memref<32x768xf32, #tpu.memory_space<vmem>>)
    %dma_start3A_620 = arith.constant 0 : i32
    %dma_start3A_621 = arith.constant 0 : i32
    %dma_start3A_622 = tpu.memref_slice %arg7[%dma_start3A_620, %dma_start3A_621] : memref<16384x768xf32, #tpu.memory_space<hbm>> -> memref<16384x768xf32, #tpu.memory_space<hbm>>
    tpu.enqueue_indirect_dma source(%arg16 : memref<32x768xf32, #tpu.memory_space<vmem>>) target(%dma_start3A_622 : memref<16384x768xf32, #tpu.memory_space<hbm>>) offsets(%arg11 : memref<32xi32, #tpu.memory_space<vmem>>) semaphore(%arg31 : memref<!tpu.dma_semaphore, #tpu.memory_space<semaphore_mem>>)
    %dma_wait3A_623 = arith.constant 0 : i32
    %dma_wait3A_624 = arith.constant 0 : i32
    %dma_wait3A_625 = tpu.memref_slice %arg7[%dma_wait3A_623, %dma_wait3A_624] : memref<16384x768xf32, #tpu.memory_space<hbm>> -> memref<16384x768xf32, #tpu.memory_space<hbm>>
    tpu.wait_indirect_dma semaphore(%arg30 : memref<!tpu.dma_semaphore, #tpu.memory_space<semaphore_mem>>) src(%arg15 : memref<32x768xf32, #tpu.memory_space<vmem>>) dst(%dma_wait3A_625 : memref<16384x768xf32, #tpu.memory_space<hbm>>)
    %add3A_626 = arith.constant 8192 : i32
    %add3A_627 = arith.addi %add3A_626, %mul3A_2 : i32
    %add3A_628 = arith.constant 64 : i32
    %add3A_629 = arith.addi %add3A_627, %add3A_628 : i32
    %dma_start3A_630 = tpu.memref_slice %arg5[%add3A_629] : memref<16384xi32, #tpu.memory_space<hbm>> -> memref<32xi32, #tpu.memory_space<hbm>>
    %dma_start3A_631 = tpu.memref_slice %arg5[%add3A_629] : memref<16384xi32, #tpu.memory_space<hbm>> -> memref<32xi32, #tpu.memory_space<hbm>>
    tpu.enqueue_dma source(%dma_start3A_631 : memref<32xi32, #tpu.memory_space<hbm>>) target(%arg10 : memref<32xi32, #tpu.memory_space<vmem>>) target_semaphore(%arg20 : memref<!tpu.dma_semaphore, #tpu.memory_space<semaphore_mem>>)
    %dma_start3A_632 = arith.constant 0 : i32
    %dma_start3A_633 = tpu.memref_slice %arg3[%add3A_629, %dma_start3A_632] : memref<16384x768xf32, #tpu.memory_space<hbm>> -> memref<32x768xf32, #tpu.memory_space<hbm>>
    %dma_start3A_634 = arith.constant 0 : i32
    %dma_start3A_635 = tpu.memref_slice %arg3[%add3A_629, %dma_start3A_634] : memref<16384x768xf32, #tpu.memory_space<hbm>> -> memref<32x768xf32, #tpu.memory_space<hbm>>
    tpu.enqueue_dma source(%dma_start3A_635 : memref<32x768xf32, #tpu.memory_space<hbm>>) target(%arg15 : memref<32x768xf32, #tpu.memory_space<vmem>>) target_semaphore(%arg25 : memref<!tpu.dma_semaphore, #tpu.memory_space<semaphore_mem>>)
    %add3A_636 = arith.constant 0 : i32
    %add3A_637 = arith.addi %add3A_636, %mul3A_2 : i32
    %add3A_638 = arith.constant 224 : i32
    %add3A_639 = arith.addi %add3A_637, %add3A_638 : i32
    %dma_wait3A_640 = tpu.memref_slice %arg5[%add3A_551] : memref<16384xi32, #tpu.memory_space<hbm>> -> memref<32xi32, #tpu.memory_space<hbm>>
    %dma_wait3A_641 = tpu.memref_slice %arg5[%add3A_551] : memref<16384xi32, #tpu.memory_space<hbm>> -> memref<32xi32, #tpu.memory_space<hbm>>
    tpu.wait_dma2 semaphore(%arg22 : memref<!tpu.dma_semaphore, #tpu.memory_space<semaphore_mem>>) src(%dma_wait3A_641 : memref<32xi32, #tpu.memory_space<hbm>>) dst(%arg12 : memref<32xi32, #tpu.memory_space<vmem>>)
    %dma_wait3A_642 = arith.constant 0 : i32
    %dma_wait3A_643 = tpu.memref_slice %arg3[%add3A_551, %dma_wait3A_642] : memref<16384x768xf32, #tpu.memory_space<hbm>> -> memref<32x768xf32, #tpu.memory_space<hbm>>
    %dma_wait3A_644 = arith.constant 0 : i32
    %dma_wait3A_645 = tpu.memref_slice %arg3[%add3A_551, %dma_wait3A_644] : memref<16384x768xf32, #tpu.memory_space<hbm>> -> memref<32x768xf32, #tpu.memory_space<hbm>>
    tpu.wait_dma2 semaphore(%arg27 : memref<!tpu.dma_semaphore, #tpu.memory_space<semaphore_mem>>) src(%dma_wait3A_645 : memref<32x768xf32, #tpu.memory_space<hbm>>) dst(%arg17 : memref<32x768xf32, #tpu.memory_space<vmem>>)
    %dma_start3A_646 = arith.constant 0 : i32
    %dma_start3A_647 = arith.constant 0 : i32
    %dma_start3A_648 = tpu.memref_slice %arg7[%dma_start3A_646, %dma_start3A_647] : memref<16384x768xf32, #tpu.memory_space<hbm>> -> memref<16384x768xf32, #tpu.memory_space<hbm>>
    tpu.enqueue_indirect_dma source(%arg17 : memref<32x768xf32, #tpu.memory_space<vmem>>) target(%dma_start3A_648 : memref<16384x768xf32, #tpu.memory_space<hbm>>) offsets(%arg12 : memref<32xi32, #tpu.memory_space<vmem>>) semaphore(%arg32 : memref<!tpu.dma_semaphore, #tpu.memory_space<semaphore_mem>>)
    %dma_wait3A_649 = arith.constant 0 : i32
    %dma_wait3A_650 = arith.constant 0 : i32
    %dma_wait3A_651 = tpu.memref_slice %arg7[%dma_wait3A_649, %dma_wait3A_650] : memref<16384x768xf32, #tpu.memory_space<hbm>> -> memref<16384x768xf32, #tpu.memory_space<hbm>>
    tpu.wait_indirect_dma semaphore(%arg31 : memref<!tpu.dma_semaphore, #tpu.memory_space<semaphore_mem>>) src(%arg16 : memref<32x768xf32, #tpu.memory_space<vmem>>) dst(%dma_wait3A_651 : memref<16384x768xf32, #tpu.memory_space<hbm>>)
    %add3A_652 = arith.constant 8192 : i32
    %add3A_653 = arith.addi %add3A_652, %mul3A_2 : i32
    %add3A_654 = arith.constant 96 : i32
    %add3A_655 = arith.addi %add3A_653, %add3A_654 : i32
    %dma_start3A_656 = tpu.memref_slice %arg5[%add3A_655] : memref<16384xi32, #tpu.memory_space<hbm>> -> memref<32xi32, #tpu.memory_space<hbm>>
    %dma_start3A_657 = tpu.memref_slice %arg5[%add3A_655] : memref<16384xi32, #tpu.memory_space<hbm>> -> memref<32xi32, #tpu.memory_space<hbm>>
    tpu.enqueue_dma source(%dma_start3A_657 : memref<32xi32, #tpu.memory_space<hbm>>) target(%arg11 : memref<32xi32, #tpu.memory_space<vmem>>) target_semaphore(%arg21 : memref<!tpu.dma_semaphore, #tpu.memory_space<semaphore_mem>>)
    %dma_start3A_658 = arith.constant 0 : i32
    %dma_start3A_659 = tpu.memref_slice %arg3[%add3A_655, %dma_start3A_658] : memref<16384x768xf32, #tpu.memory_space<hbm>> -> memref<32x768xf32, #tpu.memory_space<hbm>>
    %dma_start3A_660 = arith.constant 0 : i32
    %dma_start3A_661 = tpu.memref_slice %arg3[%add3A_655, %dma_start3A_660] : memref<16384x768xf32, #tpu.memory_space<hbm>> -> memref<32x768xf32, #tpu.memory_space<hbm>>
    tpu.enqueue_dma source(%dma_start3A_661 : memref<32x768xf32, #tpu.memory_space<hbm>>) target(%arg16 : memref<32x768xf32, #tpu.memory_space<vmem>>) target_semaphore(%arg26 : memref<!tpu.dma_semaphore, #tpu.memory_space<semaphore_mem>>)
    %add3A_662 = arith.constant 8192 : i32
    %add3A_663 = arith.addi %add3A_662, %mul3A_2 : i32
    %add3A_664 = arith.constant 0 : i32
    %add3A_665 = arith.addi %add3A_663, %add3A_664 : i32
    %dma_wait3A_666 = tpu.memref_slice %arg5[%add3A_577] : memref<16384xi32, #tpu.memory_space<hbm>> -> memref<32xi32, #tpu.memory_space<hbm>>
    %dma_wait3A_667 = tpu.memref_slice %arg5[%add3A_577] : memref<16384xi32, #tpu.memory_space<hbm>> -> memref<32xi32, #tpu.memory_space<hbm>>
    tpu.wait_dma2 semaphore(%arg23 : memref<!tpu.dma_semaphore, #tpu.memory_space<semaphore_mem>>) src(%dma_wait3A_667 : memref<32xi32, #tpu.memory_space<hbm>>) dst(%arg13 : memref<32xi32, #tpu.memory_space<vmem>>)
    %dma_wait3A_668 = arith.constant 0 : i32
    %dma_wait3A_669 = tpu.memref_slice %arg3[%add3A_577, %dma_wait3A_668] : memref<16384x768xf32, #tpu.memory_space<hbm>> -> memref<32x768xf32, #tpu.memory_space<hbm>>
    %dma_wait3A_670 = arith.constant 0 : i32
    %dma_wait3A_671 = tpu.memref_slice %arg3[%add3A_577, %dma_wait3A_670] : memref<16384x768xf32, #tpu.memory_space<hbm>> -> memref<32x768xf32, #tpu.memory_space<hbm>>
    tpu.wait_dma2 semaphore(%arg28 : memref<!tpu.dma_semaphore, #tpu.memory_space<semaphore_mem>>) src(%dma_wait3A_671 : memref<32x768xf32, #tpu.memory_space<hbm>>) dst(%arg18 : memref<32x768xf32, #tpu.memory_space<vmem>>)
    %dma_start3A_672 = arith.constant 0 : i32
    %dma_start3A_673 = arith.constant 0 : i32
    %dma_start3A_674 = tpu.memref_slice %arg7[%dma_start3A_672, %dma_start3A_673] : memref<16384x768xf32, #tpu.memory_space<hbm>> -> memref<16384x768xf32, #tpu.memory_space<hbm>>
    tpu.enqueue_indirect_dma source(%arg18 : memref<32x768xf32, #tpu.memory_space<vmem>>) target(%dma_start3A_674 : memref<16384x768xf32, #tpu.memory_space<hbm>>) offsets(%arg13 : memref<32xi32, #tpu.memory_space<vmem>>) semaphore(%arg33 : memref<!tpu.dma_semaphore, #tpu.memory_space<semaphore_mem>>)
    %dma_wait3A_675 = arith.constant 0 : i32
    %dma_wait3A_676 = arith.constant 0 : i32
    %dma_wait3A_677 = tpu.memref_slice %arg7[%dma_wait3A_675, %dma_wait3A_676] : memref<16384x768xf32, #tpu.memory_space<hbm>> -> memref<16384x768xf32, #tpu.memory_space<hbm>>
    tpu.wait_indirect_dma semaphore(%arg32 : memref<!tpu.dma_semaphore, #tpu.memory_space<semaphore_mem>>) src(%arg17 : memref<32x768xf32, #tpu.memory_space<vmem>>) dst(%dma_wait3A_677 : memref<16384x768xf32, #tpu.memory_space<hbm>>)
    %add3A_678 = arith.constant 8192 : i32
    %add3A_679 = arith.addi %add3A_678, %mul3A_2 : i32
    %add3A_680 = arith.constant 128 : i32
    %add3A_681 = arith.addi %add3A_679, %add3A_680 : i32
    %dma_start3A_682 = tpu.memref_slice %arg5[%add3A_681] : memref<16384xi32, #tpu.memory_space<hbm>> -> memref<32xi32, #tpu.memory_space<hbm>>
    %dma_start3A_683 = tpu.memref_slice %arg5[%add3A_681] : memref<16384xi32, #tpu.memory_space<hbm>> -> memref<32xi32, #tpu.memory_space<hbm>>
    tpu.enqueue_dma source(%dma_start3A_683 : memref<32xi32, #tpu.memory_space<hbm>>) target(%arg12 : memref<32xi32, #tpu.memory_space<vmem>>) target_semaphore(%arg22 : memref<!tpu.dma_semaphore, #tpu.memory_space<semaphore_mem>>)
    %dma_start3A_684 = arith.constant 0 : i32
    %dma_start3A_685 = tpu.memref_slice %arg3[%add3A_681, %dma_start3A_684] : memref<16384x768xf32, #tpu.memory_space<hbm>> -> memref<32x768xf32, #tpu.memory_space<hbm>>
    %dma_start3A_686 = arith.constant 0 : i32
    %dma_start3A_687 = tpu.memref_slice %arg3[%add3A_681, %dma_start3A_686] : memref<16384x768xf32, #tpu.memory_space<hbm>> -> memref<32x768xf32, #tpu.memory_space<hbm>>
    tpu.enqueue_dma source(%dma_start3A_687 : memref<32x768xf32, #tpu.memory_space<hbm>>) target(%arg17 : memref<32x768xf32, #tpu.memory_space<vmem>>) target_semaphore(%arg27 : memref<!tpu.dma_semaphore, #tpu.memory_space<semaphore_mem>>)
    %add3A_688 = arith.constant 8192 : i32
    %add3A_689 = arith.addi %add3A_688, %mul3A_2 : i32
    %add3A_690 = arith.constant 32 : i32
    %add3A_691 = arith.addi %add3A_689, %add3A_690 : i32
    %dma_wait3A_692 = tpu.memref_slice %arg5[%add3A_603] : memref<16384xi32, #tpu.memory_space<hbm>> -> memref<32xi32, #tpu.memory_space<hbm>>
    %dma_wait3A_693 = tpu.memref_slice %arg5[%add3A_603] : memref<16384xi32, #tpu.memory_space<hbm>> -> memref<32xi32, #tpu.memory_space<hbm>>
    tpu.wait_dma2 semaphore(%arg19 : memref<!tpu.dma_semaphore, #tpu.memory_space<semaphore_mem>>) src(%dma_wait3A_693 : memref<32xi32, #tpu.memory_space<hbm>>) dst(%arg9 : memref<32xi32, #tpu.memory_space<vmem>>)
    %dma_wait3A_694 = arith.constant 0 : i32
    %dma_wait3A_695 = tpu.memref_slice %arg3[%add3A_603, %dma_wait3A_694] : memref<16384x768xf32, #tpu.memory_space<hbm>> -> memref<32x768xf32, #tpu.memory_space<hbm>>
    %dma_wait3A_696 = arith.constant 0 : i32
    %dma_wait3A_697 = tpu.memref_slice %arg3[%add3A_603, %dma_wait3A_696] : memref<16384x768xf32, #tpu.memory_space<hbm>> -> memref<32x768xf32, #tpu.memory_space<hbm>>
    tpu.wait_dma2 semaphore(%arg24 : memref<!tpu.dma_semaphore, #tpu.memory_space<semaphore_mem>>) src(%dma_wait3A_697 : memref<32x768xf32, #tpu.memory_space<hbm>>) dst(%arg14 : memref<32x768xf32, #tpu.memory_space<vmem>>)
    %dma_start3A_698 = arith.constant 0 : i32
    %dma_start3A_699 = arith.constant 0 : i32
    %dma_start3A_700 = tpu.memref_slice %arg7[%dma_start3A_698, %dma_start3A_699] : memref<16384x768xf32, #tpu.memory_space<hbm>> -> memref<16384x768xf32, #tpu.memory_space<hbm>>
    tpu.enqueue_indirect_dma source(%arg14 : memref<32x768xf32, #tpu.memory_space<vmem>>) target(%dma_start3A_700 : memref<16384x768xf32, #tpu.memory_space<hbm>>) offsets(%arg9 : memref<32xi32, #tpu.memory_space<vmem>>) semaphore(%arg29 : memref<!tpu.dma_semaphore, #tpu.memory_space<semaphore_mem>>)
    %dma_wait3A_701 = arith.constant 0 : i32
    %dma_wait3A_702 = arith.constant 0 : i32
    %dma_wait3A_703 = tpu.memref_slice %arg7[%dma_wait3A_701, %dma_wait3A_702] : memref<16384x768xf32, #tpu.memory_space<hbm>> -> memref<16384x768xf32, #tpu.memory_space<hbm>>
    tpu.wait_indirect_dma semaphore(%arg33 : memref<!tpu.dma_semaphore, #tpu.memory_space<semaphore_mem>>) src(%arg18 : memref<32x768xf32, #tpu.memory_space<vmem>>) dst(%dma_wait3A_703 : memref<16384x768xf32, #tpu.memory_space<hbm>>)
    %add3A_704 = arith.constant 8192 : i32
    %add3A_705 = arith.addi %add3A_704, %mul3A_2 : i32
    %add3A_706 = arith.constant 160 : i32
    %add3A_707 = arith.addi %add3A_705, %add3A_706 : i32
    %dma_start3A_708 = tpu.memref_slice %arg5[%add3A_707] : memref<16384xi32, #tpu.memory_space<hbm>> -> memref<32xi32, #tpu.memory_space<hbm>>
    %dma_start3A_709 = tpu.memref_slice %arg5[%add3A_707] : memref<16384xi32, #tpu.memory_space<hbm>> -> memref<32xi32, #tpu.memory_space<hbm>>
    tpu.enqueue_dma source(%dma_start3A_709 : memref<32xi32, #tpu.memory_space<hbm>>) target(%arg13 : memref<32xi32, #tpu.memory_space<vmem>>) target_semaphore(%arg23 : memref<!tpu.dma_semaphore, #tpu.memory_space<semaphore_mem>>)
    %dma_start3A_710 = arith.constant 0 : i32
    %dma_start3A_711 = tpu.memref_slice %arg3[%add3A_707, %dma_start3A_710] : memref<16384x768xf32, #tpu.memory_space<hbm>> -> memref<32x768xf32, #tpu.memory_space<hbm>>
    %dma_start3A_712 = arith.constant 0 : i32
    %dma_start3A_713 = tpu.memref_slice %arg3[%add3A_707, %dma_start3A_712] : memref<16384x768xf32, #tpu.memory_space<hbm>> -> memref<32x768xf32, #tpu.memory_space<hbm>>
    tpu.enqueue_dma source(%dma_start3A_713 : memref<32x768xf32, #tpu.memory_space<hbm>>) target(%arg18 : memref<32x768xf32, #tpu.memory_space<vmem>>) target_semaphore(%arg28 : memref<!tpu.dma_semaphore, #tpu.memory_space<semaphore_mem>>)
    %add3A_714 = arith.constant 8192 : i32
    %add3A_715 = arith.addi %add3A_714, %mul3A_2 : i32
    %add3A_716 = arith.constant 64 : i32
    %add3A_717 = arith.addi %add3A_715, %add3A_716 : i32
    %dma_wait3A_718 = tpu.memref_slice %arg5[%add3A_629] : memref<16384xi32, #tpu.memory_space<hbm>> -> memref<32xi32, #tpu.memory_space<hbm>>
    %dma_wait3A_719 = tpu.memref_slice %arg5[%add3A_629] : memref<16384xi32, #tpu.memory_space<hbm>> -> memref<32xi32, #tpu.memory_space<hbm>>
    tpu.wait_dma2 semaphore(%arg20 : memref<!tpu.dma_semaphore, #tpu.memory_space<semaphore_mem>>) src(%dma_wait3A_719 : memref<32xi32, #tpu.memory_space<hbm>>) dst(%arg10 : memref<32xi32, #tpu.memory_space<vmem>>)
    %dma_wait3A_720 = arith.constant 0 : i32
    %dma_wait3A_721 = tpu.memref_slice %arg3[%add3A_629, %dma_wait3A_720] : memref<16384x768xf32, #tpu.memory_space<hbm>> -> memref<32x768xf32, #tpu.memory_space<hbm>>
    %dma_wait3A_722 = arith.constant 0 : i32
    %dma_wait3A_723 = tpu.memref_slice %arg3[%add3A_629, %dma_wait3A_722] : memref<16384x768xf32, #tpu.memory_space<hbm>> -> memref<32x768xf32, #tpu.memory_space<hbm>>
    tpu.wait_dma2 semaphore(%arg25 : memref<!tpu.dma_semaphore, #tpu.memory_space<semaphore_mem>>) src(%dma_wait3A_723 : memref<32x768xf32, #tpu.memory_space<hbm>>) dst(%arg15 : memref<32x768xf32, #tpu.memory_space<vmem>>)
    %dma_start3A_724 = arith.constant 0 : i32
    %dma_start3A_725 = arith.constant 0 : i32
    %dma_start3A_726 = tpu.memref_slice %arg7[%dma_start3A_724, %dma_start3A_725] : memref<16384x768xf32, #tpu.memory_space<hbm>> -> memref<16384x768xf32, #tpu.memory_space<hbm>>
    tpu.enqueue_indirect_dma source(%arg15 : memref<32x768xf32, #tpu.memory_space<vmem>>) target(%dma_start3A_726 : memref<16384x768xf32, #tpu.memory_space<hbm>>) offsets(%arg10 : memref<32xi32, #tpu.memory_space<vmem>>) semaphore(%arg30 : memref<!tpu.dma_semaphore, #tpu.memory_space<semaphore_mem>>)
    %dma_wait3A_727 = arith.constant 0 : i32
    %dma_wait3A_728 = arith.constant 0 : i32
    %dma_wait3A_729 = tpu.memref_slice %arg7[%dma_wait3A_727, %dma_wait3A_728] : memref<16384x768xf32, #tpu.memory_space<hbm>> -> memref<16384x768xf32, #tpu.memory_space<hbm>>
    tpu.wait_indirect_dma semaphore(%arg29 : memref<!tpu.dma_semaphore, #tpu.memory_space<semaphore_mem>>) src(%arg14 : memref<32x768xf32, #tpu.memory_space<vmem>>) dst(%dma_wait3A_729 : memref<16384x768xf32, #tpu.memory_space<hbm>>)
    %add3A_730 = arith.constant 8192 : i32
    %add3A_731 = arith.addi %add3A_730, %mul3A_2 : i32
    %add3A_732 = arith.constant 192 : i32
    %add3A_733 = arith.addi %add3A_731, %add3A_732 : i32
    %dma_start3A_734 = tpu.memref_slice %arg5[%add3A_733] : memref<16384xi32, #tpu.memory_space<hbm>> -> memref<32xi32, #tpu.memory_space<hbm>>
    %dma_start3A_735 = tpu.memref_slice %arg5[%add3A_733] : memref<16384xi32, #tpu.memory_space<hbm>> -> memref<32xi32, #tpu.memory_space<hbm>>
    tpu.enqueue_dma source(%dma_start3A_735 : memref<32xi32, #tpu.memory_space<hbm>>) target(%arg9 : memref<32xi32, #tpu.memory_space<vmem>>) target_semaphore(%arg19 : memref<!tpu.dma_semaphore, #tpu.memory_space<semaphore_mem>>)
    %dma_start3A_736 = arith.constant 0 : i32
    %dma_start3A_737 = tpu.memref_slice %arg3[%add3A_733, %dma_start3A_736] : memref<16384x768xf32, #tpu.memory_space<hbm>> -> memref<32x768xf32, #tpu.memory_space<hbm>>
    %dma_start3A_738 = arith.constant 0 : i32
    %dma_start3A_739 = tpu.memref_slice %arg3[%add3A_733, %dma_start3A_738] : memref<16384x768xf32, #tpu.memory_space<hbm>> -> memref<32x768xf32, #tpu.memory_space<hbm>>
    tpu.enqueue_dma source(%dma_start3A_739 : memref<32x768xf32, #tpu.memory_space<hbm>>) target(%arg14 : memref<32x768xf32, #tpu.memory_space<vmem>>) target_semaphore(%arg24 : memref<!tpu.dma_semaphore, #tpu.memory_space<semaphore_mem>>)
    %add3A_740 = arith.constant 8192 : i32
    %add3A_741 = arith.addi %add3A_740, %mul3A_2 : i32
    %add3A_742 = arith.constant 96 : i32
    %add3A_743 = arith.addi %add3A_741, %add3A_742 : i32
    %dma_wait3A_744 = tpu.memref_slice %arg5[%add3A_655] : memref<16384xi32, #tpu.memory_space<hbm>> -> memref<32xi32, #tpu.memory_space<hbm>>
    %dma_wait3A_745 = tpu.memref_slice %arg5[%add3A_655] : memref<16384xi32, #tpu.memory_space<hbm>> -> memref<32xi32, #tpu.memory_space<hbm>>
    tpu.wait_dma2 semaphore(%arg21 : memref<!tpu.dma_semaphore, #tpu.memory_space<semaphore_mem>>) src(%dma_wait3A_745 : memref<32xi32, #tpu.memory_space<hbm>>) dst(%arg11 : memref<32xi32, #tpu.memory_space<vmem>>)
    %dma_wait3A_746 = arith.constant 0 : i32
    %dma_wait3A_747 = tpu.memref_slice %arg3[%add3A_655, %dma_wait3A_746] : memref<16384x768xf32, #tpu.memory_space<hbm>> -> memref<32x768xf32, #tpu.memory_space<hbm>>
    %dma_wait3A_748 = arith.constant 0 : i32
    %dma_wait3A_749 = tpu.memref_slice %arg3[%add3A_655, %dma_wait3A_748] : memref<16384x768xf32, #tpu.memory_space<hbm>> -> memref<32x768xf32, #tpu.memory_space<hbm>>
    tpu.wait_dma2 semaphore(%arg26 : memref<!tpu.dma_semaphore, #tpu.memory_space<semaphore_mem>>) src(%dma_wait3A_749 : memref<32x768xf32, #tpu.memory_space<hbm>>) dst(%arg16 : memref<32x768xf32, #tpu.memory_space<vmem>>)
    %dma_start3A_750 = arith.constant 0 : i32
    %dma_start3A_751 = arith.constant 0 : i32
    %dma_start3A_752 = tpu.memref_slice %arg7[%dma_start3A_750, %dma_start3A_751] : memref<16384x768xf32, #tpu.memory_space<hbm>> -> memref<16384x768xf32, #tpu.memory_space<hbm>>
    tpu.enqueue_indirect_dma source(%arg16 : memref<32x768xf32, #tpu.memory_space<vmem>>) target(%dma_start3A_752 : memref<16384x768xf32, #tpu.memory_space<hbm>>) offsets(%arg11 : memref<32xi32, #tpu.memory_space<vmem>>) semaphore(%arg31 : memref<!tpu.dma_semaphore, #tpu.memory_space<semaphore_mem>>)
    %dma_wait3A_753 = arith.constant 0 : i32
    %dma_wait3A_754 = arith.constant 0 : i32
    %dma_wait3A_755 = tpu.memref_slice %arg7[%dma_wait3A_753, %dma_wait3A_754] : memref<16384x768xf32, #tpu.memory_space<hbm>> -> memref<16384x768xf32, #tpu.memory_space<hbm>>
    tpu.wait_indirect_dma semaphore(%arg30 : memref<!tpu.dma_semaphore, #tpu.memory_space<semaphore_mem>>) src(%arg15 : memref<32x768xf32, #tpu.memory_space<vmem>>) dst(%dma_wait3A_755 : memref<16384x768xf32, #tpu.memory_space<hbm>>)
    %add3A_756 = arith.constant 8192 : i32
    %add3A_757 = arith.addi %add3A_756, %mul3A_2 : i32
    %add3A_758 = arith.constant 224 : i32
    %add3A_759 = arith.addi %add3A_757, %add3A_758 : i32
    %dma_start3A_760 = tpu.memref_slice %arg5[%add3A_759] : memref<16384xi32, #tpu.memory_space<hbm>> -> memref<32xi32, #tpu.memory_space<hbm>>
    %dma_start3A_761 = tpu.memref_slice %arg5[%add3A_759] : memref<16384xi32, #tpu.memory_space<hbm>> -> memref<32xi32, #tpu.memory_space<hbm>>
    tpu.enqueue_dma source(%dma_start3A_761 : memref<32xi32, #tpu.memory_space<hbm>>) target(%arg10 : memref<32xi32, #tpu.memory_space<vmem>>) target_semaphore(%arg20 : memref<!tpu.dma_semaphore, #tpu.memory_space<semaphore_mem>>)
    %dma_start3A_762 = arith.constant 0 : i32
    %dma_start3A_763 = tpu.memref_slice %arg3[%add3A_759, %dma_start3A_762] : memref<16384x768xf32, #tpu.memory_space<hbm>> -> memref<32x768xf32, #tpu.memory_space<hbm>>
    %dma_start3A_764 = arith.constant 0 : i32
    %dma_start3A_765 = tpu.memref_slice %arg3[%add3A_759, %dma_start3A_764] : memref<16384x768xf32, #tpu.memory_space<hbm>> -> memref<32x768xf32, #tpu.memory_space<hbm>>
    tpu.enqueue_dma source(%dma_start3A_765 : memref<32x768xf32, #tpu.memory_space<hbm>>) target(%arg15 : memref<32x768xf32, #tpu.memory_space<vmem>>) target_semaphore(%arg25 : memref<!tpu.dma_semaphore, #tpu.memory_space<semaphore_mem>>)
    %add3A_766 = arith.constant 8192 : i32
    %add3A_767 = arith.addi %add3A_766, %mul3A_2 : i32
    %add3A_768 = arith.constant 128 : i32
    %add3A_769 = arith.addi %add3A_767, %add3A_768 : i32
    %dma_wait3A_770 = tpu.memref_slice %arg5[%add3A_681] : memref<16384xi32, #tpu.memory_space<hbm>> -> memref<32xi32, #tpu.memory_space<hbm>>
    %dma_wait3A_771 = tpu.memref_slice %arg5[%add3A_681] : memref<16384xi32, #tpu.memory_space<hbm>> -> memref<32xi32, #tpu.memory_space<hbm>>
    tpu.wait_dma2 semaphore(%arg22 : memref<!tpu.dma_semaphore, #tpu.memory_space<semaphore_mem>>) src(%dma_wait3A_771 : memref<32xi32, #tpu.memory_space<hbm>>) dst(%arg12 : memref<32xi32, #tpu.memory_space<vmem>>)
    %dma_wait3A_772 = arith.constant 0 : i32
    %dma_wait3A_773 = tpu.memref_slice %arg3[%add3A_681, %dma_wait3A_772] : memref<16384x768xf32, #tpu.memory_space<hbm>> -> memref<32x768xf32, #tpu.memory_space<hbm>>
    %dma_wait3A_774 = arith.constant 0 : i32
    %dma_wait3A_775 = tpu.memref_slice %arg3[%add3A_681, %dma_wait3A_774] : memref<16384x768xf32, #tpu.memory_space<hbm>> -> memref<32x768xf32, #tpu.memory_space<hbm>>
    tpu.wait_dma2 semaphore(%arg27 : memref<!tpu.dma_semaphore, #tpu.memory_space<semaphore_mem>>) src(%dma_wait3A_775 : memref<32x768xf32, #tpu.memory_space<hbm>>) dst(%arg17 : memref<32x768xf32, #tpu.memory_space<vmem>>)
    %dma_start3A_776 = arith.constant 0 : i32
    %dma_start3A_777 = arith.constant 0 : i32
    %dma_start3A_778 = tpu.memref_slice %arg7[%dma_start3A_776, %dma_start3A_777] : memref<16384x768xf32, #tpu.memory_space<hbm>> -> memref<16384x768xf32, #tpu.memory_space<hbm>>
    tpu.enqueue_indirect_dma source(%arg17 : memref<32x768xf32, #tpu.memory_space<vmem>>) target(%dma_start3A_778 : memref<16384x768xf32, #tpu.memory_space<hbm>>) offsets(%arg12 : memref<32xi32, #tpu.memory_space<vmem>>) semaphore(%arg32 : memref<!tpu.dma_semaphore, #tpu.memory_space<semaphore_mem>>)
    %dma_wait3A_779 = arith.constant 0 : i32
    %dma_wait3A_780 = arith.constant 0 : i32
    %dma_wait3A_781 = tpu.memref_slice %arg7[%dma_wait3A_779, %dma_wait3A_780] : memref<16384x768xf32, #tpu.memory_space<hbm>> -> memref<16384x768xf32, #tpu.memory_space<hbm>>
    tpu.wait_indirect_dma semaphore(%arg31 : memref<!tpu.dma_semaphore, #tpu.memory_space<semaphore_mem>>) src(%arg16 : memref<32x768xf32, #tpu.memory_space<vmem>>) dst(%dma_wait3A_781 : memref<16384x768xf32, #tpu.memory_space<hbm>>)
    %add3A_782 = arith.constant 0 : i32
    %add3A_783 = arith.addi %add3A_782, %mul3A_2 : i32
    %add3A_784 = arith.constant 0 : i32
    %add3A_785 = arith.addi %add3A_783, %add3A_784 : i32
    %dma_start3A_786 = tpu.memref_slice %arg5[%add3A_785] : memref<16384xi32, #tpu.memory_space<hbm>> -> memref<32xi32, #tpu.memory_space<hbm>>
    %dma_start3A_787 = tpu.memref_slice %arg5[%add3A_785] : memref<16384xi32, #tpu.memory_space<hbm>> -> memref<32xi32, #tpu.memory_space<hbm>>
    tpu.enqueue_dma source(%dma_start3A_787 : memref<32xi32, #tpu.memory_space<hbm>>) target(%arg11 : memref<32xi32, #tpu.memory_space<vmem>>) target_semaphore(%arg21 : memref<!tpu.dma_semaphore, #tpu.memory_space<semaphore_mem>>)
    %dma_start3A_788 = arith.constant 0 : i32
    %dma_start3A_789 = tpu.memref_slice %arg4[%add3A_785, %dma_start3A_788] : memref<16384x768xf32, #tpu.memory_space<hbm>> -> memref<32x768xf32, #tpu.memory_space<hbm>>
    %dma_start3A_790 = arith.constant 0 : i32
    %dma_start3A_791 = tpu.memref_slice %arg4[%add3A_785, %dma_start3A_790] : memref<16384x768xf32, #tpu.memory_space<hbm>> -> memref<32x768xf32, #tpu.memory_space<hbm>>
    tpu.enqueue_dma source(%dma_start3A_791 : memref<32x768xf32, #tpu.memory_space<hbm>>) target(%arg16 : memref<32x768xf32, #tpu.memory_space<vmem>>) target_semaphore(%arg26 : memref<!tpu.dma_semaphore, #tpu.memory_space<semaphore_mem>>)
    %add3A_792 = arith.constant 8192 : i32
    %add3A_793 = arith.addi %add3A_792, %mul3A_2 : i32
    %add3A_794 = arith.constant 160 : i32
    %add3A_795 = arith.addi %add3A_793, %add3A_794 : i32
    %dma_wait3A_796 = tpu.memref_slice %arg5[%add3A_707] : memref<16384xi32, #tpu.memory_space<hbm>> -> memref<32xi32, #tpu.memory_space<hbm>>
    %dma_wait3A_797 = tpu.memref_slice %arg5[%add3A_707] : memref<16384xi32, #tpu.memory_space<hbm>> -> memref<32xi32, #tpu.memory_space<hbm>>
    tpu.wait_dma2 semaphore(%arg23 : memref<!tpu.dma_semaphore, #tpu.memory_space<semaphore_mem>>) src(%dma_wait3A_797 : memref<32xi32, #tpu.memory_space<hbm>>) dst(%arg13 : memref<32xi32, #tpu.memory_space<vmem>>)
    %dma_wait3A_798 = arith.constant 0 : i32
    %dma_wait3A_799 = tpu.memref_slice %arg3[%add3A_707, %dma_wait3A_798] : memref<16384x768xf32, #tpu.memory_space<hbm>> -> memref<32x768xf32, #tpu.memory_space<hbm>>
    %dma_wait3A_800 = arith.constant 0 : i32
    %dma_wait3A_801 = tpu.memref_slice %arg3[%add3A_707, %dma_wait3A_800] : memref<16384x768xf32, #tpu.memory_space<hbm>> -> memref<32x768xf32, #tpu.memory_space<hbm>>
    tpu.wait_dma2 semaphore(%arg28 : memref<!tpu.dma_semaphore, #tpu.memory_space<semaphore_mem>>) src(%dma_wait3A_801 : memref<32x768xf32, #tpu.memory_space<hbm>>) dst(%arg18 : memref<32x768xf32, #tpu.memory_space<vmem>>)
    %dma_start3A_802 = arith.constant 0 : i32
    %dma_start3A_803 = arith.constant 0 : i32
    %dma_start3A_804 = tpu.memref_slice %arg7[%dma_start3A_802, %dma_start3A_803] : memref<16384x768xf32, #tpu.memory_space<hbm>> -> memref<16384x768xf32, #tpu.memory_space<hbm>>
    tpu.enqueue_indirect_dma source(%arg18 : memref<32x768xf32, #tpu.memory_space<vmem>>) target(%dma_start3A_804 : memref<16384x768xf32, #tpu.memory_space<hbm>>) offsets(%arg13 : memref<32xi32, #tpu.memory_space<vmem>>) semaphore(%arg33 : memref<!tpu.dma_semaphore, #tpu.memory_space<semaphore_mem>>)
    %dma_wait3A_805 = arith.constant 0 : i32
    %dma_wait3A_806 = arith.constant 0 : i32
    %dma_wait3A_807 = tpu.memref_slice %arg7[%dma_wait3A_805, %dma_wait3A_806] : memref<16384x768xf32, #tpu.memory_space<hbm>> -> memref<16384x768xf32, #tpu.memory_space<hbm>>
    tpu.wait_indirect_dma semaphore(%arg32 : memref<!tpu.dma_semaphore, #tpu.memory_space<semaphore_mem>>) src(%arg17 : memref<32x768xf32, #tpu.memory_space<vmem>>) dst(%dma_wait3A_807 : memref<16384x768xf32, #tpu.memory_space<hbm>>)
    %add3A_808 = arith.constant 0 : i32
    %add3A_809 = arith.addi %add3A_808, %mul3A_2 : i32
    %add3A_810 = arith.constant 32 : i32
    %add3A_811 = arith.addi %add3A_809, %add3A_810 : i32
    %dma_start3A_812 = tpu.memref_slice %arg5[%add3A_811] : memref<16384xi32, #tpu.memory_space<hbm>> -> memref<32xi32, #tpu.memory_space<hbm>>
    %dma_start3A_813 = tpu.memref_slice %arg5[%add3A_811] : memref<16384xi32, #tpu.memory_space<hbm>> -> memref<32xi32, #tpu.memory_space<hbm>>
    tpu.enqueue_dma source(%dma_start3A_813 : memref<32xi32, #tpu.memory_space<hbm>>) target(%arg12 : memref<32xi32, #tpu.memory_space<vmem>>) target_semaphore(%arg22 : memref<!tpu.dma_semaphore, #tpu.memory_space<semaphore_mem>>)
    %dma_start3A_814 = arith.constant 0 : i32
    %dma_start3A_815 = tpu.memref_slice %arg4[%add3A_811, %dma_start3A_814] : memref<16384x768xf32, #tpu.memory_space<hbm>> -> memref<32x768xf32, #tpu.memory_space<hbm>>
    %dma_start3A_816 = arith.constant 0 : i32
    %dma_start3A_817 = tpu.memref_slice %arg4[%add3A_811, %dma_start3A_816] : memref<16384x768xf32, #tpu.memory_space<hbm>> -> memref<32x768xf32, #tpu.memory_space<hbm>>
    tpu.enqueue_dma source(%dma_start3A_817 : memref<32x768xf32, #tpu.memory_space<hbm>>) target(%arg17 : memref<32x768xf32, #tpu.memory_space<vmem>>) target_semaphore(%arg27 : memref<!tpu.dma_semaphore, #tpu.memory_space<semaphore_mem>>)
    %add3A_818 = arith.constant 8192 : i32
    %add3A_819 = arith.addi %add3A_818, %mul3A_2 : i32
    %add3A_820 = arith.constant 192 : i32
    %add3A_821 = arith.addi %add3A_819, %add3A_820 : i32
    %dma_wait3A_822 = tpu.memref_slice %arg5[%add3A_733] : memref<16384xi32, #tpu.memory_space<hbm>> -> memref<32xi32, #tpu.memory_space<hbm>>
    %dma_wait3A_823 = tpu.memref_slice %arg5[%add3A_733] : memref<16384xi32, #tpu.memory_space<hbm>> -> memref<32xi32, #tpu.memory_space<hbm>>
    tpu.wait_dma2 semaphore(%arg19 : memref<!tpu.dma_semaphore, #tpu.memory_space<semaphore_mem>>) src(%dma_wait3A_823 : memref<32xi32, #tpu.memory_space<hbm>>) dst(%arg9 : memref<32xi32, #tpu.memory_space<vmem>>)
    %dma_wait3A_824 = arith.constant 0 : i32
    %dma_wait3A_825 = tpu.memref_slice %arg3[%add3A_733, %dma_wait3A_824] : memref<16384x768xf32, #tpu.memory_space<hbm>> -> memref<32x768xf32, #tpu.memory_space<hbm>>
    %dma_wait3A_826 = arith.constant 0 : i32
    %dma_wait3A_827 = tpu.memref_slice %arg3[%add3A_733, %dma_wait3A_826] : memref<16384x768xf32, #tpu.memory_space<hbm>> -> memref<32x768xf32, #tpu.memory_space<hbm>>
    tpu.wait_dma2 semaphore(%arg24 : memref<!tpu.dma_semaphore, #tpu.memory_space<semaphore_mem>>) src(%dma_wait3A_827 : memref<32x768xf32, #tpu.memory_space<hbm>>) dst(%arg14 : memref<32x768xf32, #tpu.memory_space<vmem>>)
    %dma_start3A_828 = arith.constant 0 : i32
    %dma_start3A_829 = arith.constant 0 : i32
    %dma_start3A_830 = tpu.memref_slice %arg7[%dma_start3A_828, %dma_start3A_829] : memref<16384x768xf32, #tpu.memory_space<hbm>> -> memref<16384x768xf32, #tpu.memory_space<hbm>>
    tpu.enqueue_indirect_dma source(%arg14 : memref<32x768xf32, #tpu.memory_space<vmem>>) target(%dma_start3A_830 : memref<16384x768xf32, #tpu.memory_space<hbm>>) offsets(%arg9 : memref<32xi32, #tpu.memory_space<vmem>>) semaphore(%arg29 : memref<!tpu.dma_semaphore, #tpu.memory_space<semaphore_mem>>)
    %dma_wait3A_831 = arith.constant 0 : i32
    %dma_wait3A_832 = arith.constant 0 : i32
    %dma_wait3A_833 = tpu.memref_slice %arg7[%dma_wait3A_831, %dma_wait3A_832] : memref<16384x768xf32, #tpu.memory_space<hbm>> -> memref<16384x768xf32, #tpu.memory_space<hbm>>
    tpu.wait_indirect_dma semaphore(%arg33 : memref<!tpu.dma_semaphore, #tpu.memory_space<semaphore_mem>>) src(%arg18 : memref<32x768xf32, #tpu.memory_space<vmem>>) dst(%dma_wait3A_833 : memref<16384x768xf32, #tpu.memory_space<hbm>>)
    %add3A_834 = arith.constant 0 : i32
    %add3A_835 = arith.addi %add3A_834, %mul3A_2 : i32
    %add3A_836 = arith.constant 64 : i32
    %add3A_837 = arith.addi %add3A_835, %add3A_836 : i32
    %dma_start3A_838 = tpu.memref_slice %arg5[%add3A_837] : memref<16384xi32, #tpu.memory_space<hbm>> -> memref<32xi32, #tpu.memory_space<hbm>>
    %dma_start3A_839 = tpu.memref_slice %arg5[%add3A_837] : memref<16384xi32, #tpu.memory_space<hbm>> -> memref<32xi32, #tpu.memory_space<hbm>>
    tpu.enqueue_dma source(%dma_start3A_839 : memref<32xi32, #tpu.memory_space<hbm>>) target(%arg13 : memref<32xi32, #tpu.memory_space<vmem>>) target_semaphore(%arg23 : memref<!tpu.dma_semaphore, #tpu.memory_space<semaphore_mem>>)
    %dma_start3A_840 = arith.constant 0 : i32
    %dma_start3A_841 = tpu.memref_slice %arg4[%add3A_837, %dma_start3A_840] : memref<16384x768xf32, #tpu.memory_space<hbm>> -> memref<32x768xf32, #tpu.memory_space<hbm>>
    %dma_start3A_842 = arith.constant 0 : i32
    %dma_start3A_843 = tpu.memref_slice %arg4[%add3A_837, %dma_start3A_842] : memref<16384x768xf32, #tpu.memory_space<hbm>> -> memref<32x768xf32, #tpu.memory_space<hbm>>
    tpu.enqueue_dma source(%dma_start3A_843 : memref<32x768xf32, #tpu.memory_space<hbm>>) target(%arg18 : memref<32x768xf32, #tpu.memory_space<vmem>>) target_semaphore(%arg28 : memref<!tpu.dma_semaphore, #tpu.memory_space<semaphore_mem>>)
    %add3A_844 = arith.constant 8192 : i32
    %add3A_845 = arith.addi %add3A_844, %mul3A_2 : i32
    %add3A_846 = arith.constant 224 : i32
    %add3A_847 = arith.addi %add3A_845, %add3A_846 : i32
    %dma_wait3A_848 = tpu.memref_slice %arg5[%add3A_759] : memref<16384xi32, #tpu.memory_space<hbm>> -> memref<32xi32, #tpu.memory_space<hbm>>
    %dma_wait3A_849 = tpu.memref_slice %arg5[%add3A_759] : memref<16384xi32, #tpu.memory_space<hbm>> -> memref<32xi32, #tpu.memory_space<hbm>>
    tpu.wait_dma2 semaphore(%arg20 : memref<!tpu.dma_semaphore, #tpu.memory_space<semaphore_mem>>) src(%dma_wait3A_849 : memref<32xi32, #tpu.memory_space<hbm>>) dst(%arg10 : memref<32xi32, #tpu.memory_space<vmem>>)
    %dma_wait3A_850 = arith.constant 0 : i32
    %dma_wait3A_851 = tpu.memref_slice %arg3[%add3A_759, %dma_wait3A_850] : memref<16384x768xf32, #tpu.memory_space<hbm>> -> memref<32x768xf32, #tpu.memory_space<hbm>>
    %dma_wait3A_852 = arith.constant 0 : i32
    %dma_wait3A_853 = tpu.memref_slice %arg3[%add3A_759, %dma_wait3A_852] : memref<16384x768xf32, #tpu.memory_space<hbm>> -> memref<32x768xf32, #tpu.memory_space<hbm>>
    tpu.wait_dma2 semaphore(%arg25 : memref<!tpu.dma_semaphore, #tpu.memory_space<semaphore_mem>>) src(%dma_wait3A_853 : memref<32x768xf32, #tpu.memory_space<hbm>>) dst(%arg15 : memref<32x768xf32, #tpu.memory_space<vmem>>)
    %dma_start3A_854 = arith.constant 0 : i32
    %dma_start3A_855 = arith.constant 0 : i32
    %dma_start3A_856 = tpu.memref_slice %arg7[%dma_start3A_854, %dma_start3A_855] : memref<16384x768xf32, #tpu.memory_space<hbm>> -> memref<16384x768xf32, #tpu.memory_space<hbm>>
    tpu.enqueue_indirect_dma source(%arg15 : memref<32x768xf32, #tpu.memory_space<vmem>>) target(%dma_start3A_856 : memref<16384x768xf32, #tpu.memory_space<hbm>>) offsets(%arg10 : memref<32xi32, #tpu.memory_space<vmem>>) semaphore(%arg30 : memref<!tpu.dma_semaphore, #tpu.memory_space<semaphore_mem>>)
    %dma_wait3A_857 = arith.constant 0 : i32
    %dma_wait3A_858 = arith.constant 0 : i32
    %dma_wait3A_859 = tpu.memref_slice %arg7[%dma_wait3A_857, %dma_wait3A_858] : memref<16384x768xf32, #tpu.memory_space<hbm>> -> memref<16384x768xf32, #tpu.memory_space<hbm>>
    tpu.wait_indirect_dma semaphore(%arg29 : memref<!tpu.dma_semaphore, #tpu.memory_space<semaphore_mem>>) src(%arg14 : memref<32x768xf32, #tpu.memory_space<vmem>>) dst(%dma_wait3A_859 : memref<16384x768xf32, #tpu.memory_space<hbm>>)
    %add3A_860 = arith.constant 0 : i32
    %add3A_861 = arith.addi %add3A_860, %mul3A_2 : i32
    %add3A_862 = arith.constant 96 : i32
    %add3A_863 = arith.addi %add3A_861, %add3A_862 : i32
    %dma_start3A_864 = tpu.memref_slice %arg5[%add3A_863] : memref<16384xi32, #tpu.memory_space<hbm>> -> memref<32xi32, #tpu.memory_space<hbm>>
    %dma_start3A_865 = tpu.memref_slice %arg5[%add3A_863] : memref<16384xi32, #tpu.memory_space<hbm>> -> memref<32xi32, #tpu.memory_space<hbm>>
    tpu.enqueue_dma source(%dma_start3A_865 : memref<32xi32, #tpu.memory_space<hbm>>) target(%arg9 : memref<32xi32, #tpu.memory_space<vmem>>) target_semaphore(%arg19 : memref<!tpu.dma_semaphore, #tpu.memory_space<semaphore_mem>>)
    %dma_start3A_866 = arith.constant 0 : i32
    %dma_start3A_867 = tpu.memref_slice %arg4[%add3A_863, %dma_start3A_866] : memref<16384x768xf32, #tpu.memory_space<hbm>> -> memref<32x768xf32, #tpu.memory_space<hbm>>
    %dma_start3A_868 = arith.constant 0 : i32
    %dma_start3A_869 = tpu.memref_slice %arg4[%add3A_863, %dma_start3A_868] : memref<16384x768xf32, #tpu.memory_space<hbm>> -> memref<32x768xf32, #tpu.memory_space<hbm>>
    tpu.enqueue_dma source(%dma_start3A_869 : memref<32x768xf32, #tpu.memory_space<hbm>>) target(%arg14 : memref<32x768xf32, #tpu.memory_space<vmem>>) target_semaphore(%arg24 : memref<!tpu.dma_semaphore, #tpu.memory_space<semaphore_mem>>)
    %add3A_870 = arith.constant 0 : i32
    %add3A_871 = arith.addi %add3A_870, %mul3A_2 : i32
    %add3A_872 = arith.constant 0 : i32
    %add3A_873 = arith.addi %add3A_871, %add3A_872 : i32
    %dma_wait3A_874 = tpu.memref_slice %arg5[%add3A_785] : memref<16384xi32, #tpu.memory_space<hbm>> -> memref<32xi32, #tpu.memory_space<hbm>>
    %dma_wait3A_875 = tpu.memref_slice %arg5[%add3A_785] : memref<16384xi32, #tpu.memory_space<hbm>> -> memref<32xi32, #tpu.memory_space<hbm>>
    tpu.wait_dma2 semaphore(%arg21 : memref<!tpu.dma_semaphore, #tpu.memory_space<semaphore_mem>>) src(%dma_wait3A_875 : memref<32xi32, #tpu.memory_space<hbm>>) dst(%arg11 : memref<32xi32, #tpu.memory_space<vmem>>)
    %dma_wait3A_876 = arith.constant 0 : i32
    %dma_wait3A_877 = tpu.memref_slice %arg4[%add3A_785, %dma_wait3A_876] : memref<16384x768xf32, #tpu.memory_space<hbm>> -> memref<32x768xf32, #tpu.memory_space<hbm>>
    %dma_wait3A_878 = arith.constant 0 : i32
    %dma_wait3A_879 = tpu.memref_slice %arg4[%add3A_785, %dma_wait3A_878] : memref<16384x768xf32, #tpu.memory_space<hbm>> -> memref<32x768xf32, #tpu.memory_space<hbm>>
    tpu.wait_dma2 semaphore(%arg26 : memref<!tpu.dma_semaphore, #tpu.memory_space<semaphore_mem>>) src(%dma_wait3A_879 : memref<32x768xf32, #tpu.memory_space<hbm>>) dst(%arg16 : memref<32x768xf32, #tpu.memory_space<vmem>>)
    %dma_start3A_880 = arith.constant 0 : i32
    %dma_start3A_881 = arith.constant 0 : i32
    %dma_start3A_882 = tpu.memref_slice %arg8[%dma_start3A_880, %dma_start3A_881] : memref<16384x768xf32, #tpu.memory_space<hbm>> -> memref<16384x768xf32, #tpu.memory_space<hbm>>
    tpu.enqueue_indirect_dma source(%arg16 : memref<32x768xf32, #tpu.memory_space<vmem>>) target(%dma_start3A_882 : memref<16384x768xf32, #tpu.memory_space<hbm>>) offsets(%arg11 : memref<32xi32, #tpu.memory_space<vmem>>) semaphore(%arg31 : memref<!tpu.dma_semaphore, #tpu.memory_space<semaphore_mem>>)
    %dma_wait3A_883 = arith.constant 0 : i32
    %dma_wait3A_884 = arith.constant 0 : i32
    %dma_wait3A_885 = tpu.memref_slice %arg7[%dma_wait3A_883, %dma_wait3A_884] : memref<16384x768xf32, #tpu.memory_space<hbm>> -> memref<16384x768xf32, #tpu.memory_space<hbm>>
    tpu.wait_indirect_dma semaphore(%arg30 : memref<!tpu.dma_semaphore, #tpu.memory_space<semaphore_mem>>) src(%arg15 : memref<32x768xf32, #tpu.memory_space<vmem>>) dst(%dma_wait3A_885 : memref<16384x768xf32, #tpu.memory_space<hbm>>)
    %add3A_886 = arith.constant 0 : i32
    %add3A_887 = arith.addi %add3A_886, %mul3A_2 : i32
    %add3A_888 = arith.constant 128 : i32
    %add3A_889 = arith.addi %add3A_887, %add3A_888 : i32
    %dma_start3A_890 = tpu.memref_slice %arg5[%add3A_889] : memref<16384xi32, #tpu.memory_space<hbm>> -> memref<32xi32, #tpu.memory_space<hbm>>
    %dma_start3A_891 = tpu.memref_slice %arg5[%add3A_889] : memref<16384xi32, #tpu.memory_space<hbm>> -> memref<32xi32, #tpu.memory_space<hbm>>
    tpu.enqueue_dma source(%dma_start3A_891 : memref<32xi32, #tpu.memory_space<hbm>>) target(%arg10 : memref<32xi32, #tpu.memory_space<vmem>>) target_semaphore(%arg20 : memref<!tpu.dma_semaphore, #tpu.memory_space<semaphore_mem>>)
    %dma_start3A_892 = arith.constant 0 : i32
    %dma_start3A_893 = tpu.memref_slice %arg4[%add3A_889, %dma_start3A_892] : memref<16384x768xf32, #tpu.memory_space<hbm>> -> memref<32x768xf32, #tpu.memory_space<hbm>>
    %dma_start3A_894 = arith.constant 0 : i32
    %dma_start3A_895 = tpu.memref_slice %arg4[%add3A_889, %dma_start3A_894] : memref<16384x768xf32, #tpu.memory_space<hbm>> -> memref<32x768xf32, #tpu.memory_space<hbm>>
    tpu.enqueue_dma source(%dma_start3A_895 : memref<32x768xf32, #tpu.memory_space<hbm>>) target(%arg15 : memref<32x768xf32, #tpu.memory_space<vmem>>) target_semaphore(%arg25 : memref<!tpu.dma_semaphore, #tpu.memory_space<semaphore_mem>>)
    %add3A_896 = arith.constant 0 : i32
    %add3A_897 = arith.addi %add3A_896, %mul3A_2 : i32
    %add3A_898 = arith.constant 32 : i32
    %add3A_899 = arith.addi %add3A_897, %add3A_898 : i32
    %dma_wait3A_900 = tpu.memref_slice %arg5[%add3A_811] : memref<16384xi32, #tpu.memory_space<hbm>> -> memref<32xi32, #tpu.memory_space<hbm>>
    %dma_wait3A_901 = tpu.memref_slice %arg5[%add3A_811] : memref<16384xi32, #tpu.memory_space<hbm>> -> memref<32xi32, #tpu.memory_space<hbm>>
    tpu.wait_dma2 semaphore(%arg22 : memref<!tpu.dma_semaphore, #tpu.memory_space<semaphore_mem>>) src(%dma_wait3A_901 : memref<32xi32, #tpu.memory_space<hbm>>) dst(%arg12 : memref<32xi32, #tpu.memory_space<vmem>>)
    %dma_wait3A_902 = arith.constant 0 : i32
    %dma_wait3A_903 = tpu.memref_slice %arg4[%add3A_811, %dma_wait3A_902] : memref<16384x768xf32, #tpu.memory_space<hbm>> -> memref<32x768xf32, #tpu.memory_space<hbm>>
    %dma_wait3A_904 = arith.constant 0 : i32
    %dma_wait3A_905 = tpu.memref_slice %arg4[%add3A_811, %dma_wait3A_904] : memref<16384x768xf32, #tpu.memory_space<hbm>> -> memref<32x768xf32, #tpu.memory_space<hbm>>
    tpu.wait_dma2 semaphore(%arg27 : memref<!tpu.dma_semaphore, #tpu.memory_space<semaphore_mem>>) src(%dma_wait3A_905 : memref<32x768xf32, #tpu.memory_space<hbm>>) dst(%arg17 : memref<32x768xf32, #tpu.memory_space<vmem>>)
    %dma_start3A_906 = arith.constant 0 : i32
    %dma_start3A_907 = arith.constant 0 : i32
    %dma_start3A_908 = tpu.memref_slice %arg8[%dma_start3A_906, %dma_start3A_907] : memref<16384x768xf32, #tpu.memory_space<hbm>> -> memref<16384x768xf32, #tpu.memory_space<hbm>>
    tpu.enqueue_indirect_dma source(%arg17 : memref<32x768xf32, #tpu.memory_space<vmem>>) target(%dma_start3A_908 : memref<16384x768xf32, #tpu.memory_space<hbm>>) offsets(%arg12 : memref<32xi32, #tpu.memory_space<vmem>>) semaphore(%arg32 : memref<!tpu.dma_semaphore, #tpu.memory_space<semaphore_mem>>)
    %dma_wait3A_909 = arith.constant 0 : i32
    %dma_wait3A_910 = arith.constant 0 : i32
    %dma_wait3A_911 = tpu.memref_slice %arg8[%dma_wait3A_909, %dma_wait3A_910] : memref<16384x768xf32, #tpu.memory_space<hbm>> -> memref<16384x768xf32, #tpu.memory_space<hbm>>
    tpu.wait_indirect_dma semaphore(%arg31 : memref<!tpu.dma_semaphore, #tpu.memory_space<semaphore_mem>>) src(%arg16 : memref<32x768xf32, #tpu.memory_space<vmem>>) dst(%dma_wait3A_911 : memref<16384x768xf32, #tpu.memory_space<hbm>>)
    %add3A_912 = arith.constant 0 : i32
    %add3A_913 = arith.addi %add3A_912, %mul3A_2 : i32
    %add3A_914 = arith.constant 160 : i32
    %add3A_915 = arith.addi %add3A_913, %add3A_914 : i32
    %dma_start3A_916 = tpu.memref_slice %arg5[%add3A_915] : memref<16384xi32, #tpu.memory_space<hbm>> -> memref<32xi32, #tpu.memory_space<hbm>>
    %dma_start3A_917 = tpu.memref_slice %arg5[%add3A_915] : memref<16384xi32, #tpu.memory_space<hbm>> -> memref<32xi32, #tpu.memory_space<hbm>>
    tpu.enqueue_dma source(%dma_start3A_917 : memref<32xi32, #tpu.memory_space<hbm>>) target(%arg11 : memref<32xi32, #tpu.memory_space<vmem>>) target_semaphore(%arg21 : memref<!tpu.dma_semaphore, #tpu.memory_space<semaphore_mem>>)
    %dma_start3A_918 = arith.constant 0 : i32
    %dma_start3A_919 = tpu.memref_slice %arg4[%add3A_915, %dma_start3A_918] : memref<16384x768xf32, #tpu.memory_space<hbm>> -> memref<32x768xf32, #tpu.memory_space<hbm>>
    %dma_start3A_920 = arith.constant 0 : i32
    %dma_start3A_921 = tpu.memref_slice %arg4[%add3A_915, %dma_start3A_920] : memref<16384x768xf32, #tpu.memory_space<hbm>> -> memref<32x768xf32, #tpu.memory_space<hbm>>
    tpu.enqueue_dma source(%dma_start3A_921 : memref<32x768xf32, #tpu.memory_space<hbm>>) target(%arg16 : memref<32x768xf32, #tpu.memory_space<vmem>>) target_semaphore(%arg26 : memref<!tpu.dma_semaphore, #tpu.memory_space<semaphore_mem>>)
    %add3A_922 = arith.constant 0 : i32
    %add3A_923 = arith.addi %add3A_922, %mul3A_2 : i32
    %add3A_924 = arith.constant 64 : i32
    %add3A_925 = arith.addi %add3A_923, %add3A_924 : i32
    %dma_wait3A_926 = tpu.memref_slice %arg5[%add3A_837] : memref<16384xi32, #tpu.memory_space<hbm>> -> memref<32xi32, #tpu.memory_space<hbm>>
    %dma_wait3A_927 = tpu.memref_slice %arg5[%add3A_837] : memref<16384xi32, #tpu.memory_space<hbm>> -> memref<32xi32, #tpu.memory_space<hbm>>
    tpu.wait_dma2 semaphore(%arg23 : memref<!tpu.dma_semaphore, #tpu.memory_space<semaphore_mem>>) src(%dma_wait3A_927 : memref<32xi32, #tpu.memory_space<hbm>>) dst(%arg13 : memref<32xi32, #tpu.memory_space<vmem>>)
    %dma_wait3A_928 = arith.constant 0 : i32
    %dma_wait3A_929 = tpu.memref_slice %arg4[%add3A_837, %dma_wait3A_928] : memref<16384x768xf32, #tpu.memory_space<hbm>> -> memref<32x768xf32, #tpu.memory_space<hbm>>
    %dma_wait3A_930 = arith.constant 0 : i32
    %dma_wait3A_931 = tpu.memref_slice %arg4[%add3A_837, %dma_wait3A_930] : memref<16384x768xf32, #tpu.memory_space<hbm>> -> memref<32x768xf32, #tpu.memory_space<hbm>>
    tpu.wait_dma2 semaphore(%arg28 : memref<!tpu.dma_semaphore, #tpu.memory_space<semaphore_mem>>) src(%dma_wait3A_931 : memref<32x768xf32, #tpu.memory_space<hbm>>) dst(%arg18 : memref<32x768xf32, #tpu.memory_space<vmem>>)
    %dma_start3A_932 = arith.constant 0 : i32
    %dma_start3A_933 = arith.constant 0 : i32
    %dma_start3A_934 = tpu.memref_slice %arg8[%dma_start3A_932, %dma_start3A_933] : memref<16384x768xf32, #tpu.memory_space<hbm>> -> memref<16384x768xf32, #tpu.memory_space<hbm>>
    tpu.enqueue_indirect_dma source(%arg18 : memref<32x768xf32, #tpu.memory_space<vmem>>) target(%dma_start3A_934 : memref<16384x768xf32, #tpu.memory_space<hbm>>) offsets(%arg13 : memref<32xi32, #tpu.memory_space<vmem>>) semaphore(%arg33 : memref<!tpu.dma_semaphore, #tpu.memory_space<semaphore_mem>>)
    %dma_wait3A_935 = arith.constant 0 : i32
    %dma_wait3A_936 = arith.constant 0 : i32
    %dma_wait3A_937 = tpu.memref_slice %arg8[%dma_wait3A_935, %dma_wait3A_936] : memref<16384x768xf32, #tpu.memory_space<hbm>> -> memref<16384x768xf32, #tpu.memory_space<hbm>>
    tpu.wait_indirect_dma semaphore(%arg32 : memref<!tpu.dma_semaphore, #tpu.memory_space<semaphore_mem>>) src(%arg17 : memref<32x768xf32, #tpu.memory_space<vmem>>) dst(%dma_wait3A_937 : memref<16384x768xf32, #tpu.memory_space<hbm>>)
    %add3A_938 = arith.constant 0 : i32
    %add3A_939 = arith.addi %add3A_938, %mul3A_2 : i32
    %add3A_940 = arith.constant 192 : i32
    %add3A_941 = arith.addi %add3A_939, %add3A_940 : i32
    %dma_start3A_942 = tpu.memref_slice %arg5[%add3A_941] : memref<16384xi32, #tpu.memory_space<hbm>> -> memref<32xi32, #tpu.memory_space<hbm>>
    %dma_start3A_943 = tpu.memref_slice %arg5[%add3A_941] : memref<16384xi32, #tpu.memory_space<hbm>> -> memref<32xi32, #tpu.memory_space<hbm>>
    tpu.enqueue_dma source(%dma_start3A_943 : memref<32xi32, #tpu.memory_space<hbm>>) target(%arg12 : memref<32xi32, #tpu.memory_space<vmem>>) target_semaphore(%arg22 : memref<!tpu.dma_semaphore, #tpu.memory_space<semaphore_mem>>)
    %dma_start3A_944 = arith.constant 0 : i32
    %dma_start3A_945 = tpu.memref_slice %arg4[%add3A_941, %dma_start3A_944] : memref<16384x768xf32, #tpu.memory_space<hbm>> -> memref<32x768xf32, #tpu.memory_space<hbm>>
    %dma_start3A_946 = arith.constant 0 : i32
    %dma_start3A_947 = tpu.memref_slice %arg4[%add3A_941, %dma_start3A_946] : memref<16384x768xf32, #tpu.memory_space<hbm>> -> memref<32x768xf32, #tpu.memory_space<hbm>>
    tpu.enqueue_dma source(%dma_start3A_947 : memref<32x768xf32, #tpu.memory_space<hbm>>) target(%arg17 : memref<32x768xf32, #tpu.memory_space<vmem>>) target_semaphore(%arg27 : memref<!tpu.dma_semaphore, #tpu.memory_space<semaphore_mem>>)
    %add3A_948 = arith.constant 0 : i32
    %add3A_949 = arith.addi %add3A_948, %mul3A_2 : i32
    %add3A_950 = arith.constant 96 : i32
    %add3A_951 = arith.addi %add3A_949, %add3A_950 : i32
    %dma_wait3A_952 = tpu.memref_slice %arg5[%add3A_863] : memref<16384xi32, #tpu.memory_space<hbm>> -> memref<32xi32, #tpu.memory_space<hbm>>
    %dma_wait3A_953 = tpu.memref_slice %arg5[%add3A_863] : memref<16384xi32, #tpu.memory_space<hbm>> -> memref<32xi32, #tpu.memory_space<hbm>>
    tpu.wait_dma2 semaphore(%arg19 : memref<!tpu.dma_semaphore, #tpu.memory_space<semaphore_mem>>) src(%dma_wait3A_953 : memref<32xi32, #tpu.memory_space<hbm>>) dst(%arg9 : memref<32xi32, #tpu.memory_space<vmem>>)
    %dma_wait3A_954 = arith.constant 0 : i32
    %dma_wait3A_955 = tpu.memref_slice %arg4[%add3A_863, %dma_wait3A_954] : memref<16384x768xf32, #tpu.memory_space<hbm>> -> memref<32x768xf32, #tpu.memory_space<hbm>>
    %dma_wait3A_956 = arith.constant 0 : i32
    %dma_wait3A_957 = tpu.memref_slice %arg4[%add3A_863, %dma_wait3A_956] : memref<16384x768xf32, #tpu.memory_space<hbm>> -> memref<32x768xf32, #tpu.memory_space<hbm>>
    tpu.wait_dma2 semaphore(%arg24 : memref<!tpu.dma_semaphore, #tpu.memory_space<semaphore_mem>>) src(%dma_wait3A_957 : memref<32x768xf32, #tpu.memory_space<hbm>>) dst(%arg14 : memref<32x768xf32, #tpu.memory_space<vmem>>)
    %dma_start3A_958 = arith.constant 0 : i32
    %dma_start3A_959 = arith.constant 0 : i32
    %dma_start3A_960 = tpu.memref_slice %arg8[%dma_start3A_958, %dma_start3A_959] : memref<16384x768xf32, #tpu.memory_space<hbm>> -> memref<16384x768xf32, #tpu.memory_space<hbm>>
    tpu.enqueue_indirect_dma source(%arg14 : memref<32x768xf32, #tpu.memory_space<vmem>>) target(%dma_start3A_960 : memref<16384x768xf32, #tpu.memory_space<hbm>>) offsets(%arg9 : memref<32xi32, #tpu.memory_space<vmem>>) semaphore(%arg29 : memref<!tpu.dma_semaphore, #tpu.memory_space<semaphore_mem>>)
    %dma_wait3A_961 = arith.constant 0 : i32
    %dma_wait3A_962 = arith.constant 0 : i32
    %dma_wait3A_963 = tpu.memref_slice %arg8[%dma_wait3A_961, %dma_wait3A_962] : memref<16384x768xf32, #tpu.memory_space<hbm>> -> memref<16384x768xf32, #tpu.memory_space<hbm>>
    tpu.wait_indirect_dma semaphore(%arg33 : memref<!tpu.dma_semaphore, #tpu.memory_space<semaphore_mem>>) src(%arg18 : memref<32x768xf32, #tpu.memory_space<vmem>>) dst(%dma_wait3A_963 : memref<16384x768xf32, #tpu.memory_space<hbm>>)
    %add3A_964 = arith.constant 0 : i32
    %add3A_965 = arith.addi %add3A_964, %mul3A_2 : i32
    %add3A_966 = arith.constant 224 : i32
    %add3A_967 = arith.addi %add3A_965, %add3A_966 : i32
    %dma_start3A_968 = tpu.memref_slice %arg5[%add3A_967] : memref<16384xi32, #tpu.memory_space<hbm>> -> memref<32xi32, #tpu.memory_space<hbm>>
    %dma_start3A_969 = tpu.memref_slice %arg5[%add3A_967] : memref<16384xi32, #tpu.memory_space<hbm>> -> memref<32xi32, #tpu.memory_space<hbm>>
    tpu.enqueue_dma source(%dma_start3A_969 : memref<32xi32, #tpu.memory_space<hbm>>) target(%arg13 : memref<32xi32, #tpu.memory_space<vmem>>) target_semaphore(%arg23 : memref<!tpu.dma_semaphore, #tpu.memory_space<semaphore_mem>>)
    %dma_start3A_970 = arith.constant 0 : i32
    %dma_start3A_971 = tpu.memref_slice %arg4[%add3A_967, %dma_start3A_970] : memref<16384x768xf32, #tpu.memory_space<hbm>> -> memref<32x768xf32, #tpu.memory_space<hbm>>
    %dma_start3A_972 = arith.constant 0 : i32
    %dma_start3A_973 = tpu.memref_slice %arg4[%add3A_967, %dma_start3A_972] : memref<16384x768xf32, #tpu.memory_space<hbm>> -> memref<32x768xf32, #tpu.memory_space<hbm>>
    tpu.enqueue_dma source(%dma_start3A_973 : memref<32x768xf32, #tpu.memory_space<hbm>>) target(%arg18 : memref<32x768xf32, #tpu.memory_space<vmem>>) target_semaphore(%arg28 : memref<!tpu.dma_semaphore, #tpu.memory_space<semaphore_mem>>)
    %add3A_974 = arith.constant 0 : i32
    %add3A_975 = arith.addi %add3A_974, %mul3A_2 : i32
    %add3A_976 = arith.constant 128 : i32
    %add3A_977 = arith.addi %add3A_975, %add3A_976 : i32
    %dma_wait3A_978 = tpu.memref_slice %arg5[%add3A_889] : memref<16384xi32, #tpu.memory_space<hbm>> -> memref<32xi32, #tpu.memory_space<hbm>>
    %dma_wait3A_979 = tpu.memref_slice %arg5[%add3A_889] : memref<16384xi32, #tpu.memory_space<hbm>> -> memref<32xi32, #tpu.memory_space<hbm>>
    tpu.wait_dma2 semaphore(%arg20 : memref<!tpu.dma_semaphore, #tpu.memory_space<semaphore_mem>>) src(%dma_wait3A_979 : memref<32xi32, #tpu.memory_space<hbm>>) dst(%arg10 : memref<32xi32, #tpu.memory_space<vmem>>)
    %dma_wait3A_980 = arith.constant 0 : i32
    %dma_wait3A_981 = tpu.memref_slice %arg4[%add3A_889, %dma_wait3A_980] : memref<16384x768xf32, #tpu.memory_space<hbm>> -> memref<32x768xf32, #tpu.memory_space<hbm>>
    %dma_wait3A_982 = arith.constant 0 : i32
    %dma_wait3A_983 = tpu.memref_slice %arg4[%add3A_889, %dma_wait3A_982] : memref<16384x768xf32, #tpu.memory_space<hbm>> -> memref<32x768xf32, #tpu.memory_space<hbm>>
    tpu.wait_dma2 semaphore(%arg25 : memref<!tpu.dma_semaphore, #tpu.memory_space<semaphore_mem>>) src(%dma_wait3A_983 : memref<32x768xf32, #tpu.memory_space<hbm>>) dst(%arg15 : memref<32x768xf32, #tpu.memory_space<vmem>>)
    %dma_start3A_984 = arith.constant 0 : i32
    %dma_start3A_985 = arith.constant 0 : i32
    %dma_start3A_986 = tpu.memref_slice %arg8[%dma_start3A_984, %dma_start3A_985] : memref<16384x768xf32, #tpu.memory_space<hbm>> -> memref<16384x768xf32, #tpu.memory_space<hbm>>
    tpu.enqueue_indirect_dma source(%arg15 : memref<32x768xf32, #tpu.memory_space<vmem>>) target(%dma_start3A_986 : memref<16384x768xf32, #tpu.memory_space<hbm>>) offsets(%arg10 : memref<32xi32, #tpu.memory_space<vmem>>) semaphore(%arg30 : memref<!tpu.dma_semaphore, #tpu.memory_space<semaphore_mem>>)
    %dma_wait3A_987 = arith.constant 0 : i32
    %dma_wait3A_988 = arith.constant 0 : i32
    %dma_wait3A_989 = tpu.memref_slice %arg8[%dma_wait3A_987, %dma_wait3A_988] : memref<16384x768xf32, #tpu.memory_space<hbm>> -> memref<16384x768xf32, #tpu.memory_space<hbm>>
    tpu.wait_indirect_dma semaphore(%arg29 : memref<!tpu.dma_semaphore, #tpu.memory_space<semaphore_mem>>) src(%arg14 : memref<32x768xf32, #tpu.memory_space<vmem>>) dst(%dma_wait3A_989 : memref<16384x768xf32, #tpu.memory_space<hbm>>)
    %add3A_990 = arith.constant 8192 : i32
    %add3A_991 = arith.addi %add3A_990, %mul3A_2 : i32
    %add3A_992 = arith.constant 0 : i32
    %add3A_993 = arith.addi %add3A_991, %add3A_992 : i32
    %dma_start3A_994 = tpu.memref_slice %arg5[%add3A_993] : memref<16384xi32, #tpu.memory_space<hbm>> -> memref<32xi32, #tpu.memory_space<hbm>>
    %dma_start3A_995 = tpu.memref_slice %arg5[%add3A_993] : memref<16384xi32, #tpu.memory_space<hbm>> -> memref<32xi32, #tpu.memory_space<hbm>>
    tpu.enqueue_dma source(%dma_start3A_995 : memref<32xi32, #tpu.memory_space<hbm>>) target(%arg9 : memref<32xi32, #tpu.memory_space<vmem>>) target_semaphore(%arg19 : memref<!tpu.dma_semaphore, #tpu.memory_space<semaphore_mem>>)
    %dma_start3A_996 = arith.constant 0 : i32
    %dma_start3A_997 = tpu.memref_slice %arg4[%add3A_993, %dma_start3A_996] : memref<16384x768xf32, #tpu.memory_space<hbm>> -> memref<32x768xf32, #tpu.memory_space<hbm>>
    %dma_start3A_998 = arith.constant 0 : i32
    %dma_start3A_999 = tpu.memref_slice %arg4[%add3A_993, %dma_start3A_998] : memref<16384x768xf32, #tpu.memory_space<hbm>> -> memref<32x768xf32, #tpu.memory_space<hbm>>
    tpu.enqueue_dma source(%dma_start3A_999 : memref<32x768xf32, #tpu.memory_space<hbm>>) target(%arg14 : memref<32x768xf32, #tpu.memory_space<vmem>>) target_semaphore(%arg24 : memref<!tpu.dma_semaphore, #tpu.memory_space<semaphore_mem>>)
    %add3A_1000 = arith.constant 0 : i32
    %add3A_1001 = arith.addi %add3A_1000, %mul3A_2 : i32
    %add3A_1002 = arith.constant 160 : i32
    %add3A_1003 = arith.addi %add3A_1001, %add3A_1002 : i32
    %dma_wait3A_1004 = tpu.memref_slice %arg5[%add3A_915] : memref<16384xi32, #tpu.memory_space<hbm>> -> memref<32xi32, #tpu.memory_space<hbm>>
    %dma_wait3A_1005 = tpu.memref_slice %arg5[%add3A_915] : memref<16384xi32, #tpu.memory_space<hbm>> -> memref<32xi32, #tpu.memory_space<hbm>>
    tpu.wait_dma2 semaphore(%arg21 : memref<!tpu.dma_semaphore, #tpu.memory_space<semaphore_mem>>) src(%dma_wait3A_1005 : memref<32xi32, #tpu.memory_space<hbm>>) dst(%arg11 : memref<32xi32, #tpu.memory_space<vmem>>)
    %dma_wait3A_1006 = arith.constant 0 : i32
    %dma_wait3A_1007 = tpu.memref_slice %arg4[%add3A_915, %dma_wait3A_1006] : memref<16384x768xf32, #tpu.memory_space<hbm>> -> memref<32x768xf32, #tpu.memory_space<hbm>>
    %dma_wait3A_1008 = arith.constant 0 : i32
    %dma_wait3A_1009 = tpu.memref_slice %arg4[%add3A_915, %dma_wait3A_1008] : memref<16384x768xf32, #tpu.memory_space<hbm>> -> memref<32x768xf32, #tpu.memory_space<hbm>>
    tpu.wait_dma2 semaphore(%arg26 : memref<!tpu.dma_semaphore, #tpu.memory_space<semaphore_mem>>) src(%dma_wait3A_1009 : memref<32x768xf32, #tpu.memory_space<hbm>>) dst(%arg16 : memref<32x768xf32, #tpu.memory_space<vmem>>)
    %dma_start3A_1010 = arith.constant 0 : i32
    %dma_start3A_1011 = arith.constant 0 : i32
    %dma_start3A_1012 = tpu.memref_slice %arg8[%dma_start3A_1010, %dma_start3A_1011] : memref<16384x768xf32, #tpu.memory_space<hbm>> -> memref<16384x768xf32, #tpu.memory_space<hbm>>
    tpu.enqueue_indirect_dma source(%arg16 : memref<32x768xf32, #tpu.memory_space<vmem>>) target(%dma_start3A_1012 : memref<16384x768xf32, #tpu.memory_space<hbm>>) offsets(%arg11 : memref<32xi32, #tpu.memory_space<vmem>>) semaphore(%arg31 : memref<!tpu.dma_semaphore, #tpu.memory_space<semaphore_mem>>)
    %dma_wait3A_1013 = arith.constant 0 : i32
    %dma_wait3A_1014 = arith.constant 0 : i32
    %dma_wait3A_1015 = tpu.memref_slice %arg8[%dma_wait3A_1013, %dma_wait3A_1014] : memref<16384x768xf32, #tpu.memory_space<hbm>> -> memref<16384x768xf32, #tpu.memory_space<hbm>>
    tpu.wait_indirect_dma semaphore(%arg30 : memref<!tpu.dma_semaphore, #tpu.memory_space<semaphore_mem>>) src(%arg15 : memref<32x768xf32, #tpu.memory_space<vmem>>) dst(%dma_wait3A_1015 : memref<16384x768xf32, #tpu.memory_space<hbm>>)
    %add3A_1016 = arith.constant 8192 : i32
    %add3A_1017 = arith.addi %add3A_1016, %mul3A_2 : i32
    %add3A_1018 = arith.constant 32 : i32
    %add3A_1019 = arith.addi %add3A_1017, %add3A_1018 : i32
    %dma_start3A_1020 = tpu.memref_slice %arg5[%add3A_1019] : memref<16384xi32, #tpu.memory_space<hbm>> -> memref<32xi32, #tpu.memory_space<hbm>>
    %dma_start3A_1021 = tpu.memref_slice %arg5[%add3A_1019] : memref<16384xi32, #tpu.memory_space<hbm>> -> memref<32xi32, #tpu.memory_space<hbm>>
    tpu.enqueue_dma source(%dma_start3A_1021 : memref<32xi32, #tpu.memory_space<hbm>>) target(%arg10 : memref<32xi32, #tpu.memory_space<vmem>>) target_semaphore(%arg20 : memref<!tpu.dma_semaphore, #tpu.memory_space<semaphore_mem>>)
    %dma_start3A_1022 = arith.constant 0 : i32
    %dma_start3A_1023 = tpu.memref_slice %arg4[%add3A_1019, %dma_start3A_1022] : memref<16384x768xf32, #tpu.memory_space<hbm>> -> memref<32x768xf32, #tpu.memory_space<hbm>>
    %dma_start3A_1024 = arith.constant 0 : i32
    %dma_start3A_1025 = tpu.memref_slice %arg4[%add3A_1019, %dma_start3A_1024] : memref<16384x768xf32, #tpu.memory_space<hbm>> -> memref<32x768xf32, #tpu.memory_space<hbm>>
    tpu.enqueue_dma source(%dma_start3A_1025 : memref<32x768xf32, #tpu.memory_space<hbm>>) target(%arg15 : memref<32x768xf32, #tpu.memory_space<vmem>>) target_semaphore(%arg25 : memref<!tpu.dma_semaphore, #tpu.memory_space<semaphore_mem>>)
    %add3A_1026 = arith.constant 0 : i32
    %add3A_1027 = arith.addi %add3A_1026, %mul3A_2 : i32
    %add3A_1028 = arith.constant 192 : i32
    %add3A_1029 = arith.addi %add3A_1027, %add3A_1028 : i32
    %dma_wait3A_1030 = tpu.memref_slice %arg5[%add3A_941] : memref<16384xi32, #tpu.memory_space<hbm>> -> memref<32xi32, #tpu.memory_space<hbm>>
    %dma_wait3A_1031 = tpu.memref_slice %arg5[%add3A_941] : memref<16384xi32, #tpu.memory_space<hbm>> -> memref<32xi32, #tpu.memory_space<hbm>>
    tpu.wait_dma2 semaphore(%arg22 : memref<!tpu.dma_semaphore, #tpu.memory_space<semaphore_mem>>) src(%dma_wait3A_1031 : memref<32xi32, #tpu.memory_space<hbm>>) dst(%arg12 : memref<32xi32, #tpu.memory_space<vmem>>)
    %dma_wait3A_1032 = arith.constant 0 : i32
    %dma_wait3A_1033 = tpu.memref_slice %arg4[%add3A_941, %dma_wait3A_1032] : memref<16384x768xf32, #tpu.memory_space<hbm>> -> memref<32x768xf32, #tpu.memory_space<hbm>>
    %dma_wait3A_1034 = arith.constant 0 : i32
    %dma_wait3A_1035 = tpu.memref_slice %arg4[%add3A_941, %dma_wait3A_1034] : memref<16384x768xf32, #tpu.memory_space<hbm>> -> memref<32x768xf32, #tpu.memory_space<hbm>>
    tpu.wait_dma2 semaphore(%arg27 : memref<!tpu.dma_semaphore, #tpu.memory_space<semaphore_mem>>) src(%dma_wait3A_1035 : memref<32x768xf32, #tpu.memory_space<hbm>>) dst(%arg17 : memref<32x768xf32, #tpu.memory_space<vmem>>)
    %dma_start3A_1036 = arith.constant 0 : i32
    %dma_start3A_1037 = arith.constant 0 : i32
    %dma_start3A_1038 = tpu.memref_slice %arg8[%dma_start3A_1036, %dma_start3A_1037] : memref<16384x768xf32, #tpu.memory_space<hbm>> -> memref<16384x768xf32, #tpu.memory_space<hbm>>
    tpu.enqueue_indirect_dma source(%arg17 : memref<32x768xf32, #tpu.memory_space<vmem>>) target(%dma_start3A_1038 : memref<16384x768xf32, #tpu.memory_space<hbm>>) offsets(%arg12 : memref<32xi32, #tpu.memory_space<vmem>>) semaphore(%arg32 : memref<!tpu.dma_semaphore, #tpu.memory_space<semaphore_mem>>)
    %dma_wait3A_1039 = arith.constant 0 : i32
    %dma_wait3A_1040 = arith.constant 0 : i32
    %dma_wait3A_1041 = tpu.memref_slice %arg8[%dma_wait3A_1039, %dma_wait3A_1040] : memref<16384x768xf32, #tpu.memory_space<hbm>> -> memref<16384x768xf32, #tpu.memory_space<hbm>>
    tpu.wait_indirect_dma semaphore(%arg31 : memref<!tpu.dma_semaphore, #tpu.memory_space<semaphore_mem>>) src(%arg16 : memref<32x768xf32, #tpu.memory_space<vmem>>) dst(%dma_wait3A_1041 : memref<16384x768xf32, #tpu.memory_space<hbm>>)
    %add3A_1042 = arith.constant 8192 : i32
    %add3A_1043 = arith.addi %add3A_1042, %mul3A_2 : i32
    %add3A_1044 = arith.constant 64 : i32
    %add3A_1045 = arith.addi %add3A_1043, %add3A_1044 : i32
    %dma_start3A_1046 = tpu.memref_slice %arg5[%add3A_1045] : memref<16384xi32, #tpu.memory_space<hbm>> -> memref<32xi32, #tpu.memory_space<hbm>>
    %dma_start3A_1047 = tpu.memref_slice %arg5[%add3A_1045] : memref<16384xi32, #tpu.memory_space<hbm>> -> memref<32xi32, #tpu.memory_space<hbm>>
    tpu.enqueue_dma source(%dma_start3A_1047 : memref<32xi32, #tpu.memory_space<hbm>>) target(%arg11 : memref<32xi32, #tpu.memory_space<vmem>>) target_semaphore(%arg21 : memref<!tpu.dma_semaphore, #tpu.memory_space<semaphore_mem>>)
    %dma_start3A_1048 = arith.constant 0 : i32
    %dma_start3A_1049 = tpu.memref_slice %arg4[%add3A_1045, %dma_start3A_1048] : memref<16384x768xf32, #tpu.memory_space<hbm>> -> memref<32x768xf32, #tpu.memory_space<hbm>>
    %dma_start3A_1050 = arith.constant 0 : i32
    %dma_start3A_1051 = tpu.memref_slice %arg4[%add3A_1045, %dma_start3A_1050] : memref<16384x768xf32, #tpu.memory_space<hbm>> -> memref<32x768xf32, #tpu.memory_space<hbm>>
    tpu.enqueue_dma source(%dma_start3A_1051 : memref<32x768xf32, #tpu.memory_space<hbm>>) target(%arg16 : memref<32x768xf32, #tpu.memory_space<vmem>>) target_semaphore(%arg26 : memref<!tpu.dma_semaphore, #tpu.memory_space<semaphore_mem>>)
    %add3A_1052 = arith.constant 0 : i32
    %add3A_1053 = arith.addi %add3A_1052, %mul3A_2 : i32
    %add3A_1054 = arith.constant 224 : i32
    %add3A_1055 = arith.addi %add3A_1053, %add3A_1054 : i32
    %dma_wait3A_1056 = tpu.memref_slice %arg5[%add3A_967] : memref<16384xi32, #tpu.memory_space<hbm>> -> memref<32xi32, #tpu.memory_space<hbm>>
    %dma_wait3A_1057 = tpu.memref_slice %arg5[%add3A_967] : memref<16384xi32, #tpu.memory_space<hbm>> -> memref<32xi32, #tpu.memory_space<hbm>>
    tpu.wait_dma2 semaphore(%arg23 : memref<!tpu.dma_semaphore, #tpu.memory_space<semaphore_mem>>) src(%dma_wait3A_1057 : memref<32xi32, #tpu.memory_space<hbm>>) dst(%arg13 : memref<32xi32, #tpu.memory_space<vmem>>)
    %dma_wait3A_1058 = arith.constant 0 : i32
    %dma_wait3A_1059 = tpu.memref_slice %arg4[%add3A_967, %dma_wait3A_1058] : memref<16384x768xf32, #tpu.memory_space<hbm>> -> memref<32x768xf32, #tpu.memory_space<hbm>>
    %dma_wait3A_1060 = arith.constant 0 : i32
    %dma_wait3A_1061 = tpu.memref_slice %arg4[%add3A_967, %dma_wait3A_1060] : memref<16384x768xf32, #tpu.memory_space<hbm>> -> memref<32x768xf32, #tpu.memory_space<hbm>>
    tpu.wait_dma2 semaphore(%arg28 : memref<!tpu.dma_semaphore, #tpu.memory_space<semaphore_mem>>) src(%dma_wait3A_1061 : memref<32x768xf32, #tpu.memory_space<hbm>>) dst(%arg18 : memref<32x768xf32, #tpu.memory_space<vmem>>)
    %dma_start3A_1062 = arith.constant 0 : i32
    %dma_start3A_1063 = arith.constant 0 : i32
    %dma_start3A_1064 = tpu.memref_slice %arg8[%dma_start3A_1062, %dma_start3A_1063] : memref<16384x768xf32, #tpu.memory_space<hbm>> -> memref<16384x768xf32, #tpu.memory_space<hbm>>
    tpu.enqueue_indirect_dma source(%arg18 : memref<32x768xf32, #tpu.memory_space<vmem>>) target(%dma_start3A_1064 : memref<16384x768xf32, #tpu.memory_space<hbm>>) offsets(%arg13 : memref<32xi32, #tpu.memory_space<vmem>>) semaphore(%arg33 : memref<!tpu.dma_semaphore, #tpu.memory_space<semaphore_mem>>)
    %dma_wait3A_1065 = arith.constant 0 : i32
    %dma_wait3A_1066 = arith.constant 0 : i32
    %dma_wait3A_1067 = tpu.memref_slice %arg8[%dma_wait3A_1065, %dma_wait3A_1066] : memref<16384x768xf32, #tpu.memory_space<hbm>> -> memref<16384x768xf32, #tpu.memory_space<hbm>>
    tpu.wait_indirect_dma semaphore(%arg32 : memref<!tpu.dma_semaphore, #tpu.memory_space<semaphore_mem>>) src(%arg17 : memref<32x768xf32, #tpu.memory_space<vmem>>) dst(%dma_wait3A_1067 : memref<16384x768xf32, #tpu.memory_space<hbm>>)
    %add3A_1068 = arith.constant 8192 : i32
    %add3A_1069 = arith.addi %add3A_1068, %mul3A_2 : i32
    %add3A_1070 = arith.constant 96 : i32
    %add3A_1071 = arith.addi %add3A_1069, %add3A_1070 : i32
    %dma_start3A_1072 = tpu.memref_slice %arg5[%add3A_1071] : memref<16384xi32, #tpu.memory_space<hbm>> -> memref<32xi32, #tpu.memory_space<hbm>>
    %dma_start3A_1073 = tpu.memref_slice %arg5[%add3A_1071] : memref<16384xi32, #tpu.memory_space<hbm>> -> memref<32xi32, #tpu.memory_space<hbm>>
    tpu.enqueue_dma source(%dma_start3A_1073 : memref<32xi32, #tpu.memory_space<hbm>>) target(%arg12 : memref<32xi32, #tpu.memory_space<vmem>>) target_semaphore(%arg22 : memref<!tpu.dma_semaphore, #tpu.memory_space<semaphore_mem>>)
    %dma_start3A_1074 = arith.constant 0 : i32
    %dma_start3A_1075 = tpu.memref_slice %arg4[%add3A_1071, %dma_start3A_1074] : memref<16384x768xf32, #tpu.memory_space<hbm>> -> memref<32x768xf32, #tpu.memory_space<hbm>>
    %dma_start3A_1076 = arith.constant 0 : i32
    %dma_start3A_1077 = tpu.memref_slice %arg4[%add3A_1071, %dma_start3A_1076] : memref<16384x768xf32, #tpu.memory_space<hbm>> -> memref<32x768xf32, #tpu.memory_space<hbm>>
    tpu.enqueue_dma source(%dma_start3A_1077 : memref<32x768xf32, #tpu.memory_space<hbm>>) target(%arg17 : memref<32x768xf32, #tpu.memory_space<vmem>>) target_semaphore(%arg27 : memref<!tpu.dma_semaphore, #tpu.memory_space<semaphore_mem>>)
    %add3A_1078 = arith.constant 8192 : i32
    %add3A_1079 = arith.addi %add3A_1078, %mul3A_2 : i32
    %add3A_1080 = arith.constant 0 : i32
    %add3A_1081 = arith.addi %add3A_1079, %add3A_1080 : i32
    %dma_wait3A_1082 = tpu.memref_slice %arg5[%add3A_993] : memref<16384xi32, #tpu.memory_space<hbm>> -> memref<32xi32, #tpu.memory_space<hbm>>
    %dma_wait3A_1083 = tpu.memref_slice %arg5[%add3A_993] : memref<16384xi32, #tpu.memory_space<hbm>> -> memref<32xi32, #tpu.memory_space<hbm>>
    tpu.wait_dma2 semaphore(%arg19 : memref<!tpu.dma_semaphore, #tpu.memory_space<semaphore_mem>>) src(%dma_wait3A_1083 : memref<32xi32, #tpu.memory_space<hbm>>) dst(%arg9 : memref<32xi32, #tpu.memory_space<vmem>>)
    %dma_wait3A_1084 = arith.constant 0 : i32
    %dma_wait3A_1085 = tpu.memref_slice %arg4[%add3A_993, %dma_wait3A_1084] : memref<16384x768xf32, #tpu.memory_space<hbm>> -> memref<32x768xf32, #tpu.memory_space<hbm>>
    %dma_wait3A_1086 = arith.constant 0 : i32
    %dma_wait3A_1087 = tpu.memref_slice %arg4[%add3A_993, %dma_wait3A_1086] : memref<16384x768xf32, #tpu.memory_space<hbm>> -> memref<32x768xf32, #tpu.memory_space<hbm>>
    tpu.wait_dma2 semaphore(%arg24 : memref<!tpu.dma_semaphore, #tpu.memory_space<semaphore_mem>>) src(%dma_wait3A_1087 : memref<32x768xf32, #tpu.memory_space<hbm>>) dst(%arg14 : memref<32x768xf32, #tpu.memory_space<vmem>>)
    %dma_start3A_1088 = arith.constant 0 : i32
    %dma_start3A_1089 = arith.constant 0 : i32
    %dma_start3A_1090 = tpu.memref_slice %arg8[%dma_start3A_1088, %dma_start3A_1089] : memref<16384x768xf32, #tpu.memory_space<hbm>> -> memref<16384x768xf32, #tpu.memory_space<hbm>>
    tpu.enqueue_indirect_dma source(%arg14 : memref<32x768xf32, #tpu.memory_space<vmem>>) target(%dma_start3A_1090 : memref<16384x768xf32, #tpu.memory_space<hbm>>) offsets(%arg9 : memref<32xi32, #tpu.memory_space<vmem>>) semaphore(%arg29 : memref<!tpu.dma_semaphore, #tpu.memory_space<semaphore_mem>>)
    %dma_wait3A_1091 = arith.constant 0 : i32
    %dma_wait3A_1092 = arith.constant 0 : i32
    %dma_wait3A_1093 = tpu.memref_slice %arg8[%dma_wait3A_1091, %dma_wait3A_1092] : memref<16384x768xf32, #tpu.memory_space<hbm>> -> memref<16384x768xf32, #tpu.memory_space<hbm>>
    tpu.wait_indirect_dma semaphore(%arg33 : memref<!tpu.dma_semaphore, #tpu.memory_space<semaphore_mem>>) src(%arg18 : memref<32x768xf32, #tpu.memory_space<vmem>>) dst(%dma_wait3A_1093 : memref<16384x768xf32, #tpu.memory_space<hbm>>)
    %add3A_1094 = arith.constant 8192 : i32
    %add3A_1095 = arith.addi %add3A_1094, %mul3A_2 : i32
    %add3A_1096 = arith.constant 128 : i32
    %add3A_1097 = arith.addi %add3A_1095, %add3A_1096 : i32
    %dma_start3A_1098 = tpu.memref_slice %arg5[%add3A_1097] : memref<16384xi32, #tpu.memory_space<hbm>> -> memref<32xi32, #tpu.memory_space<hbm>>
    %dma_start3A_1099 = tpu.memref_slice %arg5[%add3A_1097] : memref<16384xi32, #tpu.memory_space<hbm>> -> memref<32xi32, #tpu.memory_space<hbm>>
    tpu.enqueue_dma source(%dma_start3A_1099 : memref<32xi32, #tpu.memory_space<hbm>>) target(%arg13 : memref<32xi32, #tpu.memory_space<vmem>>) target_semaphore(%arg23 : memref<!tpu.dma_semaphore, #tpu.memory_space<semaphore_mem>>)
    %dma_start3A_1100 = arith.constant 0 : i32
    %dma_start3A_1101 = tpu.memref_slice %arg4[%add3A_1097, %dma_start3A_1100] : memref<16384x768xf32, #tpu.memory_space<hbm>> -> memref<32x768xf32, #tpu.memory_space<hbm>>
    %dma_start3A_1102 = arith.constant 0 : i32
    %dma_start3A_1103 = tpu.memref_slice %arg4[%add3A_1097, %dma_start3A_1102] : memref<16384x768xf32, #tpu.memory_space<hbm>> -> memref<32x768xf32, #tpu.memory_space<hbm>>
    tpu.enqueue_dma source(%dma_start3A_1103 : memref<32x768xf32, #tpu.memory_space<hbm>>) target(%arg18 : memref<32x768xf32, #tpu.memory_space<vmem>>) target_semaphore(%arg28 : memref<!tpu.dma_semaphore, #tpu.memory_space<semaphore_mem>>)
    %add3A_1104 = arith.constant 8192 : i32
    %add3A_1105 = arith.addi %add3A_1104, %mul3A_2 : i32
    %add3A_1106 = arith.constant 32 : i32
    %add3A_1107 = arith.addi %add3A_1105, %add3A_1106 : i32
    %dma_wait3A_1108 = tpu.memref_slice %arg5[%add3A_1019] : memref<16384xi32, #tpu.memory_space<hbm>> -> memref<32xi32, #tpu.memory_space<hbm>>
    %dma_wait3A_1109 = tpu.memref_slice %arg5[%add3A_1019] : memref<16384xi32, #tpu.memory_space<hbm>> -> memref<32xi32, #tpu.memory_space<hbm>>
    tpu.wait_dma2 semaphore(%arg20 : memref<!tpu.dma_semaphore, #tpu.memory_space<semaphore_mem>>) src(%dma_wait3A_1109 : memref<32xi32, #tpu.memory_space<hbm>>) dst(%arg10 : memref<32xi32, #tpu.memory_space<vmem>>)
    %dma_wait3A_1110 = arith.constant 0 : i32
    %dma_wait3A_1111 = tpu.memref_slice %arg4[%add3A_1019, %dma_wait3A_1110] : memref<16384x768xf32, #tpu.memory_space<hbm>> -> memref<32x768xf32, #tpu.memory_space<hbm>>
    %dma_wait3A_1112 = arith.constant 0 : i32
    %dma_wait3A_1113 = tpu.memref_slice %arg4[%add3A_1019, %dma_wait3A_1112] : memref<16384x768xf32, #tpu.memory_space<hbm>> -> memref<32x768xf32, #tpu.memory_space<hbm>>
    tpu.wait_dma2 semaphore(%arg25 : memref<!tpu.dma_semaphore, #tpu.memory_space<semaphore_mem>>) src(%dma_wait3A_1113 : memref<32x768xf32, #tpu.memory_space<hbm>>) dst(%arg15 : memref<32x768xf32, #tpu.memory_space<vmem>>)
    %dma_start3A_1114 = arith.constant 0 : i32
    %dma_start3A_1115 = arith.constant 0 : i32
    %dma_start3A_1116 = tpu.memref_slice %arg8[%dma_start3A_1114, %dma_start3A_1115] : memref<16384x768xf32, #tpu.memory_space<hbm>> -> memref<16384x768xf32, #tpu.memory_space<hbm>>
    tpu.enqueue_indirect_dma source(%arg15 : memref<32x768xf32, #tpu.memory_space<vmem>>) target(%dma_start3A_1116 : memref<16384x768xf32, #tpu.memory_space<hbm>>) offsets(%arg10 : memref<32xi32, #tpu.memory_space<vmem>>) semaphore(%arg30 : memref<!tpu.dma_semaphore, #tpu.memory_space<semaphore_mem>>)
    %dma_wait3A_1117 = arith.constant 0 : i32
    %dma_wait3A_1118 = arith.constant 0 : i32
    %dma_wait3A_1119 = tpu.memref_slice %arg8[%dma_wait3A_1117, %dma_wait3A_1118] : memref<16384x768xf32, #tpu.memory_space<hbm>> -> memref<16384x768xf32, #tpu.memory_space<hbm>>
    tpu.wait_indirect_dma semaphore(%arg29 : memref<!tpu.dma_semaphore, #tpu.memory_space<semaphore_mem>>) src(%arg14 : memref<32x768xf32, #tpu.memory_space<vmem>>) dst(%dma_wait3A_1119 : memref<16384x768xf32, #tpu.memory_space<hbm>>)
    %add3A_1120 = arith.constant 8192 : i32
    %add3A_1121 = arith.addi %add3A_1120, %mul3A_2 : i32
    %add3A_1122 = arith.constant 160 : i32
    %add3A_1123 = arith.addi %add3A_1121, %add3A_1122 : i32
    %dma_start3A_1124 = tpu.memref_slice %arg5[%add3A_1123] : memref<16384xi32, #tpu.memory_space<hbm>> -> memref<32xi32, #tpu.memory_space<hbm>>
    %dma_start3A_1125 = tpu.memref_slice %arg5[%add3A_1123] : memref<16384xi32, #tpu.memory_space<hbm>> -> memref<32xi32, #tpu.memory_space<hbm>>
    tpu.enqueue_dma source(%dma_start3A_1125 : memref<32xi32, #tpu.memory_space<hbm>>) target(%arg9 : memref<32xi32, #tpu.memory_space<vmem>>) target_semaphore(%arg19 : memref<!tpu.dma_semaphore, #tpu.memory_space<semaphore_mem>>)
    %dma_start3A_1126 = arith.constant 0 : i32
    %dma_start3A_1127 = tpu.memref_slice %arg4[%add3A_1123, %dma_start3A_1126] : memref<16384x768xf32, #tpu.memory_space<hbm>> -> memref<32x768xf32, #tpu.memory_space<hbm>>
    %dma_start3A_1128 = arith.constant 0 : i32
    %dma_start3A_1129 = tpu.memref_slice %arg4[%add3A_1123, %dma_start3A_1128] : memref<16384x768xf32, #tpu.memory_space<hbm>> -> memref<32x768xf32, #tpu.memory_space<hbm>>
    tpu.enqueue_dma source(%dma_start3A_1129 : memref<32x768xf32, #tpu.memory_space<hbm>>) target(%arg14 : memref<32x768xf32, #tpu.memory_space<vmem>>) target_semaphore(%arg24 : memref<!tpu.dma_semaphore, #tpu.memory_space<semaphore_mem>>)
    %add3A_1130 = arith.constant 8192 : i32
    %add3A_1131 = arith.addi %add3A_1130, %mul3A_2 : i32
    %add3A_1132 = arith.constant 64 : i32
    %add3A_1133 = arith.addi %add3A_1131, %add3A_1132 : i32
    %dma_wait3A_1134 = tpu.memref_slice %arg5[%add3A_1045] : memref<16384xi32, #tpu.memory_space<hbm>> -> memref<32xi32, #tpu.memory_space<hbm>>
    %dma_wait3A_1135 = tpu.memref_slice %arg5[%add3A_1045] : memref<16384xi32, #tpu.memory_space<hbm>> -> memref<32xi32, #tpu.memory_space<hbm>>
    tpu.wait_dma2 semaphore(%arg21 : memref<!tpu.dma_semaphore, #tpu.memory_space<semaphore_mem>>) src(%dma_wait3A_1135 : memref<32xi32, #tpu.memory_space<hbm>>) dst(%arg11 : memref<32xi32, #tpu.memory_space<vmem>>)
    %dma_wait3A_1136 = arith.constant 0 : i32
    %dma_wait3A_1137 = tpu.memref_slice %arg4[%add3A_1045, %dma_wait3A_1136] : memref<16384x768xf32, #tpu.memory_space<hbm>> -> memref<32x768xf32, #tpu.memory_space<hbm>>
    %dma_wait3A_1138 = arith.constant 0 : i32
    %dma_wait3A_1139 = tpu.memref_slice %arg4[%add3A_1045, %dma_wait3A_1138] : memref<16384x768xf32, #tpu.memory_space<hbm>> -> memref<32x768xf32, #tpu.memory_space<hbm>>
    tpu.wait_dma2 semaphore(%arg26 : memref<!tpu.dma_semaphore, #tpu.memory_space<semaphore_mem>>) src(%dma_wait3A_1139 : memref<32x768xf32, #tpu.memory_space<hbm>>) dst(%arg16 : memref<32x768xf32, #tpu.memory_space<vmem>>)
    %dma_start3A_1140 = arith.constant 0 : i32
    %dma_start3A_1141 = arith.constant 0 : i32
    %dma_start3A_1142 = tpu.memref_slice %arg8[%dma_start3A_1140, %dma_start3A_1141] : memref<16384x768xf32, #tpu.memory_space<hbm>> -> memref<16384x768xf32, #tpu.memory_space<hbm>>
    tpu.enqueue_indirect_dma source(%arg16 : memref<32x768xf32, #tpu.memory_space<vmem>>) target(%dma_start3A_1142 : memref<16384x768xf32, #tpu.memory_space<hbm>>) offsets(%arg11 : memref<32xi32, #tpu.memory_space<vmem>>) semaphore(%arg31 : memref<!tpu.dma_semaphore, #tpu.memory_space<semaphore_mem>>)
    %dma_wait3A_1143 = arith.constant 0 : i32
    %dma_wait3A_1144 = arith.constant 0 : i32
    %dma_wait3A_1145 = tpu.memref_slice %arg8[%dma_wait3A_1143, %dma_wait3A_1144] : memref<16384x768xf32, #tpu.memory_space<hbm>> -> memref<16384x768xf32, #tpu.memory_space<hbm>>
    tpu.wait_indirect_dma semaphore(%arg30 : memref<!tpu.dma_semaphore, #tpu.memory_space<semaphore_mem>>) src(%arg15 : memref<32x768xf32, #tpu.memory_space<vmem>>) dst(%dma_wait3A_1145 : memref<16384x768xf32, #tpu.memory_space<hbm>>)
    %add3A_1146 = arith.constant 8192 : i32
    %add3A_1147 = arith.addi %add3A_1146, %mul3A_2 : i32
    %add3A_1148 = arith.constant 192 : i32
    %add3A_1149 = arith.addi %add3A_1147, %add3A_1148 : i32
    %dma_start3A_1150 = tpu.memref_slice %arg5[%add3A_1149] : memref<16384xi32, #tpu.memory_space<hbm>> -> memref<32xi32, #tpu.memory_space<hbm>>
    %dma_start3A_1151 = tpu.memref_slice %arg5[%add3A_1149] : memref<16384xi32, #tpu.memory_space<hbm>> -> memref<32xi32, #tpu.memory_space<hbm>>
    tpu.enqueue_dma source(%dma_start3A_1151 : memref<32xi32, #tpu.memory_space<hbm>>) target(%arg10 : memref<32xi32, #tpu.memory_space<vmem>>) target_semaphore(%arg20 : memref<!tpu.dma_semaphore, #tpu.memory_space<semaphore_mem>>)
    %dma_start3A_1152 = arith.constant 0 : i32
    %dma_start3A_1153 = tpu.memref_slice %arg4[%add3A_1149, %dma_start3A_1152] : memref<16384x768xf32, #tpu.memory_space<hbm>> -> memref<32x768xf32, #tpu.memory_space<hbm>>
    %dma_start3A_1154 = arith.constant 0 : i32
    %dma_start3A_1155 = tpu.memref_slice %arg4[%add3A_1149, %dma_start3A_1154] : memref<16384x768xf32, #tpu.memory_space<hbm>> -> memref<32x768xf32, #tpu.memory_space<hbm>>
    tpu.enqueue_dma source(%dma_start3A_1155 : memref<32x768xf32, #tpu.memory_space<hbm>>) target(%arg15 : memref<32x768xf32, #tpu.memory_space<vmem>>) target_semaphore(%arg25 : memref<!tpu.dma_semaphore, #tpu.memory_space<semaphore_mem>>)
    %add3A_1156 = arith.constant 8192 : i32
    %add3A_1157 = arith.addi %add3A_1156, %mul3A_2 : i32
    %add3A_1158 = arith.constant 96 : i32
    %add3A_1159 = arith.addi %add3A_1157, %add3A_1158 : i32
    %dma_wait3A_1160 = tpu.memref_slice %arg5[%add3A_1071] : memref<16384xi32, #tpu.memory_space<hbm>> -> memref<32xi32, #tpu.memory_space<hbm>>
    %dma_wait3A_1161 = tpu.memref_slice %arg5[%add3A_1071] : memref<16384xi32, #tpu.memory_space<hbm>> -> memref<32xi32, #tpu.memory_space<hbm>>
    tpu.wait_dma2 semaphore(%arg22 : memref<!tpu.dma_semaphore, #tpu.memory_space<semaphore_mem>>) src(%dma_wait3A_1161 : memref<32xi32, #tpu.memory_space<hbm>>) dst(%arg12 : memref<32xi32, #tpu.memory_space<vmem>>)
    %dma_wait3A_1162 = arith.constant 0 : i32
    %dma_wait3A_1163 = tpu.memref_slice %arg4[%add3A_1071, %dma_wait3A_1162] : memref<16384x768xf32, #tpu.memory_space<hbm>> -> memref<32x768xf32, #tpu.memory_space<hbm>>
    %dma_wait3A_1164 = arith.constant 0 : i32
    %dma_wait3A_1165 = tpu.memref_slice %arg4[%add3A_1071, %dma_wait3A_1164] : memref<16384x768xf32, #tpu.memory_space<hbm>> -> memref<32x768xf32, #tpu.memory_space<hbm>>
    tpu.wait_dma2 semaphore(%arg27 : memref<!tpu.dma_semaphore, #tpu.memory_space<semaphore_mem>>) src(%dma_wait3A_1165 : memref<32x768xf32, #tpu.memory_space<hbm>>) dst(%arg17 : memref<32x768xf32, #tpu.memory_space<vmem>>)
    %dma_start3A_1166 = arith.constant 0 : i32
    %dma_start3A_1167 = arith.constant 0 : i32
    %dma_start3A_1168 = tpu.memref_slice %arg8[%dma_start3A_1166, %dma_start3A_1167] : memref<16384x768xf32, #tpu.memory_space<hbm>> -> memref<16384x768xf32, #tpu.memory_space<hbm>>
    tpu.enqueue_indirect_dma source(%arg17 : memref<32x768xf32, #tpu.memory_space<vmem>>) target(%dma_start3A_1168 : memref<16384x768xf32, #tpu.memory_space<hbm>>) offsets(%arg12 : memref<32xi32, #tpu.memory_space<vmem>>) semaphore(%arg32 : memref<!tpu.dma_semaphore, #tpu.memory_space<semaphore_mem>>)
    %dma_wait3A_1169 = arith.constant 0 : i32
    %dma_wait3A_1170 = arith.constant 0 : i32
    %dma_wait3A_1171 = tpu.memref_slice %arg8[%dma_wait3A_1169, %dma_wait3A_1170] : memref<16384x768xf32, #tpu.memory_space<hbm>> -> memref<16384x768xf32, #tpu.memory_space<hbm>>
    tpu.wait_indirect_dma semaphore(%arg31 : memref<!tpu.dma_semaphore, #tpu.memory_space<semaphore_mem>>) src(%arg16 : memref<32x768xf32, #tpu.memory_space<vmem>>) dst(%dma_wait3A_1171 : memref<16384x768xf32, #tpu.memory_space<hbm>>)
    %add3A_1172 = arith.constant 8192 : i32
    %add3A_1173 = arith.addi %add3A_1172, %mul3A_2 : i32
    %add3A_1174 = arith.constant 224 : i32
    %add3A_1175 = arith.addi %add3A_1173, %add3A_1174 : i32
    %dma_start3A_1176 = tpu.memref_slice %arg5[%add3A_1175] : memref<16384xi32, #tpu.memory_space<hbm>> -> memref<32xi32, #tpu.memory_space<hbm>>
    %dma_start3A_1177 = tpu.memref_slice %arg5[%add3A_1175] : memref<16384xi32, #tpu.memory_space<hbm>> -> memref<32xi32, #tpu.memory_space<hbm>>
    tpu.enqueue_dma source(%dma_start3A_1177 : memref<32xi32, #tpu.memory_space<hbm>>) target(%arg11 : memref<32xi32, #tpu.memory_space<vmem>>) target_semaphore(%arg21 : memref<!tpu.dma_semaphore, #tpu.memory_space<semaphore_mem>>)
    %dma_start3A_1178 = arith.constant 0 : i32
    %dma_start3A_1179 = tpu.memref_slice %arg4[%add3A_1175, %dma_start3A_1178] : memref<16384x768xf32, #tpu.memory_space<hbm>> -> memref<32x768xf32, #tpu.memory_space<hbm>>
    %dma_start3A_1180 = arith.constant 0 : i32
    %dma_start3A_1181 = tpu.memref_slice %arg4[%add3A_1175, %dma_start3A_1180] : memref<16384x768xf32, #tpu.memory_space<hbm>> -> memref<32x768xf32, #tpu.memory_space<hbm>>
    tpu.enqueue_dma source(%dma_start3A_1181 : memref<32x768xf32, #tpu.memory_space<hbm>>) target(%arg16 : memref<32x768xf32, #tpu.memory_space<vmem>>) target_semaphore(%arg26 : memref<!tpu.dma_semaphore, #tpu.memory_space<semaphore_mem>>)
    %add3A_1182 = arith.constant 8192 : i32
    %add3A_1183 = arith.addi %add3A_1182, %mul3A_2 : i32
    %add3A_1184 = arith.constant 128 : i32
    %add3A_1185 = arith.addi %add3A_1183, %add3A_1184 : i32
    %dma_wait3A_1186 = tpu.memref_slice %arg5[%add3A_1097] : memref<16384xi32, #tpu.memory_space<hbm>> -> memref<32xi32, #tpu.memory_space<hbm>>
    %dma_wait3A_1187 = tpu.memref_slice %arg5[%add3A_1097] : memref<16384xi32, #tpu.memory_space<hbm>> -> memref<32xi32, #tpu.memory_space<hbm>>
    tpu.wait_dma2 semaphore(%arg23 : memref<!tpu.dma_semaphore, #tpu.memory_space<semaphore_mem>>) src(%dma_wait3A_1187 : memref<32xi32, #tpu.memory_space<hbm>>) dst(%arg13 : memref<32xi32, #tpu.memory_space<vmem>>)
    %dma_wait3A_1188 = arith.constant 0 : i32
    %dma_wait3A_1189 = tpu.memref_slice %arg4[%add3A_1097, %dma_wait3A_1188] : memref<16384x768xf32, #tpu.memory_space<hbm>> -> memref<32x768xf32, #tpu.memory_space<hbm>>
    %dma_wait3A_1190 = arith.constant 0 : i32
    %dma_wait3A_1191 = tpu.memref_slice %arg4[%add3A_1097, %dma_wait3A_1190] : memref<16384x768xf32, #tpu.memory_space<hbm>> -> memref<32x768xf32, #tpu.memory_space<hbm>>
    tpu.wait_dma2 semaphore(%arg28 : memref<!tpu.dma_semaphore, #tpu.memory_space<semaphore_mem>>) src(%dma_wait3A_1191 : memref<32x768xf32, #tpu.memory_space<hbm>>) dst(%arg18 : memref<32x768xf32, #tpu.memory_space<vmem>>)
    %dma_start3A_1192 = arith.constant 0 : i32
    %dma_start3A_1193 = arith.constant 0 : i32
    %dma_start3A_1194 = tpu.memref_slice %arg8[%dma_start3A_1192, %dma_start3A_1193] : memref<16384x768xf32, #tpu.memory_space<hbm>> -> memref<16384x768xf32, #tpu.memory_space<hbm>>
    tpu.enqueue_indirect_dma source(%arg18 : memref<32x768xf32, #tpu.memory_space<vmem>>) target(%dma_start3A_1194 : memref<16384x768xf32, #tpu.memory_space<hbm>>) offsets(%arg13 : memref<32xi32, #tpu.memory_space<vmem>>) semaphore(%arg33 : memref<!tpu.dma_semaphore, #tpu.memory_space<semaphore_mem>>)
    %dma_wait3A_1195 = arith.constant 0 : i32
    %dma_wait3A_1196 = arith.constant 0 : i32
    %dma_wait3A_1197 = tpu.memref_slice %arg8[%dma_wait3A_1195, %dma_wait3A_1196] : memref<16384x768xf32, #tpu.memory_space<hbm>> -> memref<16384x768xf32, #tpu.memory_space<hbm>>
    tpu.wait_indirect_dma semaphore(%arg32 : memref<!tpu.dma_semaphore, #tpu.memory_space<semaphore_mem>>) src(%arg17 : memref<32x768xf32, #tpu.memory_space<vmem>>) dst(%dma_wait3A_1197 : memref<16384x768xf32, #tpu.memory_space<hbm>>)
    %add3A_1198 = arith.constant 8192 : i32
    %add3A_1199 = arith.addi %add3A_1198, %mul3A_2 : i32
    %add3A_1200 = arith.constant 160 : i32
    %add3A_1201 = arith.addi %add3A_1199, %add3A_1200 : i32
    %dma_wait3A_1202 = tpu.memref_slice %arg5[%add3A_1123] : memref<16384xi32, #tpu.memory_space<hbm>> -> memref<32xi32, #tpu.memory_space<hbm>>
    %dma_wait3A_1203 = tpu.memref_slice %arg5[%add3A_1123] : memref<16384xi32, #tpu.memory_space<hbm>> -> memref<32xi32, #tpu.memory_space<hbm>>
    tpu.wait_dma2 semaphore(%arg19 : memref<!tpu.dma_semaphore, #tpu.memory_space<semaphore_mem>>) src(%dma_wait3A_1203 : memref<32xi32, #tpu.memory_space<hbm>>) dst(%arg9 : memref<32xi32, #tpu.memory_space<vmem>>)
    %dma_wait3A_1204 = arith.constant 0 : i32
    %dma_wait3A_1205 = tpu.memref_slice %arg4[%add3A_1123, %dma_wait3A_1204] : memref<16384x768xf32, #tpu.memory_space<hbm>> -> memref<32x768xf32, #tpu.memory_space<hbm>>
    %dma_wait3A_1206 = arith.constant 0 : i32
    %dma_wait3A_1207 = tpu.memref_slice %arg4[%add3A_1123, %dma_wait3A_1206] : memref<16384x768xf32, #tpu.memory_space<hbm>> -> memref<32x768xf32, #tpu.memory_space<hbm>>
    tpu.wait_dma2 semaphore(%arg24 : memref<!tpu.dma_semaphore, #tpu.memory_space<semaphore_mem>>) src(%dma_wait3A_1207 : memref<32x768xf32, #tpu.memory_space<hbm>>) dst(%arg14 : memref<32x768xf32, #tpu.memory_space<vmem>>)
    %dma_start3A_1208 = arith.constant 0 : i32
    %dma_start3A_1209 = arith.constant 0 : i32
    %dma_start3A_1210 = tpu.memref_slice %arg8[%dma_start3A_1208, %dma_start3A_1209] : memref<16384x768xf32, #tpu.memory_space<hbm>> -> memref<16384x768xf32, #tpu.memory_space<hbm>>
    tpu.enqueue_indirect_dma source(%arg14 : memref<32x768xf32, #tpu.memory_space<vmem>>) target(%dma_start3A_1210 : memref<16384x768xf32, #tpu.memory_space<hbm>>) offsets(%arg9 : memref<32xi32, #tpu.memory_space<vmem>>) semaphore(%arg29 : memref<!tpu.dma_semaphore, #tpu.memory_space<semaphore_mem>>)
    %dma_wait3A_1211 = arith.constant 0 : i32
    %dma_wait3A_1212 = arith.constant 0 : i32
    %dma_wait3A_1213 = tpu.memref_slice %arg8[%dma_wait3A_1211, %dma_wait3A_1212] : memref<16384x768xf32, #tpu.memory_space<hbm>> -> memref<16384x768xf32, #tpu.memory_space<hbm>>
    tpu.wait_indirect_dma semaphore(%arg33 : memref<!tpu.dma_semaphore, #tpu.memory_space<semaphore_mem>>) src(%arg18 : memref<32x768xf32, #tpu.memory_space<vmem>>) dst(%dma_wait3A_1213 : memref<16384x768xf32, #tpu.memory_space<hbm>>)
    %add3A_1214 = arith.constant 8192 : i32
    %add3A_1215 = arith.addi %add3A_1214, %mul3A_2 : i32
    %add3A_1216 = arith.constant 192 : i32
    %add3A_1217 = arith.addi %add3A_1215, %add3A_1216 : i32
    %dma_wait3A_1218 = tpu.memref_slice %arg5[%add3A_1149] : memref<16384xi32, #tpu.memory_space<hbm>> -> memref<32xi32, #tpu.memory_space<hbm>>
    %dma_wait3A_1219 = tpu.memref_slice %arg5[%add3A_1149] : memref<16384xi32, #tpu.memory_space<hbm>> -> memref<32xi32, #tpu.memory_space<hbm>>
    tpu.wait_dma2 semaphore(%arg20 : memref<!tpu.dma_semaphore, #tpu.memory_space<semaphore_mem>>) src(%dma_wait3A_1219 : memref<32xi32, #tpu.memory_space<hbm>>) dst(%arg10 : memref<32xi32, #tpu.memory_space<vmem>>)
    %dma_wait3A_1220 = arith.constant 0 : i32
    %dma_wait3A_1221 = tpu.memref_slice %arg4[%add3A_1149, %dma_wait3A_1220] : memref<16384x768xf32, #tpu.memory_space<hbm>> -> memref<32x768xf32, #tpu.memory_space<hbm>>
    %dma_wait3A_1222 = arith.constant 0 : i32
    %dma_wait3A_1223 = tpu.memref_slice %arg4[%add3A_1149, %dma_wait3A_1222] : memref<16384x768xf32, #tpu.memory_space<hbm>> -> memref<32x768xf32, #tpu.memory_space<hbm>>
    tpu.wait_dma2 semaphore(%arg25 : memref<!tpu.dma_semaphore, #tpu.memory_space<semaphore_mem>>) src(%dma_wait3A_1223 : memref<32x768xf32, #tpu.memory_space<hbm>>) dst(%arg15 : memref<32x768xf32, #tpu.memory_space<vmem>>)
    %dma_start3A_1224 = arith.constant 0 : i32
    %dma_start3A_1225 = arith.constant 0 : i32
    %dma_start3A_1226 = tpu.memref_slice %arg8[%dma_start3A_1224, %dma_start3A_1225] : memref<16384x768xf32, #tpu.memory_space<hbm>> -> memref<16384x768xf32, #tpu.memory_space<hbm>>
    tpu.enqueue_indirect_dma source(%arg15 : memref<32x768xf32, #tpu.memory_space<vmem>>) target(%dma_start3A_1226 : memref<16384x768xf32, #tpu.memory_space<hbm>>) offsets(%arg10 : memref<32xi32, #tpu.memory_space<vmem>>) semaphore(%arg30 : memref<!tpu.dma_semaphore, #tpu.memory_space<semaphore_mem>>)
    %dma_wait3A_1227 = arith.constant 0 : i32
    %dma_wait3A_1228 = arith.constant 0 : i32
    %dma_wait3A_1229 = tpu.memref_slice %arg8[%dma_wait3A_1227, %dma_wait3A_1228] : memref<16384x768xf32, #tpu.memory_space<hbm>> -> memref<16384x768xf32, #tpu.memory_space<hbm>>
    tpu.wait_indirect_dma semaphore(%arg29 : memref<!tpu.dma_semaphore, #tpu.memory_space<semaphore_mem>>) src(%arg14 : memref<32x768xf32, #tpu.memory_space<vmem>>) dst(%dma_wait3A_1229 : memref<16384x768xf32, #tpu.memory_space<hbm>>)
    %add3A_1230 = arith.constant 8192 : i32
    %add3A_1231 = arith.addi %add3A_1230, %mul3A_2 : i32
    %add3A_1232 = arith.constant 224 : i32
    %add3A_1233 = arith.addi %add3A_1231, %add3A_1232 : i32
    %dma_wait3A_1234 = tpu.memref_slice %arg5[%add3A_1175] : memref<16384xi32, #tpu.memory_space<hbm>> -> memref<32xi32, #tpu.memory_space<hbm>>
    %dma_wait3A_1235 = tpu.memref_slice %arg5[%add3A_1175] : memref<16384xi32, #tpu.memory_space<hbm>> -> memref<32xi32, #tpu.memory_space<hbm>>
    tpu.wait_dma2 semaphore(%arg21 : memref<!tpu.dma_semaphore, #tpu.memory_space<semaphore_mem>>) src(%dma_wait3A_1235 : memref<32xi32, #tpu.memory_space<hbm>>) dst(%arg11 : memref<32xi32, #tpu.memory_space<vmem>>)
    %dma_wait3A_1236 = arith.constant 0 : i32
    %dma_wait3A_1237 = tpu.memref_slice %arg4[%add3A_1175, %dma_wait3A_1236] : memref<16384x768xf32, #tpu.memory_space<hbm>> -> memref<32x768xf32, #tpu.memory_space<hbm>>
    %dma_wait3A_1238 = arith.constant 0 : i32
    %dma_wait3A_1239 = tpu.memref_slice %arg4[%add3A_1175, %dma_wait3A_1238] : memref<16384x768xf32, #tpu.memory_space<hbm>> -> memref<32x768xf32, #tpu.memory_space<hbm>>
    tpu.wait_dma2 semaphore(%arg26 : memref<!tpu.dma_semaphore, #tpu.memory_space<semaphore_mem>>) src(%dma_wait3A_1239 : memref<32x768xf32, #tpu.memory_space<hbm>>) dst(%arg16 : memref<32x768xf32, #tpu.memory_space<vmem>>)
    %dma_start3A_1240 = arith.constant 0 : i32
    %dma_start3A_1241 = arith.constant 0 : i32
    %dma_start3A_1242 = tpu.memref_slice %arg8[%dma_start3A_1240, %dma_start3A_1241] : memref<16384x768xf32, #tpu.memory_space<hbm>> -> memref<16384x768xf32, #tpu.memory_space<hbm>>
    tpu.enqueue_indirect_dma source(%arg16 : memref<32x768xf32, #tpu.memory_space<vmem>>) target(%dma_start3A_1242 : memref<16384x768xf32, #tpu.memory_space<hbm>>) offsets(%arg11 : memref<32xi32, #tpu.memory_space<vmem>>) semaphore(%arg31 : memref<!tpu.dma_semaphore, #tpu.memory_space<semaphore_mem>>)
    %dma_wait3A_1243 = arith.constant 0 : i32
    %dma_wait3A_1244 = arith.constant 0 : i32
    %dma_wait3A_1245 = tpu.memref_slice %arg8[%dma_wait3A_1243, %dma_wait3A_1244] : memref<16384x768xf32, #tpu.memory_space<hbm>> -> memref<16384x768xf32, #tpu.memory_space<hbm>>
    tpu.wait_indirect_dma semaphore(%arg30 : memref<!tpu.dma_semaphore, #tpu.memory_space<semaphore_mem>>) src(%arg15 : memref<32x768xf32, #tpu.memory_space<vmem>>) dst(%dma_wait3A_1245 : memref<16384x768xf32, #tpu.memory_space<hbm>>)
    %dma_wait3A_1246 = arith.constant 0 : i32
    %dma_wait3A_1247 = arith.constant 0 : i32
    %dma_wait3A_1248 = tpu.memref_slice %arg8[%dma_wait3A_1246, %dma_wait3A_1247] : memref<16384x768xf32, #tpu.memory_space<hbm>> -> memref<16384x768xf32, #tpu.memory_space<hbm>>
    tpu.wait_indirect_dma semaphore(%arg31 : memref<!tpu.dma_semaphore, #tpu.memory_space<semaphore_mem>>) src(%arg16 : memref<32x768xf32, #tpu.memory_space<vmem>>) dst(%dma_wait3A_1248 : memref<16384x768xf32, #tpu.memory_space<hbm>>)
    return
  }
}

module attributes {stable_mosaic.version = 14 : i64} {
  func.func @_perm_body(%arg0: i32, %arg1: memref<1x1x8192xi32, #tpu.memory_space<vmem>>, %arg2: memref<1x1x8192xi32, #tpu.memory_space<vmem>>) attributes {dimension_semantics = [#tpu.dimension_semantics<arbitrary>], iteration_bounds = array<i64: 2>, scalar_prefetch = 0 : i64, scratch_operands = 0 : i64, tpu.core_type = #tpu.core_type<tc>, window_params = [{transform_indices = @transform_0, window_bounds = array<i64: 1, 1, 8192>}, {transform_indices = @transform_1, window_bounds = array<i64: 1, 1, 8192>}]} {
    %get3A = arith.constant 0 : index
    %get3A_0 = arith.constant 0 : index
    %get3A_1 = arith.constant 0 : index
    %get3A_2 = vector.load %arg1[%get3A, %get3A_0, %get3A_1] : memref<1x1x8192xi32, #tpu.memory_space<vmem>>, vector<1x1x8192xi32>
    %get3A_3 = vector.shape_cast %get3A_2 : vector<1x1x8192xi32> to vector<8192xi32>
    %iota3A = tpu.iota {dimensions = array<i32: 0>} : vector<64x8192xi32>
    %broadcast_in_dim3A = vector.shape_cast %get3A_3 : vector<8192xi32> to vector<1x8192xi32>
    %eq3A = vector.broadcast %broadcast_in_dim3A : vector<1x8192xi32> to vector<64x8192xi32>
    %eq3A_4 = arith.cmpi eq, %iota3A, %eq3A : vector<64x8192xi32>
    %jit3A = arith.constant 1.000000e+00 : f32
    %jit3A_5 = arith.constant 0.000000e+00 : f32
    %broadcast_in_dim3A_6 = vector.broadcast %jit3A : f32 to vector<64x8192xf32>
    %broadcast_in_dim3A_7 = vector.broadcast %jit3A_5 : f32 to vector<64x8192xf32>
    %select_n3A = arith.select %eq3A_4, %broadcast_in_dim3A_6, %broadcast_in_dim3A_7 : vector<64x8192xi1>, vector<64x8192xf32>
    %iota3A_8 = tpu.iota {dimensions = array<i32: 0>} : vector<256x256xi32>
    %iota3A_9 = tpu.iota {dimensions = array<i32: 1>} : vector<256x256xi32>
    %le3A = arith.cmpi sle, %iota3A_8, %iota3A_9 : vector<256x256xi32>
    %jit3A_10 = arith.constant 1.000000e+00 : f32
    %jit3A_11 = arith.constant 0.000000e+00 : f32
    %broadcast_in_dim3A_12 = vector.broadcast %jit3A_10 : f32 to vector<256x256xf32>
    %broadcast_in_dim3A_13 = vector.broadcast %jit3A_11 : f32 to vector<256x256xf32>
    %select_n3A_14 = arith.select %le3A, %broadcast_in_dim3A_12, %broadcast_in_dim3A_13 : vector<256x256xi1>, vector<256x256xf32>
    %iota3A_15 = tpu.iota {dimensions = array<i32: 1>} : vector<64x256xi32>
    %eq3A_16 = arith.constant 255 : i32
    %eq3A_17 = vector.broadcast %eq3A_16 : i32 to vector<64x256xi32>
    %eq3A_18 = arith.cmpi eq, %iota3A_15, %eq3A_17 : vector<64x256xi32>
    %broadcast_in_dim3A_19 = arith.constant 0.000000e+00 : f32
    %broadcast_in_dim3A_20 = vector.broadcast %broadcast_in_dim3A_19 : f32 to vector<64x1xf32>
    %slice3A = vector.extract_strided_slice %select_n3A {offsets = [0, 0], sizes = [64, 256], strides = [1, 1]} : vector<64x8192xf32> to vector<64x256xf32>
    %dot_general3A = arith.constant dense<0.000000e+00> : vector<64x256xf32>
    %dot_general3A_21 = tpu.matmul %slice3A, %select_n3A_14, %dot_general3A {dimension_numbers = #tpu.dot_dimension_numbers<[1], [0], [0], [1], [0, 0, 1, 1], [], []>, transpose_lhs_hint = false} : vector<64x256xf32>, vector<256x256xf32>, vector<64x256xf32> -> vector<64x256xf32>
    %add3A = vector.broadcast %broadcast_in_dim3A_20 : vector<64x1xf32> to vector<64x256xf32>
    %add3A_22 = arith.addf %dot_general3A_21, %add3A : vector<64x256xf32>
    %jit3A_23 = arith.constant 0.000000e+00 : f32
    %broadcast_in_dim3A_24 = vector.broadcast %jit3A_23 : f32 to vector<64x256xf32>
    %select_n3A_25 = arith.select %eq3A_18, %add3A_22, %broadcast_in_dim3A_24 : vector<64x256xi1>, vector<64x256xf32>
    %reduce_sum3A = arith.constant dense<0.000000e+00> : vector<64xf32>
    %reduce_sum3A_26 = vector.multi_reduction <add>, %select_n3A_25, %reduce_sum3A [1] : vector<64x256xf32> to vector<64xf32>
    %broadcast_in_dim3A_27 = vector.shape_cast %reduce_sum3A_26 : vector<64xf32> to vector<64x1xf32>
    %slice3A_28 = vector.extract_strided_slice %select_n3A {offsets = [0, 256], sizes = [64, 256], strides = [1, 1]} : vector<64x8192xf32> to vector<64x256xf32>
    %dot_general3A_29 = arith.constant dense<0.000000e+00> : vector<64x256xf32>
    %dot_general3A_30 = tpu.matmul %slice3A_28, %select_n3A_14, %dot_general3A_29 {dimension_numbers = #tpu.dot_dimension_numbers<[1], [0], [0], [1], [0, 0, 1, 1], [], []>, transpose_lhs_hint = false} : vector<64x256xf32>, vector<256x256xf32>, vector<64x256xf32> -> vector<64x256xf32>
    %add3A_31 = vector.broadcast %broadcast_in_dim3A_27 : vector<64x1xf32> to vector<64x256xf32>
    %add3A_32 = arith.addf %dot_general3A_30, %add3A_31 : vector<64x256xf32>
    %jit3A_33 = arith.constant 0.000000e+00 : f32
    %broadcast_in_dim3A_34 = vector.broadcast %jit3A_33 : f32 to vector<64x256xf32>
    %select_n3A_35 = arith.select %eq3A_18, %add3A_32, %broadcast_in_dim3A_34 : vector<64x256xi1>, vector<64x256xf32>
    %reduce_sum3A_36 = arith.constant dense<0.000000e+00> : vector<64xf32>
    %reduce_sum3A_37 = vector.multi_reduction <add>, %select_n3A_35, %reduce_sum3A_36 [1] : vector<64x256xf32> to vector<64xf32>
    %broadcast_in_dim3A_38 = vector.shape_cast %reduce_sum3A_37 : vector<64xf32> to vector<64x1xf32>
    %slice3A_39 = vector.extract_strided_slice %select_n3A {offsets = [0, 512], sizes = [64, 256], strides = [1, 1]} : vector<64x8192xf32> to vector<64x256xf32>
    %dot_general3A_40 = arith.constant dense<0.000000e+00> : vector<64x256xf32>
    %dot_general3A_41 = tpu.matmul %slice3A_39, %select_n3A_14, %dot_general3A_40 {dimension_numbers = #tpu.dot_dimension_numbers<[1], [0], [0], [1], [0, 0, 1, 1], [], []>, transpose_lhs_hint = false} : vector<64x256xf32>, vector<256x256xf32>, vector<64x256xf32> -> vector<64x256xf32>
    %add3A_42 = vector.broadcast %broadcast_in_dim3A_38 : vector<64x1xf32> to vector<64x256xf32>
    %add3A_43 = arith.addf %dot_general3A_41, %add3A_42 : vector<64x256xf32>
    %jit3A_44 = arith.constant 0.000000e+00 : f32
    %broadcast_in_dim3A_45 = vector.broadcast %jit3A_44 : f32 to vector<64x256xf32>
    %select_n3A_46 = arith.select %eq3A_18, %add3A_43, %broadcast_in_dim3A_45 : vector<64x256xi1>, vector<64x256xf32>
    %reduce_sum3A_47 = arith.constant dense<0.000000e+00> : vector<64xf32>
    %reduce_sum3A_48 = vector.multi_reduction <add>, %select_n3A_46, %reduce_sum3A_47 [1] : vector<64x256xf32> to vector<64xf32>
    %broadcast_in_dim3A_49 = vector.shape_cast %reduce_sum3A_48 : vector<64xf32> to vector<64x1xf32>
    %slice3A_50 = vector.extract_strided_slice %select_n3A {offsets = [0, 768], sizes = [64, 256], strides = [1, 1]} : vector<64x8192xf32> to vector<64x256xf32>
    %dot_general3A_51 = arith.constant dense<0.000000e+00> : vector<64x256xf32>
    %dot_general3A_52 = tpu.matmul %slice3A_50, %select_n3A_14, %dot_general3A_51 {dimension_numbers = #tpu.dot_dimension_numbers<[1], [0], [0], [1], [0, 0, 1, 1], [], []>, transpose_lhs_hint = false} : vector<64x256xf32>, vector<256x256xf32>, vector<64x256xf32> -> vector<64x256xf32>
    %add3A_53 = vector.broadcast %broadcast_in_dim3A_49 : vector<64x1xf32> to vector<64x256xf32>
    %add3A_54 = arith.addf %dot_general3A_52, %add3A_53 : vector<64x256xf32>
    %jit3A_55 = arith.constant 0.000000e+00 : f32
    %broadcast_in_dim3A_56 = vector.broadcast %jit3A_55 : f32 to vector<64x256xf32>
    %select_n3A_57 = arith.select %eq3A_18, %add3A_54, %broadcast_in_dim3A_56 : vector<64x256xi1>, vector<64x256xf32>
    %reduce_sum3A_58 = arith.constant dense<0.000000e+00> : vector<64xf32>
    %reduce_sum3A_59 = vector.multi_reduction <add>, %select_n3A_57, %reduce_sum3A_58 [1] : vector<64x256xf32> to vector<64xf32>
    %broadcast_in_dim3A_60 = vector.shape_cast %reduce_sum3A_59 : vector<64xf32> to vector<64x1xf32>
    %slice3A_61 = vector.extract_strided_slice %select_n3A {offsets = [0, 1024], sizes = [64, 256], strides = [1, 1]} : vector<64x8192xf32> to vector<64x256xf32>
    %dot_general3A_62 = arith.constant dense<0.000000e+00> : vector<64x256xf32>
    %dot_general3A_63 = tpu.matmul %slice3A_61, %select_n3A_14, %dot_general3A_62 {dimension_numbers = #tpu.dot_dimension_numbers<[1], [0], [0], [1], [0, 0, 1, 1], [], []>, transpose_lhs_hint = false} : vector<64x256xf32>, vector<256x256xf32>, vector<64x256xf32> -> vector<64x256xf32>
    %add3A_64 = vector.broadcast %broadcast_in_dim3A_60 : vector<64x1xf32> to vector<64x256xf32>
    %add3A_65 = arith.addf %dot_general3A_63, %add3A_64 : vector<64x256xf32>
    %jit3A_66 = arith.constant 0.000000e+00 : f32
    %broadcast_in_dim3A_67 = vector.broadcast %jit3A_66 : f32 to vector<64x256xf32>
    %select_n3A_68 = arith.select %eq3A_18, %add3A_65, %broadcast_in_dim3A_67 : vector<64x256xi1>, vector<64x256xf32>
    %reduce_sum3A_69 = arith.constant dense<0.000000e+00> : vector<64xf32>
    %reduce_sum3A_70 = vector.multi_reduction <add>, %select_n3A_68, %reduce_sum3A_69 [1] : vector<64x256xf32> to vector<64xf32>
    %broadcast_in_dim3A_71 = vector.shape_cast %reduce_sum3A_70 : vector<64xf32> to vector<64x1xf32>
    %slice3A_72 = vector.extract_strided_slice %select_n3A {offsets = [0, 1280], sizes = [64, 256], strides = [1, 1]} : vector<64x8192xf32> to vector<64x256xf32>
    %dot_general3A_73 = arith.constant dense<0.000000e+00> : vector<64x256xf32>
    %dot_general3A_74 = tpu.matmul %slice3A_72, %select_n3A_14, %dot_general3A_73 {dimension_numbers = #tpu.dot_dimension_numbers<[1], [0], [0], [1], [0, 0, 1, 1], [], []>, transpose_lhs_hint = false} : vector<64x256xf32>, vector<256x256xf32>, vector<64x256xf32> -> vector<64x256xf32>
    %add3A_75 = vector.broadcast %broadcast_in_dim3A_71 : vector<64x1xf32> to vector<64x256xf32>
    %add3A_76 = arith.addf %dot_general3A_74, %add3A_75 : vector<64x256xf32>
    %jit3A_77 = arith.constant 0.000000e+00 : f32
    %broadcast_in_dim3A_78 = vector.broadcast %jit3A_77 : f32 to vector<64x256xf32>
    %select_n3A_79 = arith.select %eq3A_18, %add3A_76, %broadcast_in_dim3A_78 : vector<64x256xi1>, vector<64x256xf32>
    %reduce_sum3A_80 = arith.constant dense<0.000000e+00> : vector<64xf32>
    %reduce_sum3A_81 = vector.multi_reduction <add>, %select_n3A_79, %reduce_sum3A_80 [1] : vector<64x256xf32> to vector<64xf32>
    %broadcast_in_dim3A_82 = vector.shape_cast %reduce_sum3A_81 : vector<64xf32> to vector<64x1xf32>
    %slice3A_83 = vector.extract_strided_slice %select_n3A {offsets = [0, 1536], sizes = [64, 256], strides = [1, 1]} : vector<64x8192xf32> to vector<64x256xf32>
    %dot_general3A_84 = arith.constant dense<0.000000e+00> : vector<64x256xf32>
    %dot_general3A_85 = tpu.matmul %slice3A_83, %select_n3A_14, %dot_general3A_84 {dimension_numbers = #tpu.dot_dimension_numbers<[1], [0], [0], [1], [0, 0, 1, 1], [], []>, transpose_lhs_hint = false} : vector<64x256xf32>, vector<256x256xf32>, vector<64x256xf32> -> vector<64x256xf32>
    %add3A_86 = vector.broadcast %broadcast_in_dim3A_82 : vector<64x1xf32> to vector<64x256xf32>
    %add3A_87 = arith.addf %dot_general3A_85, %add3A_86 : vector<64x256xf32>
    %jit3A_88 = arith.constant 0.000000e+00 : f32
    %broadcast_in_dim3A_89 = vector.broadcast %jit3A_88 : f32 to vector<64x256xf32>
    %select_n3A_90 = arith.select %eq3A_18, %add3A_87, %broadcast_in_dim3A_89 : vector<64x256xi1>, vector<64x256xf32>
    %reduce_sum3A_91 = arith.constant dense<0.000000e+00> : vector<64xf32>
    %reduce_sum3A_92 = vector.multi_reduction <add>, %select_n3A_90, %reduce_sum3A_91 [1] : vector<64x256xf32> to vector<64xf32>
    %broadcast_in_dim3A_93 = vector.shape_cast %reduce_sum3A_92 : vector<64xf32> to vector<64x1xf32>
    %slice3A_94 = vector.extract_strided_slice %select_n3A {offsets = [0, 1792], sizes = [64, 256], strides = [1, 1]} : vector<64x8192xf32> to vector<64x256xf32>
    %dot_general3A_95 = arith.constant dense<0.000000e+00> : vector<64x256xf32>
    %dot_general3A_96 = tpu.matmul %slice3A_94, %select_n3A_14, %dot_general3A_95 {dimension_numbers = #tpu.dot_dimension_numbers<[1], [0], [0], [1], [0, 0, 1, 1], [], []>, transpose_lhs_hint = false} : vector<64x256xf32>, vector<256x256xf32>, vector<64x256xf32> -> vector<64x256xf32>
    %add3A_97 = vector.broadcast %broadcast_in_dim3A_93 : vector<64x1xf32> to vector<64x256xf32>
    %add3A_98 = arith.addf %dot_general3A_96, %add3A_97 : vector<64x256xf32>
    %jit3A_99 = arith.constant 0.000000e+00 : f32
    %broadcast_in_dim3A_100 = vector.broadcast %jit3A_99 : f32 to vector<64x256xf32>
    %select_n3A_101 = arith.select %eq3A_18, %add3A_98, %broadcast_in_dim3A_100 : vector<64x256xi1>, vector<64x256xf32>
    %reduce_sum3A_102 = arith.constant dense<0.000000e+00> : vector<64xf32>
    %reduce_sum3A_103 = vector.multi_reduction <add>, %select_n3A_101, %reduce_sum3A_102 [1] : vector<64x256xf32> to vector<64xf32>
    %broadcast_in_dim3A_104 = vector.shape_cast %reduce_sum3A_103 : vector<64xf32> to vector<64x1xf32>
    %slice3A_105 = vector.extract_strided_slice %select_n3A {offsets = [0, 2048], sizes = [64, 256], strides = [1, 1]} : vector<64x8192xf32> to vector<64x256xf32>
    %dot_general3A_106 = arith.constant dense<0.000000e+00> : vector<64x256xf32>
    %dot_general3A_107 = tpu.matmul %slice3A_105, %select_n3A_14, %dot_general3A_106 {dimension_numbers = #tpu.dot_dimension_numbers<[1], [0], [0], [1], [0, 0, 1, 1], [], []>, transpose_lhs_hint = false} : vector<64x256xf32>, vector<256x256xf32>, vector<64x256xf32> -> vector<64x256xf32>
    %add3A_108 = vector.broadcast %broadcast_in_dim3A_104 : vector<64x1xf32> to vector<64x256xf32>
    %add3A_109 = arith.addf %dot_general3A_107, %add3A_108 : vector<64x256xf32>
    %jit3A_110 = arith.constant 0.000000e+00 : f32
    %broadcast_in_dim3A_111 = vector.broadcast %jit3A_110 : f32 to vector<64x256xf32>
    %select_n3A_112 = arith.select %eq3A_18, %add3A_109, %broadcast_in_dim3A_111 : vector<64x256xi1>, vector<64x256xf32>
    %reduce_sum3A_113 = arith.constant dense<0.000000e+00> : vector<64xf32>
    %reduce_sum3A_114 = vector.multi_reduction <add>, %select_n3A_112, %reduce_sum3A_113 [1] : vector<64x256xf32> to vector<64xf32>
    %broadcast_in_dim3A_115 = vector.shape_cast %reduce_sum3A_114 : vector<64xf32> to vector<64x1xf32>
    %slice3A_116 = vector.extract_strided_slice %select_n3A {offsets = [0, 2304], sizes = [64, 256], strides = [1, 1]} : vector<64x8192xf32> to vector<64x256xf32>
    %dot_general3A_117 = arith.constant dense<0.000000e+00> : vector<64x256xf32>
    %dot_general3A_118 = tpu.matmul %slice3A_116, %select_n3A_14, %dot_general3A_117 {dimension_numbers = #tpu.dot_dimension_numbers<[1], [0], [0], [1], [0, 0, 1, 1], [], []>, transpose_lhs_hint = false} : vector<64x256xf32>, vector<256x256xf32>, vector<64x256xf32> -> vector<64x256xf32>
    %add3A_119 = vector.broadcast %broadcast_in_dim3A_115 : vector<64x1xf32> to vector<64x256xf32>
    %add3A_120 = arith.addf %dot_general3A_118, %add3A_119 : vector<64x256xf32>
    %jit3A_121 = arith.constant 0.000000e+00 : f32
    %broadcast_in_dim3A_122 = vector.broadcast %jit3A_121 : f32 to vector<64x256xf32>
    %select_n3A_123 = arith.select %eq3A_18, %add3A_120, %broadcast_in_dim3A_122 : vector<64x256xi1>, vector<64x256xf32>
    %reduce_sum3A_124 = arith.constant dense<0.000000e+00> : vector<64xf32>
    %reduce_sum3A_125 = vector.multi_reduction <add>, %select_n3A_123, %reduce_sum3A_124 [1] : vector<64x256xf32> to vector<64xf32>
    %broadcast_in_dim3A_126 = vector.shape_cast %reduce_sum3A_125 : vector<64xf32> to vector<64x1xf32>
    %slice3A_127 = vector.extract_strided_slice %select_n3A {offsets = [0, 2560], sizes = [64, 256], strides = [1, 1]} : vector<64x8192xf32> to vector<64x256xf32>
    %dot_general3A_128 = arith.constant dense<0.000000e+00> : vector<64x256xf32>
    %dot_general3A_129 = tpu.matmul %slice3A_127, %select_n3A_14, %dot_general3A_128 {dimension_numbers = #tpu.dot_dimension_numbers<[1], [0], [0], [1], [0, 0, 1, 1], [], []>, transpose_lhs_hint = false} : vector<64x256xf32>, vector<256x256xf32>, vector<64x256xf32> -> vector<64x256xf32>
    %add3A_130 = vector.broadcast %broadcast_in_dim3A_126 : vector<64x1xf32> to vector<64x256xf32>
    %add3A_131 = arith.addf %dot_general3A_129, %add3A_130 : vector<64x256xf32>
    %jit3A_132 = arith.constant 0.000000e+00 : f32
    %broadcast_in_dim3A_133 = vector.broadcast %jit3A_132 : f32 to vector<64x256xf32>
    %select_n3A_134 = arith.select %eq3A_18, %add3A_131, %broadcast_in_dim3A_133 : vector<64x256xi1>, vector<64x256xf32>
    %reduce_sum3A_135 = arith.constant dense<0.000000e+00> : vector<64xf32>
    %reduce_sum3A_136 = vector.multi_reduction <add>, %select_n3A_134, %reduce_sum3A_135 [1] : vector<64x256xf32> to vector<64xf32>
    %broadcast_in_dim3A_137 = vector.shape_cast %reduce_sum3A_136 : vector<64xf32> to vector<64x1xf32>
    %slice3A_138 = vector.extract_strided_slice %select_n3A {offsets = [0, 2816], sizes = [64, 256], strides = [1, 1]} : vector<64x8192xf32> to vector<64x256xf32>
    %dot_general3A_139 = arith.constant dense<0.000000e+00> : vector<64x256xf32>
    %dot_general3A_140 = tpu.matmul %slice3A_138, %select_n3A_14, %dot_general3A_139 {dimension_numbers = #tpu.dot_dimension_numbers<[1], [0], [0], [1], [0, 0, 1, 1], [], []>, transpose_lhs_hint = false} : vector<64x256xf32>, vector<256x256xf32>, vector<64x256xf32> -> vector<64x256xf32>
    %add3A_141 = vector.broadcast %broadcast_in_dim3A_137 : vector<64x1xf32> to vector<64x256xf32>
    %add3A_142 = arith.addf %dot_general3A_140, %add3A_141 : vector<64x256xf32>
    %jit3A_143 = arith.constant 0.000000e+00 : f32
    %broadcast_in_dim3A_144 = vector.broadcast %jit3A_143 : f32 to vector<64x256xf32>
    %select_n3A_145 = arith.select %eq3A_18, %add3A_142, %broadcast_in_dim3A_144 : vector<64x256xi1>, vector<64x256xf32>
    %reduce_sum3A_146 = arith.constant dense<0.000000e+00> : vector<64xf32>
    %reduce_sum3A_147 = vector.multi_reduction <add>, %select_n3A_145, %reduce_sum3A_146 [1] : vector<64x256xf32> to vector<64xf32>
    %broadcast_in_dim3A_148 = vector.shape_cast %reduce_sum3A_147 : vector<64xf32> to vector<64x1xf32>
    %slice3A_149 = vector.extract_strided_slice %select_n3A {offsets = [0, 3072], sizes = [64, 256], strides = [1, 1]} : vector<64x8192xf32> to vector<64x256xf32>
    %dot_general3A_150 = arith.constant dense<0.000000e+00> : vector<64x256xf32>
    %dot_general3A_151 = tpu.matmul %slice3A_149, %select_n3A_14, %dot_general3A_150 {dimension_numbers = #tpu.dot_dimension_numbers<[1], [0], [0], [1], [0, 0, 1, 1], [], []>, transpose_lhs_hint = false} : vector<64x256xf32>, vector<256x256xf32>, vector<64x256xf32> -> vector<64x256xf32>
    %add3A_152 = vector.broadcast %broadcast_in_dim3A_148 : vector<64x1xf32> to vector<64x256xf32>
    %add3A_153 = arith.addf %dot_general3A_151, %add3A_152 : vector<64x256xf32>
    %jit3A_154 = arith.constant 0.000000e+00 : f32
    %broadcast_in_dim3A_155 = vector.broadcast %jit3A_154 : f32 to vector<64x256xf32>
    %select_n3A_156 = arith.select %eq3A_18, %add3A_153, %broadcast_in_dim3A_155 : vector<64x256xi1>, vector<64x256xf32>
    %reduce_sum3A_157 = arith.constant dense<0.000000e+00> : vector<64xf32>
    %reduce_sum3A_158 = vector.multi_reduction <add>, %select_n3A_156, %reduce_sum3A_157 [1] : vector<64x256xf32> to vector<64xf32>
    %broadcast_in_dim3A_159 = vector.shape_cast %reduce_sum3A_158 : vector<64xf32> to vector<64x1xf32>
    %slice3A_160 = vector.extract_strided_slice %select_n3A {offsets = [0, 3328], sizes = [64, 256], strides = [1, 1]} : vector<64x8192xf32> to vector<64x256xf32>
    %dot_general3A_161 = arith.constant dense<0.000000e+00> : vector<64x256xf32>
    %dot_general3A_162 = tpu.matmul %slice3A_160, %select_n3A_14, %dot_general3A_161 {dimension_numbers = #tpu.dot_dimension_numbers<[1], [0], [0], [1], [0, 0, 1, 1], [], []>, transpose_lhs_hint = false} : vector<64x256xf32>, vector<256x256xf32>, vector<64x256xf32> -> vector<64x256xf32>
    %add3A_163 = vector.broadcast %broadcast_in_dim3A_159 : vector<64x1xf32> to vector<64x256xf32>
    %add3A_164 = arith.addf %dot_general3A_162, %add3A_163 : vector<64x256xf32>
    %jit3A_165 = arith.constant 0.000000e+00 : f32
    %broadcast_in_dim3A_166 = vector.broadcast %jit3A_165 : f32 to vector<64x256xf32>
    %select_n3A_167 = arith.select %eq3A_18, %add3A_164, %broadcast_in_dim3A_166 : vector<64x256xi1>, vector<64x256xf32>
    %reduce_sum3A_168 = arith.constant dense<0.000000e+00> : vector<64xf32>
    %reduce_sum3A_169 = vector.multi_reduction <add>, %select_n3A_167, %reduce_sum3A_168 [1] : vector<64x256xf32> to vector<64xf32>
    %broadcast_in_dim3A_170 = vector.shape_cast %reduce_sum3A_169 : vector<64xf32> to vector<64x1xf32>
    %slice3A_171 = vector.extract_strided_slice %select_n3A {offsets = [0, 3584], sizes = [64, 256], strides = [1, 1]} : vector<64x8192xf32> to vector<64x256xf32>
    %dot_general3A_172 = arith.constant dense<0.000000e+00> : vector<64x256xf32>
    %dot_general3A_173 = tpu.matmul %slice3A_171, %select_n3A_14, %dot_general3A_172 {dimension_numbers = #tpu.dot_dimension_numbers<[1], [0], [0], [1], [0, 0, 1, 1], [], []>, transpose_lhs_hint = false} : vector<64x256xf32>, vector<256x256xf32>, vector<64x256xf32> -> vector<64x256xf32>
    %add3A_174 = vector.broadcast %broadcast_in_dim3A_170 : vector<64x1xf32> to vector<64x256xf32>
    %add3A_175 = arith.addf %dot_general3A_173, %add3A_174 : vector<64x256xf32>
    %jit3A_176 = arith.constant 0.000000e+00 : f32
    %broadcast_in_dim3A_177 = vector.broadcast %jit3A_176 : f32 to vector<64x256xf32>
    %select_n3A_178 = arith.select %eq3A_18, %add3A_175, %broadcast_in_dim3A_177 : vector<64x256xi1>, vector<64x256xf32>
    %reduce_sum3A_179 = arith.constant dense<0.000000e+00> : vector<64xf32>
    %reduce_sum3A_180 = vector.multi_reduction <add>, %select_n3A_178, %reduce_sum3A_179 [1] : vector<64x256xf32> to vector<64xf32>
    %broadcast_in_dim3A_181 = vector.shape_cast %reduce_sum3A_180 : vector<64xf32> to vector<64x1xf32>
    %slice3A_182 = vector.extract_strided_slice %select_n3A {offsets = [0, 3840], sizes = [64, 256], strides = [1, 1]} : vector<64x8192xf32> to vector<64x256xf32>
    %dot_general3A_183 = arith.constant dense<0.000000e+00> : vector<64x256xf32>
    %dot_general3A_184 = tpu.matmul %slice3A_182, %select_n3A_14, %dot_general3A_183 {dimension_numbers = #tpu.dot_dimension_numbers<[1], [0], [0], [1], [0, 0, 1, 1], [], []>, transpose_lhs_hint = false} : vector<64x256xf32>, vector<256x256xf32>, vector<64x256xf32> -> vector<64x256xf32>
    %add3A_185 = vector.broadcast %broadcast_in_dim3A_181 : vector<64x1xf32> to vector<64x256xf32>
    %add3A_186 = arith.addf %dot_general3A_184, %add3A_185 : vector<64x256xf32>
    %jit3A_187 = arith.constant 0.000000e+00 : f32
    %broadcast_in_dim3A_188 = vector.broadcast %jit3A_187 : f32 to vector<64x256xf32>
    %select_n3A_189 = arith.select %eq3A_18, %add3A_186, %broadcast_in_dim3A_188 : vector<64x256xi1>, vector<64x256xf32>
    %reduce_sum3A_190 = arith.constant dense<0.000000e+00> : vector<64xf32>
    %reduce_sum3A_191 = vector.multi_reduction <add>, %select_n3A_189, %reduce_sum3A_190 [1] : vector<64x256xf32> to vector<64xf32>
    %broadcast_in_dim3A_192 = vector.shape_cast %reduce_sum3A_191 : vector<64xf32> to vector<64x1xf32>
    %slice3A_193 = vector.extract_strided_slice %select_n3A {offsets = [0, 4096], sizes = [64, 256], strides = [1, 1]} : vector<64x8192xf32> to vector<64x256xf32>
    %dot_general3A_194 = arith.constant dense<0.000000e+00> : vector<64x256xf32>
    %dot_general3A_195 = tpu.matmul %slice3A_193, %select_n3A_14, %dot_general3A_194 {dimension_numbers = #tpu.dot_dimension_numbers<[1], [0], [0], [1], [0, 0, 1, 1], [], []>, transpose_lhs_hint = false} : vector<64x256xf32>, vector<256x256xf32>, vector<64x256xf32> -> vector<64x256xf32>
    %add3A_196 = vector.broadcast %broadcast_in_dim3A_192 : vector<64x1xf32> to vector<64x256xf32>
    %add3A_197 = arith.addf %dot_general3A_195, %add3A_196 : vector<64x256xf32>
    %jit3A_198 = arith.constant 0.000000e+00 : f32
    %broadcast_in_dim3A_199 = vector.broadcast %jit3A_198 : f32 to vector<64x256xf32>
    %select_n3A_200 = arith.select %eq3A_18, %add3A_197, %broadcast_in_dim3A_199 : vector<64x256xi1>, vector<64x256xf32>
    %reduce_sum3A_201 = arith.constant dense<0.000000e+00> : vector<64xf32>
    %reduce_sum3A_202 = vector.multi_reduction <add>, %select_n3A_200, %reduce_sum3A_201 [1] : vector<64x256xf32> to vector<64xf32>
    %broadcast_in_dim3A_203 = vector.shape_cast %reduce_sum3A_202 : vector<64xf32> to vector<64x1xf32>
    %slice3A_204 = vector.extract_strided_slice %select_n3A {offsets = [0, 4352], sizes = [64, 256], strides = [1, 1]} : vector<64x8192xf32> to vector<64x256xf32>
    %dot_general3A_205 = arith.constant dense<0.000000e+00> : vector<64x256xf32>
    %dot_general3A_206 = tpu.matmul %slice3A_204, %select_n3A_14, %dot_general3A_205 {dimension_numbers = #tpu.dot_dimension_numbers<[1], [0], [0], [1], [0, 0, 1, 1], [], []>, transpose_lhs_hint = false} : vector<64x256xf32>, vector<256x256xf32>, vector<64x256xf32> -> vector<64x256xf32>
    %add3A_207 = vector.broadcast %broadcast_in_dim3A_203 : vector<64x1xf32> to vector<64x256xf32>
    %add3A_208 = arith.addf %dot_general3A_206, %add3A_207 : vector<64x256xf32>
    %jit3A_209 = arith.constant 0.000000e+00 : f32
    %broadcast_in_dim3A_210 = vector.broadcast %jit3A_209 : f32 to vector<64x256xf32>
    %select_n3A_211 = arith.select %eq3A_18, %add3A_208, %broadcast_in_dim3A_210 : vector<64x256xi1>, vector<64x256xf32>
    %reduce_sum3A_212 = arith.constant dense<0.000000e+00> : vector<64xf32>
    %reduce_sum3A_213 = vector.multi_reduction <add>, %select_n3A_211, %reduce_sum3A_212 [1] : vector<64x256xf32> to vector<64xf32>
    %broadcast_in_dim3A_214 = vector.shape_cast %reduce_sum3A_213 : vector<64xf32> to vector<64x1xf32>
    %slice3A_215 = vector.extract_strided_slice %select_n3A {offsets = [0, 4608], sizes = [64, 256], strides = [1, 1]} : vector<64x8192xf32> to vector<64x256xf32>
    %dot_general3A_216 = arith.constant dense<0.000000e+00> : vector<64x256xf32>
    %dot_general3A_217 = tpu.matmul %slice3A_215, %select_n3A_14, %dot_general3A_216 {dimension_numbers = #tpu.dot_dimension_numbers<[1], [0], [0], [1], [0, 0, 1, 1], [], []>, transpose_lhs_hint = false} : vector<64x256xf32>, vector<256x256xf32>, vector<64x256xf32> -> vector<64x256xf32>
    %add3A_218 = vector.broadcast %broadcast_in_dim3A_214 : vector<64x1xf32> to vector<64x256xf32>
    %add3A_219 = arith.addf %dot_general3A_217, %add3A_218 : vector<64x256xf32>
    %jit3A_220 = arith.constant 0.000000e+00 : f32
    %broadcast_in_dim3A_221 = vector.broadcast %jit3A_220 : f32 to vector<64x256xf32>
    %select_n3A_222 = arith.select %eq3A_18, %add3A_219, %broadcast_in_dim3A_221 : vector<64x256xi1>, vector<64x256xf32>
    %reduce_sum3A_223 = arith.constant dense<0.000000e+00> : vector<64xf32>
    %reduce_sum3A_224 = vector.multi_reduction <add>, %select_n3A_222, %reduce_sum3A_223 [1] : vector<64x256xf32> to vector<64xf32>
    %broadcast_in_dim3A_225 = vector.shape_cast %reduce_sum3A_224 : vector<64xf32> to vector<64x1xf32>
    %slice3A_226 = vector.extract_strided_slice %select_n3A {offsets = [0, 4864], sizes = [64, 256], strides = [1, 1]} : vector<64x8192xf32> to vector<64x256xf32>
    %dot_general3A_227 = arith.constant dense<0.000000e+00> : vector<64x256xf32>
    %dot_general3A_228 = tpu.matmul %slice3A_226, %select_n3A_14, %dot_general3A_227 {dimension_numbers = #tpu.dot_dimension_numbers<[1], [0], [0], [1], [0, 0, 1, 1], [], []>, transpose_lhs_hint = false} : vector<64x256xf32>, vector<256x256xf32>, vector<64x256xf32> -> vector<64x256xf32>
    %add3A_229 = vector.broadcast %broadcast_in_dim3A_225 : vector<64x1xf32> to vector<64x256xf32>
    %add3A_230 = arith.addf %dot_general3A_228, %add3A_229 : vector<64x256xf32>
    %jit3A_231 = arith.constant 0.000000e+00 : f32
    %broadcast_in_dim3A_232 = vector.broadcast %jit3A_231 : f32 to vector<64x256xf32>
    %select_n3A_233 = arith.select %eq3A_18, %add3A_230, %broadcast_in_dim3A_232 : vector<64x256xi1>, vector<64x256xf32>
    %reduce_sum3A_234 = arith.constant dense<0.000000e+00> : vector<64xf32>
    %reduce_sum3A_235 = vector.multi_reduction <add>, %select_n3A_233, %reduce_sum3A_234 [1] : vector<64x256xf32> to vector<64xf32>
    %broadcast_in_dim3A_236 = vector.shape_cast %reduce_sum3A_235 : vector<64xf32> to vector<64x1xf32>
    %slice3A_237 = vector.extract_strided_slice %select_n3A {offsets = [0, 5120], sizes = [64, 256], strides = [1, 1]} : vector<64x8192xf32> to vector<64x256xf32>
    %dot_general3A_238 = arith.constant dense<0.000000e+00> : vector<64x256xf32>
    %dot_general3A_239 = tpu.matmul %slice3A_237, %select_n3A_14, %dot_general3A_238 {dimension_numbers = #tpu.dot_dimension_numbers<[1], [0], [0], [1], [0, 0, 1, 1], [], []>, transpose_lhs_hint = false} : vector<64x256xf32>, vector<256x256xf32>, vector<64x256xf32> -> vector<64x256xf32>
    %add3A_240 = vector.broadcast %broadcast_in_dim3A_236 : vector<64x1xf32> to vector<64x256xf32>
    %add3A_241 = arith.addf %dot_general3A_239, %add3A_240 : vector<64x256xf32>
    %jit3A_242 = arith.constant 0.000000e+00 : f32
    %broadcast_in_dim3A_243 = vector.broadcast %jit3A_242 : f32 to vector<64x256xf32>
    %select_n3A_244 = arith.select %eq3A_18, %add3A_241, %broadcast_in_dim3A_243 : vector<64x256xi1>, vector<64x256xf32>
    %reduce_sum3A_245 = arith.constant dense<0.000000e+00> : vector<64xf32>
    %reduce_sum3A_246 = vector.multi_reduction <add>, %select_n3A_244, %reduce_sum3A_245 [1] : vector<64x256xf32> to vector<64xf32>
    %broadcast_in_dim3A_247 = vector.shape_cast %reduce_sum3A_246 : vector<64xf32> to vector<64x1xf32>
    %slice3A_248 = vector.extract_strided_slice %select_n3A {offsets = [0, 5376], sizes = [64, 256], strides = [1, 1]} : vector<64x8192xf32> to vector<64x256xf32>
    %dot_general3A_249 = arith.constant dense<0.000000e+00> : vector<64x256xf32>
    %dot_general3A_250 = tpu.matmul %slice3A_248, %select_n3A_14, %dot_general3A_249 {dimension_numbers = #tpu.dot_dimension_numbers<[1], [0], [0], [1], [0, 0, 1, 1], [], []>, transpose_lhs_hint = false} : vector<64x256xf32>, vector<256x256xf32>, vector<64x256xf32> -> vector<64x256xf32>
    %add3A_251 = vector.broadcast %broadcast_in_dim3A_247 : vector<64x1xf32> to vector<64x256xf32>
    %add3A_252 = arith.addf %dot_general3A_250, %add3A_251 : vector<64x256xf32>
    %jit3A_253 = arith.constant 0.000000e+00 : f32
    %broadcast_in_dim3A_254 = vector.broadcast %jit3A_253 : f32 to vector<64x256xf32>
    %select_n3A_255 = arith.select %eq3A_18, %add3A_252, %broadcast_in_dim3A_254 : vector<64x256xi1>, vector<64x256xf32>
    %reduce_sum3A_256 = arith.constant dense<0.000000e+00> : vector<64xf32>
    %reduce_sum3A_257 = vector.multi_reduction <add>, %select_n3A_255, %reduce_sum3A_256 [1] : vector<64x256xf32> to vector<64xf32>
    %broadcast_in_dim3A_258 = vector.shape_cast %reduce_sum3A_257 : vector<64xf32> to vector<64x1xf32>
    %slice3A_259 = vector.extract_strided_slice %select_n3A {offsets = [0, 5632], sizes = [64, 256], strides = [1, 1]} : vector<64x8192xf32> to vector<64x256xf32>
    %dot_general3A_260 = arith.constant dense<0.000000e+00> : vector<64x256xf32>
    %dot_general3A_261 = tpu.matmul %slice3A_259, %select_n3A_14, %dot_general3A_260 {dimension_numbers = #tpu.dot_dimension_numbers<[1], [0], [0], [1], [0, 0, 1, 1], [], []>, transpose_lhs_hint = false} : vector<64x256xf32>, vector<256x256xf32>, vector<64x256xf32> -> vector<64x256xf32>
    %add3A_262 = vector.broadcast %broadcast_in_dim3A_258 : vector<64x1xf32> to vector<64x256xf32>
    %add3A_263 = arith.addf %dot_general3A_261, %add3A_262 : vector<64x256xf32>
    %jit3A_264 = arith.constant 0.000000e+00 : f32
    %broadcast_in_dim3A_265 = vector.broadcast %jit3A_264 : f32 to vector<64x256xf32>
    %select_n3A_266 = arith.select %eq3A_18, %add3A_263, %broadcast_in_dim3A_265 : vector<64x256xi1>, vector<64x256xf32>
    %reduce_sum3A_267 = arith.constant dense<0.000000e+00> : vector<64xf32>
    %reduce_sum3A_268 = vector.multi_reduction <add>, %select_n3A_266, %reduce_sum3A_267 [1] : vector<64x256xf32> to vector<64xf32>
    %broadcast_in_dim3A_269 = vector.shape_cast %reduce_sum3A_268 : vector<64xf32> to vector<64x1xf32>
    %slice3A_270 = vector.extract_strided_slice %select_n3A {offsets = [0, 5888], sizes = [64, 256], strides = [1, 1]} : vector<64x8192xf32> to vector<64x256xf32>
    %dot_general3A_271 = arith.constant dense<0.000000e+00> : vector<64x256xf32>
    %dot_general3A_272 = tpu.matmul %slice3A_270, %select_n3A_14, %dot_general3A_271 {dimension_numbers = #tpu.dot_dimension_numbers<[1], [0], [0], [1], [0, 0, 1, 1], [], []>, transpose_lhs_hint = false} : vector<64x256xf32>, vector<256x256xf32>, vector<64x256xf32> -> vector<64x256xf32>
    %add3A_273 = vector.broadcast %broadcast_in_dim3A_269 : vector<64x1xf32> to vector<64x256xf32>
    %add3A_274 = arith.addf %dot_general3A_272, %add3A_273 : vector<64x256xf32>
    %jit3A_275 = arith.constant 0.000000e+00 : f32
    %broadcast_in_dim3A_276 = vector.broadcast %jit3A_275 : f32 to vector<64x256xf32>
    %select_n3A_277 = arith.select %eq3A_18, %add3A_274, %broadcast_in_dim3A_276 : vector<64x256xi1>, vector<64x256xf32>
    %reduce_sum3A_278 = arith.constant dense<0.000000e+00> : vector<64xf32>
    %reduce_sum3A_279 = vector.multi_reduction <add>, %select_n3A_277, %reduce_sum3A_278 [1] : vector<64x256xf32> to vector<64xf32>
    %broadcast_in_dim3A_280 = vector.shape_cast %reduce_sum3A_279 : vector<64xf32> to vector<64x1xf32>
    %slice3A_281 = vector.extract_strided_slice %select_n3A {offsets = [0, 6144], sizes = [64, 256], strides = [1, 1]} : vector<64x8192xf32> to vector<64x256xf32>
    %dot_general3A_282 = arith.constant dense<0.000000e+00> : vector<64x256xf32>
    %dot_general3A_283 = tpu.matmul %slice3A_281, %select_n3A_14, %dot_general3A_282 {dimension_numbers = #tpu.dot_dimension_numbers<[1], [0], [0], [1], [0, 0, 1, 1], [], []>, transpose_lhs_hint = false} : vector<64x256xf32>, vector<256x256xf32>, vector<64x256xf32> -> vector<64x256xf32>
    %add3A_284 = vector.broadcast %broadcast_in_dim3A_280 : vector<64x1xf32> to vector<64x256xf32>
    %add3A_285 = arith.addf %dot_general3A_283, %add3A_284 : vector<64x256xf32>
    %jit3A_286 = arith.constant 0.000000e+00 : f32
    %broadcast_in_dim3A_287 = vector.broadcast %jit3A_286 : f32 to vector<64x256xf32>
    %select_n3A_288 = arith.select %eq3A_18, %add3A_285, %broadcast_in_dim3A_287 : vector<64x256xi1>, vector<64x256xf32>
    %reduce_sum3A_289 = arith.constant dense<0.000000e+00> : vector<64xf32>
    %reduce_sum3A_290 = vector.multi_reduction <add>, %select_n3A_288, %reduce_sum3A_289 [1] : vector<64x256xf32> to vector<64xf32>
    %broadcast_in_dim3A_291 = vector.shape_cast %reduce_sum3A_290 : vector<64xf32> to vector<64x1xf32>
    %slice3A_292 = vector.extract_strided_slice %select_n3A {offsets = [0, 6400], sizes = [64, 256], strides = [1, 1]} : vector<64x8192xf32> to vector<64x256xf32>
    %dot_general3A_293 = arith.constant dense<0.000000e+00> : vector<64x256xf32>
    %dot_general3A_294 = tpu.matmul %slice3A_292, %select_n3A_14, %dot_general3A_293 {dimension_numbers = #tpu.dot_dimension_numbers<[1], [0], [0], [1], [0, 0, 1, 1], [], []>, transpose_lhs_hint = false} : vector<64x256xf32>, vector<256x256xf32>, vector<64x256xf32> -> vector<64x256xf32>
    %add3A_295 = vector.broadcast %broadcast_in_dim3A_291 : vector<64x1xf32> to vector<64x256xf32>
    %add3A_296 = arith.addf %dot_general3A_294, %add3A_295 : vector<64x256xf32>
    %jit3A_297 = arith.constant 0.000000e+00 : f32
    %broadcast_in_dim3A_298 = vector.broadcast %jit3A_297 : f32 to vector<64x256xf32>
    %select_n3A_299 = arith.select %eq3A_18, %add3A_296, %broadcast_in_dim3A_298 : vector<64x256xi1>, vector<64x256xf32>
    %reduce_sum3A_300 = arith.constant dense<0.000000e+00> : vector<64xf32>
    %reduce_sum3A_301 = vector.multi_reduction <add>, %select_n3A_299, %reduce_sum3A_300 [1] : vector<64x256xf32> to vector<64xf32>
    %broadcast_in_dim3A_302 = vector.shape_cast %reduce_sum3A_301 : vector<64xf32> to vector<64x1xf32>
    %slice3A_303 = vector.extract_strided_slice %select_n3A {offsets = [0, 6656], sizes = [64, 256], strides = [1, 1]} : vector<64x8192xf32> to vector<64x256xf32>
    %dot_general3A_304 = arith.constant dense<0.000000e+00> : vector<64x256xf32>
    %dot_general3A_305 = tpu.matmul %slice3A_303, %select_n3A_14, %dot_general3A_304 {dimension_numbers = #tpu.dot_dimension_numbers<[1], [0], [0], [1], [0, 0, 1, 1], [], []>, transpose_lhs_hint = false} : vector<64x256xf32>, vector<256x256xf32>, vector<64x256xf32> -> vector<64x256xf32>
    %add3A_306 = vector.broadcast %broadcast_in_dim3A_302 : vector<64x1xf32> to vector<64x256xf32>
    %add3A_307 = arith.addf %dot_general3A_305, %add3A_306 : vector<64x256xf32>
    %jit3A_308 = arith.constant 0.000000e+00 : f32
    %broadcast_in_dim3A_309 = vector.broadcast %jit3A_308 : f32 to vector<64x256xf32>
    %select_n3A_310 = arith.select %eq3A_18, %add3A_307, %broadcast_in_dim3A_309 : vector<64x256xi1>, vector<64x256xf32>
    %reduce_sum3A_311 = arith.constant dense<0.000000e+00> : vector<64xf32>
    %reduce_sum3A_312 = vector.multi_reduction <add>, %select_n3A_310, %reduce_sum3A_311 [1] : vector<64x256xf32> to vector<64xf32>
    %broadcast_in_dim3A_313 = vector.shape_cast %reduce_sum3A_312 : vector<64xf32> to vector<64x1xf32>
    %slice3A_314 = vector.extract_strided_slice %select_n3A {offsets = [0, 6912], sizes = [64, 256], strides = [1, 1]} : vector<64x8192xf32> to vector<64x256xf32>
    %dot_general3A_315 = arith.constant dense<0.000000e+00> : vector<64x256xf32>
    %dot_general3A_316 = tpu.matmul %slice3A_314, %select_n3A_14, %dot_general3A_315 {dimension_numbers = #tpu.dot_dimension_numbers<[1], [0], [0], [1], [0, 0, 1, 1], [], []>, transpose_lhs_hint = false} : vector<64x256xf32>, vector<256x256xf32>, vector<64x256xf32> -> vector<64x256xf32>
    %add3A_317 = vector.broadcast %broadcast_in_dim3A_313 : vector<64x1xf32> to vector<64x256xf32>
    %add3A_318 = arith.addf %dot_general3A_316, %add3A_317 : vector<64x256xf32>
    %jit3A_319 = arith.constant 0.000000e+00 : f32
    %broadcast_in_dim3A_320 = vector.broadcast %jit3A_319 : f32 to vector<64x256xf32>
    %select_n3A_321 = arith.select %eq3A_18, %add3A_318, %broadcast_in_dim3A_320 : vector<64x256xi1>, vector<64x256xf32>
    %reduce_sum3A_322 = arith.constant dense<0.000000e+00> : vector<64xf32>
    %reduce_sum3A_323 = vector.multi_reduction <add>, %select_n3A_321, %reduce_sum3A_322 [1] : vector<64x256xf32> to vector<64xf32>
    %broadcast_in_dim3A_324 = vector.shape_cast %reduce_sum3A_323 : vector<64xf32> to vector<64x1xf32>
    %slice3A_325 = vector.extract_strided_slice %select_n3A {offsets = [0, 7168], sizes = [64, 256], strides = [1, 1]} : vector<64x8192xf32> to vector<64x256xf32>
    %dot_general3A_326 = arith.constant dense<0.000000e+00> : vector<64x256xf32>
    %dot_general3A_327 = tpu.matmul %slice3A_325, %select_n3A_14, %dot_general3A_326 {dimension_numbers = #tpu.dot_dimension_numbers<[1], [0], [0], [1], [0, 0, 1, 1], [], []>, transpose_lhs_hint = false} : vector<64x256xf32>, vector<256x256xf32>, vector<64x256xf32> -> vector<64x256xf32>
    %add3A_328 = vector.broadcast %broadcast_in_dim3A_324 : vector<64x1xf32> to vector<64x256xf32>
    %add3A_329 = arith.addf %dot_general3A_327, %add3A_328 : vector<64x256xf32>
    %jit3A_330 = arith.constant 0.000000e+00 : f32
    %broadcast_in_dim3A_331 = vector.broadcast %jit3A_330 : f32 to vector<64x256xf32>
    %select_n3A_332 = arith.select %eq3A_18, %add3A_329, %broadcast_in_dim3A_331 : vector<64x256xi1>, vector<64x256xf32>
    %reduce_sum3A_333 = arith.constant dense<0.000000e+00> : vector<64xf32>
    %reduce_sum3A_334 = vector.multi_reduction <add>, %select_n3A_332, %reduce_sum3A_333 [1] : vector<64x256xf32> to vector<64xf32>
    %broadcast_in_dim3A_335 = vector.shape_cast %reduce_sum3A_334 : vector<64xf32> to vector<64x1xf32>
    %slice3A_336 = vector.extract_strided_slice %select_n3A {offsets = [0, 7424], sizes = [64, 256], strides = [1, 1]} : vector<64x8192xf32> to vector<64x256xf32>
    %dot_general3A_337 = arith.constant dense<0.000000e+00> : vector<64x256xf32>
    %dot_general3A_338 = tpu.matmul %slice3A_336, %select_n3A_14, %dot_general3A_337 {dimension_numbers = #tpu.dot_dimension_numbers<[1], [0], [0], [1], [0, 0, 1, 1], [], []>, transpose_lhs_hint = false} : vector<64x256xf32>, vector<256x256xf32>, vector<64x256xf32> -> vector<64x256xf32>
    %add3A_339 = vector.broadcast %broadcast_in_dim3A_335 : vector<64x1xf32> to vector<64x256xf32>
    %add3A_340 = arith.addf %dot_general3A_338, %add3A_339 : vector<64x256xf32>
    %jit3A_341 = arith.constant 0.000000e+00 : f32
    %broadcast_in_dim3A_342 = vector.broadcast %jit3A_341 : f32 to vector<64x256xf32>
    %select_n3A_343 = arith.select %eq3A_18, %add3A_340, %broadcast_in_dim3A_342 : vector<64x256xi1>, vector<64x256xf32>
    %reduce_sum3A_344 = arith.constant dense<0.000000e+00> : vector<64xf32>
    %reduce_sum3A_345 = vector.multi_reduction <add>, %select_n3A_343, %reduce_sum3A_344 [1] : vector<64x256xf32> to vector<64xf32>
    %broadcast_in_dim3A_346 = vector.shape_cast %reduce_sum3A_345 : vector<64xf32> to vector<64x1xf32>
    %slice3A_347 = vector.extract_strided_slice %select_n3A {offsets = [0, 7680], sizes = [64, 256], strides = [1, 1]} : vector<64x8192xf32> to vector<64x256xf32>
    %dot_general3A_348 = arith.constant dense<0.000000e+00> : vector<64x256xf32>
    %dot_general3A_349 = tpu.matmul %slice3A_347, %select_n3A_14, %dot_general3A_348 {dimension_numbers = #tpu.dot_dimension_numbers<[1], [0], [0], [1], [0, 0, 1, 1], [], []>, transpose_lhs_hint = false} : vector<64x256xf32>, vector<256x256xf32>, vector<64x256xf32> -> vector<64x256xf32>
    %add3A_350 = vector.broadcast %broadcast_in_dim3A_346 : vector<64x1xf32> to vector<64x256xf32>
    %add3A_351 = arith.addf %dot_general3A_349, %add3A_350 : vector<64x256xf32>
    %jit3A_352 = arith.constant 0.000000e+00 : f32
    %broadcast_in_dim3A_353 = vector.broadcast %jit3A_352 : f32 to vector<64x256xf32>
    %select_n3A_354 = arith.select %eq3A_18, %add3A_351, %broadcast_in_dim3A_353 : vector<64x256xi1>, vector<64x256xf32>
    %reduce_sum3A_355 = arith.constant dense<0.000000e+00> : vector<64xf32>
    %reduce_sum3A_356 = vector.multi_reduction <add>, %select_n3A_354, %reduce_sum3A_355 [1] : vector<64x256xf32> to vector<64xf32>
    %broadcast_in_dim3A_357 = vector.shape_cast %reduce_sum3A_356 : vector<64xf32> to vector<64x1xf32>
    %slice3A_358 = vector.extract_strided_slice %select_n3A {offsets = [0, 7936], sizes = [64, 256], strides = [1, 1]} : vector<64x8192xf32> to vector<64x256xf32>
    %dot_general3A_359 = arith.constant dense<0.000000e+00> : vector<64x256xf32>
    %dot_general3A_360 = tpu.matmul %slice3A_358, %select_n3A_14, %dot_general3A_359 {dimension_numbers = #tpu.dot_dimension_numbers<[1], [0], [0], [1], [0, 0, 1, 1], [], []>, transpose_lhs_hint = false} : vector<64x256xf32>, vector<256x256xf32>, vector<64x256xf32> -> vector<64x256xf32>
    %add3A_361 = vector.broadcast %broadcast_in_dim3A_357 : vector<64x1xf32> to vector<64x256xf32>
    %add3A_362 = arith.addf %dot_general3A_360, %add3A_361 : vector<64x256xf32>
    %jit3A_363 = arith.constant 0.000000e+00 : f32
    %broadcast_in_dim3A_364 = vector.broadcast %jit3A_363 : f32 to vector<64x256xf32>
    %select_n3A_365 = arith.select %eq3A_18, %add3A_362, %broadcast_in_dim3A_364 : vector<64x256xi1>, vector<64x256xf32>
    %reduce_sum3A_366 = arith.constant dense<0.000000e+00> : vector<64xf32>
    %reduce_sum3A_367 = vector.multi_reduction <add>, %select_n3A_365, %reduce_sum3A_366 [1] : vector<64x256xf32> to vector<64xf32>
    %broadcast_in_dim3A_368 = vector.shape_cast %reduce_sum3A_367 : vector<64xf32> to vector<64x1xf32>
    %concatenate3A = tpu.concatenate %add3A_22, %add3A_32, %add3A_43, %add3A_54, %add3A_65, %add3A_76, %add3A_87, %add3A_98, %add3A_109, %add3A_120, %add3A_131, %add3A_142, %add3A_153, %add3A_164, %add3A_175, %add3A_186, %add3A_197, %add3A_208, %add3A_219, %add3A_230, %add3A_241, %add3A_252, %add3A_263, %add3A_274, %add3A_285, %add3A_296, %add3A_307, %add3A_318, %add3A_329, %add3A_340, %add3A_351, %add3A_362 in 1 : vector<64x256xf32>, vector<64x256xf32>, vector<64x256xf32>, vector<64x256xf32>, vector<64x256xf32>, vector<64x256xf32>, vector<64x256xf32>, vector<64x256xf32>, vector<64x256xf32>, vector<64x256xf32>, vector<64x256xf32>, vector<64x256xf32>, vector<64x256xf32>, vector<64x256xf32>, vector<64x256xf32>, vector<64x256xf32>, vector<64x256xf32>, vector<64x256xf32>, vector<64x256xf32>, vector<64x256xf32>, vector<64x256xf32>, vector<64x256xf32>, vector<64x256xf32>, vector<64x256xf32>, vector<64x256xf32>, vector<64x256xf32>, vector<64x256xf32>, vector<64x256xf32>, vector<64x256xf32>, vector<64x256xf32>, vector<64x256xf32>, vector<64x256xf32> -> vector<64x8192xf32>
    %mul3A = arith.constant 3.125000e-02 : f32
    %mul3A_369 = vector.broadcast %mul3A : f32 to vector<64x1xf32>
    %mul3A_370 = arith.mulf %broadcast_in_dim3A_368, %mul3A_369 : vector<64x1xf32>
    %floor3A = math.floor %mul3A_370 : vector<64x1xf32>
    %mul3A_371 = arith.constant 3.200000e+01 : f32
    %mul3A_372 = vector.broadcast %mul3A_371 : f32 to vector<64x1xf32>
    %mul3A_373 = arith.mulf %floor3A, %mul3A_372 : vector<64x1xf32>
    %sub3A = arith.subf %broadcast_in_dim3A_368, %mul3A_373 : vector<64x1xf32>
    %iota3A_374 = tpu.iota {dimensions = array<i32: 0>} : vector<64x64xi32>
    %iota3A_375 = tpu.iota {dimensions = array<i32: 1>} : vector<64x64xi32>
    %lt3A = arith.cmpi slt, %iota3A_375, %iota3A_374 : vector<64x64xi32>
    %jit3A_376 = arith.constant 1.000000e+00 : f32
    %jit3A_377 = arith.constant 0.000000e+00 : f32
    %broadcast_in_dim3A_378 = vector.broadcast %jit3A_376 : f32 to vector<64x64xf32>
    %broadcast_in_dim3A_379 = vector.broadcast %jit3A_377 : f32 to vector<64x64xf32>
    %select_n3A_380 = arith.select %lt3A, %broadcast_in_dim3A_378, %broadcast_in_dim3A_379 : vector<64x64xi1>, vector<64x64xf32>
    %dot_general3A_381 = arith.constant dense<0.000000e+00> : vector<64x1xf32>
    %dot_general3A_382 = tpu.matmul %select_n3A_380, %floor3A, %dot_general3A_381 {dimension_numbers = #tpu.dot_dimension_numbers<[1], [0], [0], [1], [0, 0, 1, 1], [], []>, transpose_lhs_hint = false} : vector<64x64xf32>, vector<64x1xf32>, vector<64x1xf32> -> vector<64x1xf32>
    %mul3A_383 = arith.constant 3.200000e+01 : f32
    %mul3A_384 = vector.broadcast %mul3A_383 : f32 to vector<64x1xf32>
    %mul3A_385 = arith.mulf %dot_general3A_382, %mul3A_384 : vector<64x1xf32>
    %dot_general3A_386 = arith.constant dense<0.000000e+00> : vector<64x1xf32>
    %dot_general3A_387 = tpu.matmul %select_n3A_380, %sub3A, %dot_general3A_386 {dimension_numbers = #tpu.dot_dimension_numbers<[1], [0], [0], [1], [0, 0, 1, 1], [], []>, transpose_lhs_hint = false} : vector<64x64xf32>, vector<64x1xf32>, vector<64x1xf32> -> vector<64x1xf32>
    %add3A_388 = arith.addf %mul3A_385, %dot_general3A_387 : vector<64x1xf32>
    %add3A_389 = vector.broadcast %add3A_388 : vector<64x1xf32> to vector<64x8192xf32>
    %add3A_390 = arith.addf %concatenate3A, %add3A_389 : vector<64x8192xf32>
    %sub3A_391 = arith.constant 1.000000e+00 : f32
    %sub3A_392 = vector.broadcast %sub3A_391 : f32 to vector<64x8192xf32>
    %sub3A_393 = arith.subf %add3A_390, %sub3A_392 : vector<64x8192xf32>
    %mul3A_394 = arith.mulf %select_n3A, %sub3A_393 : vector<64x8192xf32>
    %reduce_sum3A_395 = arith.constant dense<0.000000e+00> : vector<8192xf32>
    %reduce_sum3A_396 = vector.multi_reduction <add>, %mul3A_394, %reduce_sum3A_395 [0] : vector<64x8192xf32> to vector<8192xf32>
    %convert_element_type3A = arith.fptosi %reduce_sum3A_396 : vector<8192xf32> to vector<8192xi32>
    %swap3A = arith.constant 0 : index
    %swap3A_397 = arith.constant 0 : index
    %swap3A_398 = arith.constant 0 : index
    %swap3A_399 = vector.load %arg2[%swap3A, %swap3A_397, %swap3A_398] : memref<1x1x8192xi32, #tpu.memory_space<vmem>>, vector<1x1x8192xi32>
    %swap3A_400 = vector.shape_cast %swap3A_399 : vector<1x1x8192xi32> to vector<8192xi32>
    %swap3A_401 = vector.shape_cast %convert_element_type3A : vector<8192xi32> to vector<1x1x8192xi32>
    tpu.vector_store %arg2[%swap3A, %swap3A_397, %swap3A_398], %swap3A_401 {strides = array<i32>} : memref<1x1x8192xi32, #tpu.memory_space<vmem>>, vector<1x1x8192xi32>,
    return
  }
  func.func @transform_0(%arg0: i32) -> (i32, i32, i32) {
    %c0_i32 = arith.constant 0 : i32
    %c0_i32_0 = arith.constant 0 : i32
    %c0_i32_1 = arith.constant 0 : i32
    return %arg0, %c0_i32, %c0_i32_0 : i32, i32, i32
  }
  func.func @transform_1(%arg0: i32) -> (i32, i32, i32) {
    %c0_i32 = arith.constant 0 : i32
    %c0_i32_0 = arith.constant 0 : i32
    %c0_i32_1 = arith.constant 0 : i32
    return %arg0, %c0_i32, %c0_i32_0 : i32, i32, i32
  }
}

module attributes {stable_mosaic.version = 14 : i64} {
  func.func @_attn_body(%arg0: i32, %arg1: memref<1024x768xf32, #tpu.memory_space<vmem>>, %arg2: memref<1024x768xf32, #tpu.memory_space<vmem>>, %arg3: memref<1024x768xf32, #tpu.memory_space<vmem>>, %arg4: memref<1024x768xf32, #tpu.memory_space<vmem>>) attributes {dimension_semantics = [#tpu.dimension_semantics<arbitrary>], iteration_bounds = array<i64: 16>, scalar_prefetch = 0 : i64, scratch_operands = 0 : i64, tpu.core_type = #tpu.core_type<tc>, window_params = [{transform_indices = @transform_0, window_bounds = array<i64: 1024, 768>}, {transform_indices = @transform_1, window_bounds = array<i64: 1024, 768>}, {transform_indices = @transform_2, window_bounds = array<i64: 1024, 768>}, {transform_indices = @transform_3, window_bounds = array<i64: 1024, 768>}]} {
    %get3A = arith.constant 0 : index
    %get3A_0 = arith.constant 0 : index
    %get3A_1 = vector.load %arg1[%get3A, %get3A_0] : memref<1024x768xf32, #tpu.memory_space<vmem>>, vector<128x768xf32>
    %get3A_2 = arith.constant 0 : index
    %get3A_3 = arith.constant 0 : index
    %get3A_4 = vector.load %arg2[%get3A_2, %get3A_3] : memref<1024x768xf32, #tpu.memory_space<vmem>>, vector<128x768xf32>
    %get3A_5 = arith.constant 0 : index
    %get3A_6 = arith.constant 0 : index
    %get3A_7 = vector.load %arg3[%get3A_5, %get3A_6] : memref<1024x768xf32, #tpu.memory_space<vmem>>, vector<128x768xf32>
    %dot_general3A = arith.constant dense<0.000000e+00> : vector<128x128xf32>
    %dot_general3A_8 = tpu.matmul %get3A_1, %get3A_4, %dot_general3A {dimension_numbers = #tpu.dot_dimension_numbers<[1], [1], [0], [0], [0, 0, 1, 0], [], []>, transpose_lhs_hint = false} : vector<128x768xf32>, vector<128x768xf32>, vector<128x128xf32> -> vector<128x128xf32>
    %div3A = arith.constant 27.7128124 : f32
    %div3A_9 = vector.broadcast %div3A : f32 to vector<128x128xf32>
    %div3A_10 = arith.divf %dot_general3A_8, %div3A_9 : vector<128x128xf32>
    %reduce_max3A = arith.constant dense<0xFF800000> : vector<128xf32>
    %reduce_max3A_11 = vector.multi_reduction <maximumf>, %div3A_10, %reduce_max3A [1] : vector<128x128xf32> to vector<128xf32>
    %broadcast_in_dim3A = vector.shape_cast %reduce_max3A_11 : vector<128xf32> to vector<128x1xf32>
    %sub3A = vector.broadcast %broadcast_in_dim3A : vector<128x1xf32> to vector<128x128xf32>
    %sub3A_12 = arith.subf %div3A_10, %sub3A : vector<128x128xf32>
    %exp3A = math.exp %sub3A_12 : vector<128x128xf32>
    %reduce_sum3A = arith.constant dense<0.000000e+00> : vector<128xf32>
    %reduce_sum3A_13 = vector.multi_reduction <add>, %exp3A, %reduce_sum3A [1] : vector<128x128xf32> to vector<128xf32>
    %broadcast_in_dim3A_14 = vector.shape_cast %reduce_sum3A_13 : vector<128xf32> to vector<128x1xf32>
    %div3A_15 = vector.broadcast %broadcast_in_dim3A_14 : vector<128x1xf32> to vector<128x128xf32>
    %div3A_16 = arith.divf %exp3A, %div3A_15 : vector<128x128xf32>
    %dot_general3A_17 = arith.constant dense<0.000000e+00> : vector<128x768xf32>
    %dot_general3A_18 = tpu.matmul %div3A_16, %get3A_7, %dot_general3A_17 {dimension_numbers = #tpu.dot_dimension_numbers<[1], [0], [0], [1], [0, 0, 1, 1], [], []>, transpose_lhs_hint = false} : vector<128x128xf32>, vector<128x768xf32>, vector<128x768xf32> -> vector<128x768xf32>
    %mul3A = arith.constant 1.562500e-02 : f32
    %mul3A_19 = vector.broadcast %mul3A : f32 to vector<128x768xf32>
    %mul3A_20 = arith.mulf %dot_general3A_18, %mul3A_19 : vector<128x768xf32>
    %swap3A = arith.constant 0 : index
    %swap3A_21 = arith.constant 0 : index
    %swap3A_22 = vector.load %arg4[%swap3A, %swap3A_21] : memref<1024x768xf32, #tpu.memory_space<vmem>>, vector<128x768xf32>
    tpu.vector_store %arg4[%swap3A, %swap3A_21], %mul3A_20 {strides = array<i32>} : memref<1024x768xf32, #tpu.memory_space<vmem>>, vector<128x768xf32>,
    %get3A_23 = arith.constant 128 : index
    %get3A_24 = arith.constant 0 : index
    %get3A_25 = vector.load %arg1[%get3A_23, %get3A_24] : memref<1024x768xf32, #tpu.memory_space<vmem>>, vector<128x768xf32>
    %get3A_26 = arith.constant 128 : index
    %get3A_27 = arith.constant 0 : index
    %get3A_28 = vector.load %arg2[%get3A_26, %get3A_27] : memref<1024x768xf32, #tpu.memory_space<vmem>>, vector<128x768xf32>
    %get3A_29 = arith.constant 128 : index
    %get3A_30 = arith.constant 0 : index
    %get3A_31 = vector.load %arg3[%get3A_29, %get3A_30] : memref<1024x768xf32, #tpu.memory_space<vmem>>, vector<128x768xf32>
    %dot_general3A_32 = arith.constant dense<0.000000e+00> : vector<128x128xf32>
    %dot_general3A_33 = tpu.matmul %get3A_25, %get3A_28, %dot_general3A_32 {dimension_numbers = #tpu.dot_dimension_numbers<[1], [1], [0], [0], [0, 0, 1, 0], [], []>, transpose_lhs_hint = false} : vector<128x768xf32>, vector<128x768xf32>, vector<128x128xf32> -> vector<128x128xf32>
    %div3A_34 = arith.constant 27.7128124 : f32
    %div3A_35 = vector.broadcast %div3A_34 : f32 to vector<128x128xf32>
    %div3A_36 = arith.divf %dot_general3A_33, %div3A_35 : vector<128x128xf32>
    %reduce_max3A_37 = arith.constant dense<0xFF800000> : vector<128xf32>
    %reduce_max3A_38 = vector.multi_reduction <maximumf>, %div3A_36, %reduce_max3A_37 [1] : vector<128x128xf32> to vector<128xf32>
    %broadcast_in_dim3A_39 = vector.shape_cast %reduce_max3A_38 : vector<128xf32> to vector<128x1xf32>
    %sub3A_40 = vector.broadcast %broadcast_in_dim3A_39 : vector<128x1xf32> to vector<128x128xf32>
    %sub3A_41 = arith.subf %div3A_36, %sub3A_40 : vector<128x128xf32>
    %exp3A_42 = math.exp %sub3A_41 : vector<128x128xf32>
    %reduce_sum3A_43 = arith.constant dense<0.000000e+00> : vector<128xf32>
    %reduce_sum3A_44 = vector.multi_reduction <add>, %exp3A_42, %reduce_sum3A_43 [1] : vector<128x128xf32> to vector<128xf32>
    %broadcast_in_dim3A_45 = vector.shape_cast %reduce_sum3A_44 : vector<128xf32> to vector<128x1xf32>
    %div3A_46 = vector.broadcast %broadcast_in_dim3A_45 : vector<128x1xf32> to vector<128x128xf32>
    %div3A_47 = arith.divf %exp3A_42, %div3A_46 : vector<128x128xf32>
    %dot_general3A_48 = arith.constant dense<0.000000e+00> : vector<128x768xf32>
    %dot_general3A_49 = tpu.matmul %div3A_47, %get3A_31, %dot_general3A_48 {dimension_numbers = #tpu.dot_dimension_numbers<[1], [0], [0], [1], [0, 0, 1, 1], [], []>, transpose_lhs_hint = false} : vector<128x128xf32>, vector<128x768xf32>, vector<128x768xf32> -> vector<128x768xf32>
    %mul3A_50 = arith.constant 1.562500e-02 : f32
    %mul3A_51 = vector.broadcast %mul3A_50 : f32 to vector<128x768xf32>
    %mul3A_52 = arith.mulf %dot_general3A_49, %mul3A_51 : vector<128x768xf32>
    %swap3A_53 = arith.constant 128 : index
    %swap3A_54 = arith.constant 0 : index
    %swap3A_55 = vector.load %arg4[%swap3A_53, %swap3A_54] : memref<1024x768xf32, #tpu.memory_space<vmem>>, vector<128x768xf32>
    tpu.vector_store %arg4[%swap3A_53, %swap3A_54], %mul3A_52 {strides = array<i32>} : memref<1024x768xf32, #tpu.memory_space<vmem>>, vector<128x768xf32>,
    %get3A_56 = arith.constant 256 : index
    %get3A_57 = arith.constant 0 : index
    %get3A_58 = vector.load %arg1[%get3A_56, %get3A_57] : memref<1024x768xf32, #tpu.memory_space<vmem>>, vector<128x768xf32>
    %get3A_59 = arith.constant 256 : index
    %get3A_60 = arith.constant 0 : index
    %get3A_61 = vector.load %arg2[%get3A_59, %get3A_60] : memref<1024x768xf32, #tpu.memory_space<vmem>>, vector<128x768xf32>
    %get3A_62 = arith.constant 256 : index
    %get3A_63 = arith.constant 0 : index
    %get3A_64 = vector.load %arg3[%get3A_62, %get3A_63] : memref<1024x768xf32, #tpu.memory_space<vmem>>, vector<128x768xf32>
    %dot_general3A_65 = arith.constant dense<0.000000e+00> : vector<128x128xf32>
    %dot_general3A_66 = tpu.matmul %get3A_58, %get3A_61, %dot_general3A_65 {dimension_numbers = #tpu.dot_dimension_numbers<[1], [1], [0], [0], [0, 0, 1, 0], [], []>, transpose_lhs_hint = false} : vector<128x768xf32>, vector<128x768xf32>, vector<128x128xf32> -> vector<128x128xf32>
    %div3A_67 = arith.constant 27.7128124 : f32
    %div3A_68 = vector.broadcast %div3A_67 : f32 to vector<128x128xf32>
    %div3A_69 = arith.divf %dot_general3A_66, %div3A_68 : vector<128x128xf32>
    %reduce_max3A_70 = arith.constant dense<0xFF800000> : vector<128xf32>
    %reduce_max3A_71 = vector.multi_reduction <maximumf>, %div3A_69, %reduce_max3A_70 [1] : vector<128x128xf32> to vector<128xf32>
    %broadcast_in_dim3A_72 = vector.shape_cast %reduce_max3A_71 : vector<128xf32> to vector<128x1xf32>
    %sub3A_73 = vector.broadcast %broadcast_in_dim3A_72 : vector<128x1xf32> to vector<128x128xf32>
    %sub3A_74 = arith.subf %div3A_69, %sub3A_73 : vector<128x128xf32>
    %exp3A_75 = math.exp %sub3A_74 : vector<128x128xf32>
    %reduce_sum3A_76 = arith.constant dense<0.000000e+00> : vector<128xf32>
    %reduce_sum3A_77 = vector.multi_reduction <add>, %exp3A_75, %reduce_sum3A_76 [1] : vector<128x128xf32> to vector<128xf32>
    %broadcast_in_dim3A_78 = vector.shape_cast %reduce_sum3A_77 : vector<128xf32> to vector<128x1xf32>
    %div3A_79 = vector.broadcast %broadcast_in_dim3A_78 : vector<128x1xf32> to vector<128x128xf32>
    %div3A_80 = arith.divf %exp3A_75, %div3A_79 : vector<128x128xf32>
    %dot_general3A_81 = arith.constant dense<0.000000e+00> : vector<128x768xf32>
    %dot_general3A_82 = tpu.matmul %div3A_80, %get3A_64, %dot_general3A_81 {dimension_numbers = #tpu.dot_dimension_numbers<[1], [0], [0], [1], [0, 0, 1, 1], [], []>, transpose_lhs_hint = false} : vector<128x128xf32>, vector<128x768xf32>, vector<128x768xf32> -> vector<128x768xf32>
    %mul3A_83 = arith.constant 1.562500e-02 : f32
    %mul3A_84 = vector.broadcast %mul3A_83 : f32 to vector<128x768xf32>
    %mul3A_85 = arith.mulf %dot_general3A_82, %mul3A_84 : vector<128x768xf32>
    %swap3A_86 = arith.constant 256 : index
    %swap3A_87 = arith.constant 0 : index
    %swap3A_88 = vector.load %arg4[%swap3A_86, %swap3A_87] : memref<1024x768xf32, #tpu.memory_space<vmem>>, vector<128x768xf32>
    tpu.vector_store %arg4[%swap3A_86, %swap3A_87], %mul3A_85 {strides = array<i32>} : memref<1024x768xf32, #tpu.memory_space<vmem>>, vector<128x768xf32>,
    %get3A_89 = arith.constant 384 : index
    %get3A_90 = arith.constant 0 : index
    %get3A_91 = vector.load %arg1[%get3A_89, %get3A_90] : memref<1024x768xf32, #tpu.memory_space<vmem>>, vector<128x768xf32>
    %get3A_92 = arith.constant 384 : index
    %get3A_93 = arith.constant 0 : index
    %get3A_94 = vector.load %arg2[%get3A_92, %get3A_93] : memref<1024x768xf32, #tpu.memory_space<vmem>>, vector<128x768xf32>
    %get3A_95 = arith.constant 384 : index
    %get3A_96 = arith.constant 0 : index
    %get3A_97 = vector.load %arg3[%get3A_95, %get3A_96] : memref<1024x768xf32, #tpu.memory_space<vmem>>, vector<128x768xf32>
    %dot_general3A_98 = arith.constant dense<0.000000e+00> : vector<128x128xf32>
    %dot_general3A_99 = tpu.matmul %get3A_91, %get3A_94, %dot_general3A_98 {dimension_numbers = #tpu.dot_dimension_numbers<[1], [1], [0], [0], [0, 0, 1, 0], [], []>, transpose_lhs_hint = false} : vector<128x768xf32>, vector<128x768xf32>, vector<128x128xf32> -> vector<128x128xf32>
    %div3A_100 = arith.constant 27.7128124 : f32
    %div3A_101 = vector.broadcast %div3A_100 : f32 to vector<128x128xf32>
    %div3A_102 = arith.divf %dot_general3A_99, %div3A_101 : vector<128x128xf32>
    %reduce_max3A_103 = arith.constant dense<0xFF800000> : vector<128xf32>
    %reduce_max3A_104 = vector.multi_reduction <maximumf>, %div3A_102, %reduce_max3A_103 [1] : vector<128x128xf32> to vector<128xf32>
    %broadcast_in_dim3A_105 = vector.shape_cast %reduce_max3A_104 : vector<128xf32> to vector<128x1xf32>
    %sub3A_106 = vector.broadcast %broadcast_in_dim3A_105 : vector<128x1xf32> to vector<128x128xf32>
    %sub3A_107 = arith.subf %div3A_102, %sub3A_106 : vector<128x128xf32>
    %exp3A_108 = math.exp %sub3A_107 : vector<128x128xf32>
    %reduce_sum3A_109 = arith.constant dense<0.000000e+00> : vector<128xf32>
    %reduce_sum3A_110 = vector.multi_reduction <add>, %exp3A_108, %reduce_sum3A_109 [1] : vector<128x128xf32> to vector<128xf32>
    %broadcast_in_dim3A_111 = vector.shape_cast %reduce_sum3A_110 : vector<128xf32> to vector<128x1xf32>
    %div3A_112 = vector.broadcast %broadcast_in_dim3A_111 : vector<128x1xf32> to vector<128x128xf32>
    %div3A_113 = arith.divf %exp3A_108, %div3A_112 : vector<128x128xf32>
    %dot_general3A_114 = arith.constant dense<0.000000e+00> : vector<128x768xf32>
    %dot_general3A_115 = tpu.matmul %div3A_113, %get3A_97, %dot_general3A_114 {dimension_numbers = #tpu.dot_dimension_numbers<[1], [0], [0], [1], [0, 0, 1, 1], [], []>, transpose_lhs_hint = false} : vector<128x128xf32>, vector<128x768xf32>, vector<128x768xf32> -> vector<128x768xf32>
    %mul3A_116 = arith.constant 1.562500e-02 : f32
    %mul3A_117 = vector.broadcast %mul3A_116 : f32 to vector<128x768xf32>
    %mul3A_118 = arith.mulf %dot_general3A_115, %mul3A_117 : vector<128x768xf32>
    %swap3A_119 = arith.constant 384 : index
    %swap3A_120 = arith.constant 0 : index
    %swap3A_121 = vector.load %arg4[%swap3A_119, %swap3A_120] : memref<1024x768xf32, #tpu.memory_space<vmem>>, vector<128x768xf32>
    tpu.vector_store %arg4[%swap3A_119, %swap3A_120], %mul3A_118 {strides = array<i32>} : memref<1024x768xf32, #tpu.memory_space<vmem>>, vector<128x768xf32>,
    %get3A_122 = arith.constant 512 : index
    %get3A_123 = arith.constant 0 : index
    %get3A_124 = vector.load %arg1[%get3A_122, %get3A_123] : memref<1024x768xf32, #tpu.memory_space<vmem>>, vector<128x768xf32>
    %get3A_125 = arith.constant 512 : index
    %get3A_126 = arith.constant 0 : index
    %get3A_127 = vector.load %arg2[%get3A_125, %get3A_126] : memref<1024x768xf32, #tpu.memory_space<vmem>>, vector<128x768xf32>
    %get3A_128 = arith.constant 512 : index
    %get3A_129 = arith.constant 0 : index
    %get3A_130 = vector.load %arg3[%get3A_128, %get3A_129] : memref<1024x768xf32, #tpu.memory_space<vmem>>, vector<128x768xf32>
    %dot_general3A_131 = arith.constant dense<0.000000e+00> : vector<128x128xf32>
    %dot_general3A_132 = tpu.matmul %get3A_124, %get3A_127, %dot_general3A_131 {dimension_numbers = #tpu.dot_dimension_numbers<[1], [1], [0], [0], [0, 0, 1, 0], [], []>, transpose_lhs_hint = false} : vector<128x768xf32>, vector<128x768xf32>, vector<128x128xf32> -> vector<128x128xf32>
    %div3A_133 = arith.constant 27.7128124 : f32
    %div3A_134 = vector.broadcast %div3A_133 : f32 to vector<128x128xf32>
    %div3A_135 = arith.divf %dot_general3A_132, %div3A_134 : vector<128x128xf32>
    %reduce_max3A_136 = arith.constant dense<0xFF800000> : vector<128xf32>
    %reduce_max3A_137 = vector.multi_reduction <maximumf>, %div3A_135, %reduce_max3A_136 [1] : vector<128x128xf32> to vector<128xf32>
    %broadcast_in_dim3A_138 = vector.shape_cast %reduce_max3A_137 : vector<128xf32> to vector<128x1xf32>
    %sub3A_139 = vector.broadcast %broadcast_in_dim3A_138 : vector<128x1xf32> to vector<128x128xf32>
    %sub3A_140 = arith.subf %div3A_135, %sub3A_139 : vector<128x128xf32>
    %exp3A_141 = math.exp %sub3A_140 : vector<128x128xf32>
    %reduce_sum3A_142 = arith.constant dense<0.000000e+00> : vector<128xf32>
    %reduce_sum3A_143 = vector.multi_reduction <add>, %exp3A_141, %reduce_sum3A_142 [1] : vector<128x128xf32> to vector<128xf32>
    %broadcast_in_dim3A_144 = vector.shape_cast %reduce_sum3A_143 : vector<128xf32> to vector<128x1xf32>
    %div3A_145 = vector.broadcast %broadcast_in_dim3A_144 : vector<128x1xf32> to vector<128x128xf32>
    %div3A_146 = arith.divf %exp3A_141, %div3A_145 : vector<128x128xf32>
    %dot_general3A_147 = arith.constant dense<0.000000e+00> : vector<128x768xf32>
    %dot_general3A_148 = tpu.matmul %div3A_146, %get3A_130, %dot_general3A_147 {dimension_numbers = #tpu.dot_dimension_numbers<[1], [0], [0], [1], [0, 0, 1, 1], [], []>, transpose_lhs_hint = false} : vector<128x128xf32>, vector<128x768xf32>, vector<128x768xf32> -> vector<128x768xf32>
    %mul3A_149 = arith.constant 1.562500e-02 : f32
    %mul3A_150 = vector.broadcast %mul3A_149 : f32 to vector<128x768xf32>
    %mul3A_151 = arith.mulf %dot_general3A_148, %mul3A_150 : vector<128x768xf32>
    %swap3A_152 = arith.constant 512 : index
    %swap3A_153 = arith.constant 0 : index
    %swap3A_154 = vector.load %arg4[%swap3A_152, %swap3A_153] : memref<1024x768xf32, #tpu.memory_space<vmem>>, vector<128x768xf32>
    tpu.vector_store %arg4[%swap3A_152, %swap3A_153], %mul3A_151 {strides = array<i32>} : memref<1024x768xf32, #tpu.memory_space<vmem>>, vector<128x768xf32>,
    %get3A_155 = arith.constant 640 : index
    %get3A_156 = arith.constant 0 : index
    %get3A_157 = vector.load %arg1[%get3A_155, %get3A_156] : memref<1024x768xf32, #tpu.memory_space<vmem>>, vector<128x768xf32>
    %get3A_158 = arith.constant 640 : index
    %get3A_159 = arith.constant 0 : index
    %get3A_160 = vector.load %arg2[%get3A_158, %get3A_159] : memref<1024x768xf32, #tpu.memory_space<vmem>>, vector<128x768xf32>
    %get3A_161 = arith.constant 640 : index
    %get3A_162 = arith.constant 0 : index
    %get3A_163 = vector.load %arg3[%get3A_161, %get3A_162] : memref<1024x768xf32, #tpu.memory_space<vmem>>, vector<128x768xf32>
    %dot_general3A_164 = arith.constant dense<0.000000e+00> : vector<128x128xf32>
    %dot_general3A_165 = tpu.matmul %get3A_157, %get3A_160, %dot_general3A_164 {dimension_numbers = #tpu.dot_dimension_numbers<[1], [1], [0], [0], [0, 0, 1, 0], [], []>, transpose_lhs_hint = false} : vector<128x768xf32>, vector<128x768xf32>, vector<128x128xf32> -> vector<128x128xf32>
    %div3A_166 = arith.constant 27.7128124 : f32
    %div3A_167 = vector.broadcast %div3A_166 : f32 to vector<128x128xf32>
    %div3A_168 = arith.divf %dot_general3A_165, %div3A_167 : vector<128x128xf32>
    %reduce_max3A_169 = arith.constant dense<0xFF800000> : vector<128xf32>
    %reduce_max3A_170 = vector.multi_reduction <maximumf>, %div3A_168, %reduce_max3A_169 [1] : vector<128x128xf32> to vector<128xf32>
    %broadcast_in_dim3A_171 = vector.shape_cast %reduce_max3A_170 : vector<128xf32> to vector<128x1xf32>
    %sub3A_172 = vector.broadcast %broadcast_in_dim3A_171 : vector<128x1xf32> to vector<128x128xf32>
    %sub3A_173 = arith.subf %div3A_168, %sub3A_172 : vector<128x128xf32>
    %exp3A_174 = math.exp %sub3A_173 : vector<128x128xf32>
    %reduce_sum3A_175 = arith.constant dense<0.000000e+00> : vector<128xf32>
    %reduce_sum3A_176 = vector.multi_reduction <add>, %exp3A_174, %reduce_sum3A_175 [1] : vector<128x128xf32> to vector<128xf32>
    %broadcast_in_dim3A_177 = vector.shape_cast %reduce_sum3A_176 : vector<128xf32> to vector<128x1xf32>
    %div3A_178 = vector.broadcast %broadcast_in_dim3A_177 : vector<128x1xf32> to vector<128x128xf32>
    %div3A_179 = arith.divf %exp3A_174, %div3A_178 : vector<128x128xf32>
    %dot_general3A_180 = arith.constant dense<0.000000e+00> : vector<128x768xf32>
    %dot_general3A_181 = tpu.matmul %div3A_179, %get3A_163, %dot_general3A_180 {dimension_numbers = #tpu.dot_dimension_numbers<[1], [0], [0], [1], [0, 0, 1, 1], [], []>, transpose_lhs_hint = false} : vector<128x128xf32>, vector<128x768xf32>, vector<128x768xf32> -> vector<128x768xf32>
    %mul3A_182 = arith.constant 1.562500e-02 : f32
    %mul3A_183 = vector.broadcast %mul3A_182 : f32 to vector<128x768xf32>
    %mul3A_184 = arith.mulf %dot_general3A_181, %mul3A_183 : vector<128x768xf32>
    %swap3A_185 = arith.constant 640 : index
    %swap3A_186 = arith.constant 0 : index
    %swap3A_187 = vector.load %arg4[%swap3A_185, %swap3A_186] : memref<1024x768xf32, #tpu.memory_space<vmem>>, vector<128x768xf32>
    tpu.vector_store %arg4[%swap3A_185, %swap3A_186], %mul3A_184 {strides = array<i32>} : memref<1024x768xf32, #tpu.memory_space<vmem>>, vector<128x768xf32>,
    %get3A_188 = arith.constant 768 : index
    %get3A_189 = arith.constant 0 : index
    %get3A_190 = vector.load %arg1[%get3A_188, %get3A_189] : memref<1024x768xf32, #tpu.memory_space<vmem>>, vector<128x768xf32>
    %get3A_191 = arith.constant 768 : index
    %get3A_192 = arith.constant 0 : index
    %get3A_193 = vector.load %arg2[%get3A_191, %get3A_192] : memref<1024x768xf32, #tpu.memory_space<vmem>>, vector<128x768xf32>
    %get3A_194 = arith.constant 768 : index
    %get3A_195 = arith.constant 0 : index
    %get3A_196 = vector.load %arg3[%get3A_194, %get3A_195] : memref<1024x768xf32, #tpu.memory_space<vmem>>, vector<128x768xf32>
    %dot_general3A_197 = arith.constant dense<0.000000e+00> : vector<128x128xf32>
    %dot_general3A_198 = tpu.matmul %get3A_190, %get3A_193, %dot_general3A_197 {dimension_numbers = #tpu.dot_dimension_numbers<[1], [1], [0], [0], [0, 0, 1, 0], [], []>, transpose_lhs_hint = false} : vector<128x768xf32>, vector<128x768xf32>, vector<128x128xf32> -> vector<128x128xf32>
    %div3A_199 = arith.constant 27.7128124 : f32
    %div3A_200 = vector.broadcast %div3A_199 : f32 to vector<128x128xf32>
    %div3A_201 = arith.divf %dot_general3A_198, %div3A_200 : vector<128x128xf32>
    %reduce_max3A_202 = arith.constant dense<0xFF800000> : vector<128xf32>
    %reduce_max3A_203 = vector.multi_reduction <maximumf>, %div3A_201, %reduce_max3A_202 [1] : vector<128x128xf32> to vector<128xf32>
    %broadcast_in_dim3A_204 = vector.shape_cast %reduce_max3A_203 : vector<128xf32> to vector<128x1xf32>
    %sub3A_205 = vector.broadcast %broadcast_in_dim3A_204 : vector<128x1xf32> to vector<128x128xf32>
    %sub3A_206 = arith.subf %div3A_201, %sub3A_205 : vector<128x128xf32>
    %exp3A_207 = math.exp %sub3A_206 : vector<128x128xf32>
    %reduce_sum3A_208 = arith.constant dense<0.000000e+00> : vector<128xf32>
    %reduce_sum3A_209 = vector.multi_reduction <add>, %exp3A_207, %reduce_sum3A_208 [1] : vector<128x128xf32> to vector<128xf32>
    %broadcast_in_dim3A_210 = vector.shape_cast %reduce_sum3A_209 : vector<128xf32> to vector<128x1xf32>
    %div3A_211 = vector.broadcast %broadcast_in_dim3A_210 : vector<128x1xf32> to vector<128x128xf32>
    %div3A_212 = arith.divf %exp3A_207, %div3A_211 : vector<128x128xf32>
    %dot_general3A_213 = arith.constant dense<0.000000e+00> : vector<128x768xf32>
    %dot_general3A_214 = tpu.matmul %div3A_212, %get3A_196, %dot_general3A_213 {dimension_numbers = #tpu.dot_dimension_numbers<[1], [0], [0], [1], [0, 0, 1, 1], [], []>, transpose_lhs_hint = false} : vector<128x128xf32>, vector<128x768xf32>, vector<128x768xf32> -> vector<128x768xf32>
    %mul3A_215 = arith.constant 1.562500e-02 : f32
    %mul3A_216 = vector.broadcast %mul3A_215 : f32 to vector<128x768xf32>
    %mul3A_217 = arith.mulf %dot_general3A_214, %mul3A_216 : vector<128x768xf32>
    %swap3A_218 = arith.constant 768 : index
    %swap3A_219 = arith.constant 0 : index
    %swap3A_220 = vector.load %arg4[%swap3A_218, %swap3A_219] : memref<1024x768xf32, #tpu.memory_space<vmem>>, vector<128x768xf32>
    tpu.vector_store %arg4[%swap3A_218, %swap3A_219], %mul3A_217 {strides = array<i32>} : memref<1024x768xf32, #tpu.memory_space<vmem>>, vector<128x768xf32>,
    %get3A_221 = arith.constant 896 : index
    %get3A_222 = arith.constant 0 : index
    %get3A_223 = vector.load %arg1[%get3A_221, %get3A_222] : memref<1024x768xf32, #tpu.memory_space<vmem>>, vector<128x768xf32>
    %get3A_224 = arith.constant 896 : index
    %get3A_225 = arith.constant 0 : index
    %get3A_226 = vector.load %arg2[%get3A_224, %get3A_225] : memref<1024x768xf32, #tpu.memory_space<vmem>>, vector<128x768xf32>
    %get3A_227 = arith.constant 896 : index
    %get3A_228 = arith.constant 0 : index
    %get3A_229 = vector.load %arg3[%get3A_227, %get3A_228] : memref<1024x768xf32, #tpu.memory_space<vmem>>, vector<128x768xf32>
    %dot_general3A_230 = arith.constant dense<0.000000e+00> : vector<128x128xf32>
    %dot_general3A_231 = tpu.matmul %get3A_223, %get3A_226, %dot_general3A_230 {dimension_numbers = #tpu.dot_dimension_numbers<[1], [1], [0], [0], [0, 0, 1, 0], [], []>, transpose_lhs_hint = false} : vector<128x768xf32>, vector<128x768xf32>, vector<128x128xf32> -> vector<128x128xf32>
    %div3A_232 = arith.constant 27.7128124 : f32
    %div3A_233 = vector.broadcast %div3A_232 : f32 to vector<128x128xf32>
    %div3A_234 = arith.divf %dot_general3A_231, %div3A_233 : vector<128x128xf32>
    %reduce_max3A_235 = arith.constant dense<0xFF800000> : vector<128xf32>
    %reduce_max3A_236 = vector.multi_reduction <maximumf>, %div3A_234, %reduce_max3A_235 [1] : vector<128x128xf32> to vector<128xf32>
    %broadcast_in_dim3A_237 = vector.shape_cast %reduce_max3A_236 : vector<128xf32> to vector<128x1xf32>
    %sub3A_238 = vector.broadcast %broadcast_in_dim3A_237 : vector<128x1xf32> to vector<128x128xf32>
    %sub3A_239 = arith.subf %div3A_234, %sub3A_238 : vector<128x128xf32>
    %exp3A_240 = math.exp %sub3A_239 : vector<128x128xf32>
    %reduce_sum3A_241 = arith.constant dense<0.000000e+00> : vector<128xf32>
    %reduce_sum3A_242 = vector.multi_reduction <add>, %exp3A_240, %reduce_sum3A_241 [1] : vector<128x128xf32> to vector<128xf32>
    %broadcast_in_dim3A_243 = vector.shape_cast %reduce_sum3A_242 : vector<128xf32> to vector<128x1xf32>
    %div3A_244 = vector.broadcast %broadcast_in_dim3A_243 : vector<128x1xf32> to vector<128x128xf32>
    %div3A_245 = arith.divf %exp3A_240, %div3A_244 : vector<128x128xf32>
    %dot_general3A_246 = arith.constant dense<0.000000e+00> : vector<128x768xf32>
    %dot_general3A_247 = tpu.matmul %div3A_245, %get3A_229, %dot_general3A_246 {dimension_numbers = #tpu.dot_dimension_numbers<[1], [0], [0], [1], [0, 0, 1, 1], [], []>, transpose_lhs_hint = false} : vector<128x128xf32>, vector<128x768xf32>, vector<128x768xf32> -> vector<128x768xf32>
    %mul3A_248 = arith.constant 1.562500e-02 : f32
    %mul3A_249 = vector.broadcast %mul3A_248 : f32 to vector<128x768xf32>
    %mul3A_250 = arith.mulf %dot_general3A_247, %mul3A_249 : vector<128x768xf32>
    %swap3A_251 = arith.constant 896 : index
    %swap3A_252 = arith.constant 0 : index
    %swap3A_253 = vector.load %arg4[%swap3A_251, %swap3A_252] : memref<1024x768xf32, #tpu.memory_space<vmem>>, vector<128x768xf32>
    tpu.vector_store %arg4[%swap3A_251, %swap3A_252], %mul3A_250 {strides = array<i32>} : memref<1024x768xf32, #tpu.memory_space<vmem>>, vector<128x768xf32>,
    return
  }
  func.func @transform_0(%arg0: i32) -> (i32, i32) {
    %c0_i32 = arith.constant 0 : i32
    %c0_i32_0 = arith.constant 0 : i32
    return %arg0, %c0_i32 : i32, i32
  }
  func.func @transform_1(%arg0: i32) -> (i32, i32) {
    %c0_i32 = arith.constant 0 : i32
    %c0_i32_0 = arith.constant 0 : i32
    return %arg0, %c0_i32 : i32, i32
  }
  func.func @transform_2(%arg0: i32) -> (i32, i32) {
    %c0_i32 = arith.constant 0 : i32
    %c0_i32_0 = arith.constant 0 : i32
    return %arg0, %c0_i32 : i32, i32
  }
  func.func @transform_3(%arg0: i32) -> (i32, i32) {
    %c0_i32 = arith.constant 0 : i32
    %c0_i32_0 = arith.constant 0 : i32
    return %arg0, %c0_i32 : i32, i32
  }
}

</mosaic_0001>

<sc_bundles>
// kernel: kernel.5.cloned.1.call-start
scs
__scs_entry_jumppad:
0x0: {  	(pc) =	sbr.rel $0x88, $3  }
0x1: {  	(tag) =	ssettag $0x0;
	lr =	simm.s32 $0x1  }
0x2: {  	[smem:$0x3F9D] =	sst lr;
	_ =	strace $0xD0000000  }
0x3: {  	_ = 	snop  }
0x4: {  	_ = 	snop  }
0x5: {  	_ = 	snop  }
0x6: {  	_ = 	snop  }
0x7: {  	_ = 	snop  }
__scs_overlays_trampoline_lowered:
0x8: {  	[smem:$0x3FAC] =	sst s0  }
0x9: {  	[smem:$0x3FAD] =	sst s1  }
0xa: {  	[smem:$0x3FAE] =	sst s2  }
0xb: {  	[smem:$0x3FAF] =	sst s3  }
0xc: {  	[smem:$0x3FB0] =	sst s4  }
0xd: {  	[smem:$0x3FB1] =	sst s5  }
0xe: {  	[smem:$0x3FB2] =	sst s6  }
0xf: {  	[smem:$0x3FB3] =	sst s7  }
0x10: {  	[smem:$0x3FB4] =	sst s8  }
0x11: {  	[smem:$0x3FB5] =	sst s9;
	s0 =	simm.s32 @!p0 $0x0  }
0x12: {  	s1 =	sld [smem:$0x3F9B];
	s0 =	simm.s32 @p0 $0x1  }
0x13: {  	[smem:$0x3FB6] =	sst s0;
	s0 =	simm.s32 @!p1 $0x0  }
0x14: {  	s2 =	sld [smem:$0x3F9A];
	s0 =	simm.s32 @p1 $0x1  }
0x15: {  	[smem:$0x3FB7] =	sst s0;
	s0 =	simm.s32 @!p2 $0x0  }
0x16: {  	s3 =	sld [smem:$0x3FDB];
	s0 =	simm.s32 @p2 $0x1  }
0x17: {  	s4 =	simm.s32 $0x1BF5;
	[smem:$0x3FB9] =	sst s0  }
0x18: {  	s0 =	sld [smem:$0x3F9C];
	_ =	swait.ge [sflag:s4], $0x0  }
0x19: {  	s7 =	sld [smem:$0x3F9D]  }
0x1a: {  	s8 =	sadd.s32 $0xFFFFE003, lr  }
0x1b: {  	s9 =	sadd.s32 $0xFFFFFEF7, lr;
	s5 =	simm.s32 $0xFFFFFFFF;
	p2 =	slt.u32 s8, $0xFFFFF086  }
0x1c: {  	p1 =	slt.u32 s9, $0xF7A;
	s5 =	simm.s32 @!p2 $0x0  }
0x1d: {  	s5 =	simm.s32 @p1 $0x1;
	p0 =	seq.s32 s7, s2  }
0x1e: {  	s7 =	smul.u32 @!p0 $0xF7A, s2;
	p2 =	seq.s32 @!p0 s5, $0x0  }
0x1f: {  	s9 =	smul.u32 $0xF7A, s1;
	s8 =	simm.s32 @!p0 $0x1BF5;
	p2 =	por !p2, p0  }
0x20: {  	[sflag:s8] =	ssyncset.s32 @!p0 $0xFFFFF086;
	s6 =	sadd.s32 @!p0 s3, s7;
	s7 =	simm.s32 @!p0 $0x108  }
0x21: {  	s3 =	sadd.s32 s3, s9;
	s6 =	sadd.s32 @!p0 $0x88, s6;
	s7 =	simm.s32 @p2 $0x1082  }
0x22: {  	[simem:s7], [sflag:s8] =	dma.local @!p0 [hbm:s6], $0xF7A  }
0x23: {  	s9 =	sor.u32 $0xD0000000, s2;
	s6 =	simm.s32 $0x108;
	_ =	swait.ge @!p0 [sflag:s8], $0x0  }
0x24: {  	s3 =	sadd.s32 $0x88, s3;
	s6 =	simm.s32 @!p1 $0x1082;
	[sflag:s4] =	ssyncset.s32 $0xFFFFF086  }
0x25: {  	[simem:s6], [sflag:s4] =	dma.local [hbm:s3], $0xF7A  }
0x26: {  	[smem:$0x3F9D] =	sst s1;
	(tag) =	ssettag s2;
	_ =	strace s9  }
0x27: {  	s1 =	sld [smem:$0x3FAD]  }
0x28: {  	s2 =	sld [smem:$0x3FAE]  }
0x29: {  	s4 =	sld [smem:$0x3FB0]  }
0x2a: {  	p0 =	seq.s32 s5, $0x0;
	s5 =	sld [smem:$0x3FB1]  }
0x2b: {  	s6 =	sld [smem:$0x3FB2]  }
0x2c: {  	s7 =	sld [smem:$0x3FB3]  }
0x2d: {  	s3 =	simm.s32 $0x108;
	s8 =	sld [smem:$0x3FB4]  }
0x2e: {  	s3 =	simm.s32 @!p0 $0x1082;
	s9 =	sld [smem:$0x3FB5]  }
0x2f: {  	lr =	sadd.s32 s0, s3;
	s0 =	sld [smem:$0x3FAC]  }
0x30: {  	s3 =	sld [smem:$0x3FAF]  }
0x31: {  	[smem:$0x3FB8] =	sst s10  }
0x32: {  	s10 =	sld [smem:$0x3FB6];
	_ =	sdelay $0x3  }
0x33: {  	p0 =	seq.s32 s10, $0x1;
	s10 =	sld [smem:$0x3FB8];
	_ =	sdelay $0x3  }
0x34: {  	[smem:$0x3FB8] =	sst s10  }
0x35: {  	s10 =	sld [smem:$0x3FB7];
	_ =	sdelay $0x3  }
0x36: {  	p1 =	seq.s32 s10, $0x1;
	s10 =	sld [smem:$0x3FB8];
	_ =	sdelay $0x3  }
0x37: {  	[smem:$0x3FB8] =	sst s10  }
0x38: {  	s10 =	sld [smem:$0x3FB9]  }
0x39: {  	_ = 	snop;
	(pc) =	sbr.ind lr, $3  }
0x3a: {  	_ = 	snop  }
0x3b: {  	_ = 	snop  }
0x3c: {  	p2 =	seq.s32 s10, $0x1;
	s10 =	sld [smem:$0x3FB8]  }
0x3d: {  	_ =	shalt  }
0x3e: {  	_ =	shalt  }
0x3f: {  	_ =	shalt  }
0x40: {  	_ =	shalt  }
0x41: {  	_ =	shalt  }
0x42: {  	_ =	shalt  }
0x43: {  	_ =	shalt  }
0x44: {  	_ =	shalt  }
0x45: {  	_ =	shalt  }
0x46: {  	_ =	shalt  }
0x47: {  	_ =	shalt  }
0x48: {  	_ =	shalt  }
0x49: {  	_ =	shalt  }
0x4a: {  	_ =	shalt  }
0x4b: {  	_ =	shalt  }
0x4c: {  	_ =	shalt  }
0x4d: {  	_ =	shalt  }
0x4e: {  	_ =	shalt  }
0x4f: {  	_ =	shalt  }
0x50: {  	_ =	shalt  }
0x51: {  	_ =	shalt  }
0x52: {  	_ =	shalt  }
0x53: {  	_ =	shalt  }
0x54: {  	_ =	shalt  }
0x55: {  	_ =	shalt  }
0x56: {  	_ =	shalt  }
0x57: {  	_ =	shalt  }
0x58: {  	_ =	shalt  }
0x59: {  	_ =	shalt  }
0x5a: {  	_ =	shalt  }
0x5b: {  	_ =	shalt  }
0x5c: {  	_ =	shalt  }
0x5d: {  	_ =	shalt  }
0x5e: {  	_ =	shalt  }
0x5f: {  	_ =	shalt  }
0x60: {  	_ =	shalt  }
0x61: {  	_ =	shalt  }
0x62: {  	_ =	shalt  }
0x63: {  	_ =	shalt  }
0x64: {  	_ =	shalt  }
0x65: {  	_ =	shalt  }
0x66: {  	_ =	shalt  }
0x67: {  	_ =	shalt  }
0x68: {  	_ =	shalt  }
0x69: {  	_ =	shalt  }
0x6a: {  	_ =	shalt  }
0x6b: {  	_ =	shalt  }
0x6c: {  	_ =	shalt  }
0x6d: {  	_ =	shalt  }
0x6e: {  	_ =	shalt  }
0x6f: {  	_ =	shalt  }
0x70: {  	_ =	shalt  }
0x71: {  	_ =	shalt  }
0x72: {  	_ =	shalt  }
0x73: {  	_ =	shalt  }
0x74: {  	_ =	shalt  }
0x75: {  	_ =	shalt  }
0x76: {  	_ =	shalt  }
0x77: {  	_ =	shalt  }
0x78: {  	_ =	shalt  }
0x79: {  	_ =	shalt  }
0x7a: {  	_ =	shalt  }
0x7b: {  	_ =	shalt  }
0x7c: {  	_ =	shalt  }
0x7d: {  	_ =	shalt  }
0x7e: {  	_ =	shalt  }
0x7f: {  	_ =	shalt  }
0x80: {  	_ =	shalt  }
0x81: {  	_ =	shalt  }
0x82: {  	_ =	shalt  }
0x83: {  	_ =	shalt  }
0x84: {  	_ =	shalt  }
0x85: {  	_ =	shalt  }
0x86: {  	_ =	shalt  }
0x87: {  	_ =	shalt  }
.Lfunc_end0:
.L_simem_size_0:
called_computation_lowered:
.L_overlay_start_0:
0x88: {  	s2 =	sld [smem:$0x3FD9]  }
0x89: {  	s3 =	sld [smem:$0x3FFE];
	_ =	sdelay $0x1  }
0x8a: {  	s1 =	srdreg.scid  }
0x8b: {  	s0 =	sand.u32 $0x1, s1  }
0x8c: {  	s17 =	sshll.u32 s0, $0xA;
	s2 =	sadd.s32 s3, s2  }
0x8d: {  	s2 =	sadd.s32 s2, s17  }
0x8e: {  	[smem:$0x3FC4] =	sst s2  }
0x8f: {  	_ = 	snop  }
0x90: {  	s2 =	sld [smem:$0x3FC9]  }
0x91: {  	s18 =	sld [smem:$0x3FC8]  }
0x92: {  	s4 =	sld [smem:$0x3FC7]  }
0x93: {  	s5 =	sld [smem:$0x3FD0];
	(tm) =	ssettm $0x1  }
0x94: {  	s6 =	sld [smem:$0x3FFB];
	_ =	sdelay $0x3  }
0x95: {  	_ =	strace s6  }
0x96: {  	s6 =	sld [smem:$0x3FFC];
	_ =	sdelay $0x3  }
0x97: {  	_ =	strace s6  }
0x98: {  	s6 =	sld [smem:$0x3FFD];
	_ =	sdelay $0x3  }
0x99: {  	_ =	strace s6  }
0x9a: {  	_ =	strace $0x8FFFFFFF  }
0x9b: {  	s19 =	sld [smem:$0x3FDB];
	_ =	sdelay $0x1  }
0x9c: {  	s7 =	simm.s32 $_scs_section_size  }
0x9d: {  	s8 =	simm.s32 $_size__tile_overlayer_lowered;
	s9 =	simm.s32 $_tile_overlayer_lowered  }
0x9e: {  	s22 =	simm.s32 $0x1BFF;
	s21 =	sshll.u32 s9, $0x1;
	s6 =	sadd.s32 s7, s19  }
0x9f: {  	s10 =	simm.s32 $0x0;
	s20 =	sshll.u32 s8, $0x1;
	s8 =	sadd.s32 s21, s6  }
0xa0: {  	[timem:s10], [sflag:s22] =	dma.local [hbm:s8], s20  }
0xa1: {  	_ =	swait.ge [sflag:s22], s20  }
0xa2: {  	s7 =	ssub.s32 $0x0, s20;
	[sflag:s22] =	ssyncset.done $0x0  }
0xa3: {  	[sflag:s22] =	ssyncadd.s32 s7;
	_ =	sdelay $0x1  }
0xa4: {  	s23 =	simm.s32 $0x1B8B  }
0xa5: {  	_ =	swait.ge [sflag:s23], $0x1  }
0xa6: {  	[sflag:s23] =	ssyncset.done $0x0  }
0xa7: {  	s25 =	simm.s32 $0x1B8E;
	s24 =	sld [smem:$0x3FFE];
	[sflag:s23] =	ssyncadd.s32 $0xFFFFFFFF  }
0xa8: {  	s26 =	simm.s32 $execute0_lowered;
	[smem:$0x3FD2] =	sst s25  }
0xa9: {  	s8 =	sshll.u32 s26, $0x1;
	_ =	strace $0x80000046;
	[dreg:$0x1] =	wrdreg $0xFFFFFFFF  }
0xaa: {  	s28 =	simm.s32 $_size_execute0_lowered;
	s6 =	sadd.s32 s6, s8;
	[dreg:$0x0] =	wrdreg $0x0  }
0xab: {  	s8 =	sshll.u32 s28, $0x1;
	[dreg:$0x2] =	wrdreg s6  }
0xac: {  	[dreg:$0x3] =	wrdreg s8  }
0xad: {  	[dreg:$0x4] =	wrdreg $0xC0  }
0xae: {  	_ =	task [dreg:s10], $0x5FFFF  }
0xaf: {  	[dreg:$0x1] =	wrdreg $0xFFFFFFFF  }
0xb0: {  	[dreg:$0x0] =	wrdreg $0x60  }
0xb1: {  	[dreg:$0x2] =	wrdreg s2  }
0xb2: {  	[dreg:$0x3] =	wrdreg s18  }
0xb3: {  	[dreg:$0x4] =	wrdreg s4  }
0xb4: {  	[dreg:$0x5] =	wrdreg s5  }
0xb5: {  	[dreg:$0x6] =	wrdreg s24  }
0xb6: {  	[dreg:$0x7] =	wrdreg $0x9  }
0xb7: {  	_ =	task.clear_ibuf [dreg:s10], $0x8FFFF;
	_ =	strace $0x90000046  }
0xb8: {  	s29 =	simm.s32 $0x9;
	_ =	strace $0x80000048  }
0xb9: {  	_ =	swait.ge [sflag:s29], $0x1  }
0xba: {  	[sflag:s29] =	ssyncadd.s32 $0xFFFFFFFF  }
0xbb: {  	_ =	strace $0x90000048  }
0xbc: {  	_ =	sfence  }
0xbd: {  	s30 =	sld [smem:$0x0];
	_ =	sdelay $0x2  }
0xbe: {  	s31 =	sshll.u32 s1, $0xD;
	s1 =	sshrl.u32 s1, $0x2  }
0xbf: {  	s3 =	sand.u32 $0x4000, s31;
	s1 =	sadd.s32 s1, s30  }
0xc0: {  	s0 =	sor.u32 s3, s0;
	s1 =	sshll.u32 s1, $0x11  }
0xc1: {  	s0 =	sor.u32 s1, s0  }
0xc2: {  	s0 =	sadd.s32 $0x8F2B, s0  }
0xc3: {  	[sflag:s0] =	ssyncadd.remote.s32 $0x1  }
0xc4: {  	_ =	sfence.sel $0xFFFF  }
0xc5: {  	[dreg:$0x0] =	wrdreg $0xFFFFFFFF;
	(pc) =	sbr.abs _section_cstart, $3  }
0xc6: {  	[dreg:$0x1] =	wrdreg $0xFFFFFFFF  }
0xc7: {  	_ =	task.clear_ibuf [dreg:s10], $0x2FFFF;
	_ =	strace $0x9FFFFFFF  }
0xc8: {  	(tm) =	ssettm $0x7FFFFFFF  }
0xc9: {  	_ =	shalt  }
tec
execute0_lowered:
.L_overlay_start_1:
0x0: {  	(tag) =	ssettag $0x1  }
0x1: {  	s0 =	rddreg [dreg:$0x0]  }
0x2: {  	s11 =	rddreg [dreg:$0x1]  }
0x3: {  	s2 =	srdreg.scid;
	s6 =	rddreg [dreg:$0x2]  }
0x4: {  	s1 =	stileid.u32;
	s3 =	rddreg [dreg:$0x3];
	s4 =	sand.u32 $0x1, s2  }
0x5: {  	s23 =	sshll.u32 s1, $0x6;
	[smem:$0x7DE] =	sst s4;
	s4 =	sshll.u32 s4, $0x5  }
0x6: {  	s14 =	rddreg [dreg:$0x4];
	s2 =	simm.s32 $0x0;
	s4 =	sor.u32 s4, s23  }
0x7: {  	[smem:$0x7FF] =	sst s2;
	s24 =	sor.u32 $0x4, s4  }
0x8: {  	s25 =	sor.u32 $0x8, s4;
	[smem:$0x7E2] =	sst s24  }
0x9: {  	s30 =	sor.u32 $0xC, s4;
	_ =	strace $0x80000047;
	[smem:$0x7E4] =	sst s25  }
0xa: {  	s8 =	sor.u32 $0x14, s4;
	[smem:$0x7E6] =	sst s30  }
0xb: {  	s12 =	sor.u32 $0x18, s4;
	[smem:$0x7EA] =	sst s8  }
0xc: {  	s16 =	smul.u32 $0x300, s4;
	s15 =	sor.u32 $0x1C, s4;
	[smem:$0x7EC] =	sst s12  }
0xd: {  	s20 =	sor.u32 $0x400, s4;
	s18 =	smul.u32 $0x300, s24;
	[smem:$0x7EE] =	sst s15  }
0xe: {  	s5 =	sadd.s32 s0, s16;
	[smem:$0x7F0] =	sst s20  }
0xf: {  	s19 =	smul.u32 $0x300, s25;
	[dreg:$0x6] =	wrdreg s5;
	s26 =	sadd.s32 s0, s18  }
0x10: {  	s21 =	smul.u32 $0x300, s30;
	s5 =	sor.u32 $0x10, s4;
	[dreg:$0x7] =	wrdreg s26  }
0x11: {  	s29 =	smul.u32 $0x300, s8;
	s7 =	sadd.s32 s0, s19;
	[smem:$0x7E8] =	sst s5  }
0x12: {  	s12 =	smul.u32 $0x300, s12;
	s9 =	sadd.s32 s0, s21;
	[dreg:$0x8] =	wrdreg s7  }
0x13: {  	s8 =	smul.u32 $0x300, s20;
	s13 =	sadd.s32 s0, s29;
	[dreg:$0x9] =	wrdreg s9  }
0x14: {  	s31 =	sor.u32 $0x414, s4;
	s26 =	smul.u32 $0x300, s5;
	[dreg:$0xb] =	wrdreg s13  }
0x15: {  	s17 =	sadd.s32 s0, s12;
	s9 =	smul.u32 $0x300, s15;
	s15 =	sor.u32 $0x404, s4  }
0x16: {  	[dreg:$0xc] =	wrdreg s17;
	s7 =	smul.u32 $0x300, s15;
	s15 =	sadd.s32 s3, s15  }
0x17: {  	s30 =	sor.u32 $0x410, s4;
	s10 =	sadd.s32 s0, s26;
	[smem:$0x7F2] =	sst s15  }
0x18: {  	s17 =	sor.u32 $0x408, s4;
	s22 =	sadd.s32 s0, s9;
	[dreg:$0xa] =	wrdreg s10  }
0x19: {  	s5 =	smul.u32 $0x300, s17;
	[dreg:$0xd] =	wrdreg s22;
	s10 =	sadd.s32 s0, s8  }
0x1a: {  	s23 =	sadd.s32 s0, s7;
	s22 =	sor.u32 $0x40C, s4;
	[dreg:$0xe] =	wrdreg s10  }
0x1b: {  	s13 =	sor.u32 $0x418, s4;
	[dreg:$0xf] =	wrdreg s23;
	s20 =	smul.u32 $0x300, s22  }
0x1c: {  	s24 =	sadd.s32 s0, s5;
	s23 =	smul.u32 $0x300, s30;
	s10 =	sor.u32 $0x41C, s4  }
0x1d: {  	[dreg:$0x10] =	wrdreg s24;
	s24 =	smul.u32 $0x300, s31;
	s25 =	sadd.s32 s0, s20  }
0x1e: {  	s28 =	sadd.s32 s0, s23;
	[dreg:$0x11] =	wrdreg s25;
	s25 =	smul.u32 $0x300, s13  }
0x1f: {  	[dreg:$0x12] =	wrdreg s28;
	s1 =	sadd.s32 s0, s24;
	s28 =	smul.u32 $0x300, s10  }
0x20: {  	[dreg:$0x13] =	wrdreg s1;
	s1 =	sadd.s32 s0, s25  }
0x21: {  	s0 =	sadd.s32 s0, s28;
	[dreg:$0x14] =	wrdreg s1  }
0x22: {  	[dreg:$0x15] =	wrdreg s0;
	s1 =	sadd.s32 s11, s16  }
0x23: {  	[dreg:$0x16] =	wrdreg s1;
	s1 =	sadd.s32 s11, s18  }
0x24: {  	[dreg:$0x17] =	wrdreg s1;
	s1 =	sadd.s32 s11, s19  }
0x25: {  	[dreg:$0x18] =	wrdreg s1;
	s1 =	sadd.s32 s11, s21  }
0x26: {  	[dreg:$0x19] =	wrdreg s1;
	s1 =	sadd.s32 s11, s26  }
0x27: {  	[dreg:$0x1a] =	wrdreg s1;
	s1 =	sadd.s32 s11, s29  }
0x28: {  	[dreg:$0x1b] =	wrdreg s1;
	s1 =	sadd.s32 s11, s12  }
0x29: {  	[dreg:$0x1c] =	wrdreg s1;
	s1 =	sadd.s32 s11, s9  }
0x2a: {  	s9 =	sadd.s32 s6, s9;
	[dreg:$0x1d] =	wrdreg s1  }
0x2b: {  	[smem:$0x7DC] =	sst s9  }
0x2c: {  	s1 =	sadd.s32 s11, s8;
	s9 =	sld [smem:$0x7EC]  }
0x2d: {  	[dreg:$0x1e] =	wrdreg s1;
	s1 =	sadd.s32 s11, s7  }
0x2e: {  	[dreg:$0x1f] =	wrdreg s1;
	s1 =	sadd.s32 s11, s5  }
0x2f: {  	[smem:$0x7CF] =	sst s1;
	s1 =	sadd.s32 s11, s20  }
0x30: {  	[smem:$0x7D0] =	sst s1;
	s1 =	sadd.s32 s11, s23  }
0x31: {  	s23 =	sadd.s32 s6, s23;
	[smem:$0x7D1] =	sst s1  }
0x32: {  	s1 =	sadd.s32 s11, s24;
	[smem:$0x7FA] =	sst s23  }
0x33: {  	s24 =	sadd.s32 s6, s24;
	[smem:$0x7D2] =	sst s1  }
0x34: {  	s1 =	sadd.s32 s11, s25;
	[smem:$0x7FB] =	sst s24  }
0x35: {  	[smem:$0x7D3] =	sst s1;
	s1 =	sadd.s32 s11, s28  }
0x36: {  	s11 =	sadd.s32 s6, s16;
	[smem:$0x7D4] =	sst s1  }
0x37: {  	s16 =	sadd.s32 s6, s18;
	[smem:$0x7D5] =	sst s11  }
0x38: {  	s18 =	sadd.s32 s6, s19;
	[smem:$0x7D6] =	sst s16  }
0x39: {  	s19 =	sadd.s32 s6, s21;
	[smem:$0x7D7] =	sst s18  }
0x3a: {  	s21 =	sadd.s32 s6, s26;
	[smem:$0x7D8] =	sst s19  }
0x3b: {  	s26 =	sadd.s32 s6, s29;
	[smem:$0x7D9] =	sst s21  }
0x3c: {  	[smem:$0x7DA] =	sst s26  }
0x3d: {  	s1 =	sadd.s32 s6, s12;
	s12 =	sld [smem:$0x7DE]  }
0x3e: {  	s26 =	sld [smem:$0x7E2]  }
0x3f: {  	s21 =	sadd.s32 s3, s4;
	s4 =	sld [smem:$0x7E4]  }
0x40: {  	s18 =	sadd.s32 s6, s5;
	s5 =	sld [smem:$0x7E6]  }
0x41: {  	s16 =	sadd.s32 s6, s7;
	s7 =	sld [smem:$0x7E8]  }
0x42: {  	s11 =	sadd.s32 s6, s8;
	s8 =	sld [smem:$0x7EA]  }
0x43: {  	[smem:$0x7DB] =	sst s1  }
0x44: {  	[smem:$0x7DD] =	sst s11  }
0x45: {  	[smem:$0x7DF] =	sst s16  }
0x46: {  	[smem:$0x7E0] =	sst s18  }
0x47: {  	[smem:$0x7E1] =	sst s21  }
0x48: {  	s23 =	sadd.s32 $0x180900, s14;
	s11 =	sld [smem:$0x7EE];
	s16 =	sadd.s32 s3, s17  }
0x49: {  	s24 =	sadd.s32 $0xA00, s14;
	s17 =	sadd.s32 s3, s22;
	[smem:$0x7F3] =	sst s16  }
0x4a: {  	s18 =	sadd.s32 s3, s30;
	s21 =	sadd.s32 s3, s13;
	[smem:$0x7F4] =	sst s17  }
0x4b: {  	s22 =	sadd.s32 s6, s20;
	s20 =	sadd.s32 $0x180800, s14;
	[smem:$0x7F5] =	sst s18  }
0x4c: {  	s30 =	sadd.s32 s6, s28;
	s28 =	sadd.s32 $0x300A00, s14;
	[smem:$0x7F7] =	sst s21  }
0x4d: {  	s13 =	simm.s32 $0xE;
	[smem:$0x7F9] =	sst s22;
	s21 =	sadd.s32 $0x300800, s14  }
0x4e: {  	s22 =	sadd.s32 $0x900, s14;
	[smem:$0x7FD] =	sst s30;
	s17 =	simm.s32 $0xC  }
0x4f: {  	s18 =	simm.s32 $0x9;
	s0 =	ssub.s32 $0x2, s12;
	s1 =	sadd.s32 s3, s26  }
0x50: {  	s12 =	sld [smem:$0x7F0];
	s26 =	sadd.s32 s6, s25;
	s25 =	sadd.s32 $0x180A00, s14  }
0x51: {  	s6 =	simm.s32 $0xD;
	s19 =	sshrl.u32 s0, $0x1;
	[smem:$0x7E3] =	sst s1  }
0x52: {  	s1 =	sadd.s32 s3, s4;
	[smem:$0x7FC] =	sst s26;
	s26 =	sadd.s32 $0x300900, s14  }
0x53: {  	s0 =	ssub.s32 s0, s19;
	[smem:$0x7E5] =	sst s1;
	s1 =	sadd.s32 s3, s5  }
0x54: {  	s19 =	sadd.s32 s3, s31;
	s31 =	simm.s32 $0x6;
	[smem:$0x7E7] =	sst s1  }
0x55: {  	s1 =	sadd.s32 s3, s7;
	[smem:$0x7F6] =	sst s19;
	s19 =	sadd.s32 $0x800, s14  }
0x56: {  	s29 =	smax.u32 s0, $0x1;
	[smem:$0x7E9] =	sst s1;
	s1 =	sadd.s32 s3, s8  }
0x57: {  	s7 =	simm.s32 $0x1;
	[smem:$0x7EB] =	sst s1;
	s1 =	sadd.s32 s3, s9  }
0x58: {  	s14 =	simm.s32 $0x8;
	[smem:$0x7ED] =	sst s1;
	s1 =	sadd.s32 s3, s11  }
0x59: {  	v2 =	vlaneseq.u32;
	s8 =	simm.s32 $0x2;
	[smem:$0x7EF] =	sst s1;
	s1 =	sadd.s32 s3, s12  }
0x5a: {  	vm0 =	vmmov $0xffff;
	v1 =	vshrl.u32 v2, $0x3;
	s9 =	simm.s32 $0xB;
	s3 =	sadd.s32 s3, s10;
	[smem:$0x7F1] =	sst s1  }
0x5b: {  	v0 =	vand.u32 $0x7, v2;
	v2 =	vor.u32 $0x8, v2;
	v1 =	vmul.u32 $0x8, v1;
	s10 =	simm.s32 $0x3;
	s12 =	simm.s32 $0xA;
	[smem:$0x7F8] =	sst s3  }
.LBB2_1:
0x5c: {  	s0 =	sld [smem:$0x7E1]  }
0x5d: {  	[smem:$0x7CE] =	sst s29  }
0x5e: {  	s29 =	rddreg [dreg:$0x6]  }
0x5f: {  	[tilespmem:s2], [sflag:$0x1] =	stream.linear.gather [hbm4b:s0+s2], $0x20, $0x38;
	[tilespmem:$0x1E280] =	vst v63  }
0x60: {  	s1 =	simm.s32 $0x280;
	s15 =	sld [smem:$0x7E3]  }
0x61: {  	[tilespmem:s1], [sflag:$0x6] =	stream.linear.gather [hbm4b:s29+s2], $0x6000, $0x38;
	[tilespmem:$0x1E280] =	vst v63  }
0x62: {  	s3 =	simm.s32 $0x80;
	s30 =	sld [smem:$0x7E5]  }
0x63: {  	[tilespmem:s3], [sflag:$0x2] =	stream.linear.gather [hbm4b:s15+s2], $0x20, $0x38;
	[tilespmem:$0x1E280] =	vst v63  }
0x64: {  	s16 =	simm.s32 $0x6280;
	s29 =	rddreg [dreg:$0x7]  }
0x65: {  	[tilespmem:s16], [sflag:$0x7] =	stream.linear.gather [hbm4b:s29+s2], $0x6000, $0x38;
	[tilespmem:$0x1E280] =	vst v63  }
0x66: {  	s4 =	simm.s32 $0x100;
	s3 =	sld [smem:$0x7E7]  }
0x67: {  	[tilespmem:s4], [sflag:$0x3] =	stream.linear.gather [hbm4b:s30+s2], $0x20, $0x38;
	[tilespmem:$0x1E280] =	vst v63  }
0x68: {  	s0 =	simm.s32 $0xC280;
	s29 =	rddreg [dreg:$0x8]  }
0x69: {  	[tilespmem:s0], [sflag:$0x8] =	stream.linear.gather [hbm4b:s29+s2], $0x6000, $0x38;
	[tilespmem:$0x1E280] =	vst v63  }
0x6a: {  	s4 =	simm.s32 $0x180  }
0x6b: {  	[tilespmem:s4], [sflag:$0x4] =	stream.linear.gather [hbm4b:s3+s2], $0x20, $0x38;
	[tilespmem:$0x1E280] =	vst v63  }
0x6c: {  	s30 =	simm.s32 $0x12280;
	s29 =	rddreg [dreg:$0x9]  }
0x6d: {  	[tilespmem:s30], [sflag:$0x9] =	stream.linear.gather [hbm4b:s29+s2], $0x6000, $0x38;
	[tilespmem:$0x1E280] =	vst v63  }
0x6e: {  	_ =	swait.ge [sflag:s7], $0x20  }
0x6f: {  	[sflag:s7] =	ssyncset.done $0x0  }
0x70: {  	[sflag:s7] =	ssyncadd.s32 $0xFFFFFFE0  }
0x71: {  	_ =	swait.ge [sflag:s31], $0x6000  }
0x72: {  	[sflag:s31] =	ssyncset.done $0x0  }
0x73: {  	[sflag:s31] =	ssyncadd.s32 $0xFFFFA000  }
0x74: {  	v3 =	vld [tilespmem:$0x0];
	_ =	sdelay $0x4  }
0x75: {  	v4 =	vshrl.u32 v3, $0x3  }
0x76: {  	v4 =	vmul.u32 $0x30, v4  }
0x77: {  	v3 =	vand.u32 $0x7, v3  }
0x78: {  	v3 =	vor.u32 v3, v4  }
0x79: {  	v4 =	vperm.xlane v3, v0;
	_ =	sdelay $0x1  }
0x7a: {  	v4 =	vadd.s32 v1, v4;
	_ =	sdelay $0x3  }
0x7b: {  	s5 =	simm.s32 $0x280;
	v3 =	vperm.xlane v3, v2  }
0x7c: {  	[hbm4b:s19+s2] =	stream.indirect_vreg.scatter [tilespmem:s5], [sflag:$0xB], $0x80, v4, vm0, $0xb8;
	[tilespmem:$0x1E280] =	vst v63  }
0x7d: {  	s29 =	simm.s32 $0xA80;
	v3 =	vadd.s32 v1, v3  }
0x7e: {  	[hbm4b:s22+s2] =	stream.indirect_vreg.scatter [tilespmem:s29], [sflag:$0xB], $0x80, v4, vm0, $0xb8;
	[tilespmem:$0x1E280] =	vst v63  }
0x7f: {  	s29 =	simm.s32 $0x1280  }
0x80: {  	[hbm4b:s24+s2] =	stream.indirect_vreg.scatter [tilespmem:s29], [sflag:$0xB], $0x80, v4, vm0, $0xb8;
	[tilespmem:$0x1E280] =	vst v63  }
0x81: {  	s29 =	simm.s32 $0x1A80  }
0x82: {  	[hbm4b:s19+s2] =	stream.indirect_vreg.scatter [tilespmem:s29], [sflag:$0xB], $0x80, v3, vm0, $0xb8;
	[tilespmem:$0x1E280] =	vst v63  }
0x83: {  	s29 =	simm.s32 $0x2280  }
0x84: {  	[hbm4b:s22+s2] =	stream.indirect_vreg.scatter [tilespmem:s29], [sflag:$0xB], $0x80, v3, vm0, $0xb8;
	[tilespmem:$0x1E280] =	vst v63  }
0x85: {  	s29 =	simm.s32 $0x2A80  }
0x86: {  	[hbm4b:s24+s2] =	stream.indirect_vreg.scatter [tilespmem:s29], [sflag:$0xB], $0x80, v3, vm0, $0xb8;
	[tilespmem:$0x1E280] =	vst v63  }
0x87: {  	v3 =	vld [tilespmem:$0x10];
	_ =	sdelay $0x4  }
0x88: {  	v25 =	vshrl.u32 v3, $0x3  }
0x89: {  	v4 =	vmul.u32 $0x30, v25  }
0x8a: {  	v3 =	vand.u32 $0x7, v3  }
0x8b: {  	v3 =	vor.u32 v3, v4  }
0x8c: {  	v4 =	vperm.xlane v3, v0;
	_ =	sdelay $0x1  }
0x8d: {  	v4 =	vadd.s32 v1, v4;
	_ =	sdelay $0x3  }
0x8e: {  	s29 =	simm.s32 $0x3280;
	v3 =	vperm.xlane v3, v2  }
0x8f: {  	[hbm4b:s19+s2] =	stream.indirect_vreg.scatter [tilespmem:s29], [sflag:$0xB], $0x80, v4, vm0, $0xb8;
	[tilespmem:$0x1E280] =	vst v63  }
0x90: {  	v3 =	vadd.s32 v1, v3;
	s29 =	simm.s32 $0x3A80  }
0x91: {  	[hbm4b:s22+s2] =	stream.indirect_vreg.scatter [tilespmem:s29], [sflag:$0xB], $0x80, v4, vm0, $0xb8;
	[tilespmem:$0x1E280] =	vst v63  }
0x92: {  	s29 =	simm.s32 $0x4280  }
0x93: {  	[hbm4b:s24+s2] =	stream.indirect_vreg.scatter [tilespmem:s29], [sflag:$0xB], $0x80, v4, vm0, $0xb8;
	[tilespmem:$0x1E280] =	vst v63  }
0x94: {  	s29 =	simm.s32 $0x4A80  }
0x95: {  	[hbm4b:s19+s2] =	stream.indirect_vreg.scatter [tilespmem:s29], [sflag:$0xB], $0x80, v3, vm0, $0xb8;
	[tilespmem:$0x1E280] =	vst v63  }
0x96: {  	s29 =	simm.s32 $0x5280  }
0x97: {  	[hbm4b:s22+s2] =	stream.indirect_vreg.scatter [tilespmem:s29], [sflag:$0xB], $0x80, v3, vm0, $0xb8;
	[tilespmem:$0x1E280] =	vst v63  }
0x98: {  	s5 =	sld [smem:$0x7E9];
	s29 =	simm.s32 $0x5A80  }
0x99: {  	[hbm4b:s24+s2] =	stream.indirect_vreg.scatter [tilespmem:s29], [sflag:$0xB], $0x80, v3, vm0, $0xb8;
	[tilespmem:$0x1E280] =	vst v63  }
0x9a: {  	s16 =	simm.s32 $0x200  }
0x9b: {  	[tilespmem:s16], [sflag:$0x5] =	stream.linear.gather [hbm4b:s5+s2], $0x20, $0x38;
	[tilespmem:$0x1E280] =	vst v63  }
0x9c: {  	s0 =	simm.s32 $0x18280;
	s29 =	rddreg [dreg:$0xa]  }
0x9d: {  	[tilespmem:s0], [sflag:$0xA] =	stream.linear.gather [hbm4b:s29+s2], $0x6000, $0x38;
	[tilespmem:$0x1E280] =	vst v63  }
0x9e: {  	_ =	swait.ge [sflag:s8], $0x20  }
0x9f: {  	[sflag:s8] =	ssyncset.done $0x0  }
0xa0: {  	s3 =	simm.s32 $0x7;
	[sflag:s8] =	ssyncadd.s32 $0xFFFFFFE0  }
0xa1: {  	_ =	swait.ge [sflag:s3], $0x6000  }
0xa2: {  	[sflag:s3] =	ssyncset.done $0x0  }
0xa3: {  	[sflag:s3] =	ssyncadd.s32 $0xFFFFA000  }
0xa4: {  	v3 =	vld [tilespmem:$0x80];
	_ =	sdelay $0x4  }
0xa5: {  	v26 =	vshrl.u32 v3, $0x3  }
0xa6: {  	v4 =	vmul.u32 $0x30, v26  }
0xa7: {  	v3 =	vand.u32 $0x7, v3  }
0xa8: {  	v3 =	vor.u32 v3, v4  }
0xa9: {  	v4 =	vperm.xlane v3, v0;
	_ =	sdelay $0x1  }
0xaa: {  	v4 =	vadd.s32 v1, v4;
	_ =	sdelay $0x3  }
0xab: {  	s3 =	simm.s32 $0x6280;
	v3 =	vperm.xlane v3, v2  }
0xac: {  	[hbm4b:s19+s2] =	stream.indirect_vreg.scatter [tilespmem:s3], [sflag:$0xC], $0x80, v4, vm0, $0xb8;
	[tilespmem:$0x1E280] =	vst v63  }
0xad: {  	s29 =	simm.s32 $0x6A80;
	v3 =	vadd.s32 v1, v3  }
0xae: {  	[hbm4b:s22+s2] =	stream.indirect_vreg.scatter [tilespmem:s29], [sflag:$0xC], $0x80, v4, vm0, $0xb8;
	[tilespmem:$0x1E280] =	vst v63  }
0xaf: {  	s29 =	simm.s32 $0x7280  }
0xb0: {  	[hbm4b:s24+s2] =	stream.indirect_vreg.scatter [tilespmem:s29], [sflag:$0xC], $0x80, v4, vm0, $0xb8;
	[tilespmem:$0x1E280] =	vst v63  }
0xb1: {  	s29 =	simm.s32 $0x7A80  }
0xb2: {  	[hbm4b:s19+s2] =	stream.indirect_vreg.scatter [tilespmem:s29], [sflag:$0xC], $0x80, v3, vm0, $0xb8;
	[tilespmem:$0x1E280] =	vst v63  }
0xb3: {  	s29 =	simm.s32 $0x8280  }
0xb4: {  	[hbm4b:s22+s2] =	stream.indirect_vreg.scatter [tilespmem:s29], [sflag:$0xC], $0x80, v3, vm0, $0xb8;
	[tilespmem:$0x1E280] =	vst v63  }
0xb5: {  	s29 =	simm.s32 $0x8A80  }
0xb6: {  	[hbm4b:s24+s2] =	stream.indirect_vreg.scatter [tilespmem:s29], [sflag:$0xC], $0x80, v3, vm0, $0xb8;
	[tilespmem:$0x1E280] =	vst v63  }
0xb7: {  	v3 =	vld [tilespmem:$0x90];
	_ =	sdelay $0x4  }
0xb8: {  	v27 =	vshrl.u32 v3, $0x3  }
0xb9: {  	v4 =	vmul.u32 $0x30, v27  }
0xba: {  	v3 =	vand.u32 $0x7, v3  }
0xbb: {  	v3 =	vor.u32 v3, v4  }
0xbc: {  	v4 =	vperm.xlane v3, v0;
	_ =	sdelay $0x1  }
0xbd: {  	v4 =	vadd.s32 v1, v4;
	_ =	sdelay $0x3  }
0xbe: {  	s29 =	simm.s32 $0x9280;
	v3 =	vperm.xlane v3, v2  }
0xbf: {  	[hbm4b:s19+s2] =	stream.indirect_vreg.scatter [tilespmem:s29], [sflag:$0xC], $0x80, v4, vm0, $0xb8;
	[tilespmem:$0x1E280] =	vst v63  }
0xc0: {  	v3 =	vadd.s32 v1, v3;
	s29 =	simm.s32 $0x9A80  }
0xc1: {  	[hbm4b:s22+s2] =	stream.indirect_vreg.scatter [tilespmem:s29], [sflag:$0xC], $0x80, v4, vm0, $0xb8;
	[tilespmem:$0x1E280] =	vst v63  }
0xc2: {  	s29 =	simm.s32 $0xA280  }
0xc3: {  	[hbm4b:s24+s2] =	stream.indirect_vreg.scatter [tilespmem:s29], [sflag:$0xC], $0x80, v4, vm0, $0xb8;
	[tilespmem:$0x1E280] =	vst v63  }
0xc4: {  	s29 =	simm.s32 $0xAA80  }
0xc5: {  	[hbm4b:s19+s2] =	stream.indirect_vreg.scatter [tilespmem:s29], [sflag:$0xC], $0x80, v3, vm0, $0xb8;
	[tilespmem:$0x1E280] =	vst v63  }
0xc6: {  	s29 =	simm.s32 $0xB280  }
0xc7: {  	[hbm4b:s22+s2] =	stream.indirect_vreg.scatter [tilespmem:s29], [sflag:$0xC], $0x80, v3, vm0, $0xb8;
	[tilespmem:$0x1E280] =	vst v63  }
0xc8: {  	s29 =	simm.s32 $0xBA80  }
0xc9: {  	[hbm4b:s24+s2] =	stream.indirect_vreg.scatter [tilespmem:s29], [sflag:$0xC], $0x80, v3, vm0, $0xb8;
	[tilespmem:$0x1E280] =	vst v63  }
0xca: {  	_ =	swait.ge [sflag:s9], $0x6000  }
0xcb: {  	s4 =	sld [smem:$0x7EB]  }
0xcc: {  	[sflag:s9] =	ssyncset.done $0x0  }
0xcd: {  	[sflag:s9] =	ssyncadd.s32 $0xFFFFA000  }
0xce: {  	[tilespmem:s2], [sflag:$0x1] =	stream.linear.gather [hbm4b:s4+s2], $0x20, $0x38;
	[tilespmem:$0x1E280] =	vst v63  }
0xcf: {  	s1 =	simm.s32 $0x280;
	s29 =	rddreg [dreg:$0xb]  }
0xd0: {  	[tilespmem:s1], [sflag:$0x6] =	stream.linear.gather [hbm4b:s29+s2], $0x6000, $0x38;
	[tilespmem:$0x1E280] =	vst v63  }
0xd1: {  	_ =	swait.ge [sflag:s10], $0x20  }
0xd2: {  	[sflag:s10] =	ssyncset.done $0x0  }
0xd3: {  	[sflag:s10] =	ssyncadd.s32 $0xFFFFFFE0  }
0xd4: {  	_ =	swait.ge [sflag:s14], $0x6000  }
0xd5: {  	[sflag:s14] =	ssyncset.done $0x0  }
0xd6: {  	[sflag:s14] =	ssyncadd.s32 $0xFFFFA000  }
0xd7: {  	v3 =	vld [tilespmem:$0x100];
	_ =	sdelay $0x4  }
0xd8: {  	v28 =	vshrl.u32 v3, $0x3  }
0xd9: {  	v4 =	vmul.u32 $0x30, v28  }
0xda: {  	v3 =	vand.u32 $0x7, v3  }
0xdb: {  	v3 =	vor.u32 v3, v4  }
0xdc: {  	v4 =	vperm.xlane v3, v0;
	_ =	sdelay $0x1  }
0xdd: {  	v4 =	vadd.s32 v1, v4;
	_ =	sdelay $0x3  }
0xde: {  	s4 =	simm.s32 $0xC280;
	v3 =	vperm.xlane v3, v2  }
0xdf: {  	[hbm4b:s19+s2] =	stream.indirect_vreg.scatter [tilespmem:s4], [sflag:$0xD], $0x80, v4, vm0, $0xb8;
	[tilespmem:$0x1E280] =	vst v63  }
0xe0: {  	s29 =	simm.s32 $0xCA80;
	v3 =	vadd.s32 v1, v3  }
0xe1: {  	[hbm4b:s22+s2] =	stream.indirect_vreg.scatter [tilespmem:s29], [sflag:$0xD], $0x80, v4, vm0, $0xb8;
	[tilespmem:$0x1E280] =	vst v63  }
0xe2: {  	s29 =	simm.s32 $0xD280  }
0xe3: {  	[hbm4b:s24+s2] =	stream.indirect_vreg.scatter [tilespmem:s29], [sflag:$0xD], $0x80, v4, vm0, $0xb8;
	[tilespmem:$0x1E280] =	vst v63  }
0xe4: {  	s29 =	simm.s32 $0xDA80  }
0xe5: {  	[hbm4b:s19+s2] =	stream.indirect_vreg.scatter [tilespmem:s29], [sflag:$0xD], $0x80, v3, vm0, $0xb8;
	[tilespmem:$0x1E280] =	vst v63  }
0xe6: {  	s29 =	simm.s32 $0xE280  }
0xe7: {  	[hbm4b:s22+s2] =	stream.indirect_vreg.scatter [tilespmem:s29], [sflag:$0xD], $0x80, v3, vm0, $0xb8;
	[tilespmem:$0x1E280] =	vst v63  }
0xe8: {  	s29 =	simm.s32 $0xEA80  }
0xe9: {  	[hbm4b:s24+s2] =	stream.indirect_vreg.scatter [tilespmem:s29], [sflag:$0xD], $0x80, v3, vm0, $0xb8;
	[tilespmem:$0x1E280] =	vst v63  }
0xea: {  	v3 =	vld [tilespmem:$0x110];
	_ =	sdelay $0x4  }
0xeb: {  	v29 =	vshrl.u32 v3, $0x3  }
0xec: {  	v4 =	vmul.u32 $0x30, v29  }
0xed: {  	v3 =	vand.u32 $0x7, v3  }
0xee: {  	v3 =	vor.u32 v3, v4  }
0xef: {  	v4 =	vperm.xlane v3, v0;
	_ =	sdelay $0x1  }
0xf0: {  	v4 =	vadd.s32 v1, v4;
	_ =	sdelay $0x3  }
0xf1: {  	s29 =	simm.s32 $0xF280;
	v3 =	vperm.xlane v3, v2  }
0xf2: {  	[hbm4b:s19+s2] =	stream.indirect_vreg.scatter [tilespmem:s29], [sflag:$0xD], $0x80, v4, vm0, $0xb8;
	[tilespmem:$0x1E280] =	vst v63  }
0xf3: {  	v3 =	vadd.s32 v1, v3;
	s29 =	simm.s32 $0xFA80  }
0xf4: {  	[hbm4b:s22+s2] =	stream.indirect_vreg.scatter [tilespmem:s29], [sflag:$0xD], $0x80, v4, vm0, $0xb8;
	[tilespmem:$0x1E280] =	vst v63  }
0xf5: {  	s29 =	simm.s32 $0x10280  }
0xf6: {  	[hbm4b:s24+s2] =	stream.indirect_vreg.scatter [tilespmem:s29], [sflag:$0xD], $0x80, v4, vm0, $0xb8;
	[tilespmem:$0x1E280] =	vst v63  }
0xf7: {  	s29 =	simm.s32 $0x10A80  }
0xf8: {  	[hbm4b:s19+s2] =	stream.indirect_vreg.scatter [tilespmem:s29], [sflag:$0xD], $0x80, v3, vm0, $0xb8;
	[tilespmem:$0x1E280] =	vst v63  }
0xf9: {  	s29 =	simm.s32 $0x11280  }
0xfa: {  	[hbm4b:s22+s2] =	stream.indirect_vreg.scatter [tilespmem:s29], [sflag:$0xD], $0x80, v3, vm0, $0xb8;
	[tilespmem:$0x1E280] =	vst v63  }
0xfb: {  	s29 =	simm.s32 $0x11A80  }
0xfc: {  	[hbm4b:s24+s2] =	stream.indirect_vreg.scatter [tilespmem:s29], [sflag:$0xD], $0x80, v3, vm0, $0xb8;
	[tilespmem:$0x1E280] =	vst v63  }
0xfd: {  	_ =	swait.ge [sflag:s17], $0x6000  }
0xfe: {  	s16 =	sld [smem:$0x7ED]  }
0xff: {  	[sflag:s17] =	ssyncset.done $0x0  }
0x100: {  	s15 =	simm.s32 $0x80;
	[sflag:s17] =	ssyncadd.s32 $0xFFFFA000  }
0x101: {  	[tilespmem:s15], [sflag:$0x2] =	stream.linear.gather [hbm4b:s16+s2], $0x20, $0x38;
	[tilespmem:$0x1E280] =	vst v63  }
0x102: {  	s29 =	rddreg [dreg:$0xc];
	s16 =	simm.s32 $0x4  }
0x103: {  	[tilespmem:s3], [sflag:$0x7] =	stream.linear.gather [hbm4b:s29+s2], $0x6000, $0x38;
	[tilespmem:$0x1E280] =	vst v63  }
0x104: {  	_ =	swait.ge [sflag:s16], $0x20  }
0x105: {  	[sflag:s16] =	ssyncset.done $0x0  }
0x106: {  	[sflag:s16] =	ssyncadd.s32 $0xFFFFFFE0  }
0x107: {  	_ =	swait.ge [sflag:s18], $0x6000  }
0x108: {  	[sflag:s18] =	ssyncset.done $0x0  }
0x109: {  	[sflag:s18] =	ssyncadd.s32 $0xFFFFA000  }
0x10a: {  	v3 =	vld [tilespmem:$0x180];
	_ =	sdelay $0x4  }
0x10b: {  	v30 =	vshrl.u32 v3, $0x3  }
0x10c: {  	v4 =	vmul.u32 $0x30, v30  }
0x10d: {  	v3 =	vand.u32 $0x7, v3  }
0x10e: {  	v3 =	vor.u32 v3, v4  }
0x10f: {  	v4 =	vperm.xlane v3, v0;
	_ =	sdelay $0x1  }
0x110: {  	v4 =	vadd.s32 v1, v4;
	_ =	sdelay $0x3  }
0x111: {  	s15 =	simm.s32 $0x12280;
	v3 =	vperm.xlane v3, v2  }
0x112: {  	[hbm4b:s19+s2] =	stream.indirect_vreg.scatter [tilespmem:s15], [sflag:$0xE], $0x80, v4, vm0, $0xb8;
	[tilespmem:$0x1E280] =	vst v63  }
0x113: {  	s29 =	simm.s32 $0x12A80;
	v3 =	vadd.s32 v1, v3  }
0x114: {  	[hbm4b:s22+s2] =	stream.indirect_vreg.scatter [tilespmem:s29], [sflag:$0xE], $0x80, v4, vm0, $0xb8;
	[tilespmem:$0x1E280] =	vst v63  }
0x115: {  	s29 =	simm.s32 $0x13280  }
0x116: {  	[hbm4b:s24+s2] =	stream.indirect_vreg.scatter [tilespmem:s29], [sflag:$0xE], $0x80, v4, vm0, $0xb8;
	[tilespmem:$0x1E280] =	vst v63  }
0x117: {  	s29 =	simm.s32 $0x13A80  }
0x118: {  	[hbm4b:s19+s2] =	stream.indirect_vreg.scatter [tilespmem:s29], [sflag:$0xE], $0x80, v3, vm0, $0xb8;
	[tilespmem:$0x1E280] =	vst v63  }
0x119: {  	s29 =	simm.s32 $0x14280  }
0x11a: {  	[hbm4b:s22+s2] =	stream.indirect_vreg.scatter [tilespmem:s29], [sflag:$0xE], $0x80, v3, vm0, $0xb8;
	[tilespmem:$0x1E280] =	vst v63  }
0x11b: {  	s29 =	simm.s32 $0x14A80  }
0x11c: {  	[hbm4b:s24+s2] =	stream.indirect_vreg.scatter [tilespmem:s29], [sflag:$0xE], $0x80, v3, vm0, $0xb8;
	[tilespmem:$0x1E280] =	vst v63  }
0x11d: {  	v3 =	vld [tilespmem:$0x190];
	_ =	sdelay $0x4  }
0x11e: {  	v31 =	vshrl.u32 v3, $0x3  }
0x11f: {  	v4 =	vmul.u32 $0x30, v31  }
0x120: {  	v3 =	vand.u32 $0x7, v3  }
0x121: {  	v3 =	vor.u32 v3, v4  }
0x122: {  	v4 =	vperm.xlane v3, v0;
	_ =	sdelay $0x1  }
0x123: {  	v4 =	vadd.s32 v1, v4;
	_ =	sdelay $0x3  }
0x124: {  	s29 =	simm.s32 $0x15280;
	v3 =	vperm.xlane v3, v2  }
0x125: {  	[hbm4b:s19+s2] =	stream.indirect_vreg.scatter [tilespmem:s29], [sflag:$0xE], $0x80, v4, vm0, $0xb8;
	[tilespmem:$0x1E280] =	vst v63  }
0x126: {  	v3 =	vadd.s32 v1, v3;
	s29 =	simm.s32 $0x15A80  }
0x127: {  	[hbm4b:s22+s2] =	stream.indirect_vreg.scatter [tilespmem:s29], [sflag:$0xE], $0x80, v4, vm0, $0xb8;
	[tilespmem:$0x1E280] =	vst v63  }
0x128: {  	s29 =	simm.s32 $0x16280  }
0x129: {  	[hbm4b:s24+s2] =	stream.indirect_vreg.scatter [tilespmem:s29], [sflag:$0xE], $0x80, v4, vm0, $0xb8;
	[tilespmem:$0x1E280] =	vst v63  }
0x12a: {  	s29 =	simm.s32 $0x16A80  }
0x12b: {  	[hbm4b:s19+s2] =	stream.indirect_vreg.scatter [tilespmem:s29], [sflag:$0xE], $0x80, v3, vm0, $0xb8;
	[tilespmem:$0x1E280] =	vst v63  }
0x12c: {  	s29 =	simm.s32 $0x17280  }
0x12d: {  	[hbm4b:s22+s2] =	stream.indirect_vreg.scatter [tilespmem:s29], [sflag:$0xE], $0x80, v3, vm0, $0xb8;
	[tilespmem:$0x1E280] =	vst v63  }
0x12e: {  	s29 =	simm.s32 $0x17A80  }
0x12f: {  	[hbm4b:s24+s2] =	stream.indirect_vreg.scatter [tilespmem:s29], [sflag:$0xE], $0x80, v3, vm0, $0xb8;
	[tilespmem:$0x1E280] =	vst v63  }
0x130: {  	_ =	swait.ge [sflag:s6], $0x6000  }
0x131: {  	s0 =	sld [smem:$0x7EF]  }
0x132: {  	[sflag:s6] =	ssyncset.done $0x0  }
0x133: {  	s11 =	simm.s32 $0x100;
	[sflag:s6] =	ssyncadd.s32 $0xFFFFA000  }
0x134: {  	[tilespmem:s11], [sflag:$0x3] =	stream.linear.gather [hbm4b:s0+s2], $0x20, $0x38;
	[tilespmem:$0x1E280] =	vst v63  }
0x135: {  	s29 =	rddreg [dreg:$0xd];
	s11 =	simm.s32 $0x5  }
0x136: {  	[tilespmem:s4], [sflag:$0x8] =	stream.linear.gather [hbm4b:s29+s2], $0x6000, $0x38;
	[tilespmem:$0x1E280] =	vst v63  }
0x137: {  	_ =	swait.ge [sflag:s11], $0x20  }
0x138: {  	[sflag:s11] =	ssyncset.done $0x0  }
0x139: {  	[sflag:s11] =	ssyncadd.s32 $0xFFFFFFE0  }
0x13a: {  	_ =	swait.ge [sflag:s12], $0x6000  }
0x13b: {  	[sflag:s12] =	ssyncset.done $0x0  }
0x13c: {  	[sflag:s12] =	ssyncadd.s32 $0xFFFFA000  }
0x13d: {  	v3 =	vld [tilespmem:$0x200];
	_ =	sdelay $0x4  }
0x13e: {  	v32 =	vshrl.u32 v3, $0x3  }
0x13f: {  	v4 =	vmul.u32 $0x30, v32  }
0x140: {  	v3 =	vand.u32 $0x7, v3  }
0x141: {  	v3 =	vor.u32 v3, v4  }
0x142: {  	v4 =	vperm.xlane v3, v0;
	_ =	sdelay $0x1  }
0x143: {  	v4 =	vadd.s32 v1, v4;
	_ =	sdelay $0x3  }
0x144: {  	s30 =	simm.s32 $0x18280;
	v3 =	vperm.xlane v3, v2  }
0x145: {  	[hbm4b:s19+s2] =	stream.indirect_vreg.scatter [tilespmem:s30], [sflag:$0xF], $0x80, v4, vm0, $0xb8;
	[tilespmem:$0x1E280] =	vst v63  }
0x146: {  	s29 =	simm.s32 $0x18A80;
	v3 =	vadd.s32 v1, v3  }
0x147: {  	[hbm4b:s22+s2] =	stream.indirect_vreg.scatter [tilespmem:s29], [sflag:$0xF], $0x80, v4, vm0, $0xb8;
	[tilespmem:$0x1E280] =	vst v63  }
0x148: {  	s29 =	simm.s32 $0x19280  }
0x149: {  	[hbm4b:s24+s2] =	stream.indirect_vreg.scatter [tilespmem:s29], [sflag:$0xF], $0x80, v4, vm0, $0xb8;
	[tilespmem:$0x1E280] =	vst v63  }
0x14a: {  	s29 =	simm.s32 $0x19A80  }
0x14b: {  	[hbm4b:s19+s2] =	stream.indirect_vreg.scatter [tilespmem:s29], [sflag:$0xF], $0x80, v3, vm0, $0xb8;
	[tilespmem:$0x1E280] =	vst v63  }
0x14c: {  	s29 =	simm.s32 $0x1A280  }
0x14d: {  	[hbm4b:s22+s2] =	stream.indirect_vreg.scatter [tilespmem:s29], [sflag:$0xF], $0x80, v3, vm0, $0xb8;
	[tilespmem:$0x1E280] =	vst v63  }
0x14e: {  	s29 =	simm.s32 $0x1AA80  }
0x14f: {  	[hbm4b:s24+s2] =	stream.indirect_vreg.scatter [tilespmem:s29], [sflag:$0xF], $0x80, v3, vm0, $0xb8;
	[tilespmem:$0x1E280] =	vst v63  }
0x150: {  	v3 =	vld [tilespmem:$0x210];
	_ =	sdelay $0x4  }
0x151: {  	v33 =	vshrl.u32 v3, $0x3  }
0x152: {  	v4 =	vmul.u32 $0x30, v33  }
0x153: {  	v3 =	vand.u32 $0x7, v3  }
0x154: {  	v3 =	vor.u32 v3, v4  }
0x155: {  	v4 =	vperm.xlane v3, v0;
	_ =	sdelay $0x1  }
0x156: {  	v4 =	vadd.s32 v1, v4;
	_ =	sdelay $0x3  }
0x157: {  	s29 =	simm.s32 $0x1B280;
	v3 =	vperm.xlane v3, v2  }
0x158: {  	[hbm4b:s19+s2] =	stream.indirect_vreg.scatter [tilespmem:s29], [sflag:$0xF], $0x80, v4, vm0, $0xb8;
	[tilespmem:$0x1E280] =	vst v63  }
0x159: {  	v3 =	vadd.s32 v1, v3;
	s29 =	simm.s32 $0x1BA80  }
0x15a: {  	[hbm4b:s22+s2] =	stream.indirect_vreg.scatter [tilespmem:s29], [sflag:$0xF], $0x80, v4, vm0, $0xb8;
	[tilespmem:$0x1E280] =	vst v63  }
0x15b: {  	s29 =	simm.s32 $0x1C280  }
0x15c: {  	[hbm4b:s24+s2] =	stream.indirect_vreg.scatter [tilespmem:s29], [sflag:$0xF], $0x80, v4, vm0, $0xb8;
	[tilespmem:$0x1E280] =	vst v63  }
0x15d: {  	s29 =	simm.s32 $0x1CA80  }
0x15e: {  	[hbm4b:s19+s2] =	stream.indirect_vreg.scatter [tilespmem:s29], [sflag:$0xF], $0x80, v3, vm0, $0xb8;
	[tilespmem:$0x1E280] =	vst v63  }
0x15f: {  	s29 =	simm.s32 $0x1D280  }
0x160: {  	[hbm4b:s22+s2] =	stream.indirect_vreg.scatter [tilespmem:s29], [sflag:$0xF], $0x80, v3, vm0, $0xb8;
	[tilespmem:$0x1E280] =	vst v63  }
0x161: {  	s29 =	simm.s32 $0x1DA80  }
0x162: {  	[hbm4b:s24+s2] =	stream.indirect_vreg.scatter [tilespmem:s29], [sflag:$0xF], $0x80, v3, vm0, $0xb8;
	[tilespmem:$0x1E280] =	vst v63  }
0x163: {  	_ =	swait.ge [sflag:s13], $0x6000  }
0x164: {  	s4 =	sld [smem:$0x7F1]  }
0x165: {  	[sflag:s13] =	ssyncset.done $0x0  }
0x166: {  	s0 =	simm.s32 $0x180;
	[sflag:s13] =	ssyncadd.s32 $0xFFFFA000  }
0x167: {  	[tilespmem:s0], [sflag:$0x4] =	stream.linear.gather [hbm4b:s4+s2], $0x20, $0x38;
	[tilespmem:$0x1E280] =	vst v63  }
0x168: {  	s29 =	rddreg [dreg:$0xe]  }
0x169: {  	[tilespmem:s15], [sflag:$0x9] =	stream.linear.gather [hbm4b:s29+s2], $0x6000, $0x38;
	[tilespmem:$0x1E280] =	vst v63  }
0x16a: {  	_ =	swait.ge [sflag:s7], $0x20  }
0x16b: {  	[sflag:s7] =	ssyncset.done $0x0  }
0x16c: {  	[sflag:s7] =	ssyncadd.s32 $0xFFFFFFE0  }
0x16d: {  	_ =	swait.ge [sflag:s31], $0x6000  }
0x16e: {  	[sflag:s31] =	ssyncset.done $0x0  }
0x16f: {  	[sflag:s31] =	ssyncadd.s32 $0xFFFFA000  }
0x170: {  	v3 =	vld [tilespmem:$0x0];
	_ =	sdelay $0x4  }
0x171: {  	v34 =	vshrl.u32 v3, $0x3  }
0x172: {  	v4 =	vmul.u32 $0x30, v34  }
0x173: {  	v3 =	vand.u32 $0x7, v3  }
0x174: {  	v3 =	vor.u32 v3, v4  }
0x175: {  	v4 =	vperm.xlane v3, v0;
	_ =	sdelay $0x1  }
0x176: {  	v4 =	vadd.s32 v1, v4;
	_ =	sdelay $0x3  }
0x177: {  	s1 =	simm.s32 $0x280;
	v3 =	vperm.xlane v3, v2  }
0x178: {  	[hbm4b:s19+s2] =	stream.indirect_vreg.scatter [tilespmem:s1], [sflag:$0xB], $0x80, v4, vm0, $0xb8;
	[tilespmem:$0x1E280] =	vst v63  }
0x179: {  	s4 =	simm.s32 $0xA80;
	v3 =	vadd.s32 v1, v3  }
0x17a: {  	[hbm4b:s22+s2] =	stream.indirect_vreg.scatter [tilespmem:s4], [sflag:$0xB], $0x80, v4, vm0, $0xb8;
	[tilespmem:$0x1E280] =	vst v63  }
0x17b: {  	s1 =	simm.s32 $0x1280  }
0x17c: {  	[hbm4b:s24+s2] =	stream.indirect_vreg.scatter [tilespmem:s1], [sflag:$0xB], $0x80, v4, vm0, $0xb8;
	[tilespmem:$0x1E280] =	vst v63  }
0x17d: {  	s4 =	simm.s32 $0x1A80  }
0x17e: {  	[hbm4b:s19+s2] =	stream.indirect_vreg.scatter [tilespmem:s4], [sflag:$0xB], $0x80, v3, vm0, $0xb8;
	[tilespmem:$0x1E280] =	vst v63  }
0x17f: {  	s1 =	simm.s32 $0x2280  }
0x180: {  	[hbm4b:s22+s2] =	stream.indirect_vreg.scatter [tilespmem:s1], [sflag:$0xB], $0x80, v3, vm0, $0xb8;
	[tilespmem:$0x1E280] =	vst v63  }
0x181: {  	s4 =	simm.s32 $0x2A80  }
0x182: {  	[hbm4b:s24+s2] =	stream.indirect_vreg.scatter [tilespmem:s4], [sflag:$0xB], $0x80, v3, vm0, $0xb8;
	[tilespmem:$0x1E280] =	vst v63  }
0x183: {  	v3 =	vld [tilespmem:$0x10];
	_ =	sdelay $0x4  }
0x184: {  	v35 =	vshrl.u32 v3, $0x3  }
0x185: {  	v4 =	vmul.u32 $0x30, v35  }
0x186: {  	v3 =	vand.u32 $0x7, v3  }
0x187: {  	v3 =	vor.u32 v3, v4  }
0x188: {  	v4 =	vperm.xlane v3, v0;
	_ =	sdelay $0x1  }
0x189: {  	v4 =	vadd.s32 v1, v4;
	_ =	sdelay $0x3  }
0x18a: {  	s1 =	simm.s32 $0x3280;
	v3 =	vperm.xlane v3, v2  }
0x18b: {  	[hbm4b:s19+s2] =	stream.indirect_vreg.scatter [tilespmem:s1], [sflag:$0xB], $0x80, v4, vm0, $0xb8;
	[tilespmem:$0x1E280] =	vst v63  }
0x18c: {  	s4 =	simm.s32 $0x3A80;
	v3 =	vadd.s32 v1, v3  }
0x18d: {  	[hbm4b:s22+s2] =	stream.indirect_vreg.scatter [tilespmem:s4], [sflag:$0xB], $0x80, v4, vm0, $0xb8;
	[tilespmem:$0x1E280] =	vst v63  }
0x18e: {  	s1 =	simm.s32 $0x4280  }
0x18f: {  	[hbm4b:s24+s2] =	stream.indirect_vreg.scatter [tilespmem:s1], [sflag:$0xB], $0x80, v4, vm0, $0xb8;
	[tilespmem:$0x1E280] =	vst v63  }
0x190: {  	s4 =	simm.s32 $0x4A80  }
0x191: {  	[hbm4b:s19+s2] =	stream.indirect_vreg.scatter [tilespmem:s4], [sflag:$0xB], $0x80, v3, vm0, $0xb8;
	[tilespmem:$0x1E280] =	vst v63  }
0x192: {  	s1 =	simm.s32 $0x5280  }
0x193: {  	[hbm4b:s22+s2] =	stream.indirect_vreg.scatter [tilespmem:s1], [sflag:$0xB], $0x80, v3, vm0, $0xb8;
	[tilespmem:$0x1E280] =	vst v63  }
0x194: {  	s4 =	simm.s32 $0x5A80  }
0x195: {  	[hbm4b:s24+s2] =	stream.indirect_vreg.scatter [tilespmem:s4], [sflag:$0xB], $0x80, v3, vm0, $0xb8;
	[tilespmem:$0x1E280] =	vst v63  }
0x196: {  	s4 =	simm.s32 $0xF  }
0x197: {  	_ =	swait.ge [sflag:s4], $0x6000  }
0x198: {  	[sflag:s4] =	ssyncset.done $0x0  }
0x199: {  	[sflag:s4] =	ssyncadd.s32 $0xFFFFA000  }
0x19a: {  	s1 =	sld [smem:$0x7F2];
	_ =	sdelay $0x1  }
0x19b: {  	s0 =	simm.s32 $0x200  }
0x19c: {  	[tilespmem:s0], [sflag:$0x5] =	stream.linear.gather [hbm4b:s1+s2], $0x20, $0x38;
	[tilespmem:$0x1E280] =	vst v63  }
0x19d: {  	s30 =	simm.s32 $0x18280;
	s29 =	rddreg [dreg:$0xf]  }
0x19e: {  	[tilespmem:s30], [sflag:$0xA] =	stream.linear.gather [hbm4b:s29+s2], $0x6000, $0x38;
	[tilespmem:$0x1E280] =	vst v63  }
0x19f: {  	_ =	swait.ge [sflag:s8], $0x20  }
0x1a0: {  	[sflag:s8] =	ssyncset.done $0x0  }
0x1a1: {  	s5 =	simm.s32 $0x7;
	[sflag:s8] =	ssyncadd.s32 $0xFFFFFFE0  }
0x1a2: {  	_ =	swait.ge [sflag:s5], $0x6000  }
0x1a3: {  	[sflag:s5] =	ssyncset.done $0x0  }
0x1a4: {  	[sflag:s5] =	ssyncadd.s32 $0xFFFFA000  }
0x1a5: {  	v3 =	vld [tilespmem:$0x80];
	_ =	sdelay $0x4  }
0x1a6: {  	v36 =	vshrl.u32 v3, $0x3  }
0x1a7: {  	v4 =	vmul.u32 $0x30, v36  }
0x1a8: {  	v3 =	vand.u32 $0x7, v3  }
0x1a9: {  	v3 =	vor.u32 v3, v4  }
0x1aa: {  	v4 =	vperm.xlane v3, v0;
	_ =	sdelay $0x1  }
0x1ab: {  	v4 =	vadd.s32 v1, v4;
	_ =	sdelay $0x3  }
0x1ac: {  	s3 =	simm.s32 $0x6280;
	v3 =	vperm.xlane v3, v2  }
0x1ad: {  	[hbm4b:s19+s2] =	stream.indirect_vreg.scatter [tilespmem:s3], [sflag:$0xC], $0x80, v4, vm0, $0xb8;
	[tilespmem:$0x1E280] =	vst v63  }
0x1ae: {  	s1 =	simm.s32 $0x6A80;
	v3 =	vadd.s32 v1, v3  }
0x1af: {  	[hbm4b:s22+s2] =	stream.indirect_vreg.scatter [tilespmem:s1], [sflag:$0xC], $0x80, v4, vm0, $0xb8;
	[tilespmem:$0x1E280] =	vst v63  }
0x1b0: {  	s1 =	simm.s32 $0x7280  }
0x1b1: {  	[hbm4b:s24+s2] =	stream.indirect_vreg.scatter [tilespmem:s1], [sflag:$0xC], $0x80, v4, vm0, $0xb8;
	[tilespmem:$0x1E280] =	vst v63  }
0x1b2: {  	s1 =	simm.s32 $0x7A80  }
0x1b3: {  	[hbm4b:s19+s2] =	stream.indirect_vreg.scatter [tilespmem:s1], [sflag:$0xC], $0x80, v3, vm0, $0xb8;
	[tilespmem:$0x1E280] =	vst v63  }
0x1b4: {  	s1 =	simm.s32 $0x8280  }
0x1b5: {  	[hbm4b:s22+s2] =	stream.indirect_vreg.scatter [tilespmem:s1], [sflag:$0xC], $0x80, v3, vm0, $0xb8;
	[tilespmem:$0x1E280] =	vst v63  }
0x1b6: {  	s1 =	simm.s32 $0x8A80  }
0x1b7: {  	[hbm4b:s24+s2] =	stream.indirect_vreg.scatter [tilespmem:s1], [sflag:$0xC], $0x80, v3, vm0, $0xb8;
	[tilespmem:$0x1E280] =	vst v63  }
0x1b8: {  	v3 =	vld [tilespmem:$0x90];
	_ =	sdelay $0x4  }
0x1b9: {  	v37 =	vshrl.u32 v3, $0x3  }
0x1ba: {  	v4 =	vmul.u32 $0x30, v37  }
0x1bb: {  	v3 =	vand.u32 $0x7, v3  }
0x1bc: {  	v3 =	vor.u32 v3, v4  }
0x1bd: {  	v4 =	vperm.xlane v3, v0;
	_ =	sdelay $0x1  }
0x1be: {  	v4 =	vadd.s32 v1, v4;
	_ =	sdelay $0x3  }
0x1bf: {  	s1 =	simm.s32 $0x9280;
	v3 =	vperm.xlane v3, v2  }
0x1c0: {  	[hbm4b:s19+s2] =	stream.indirect_vreg.scatter [tilespmem:s1], [sflag:$0xC], $0x80, v4, vm0, $0xb8;
	[tilespmem:$0x1E280] =	vst v63  }
0x1c1: {  	v3 =	vadd.s32 v1, v3;
	s1 =	simm.s32 $0x9A80  }
0x1c2: {  	[hbm4b:s22+s2] =	stream.indirect_vreg.scatter [tilespmem:s1], [sflag:$0xC], $0x80, v4, vm0, $0xb8;
	[tilespmem:$0x1E280] =	vst v63  }
0x1c3: {  	s1 =	simm.s32 $0xA280  }
0x1c4: {  	[hbm4b:s24+s2] =	stream.indirect_vreg.scatter [tilespmem:s1], [sflag:$0xC], $0x80, v4, vm0, $0xb8;
	[tilespmem:$0x1E280] =	vst v63  }
0x1c5: {  	s1 =	simm.s32 $0xAA80  }
0x1c6: {  	[hbm4b:s19+s2] =	stream.indirect_vreg.scatter [tilespmem:s1], [sflag:$0xC], $0x80, v3, vm0, $0xb8;
	[tilespmem:$0x1E280] =	vst v63  }
0x1c7: {  	s1 =	simm.s32 $0xB280  }
0x1c8: {  	[hbm4b:s22+s2] =	stream.indirect_vreg.scatter [tilespmem:s1], [sflag:$0xC], $0x80, v3, vm0, $0xb8;
	[tilespmem:$0x1E280] =	vst v63  }
0x1c9: {  	s1 =	simm.s32 $0xBA80  }
0x1ca: {  	[hbm4b:s24+s2] =	stream.indirect_vreg.scatter [tilespmem:s1], [sflag:$0xC], $0x80, v3, vm0, $0xb8;
	[tilespmem:$0x1E280] =	vst v63  }
0x1cb: {  	_ =	swait.ge [sflag:s9], $0x6000  }
0x1cc: {  	s0 =	sld [smem:$0x7F3]  }
0x1cd: {  	[sflag:s9] =	ssyncset.done $0x0  }
0x1ce: {  	[sflag:s9] =	ssyncadd.s32 $0xFFFFA000  }
0x1cf: {  	[tilespmem:s2], [sflag:$0x1] =	stream.linear.gather [hbm4b:s0+s2], $0x20, $0x38;
	[tilespmem:$0x1E280] =	vst v63  }
0x1d0: {  	s15 =	simm.s32 $0x280;
	s29 =	rddreg [dreg:$0x10]  }
0x1d1: {  	[tilespmem:s15], [sflag:$0x6] =	stream.linear.gather [hbm4b:s29+s2], $0x6000, $0x38;
	[tilespmem:$0x1E280] =	vst v63  }
0x1d2: {  	_ =	swait.ge [sflag:s10], $0x20  }
0x1d3: {  	[sflag:s10] =	ssyncset.done $0x0  }
0x1d4: {  	[sflag:s10] =	ssyncadd.s32 $0xFFFFFFE0  }
0x1d5: {  	_ =	swait.ge [sflag:s14], $0x6000  }
0x1d6: {  	[sflag:s14] =	ssyncset.done $0x0  }
0x1d7: {  	[sflag:s14] =	ssyncadd.s32 $0xFFFFA000  }
0x1d8: {  	v3 =	vld [tilespmem:$0x100];
	_ =	sdelay $0x4  }
0x1d9: {  	v38 =	vshrl.u32 v3, $0x3  }
0x1da: {  	v4 =	vmul.u32 $0x30, v38  }
0x1db: {  	v3 =	vand.u32 $0x7, v3  }
0x1dc: {  	v3 =	vor.u32 v3, v4  }
0x1dd: {  	v4 =	vperm.xlane v3, v0;
	_ =	sdelay $0x1  }
0x1de: {  	v4 =	vadd.s32 v1, v4;
	_ =	sdelay $0x3  }
0x1df: {  	s15 =	simm.s32 $0xC280;
	v3 =	vperm.xlane v3, v2  }
0x1e0: {  	[hbm4b:s19+s2] =	stream.indirect_vreg.scatter [tilespmem:s15], [sflag:$0xD], $0x80, v4, vm0, $0xb8;
	[tilespmem:$0x1E280] =	vst v63  }
0x1e1: {  	s1 =	simm.s32 $0xCA80;
	v3 =	vadd.s32 v1, v3  }
0x1e2: {  	[hbm4b:s22+s2] =	stream.indirect_vreg.scatter [tilespmem:s1], [sflag:$0xD], $0x80, v4, vm0, $0xb8;
	[tilespmem:$0x1E280] =	vst v63  }
0x1e3: {  	s1 =	simm.s32 $0xD280  }
0x1e4: {  	[hbm4b:s24+s2] =	stream.indirect_vreg.scatter [tilespmem:s1], [sflag:$0xD], $0x80, v4, vm0, $0xb8;
	[tilespmem:$0x1E280] =	vst v63  }
0x1e5: {  	s1 =	simm.s32 $0xDA80  }
0x1e6: {  	[hbm4b:s19+s2] =	stream.indirect_vreg.scatter [tilespmem:s1], [sflag:$0xD], $0x80, v3, vm0, $0xb8;
	[tilespmem:$0x1E280] =	vst v63  }
0x1e7: {  	s1 =	simm.s32 $0xE280  }
0x1e8: {  	[hbm4b:s22+s2] =	stream.indirect_vreg.scatter [tilespmem:s1], [sflag:$0xD], $0x80, v3, vm0, $0xb8;
	[tilespmem:$0x1E280] =	vst v63  }
0x1e9: {  	s1 =	simm.s32 $0xEA80  }
0x1ea: {  	[hbm4b:s24+s2] =	stream.indirect_vreg.scatter [tilespmem:s1], [sflag:$0xD], $0x80, v3, vm0, $0xb8;
	[tilespmem:$0x1E280] =	vst v63  }
0x1eb: {  	v3 =	vld [tilespmem:$0x110];
	_ =	sdelay $0x4  }
0x1ec: {  	v39 =	vshrl.u32 v3, $0x3  }
0x1ed: {  	v4 =	vmul.u32 $0x30, v39  }
0x1ee: {  	v3 =	vand.u32 $0x7, v3  }
0x1ef: {  	v3 =	vor.u32 v3, v4  }
0x1f0: {  	v4 =	vperm.xlane v3, v0;
	_ =	sdelay $0x1  }
0x1f1: {  	v4 =	vadd.s32 v1, v4;
	_ =	sdelay $0x3  }
0x1f2: {  	s1 =	simm.s32 $0xF280;
	v3 =	vperm.xlane v3, v2  }
0x1f3: {  	[hbm4b:s19+s2] =	stream.indirect_vreg.scatter [tilespmem:s1], [sflag:$0xD], $0x80, v4, vm0, $0xb8;
	[tilespmem:$0x1E280] =	vst v63  }
0x1f4: {  	v3 =	vadd.s32 v1, v3;
	s1 =	simm.s32 $0xFA80  }
0x1f5: {  	[hbm4b:s22+s2] =	stream.indirect_vreg.scatter [tilespmem:s1], [sflag:$0xD], $0x80, v4, vm0, $0xb8;
	[tilespmem:$0x1E280] =	vst v63  }
0x1f6: {  	s1 =	simm.s32 $0x10280  }
0x1f7: {  	[hbm4b:s24+s2] =	stream.indirect_vreg.scatter [tilespmem:s1], [sflag:$0xD], $0x80, v4, vm0, $0xb8;
	[tilespmem:$0x1E280] =	vst v63  }
0x1f8: {  	s1 =	simm.s32 $0x10A80  }
0x1f9: {  	[hbm4b:s19+s2] =	stream.indirect_vreg.scatter [tilespmem:s1], [sflag:$0xD], $0x80, v3, vm0, $0xb8;
	[tilespmem:$0x1E280] =	vst v63  }
0x1fa: {  	s1 =	simm.s32 $0x11280  }
0x1fb: {  	[hbm4b:s22+s2] =	stream.indirect_vreg.scatter [tilespmem:s1], [sflag:$0xD], $0x80, v3, vm0, $0xb8;
	[tilespmem:$0x1E280] =	vst v63  }
0x1fc: {  	s1 =	simm.s32 $0x11A80  }
0x1fd: {  	[hbm4b:s24+s2] =	stream.indirect_vreg.scatter [tilespmem:s1], [sflag:$0xD], $0x80, v3, vm0, $0xb8;
	[tilespmem:$0x1E280] =	vst v63  }
0x1fe: {  	_ =	swait.ge [sflag:s17], $0x6000  }
0x1ff: {  	s0 =	sld [smem:$0x7F4]  }
0x200: {  	[sflag:s17] =	ssyncset.done $0x0  }
0x201: {  	s1 =	simm.s32 $0x80;
	[sflag:s17] =	ssyncadd.s32 $0xFFFFA000  }
0x202: {  	[tilespmem:s1], [sflag:$0x2] =	stream.linear.gather [hbm4b:s0+s2], $0x20, $0x38;
	[tilespmem:$0x1E280] =	vst v63  }
0x203: {  	s3 =	simm.s32 $0x6280;
	s29 =	rddreg [dreg:$0x11]  }
0x204: {  	[tilespmem:s3], [sflag:$0x7] =	stream.linear.gather [hbm4b:s29+s2], $0x6000, $0x38;
	[tilespmem:$0x1E280] =	vst v63  }
0x205: {  	_ =	swait.ge [sflag:s16], $0x20  }
0x206: {  	[sflag:s16] =	ssyncset.done $0x0  }
0x207: {  	[sflag:s16] =	ssyncadd.s32 $0xFFFFFFE0  }
0x208: {  	_ =	swait.ge [sflag:s18], $0x6000  }
0x209: {  	[sflag:s18] =	ssyncset.done $0x0  }
0x20a: {  	[sflag:s18] =	ssyncadd.s32 $0xFFFFA000  }
0x20b: {  	v3 =	vld [tilespmem:$0x180];
	_ =	sdelay $0x4  }
0x20c: {  	v40 =	vshrl.u32 v3, $0x3  }
0x20d: {  	v4 =	vmul.u32 $0x30, v40  }
0x20e: {  	v3 =	vand.u32 $0x7, v3  }
0x20f: {  	v3 =	vor.u32 v3, v4  }
0x210: {  	v4 =	vperm.xlane v3, v0;
	_ =	sdelay $0x1  }
0x211: {  	v4 =	vadd.s32 v1, v4;
	_ =	sdelay $0x3  }
0x212: {  	s1 =	simm.s32 $0x12280;
	v3 =	vperm.xlane v3, v2  }
0x213: {  	[hbm4b:s19+s2] =	stream.indirect_vreg.scatter [tilespmem:s1], [sflag:$0xE], $0x80, v4, vm0, $0xb8;
	[tilespmem:$0x1E280] =	vst v63  }
0x214: {  	s3 =	simm.s32 $0x12A80;
	v3 =	vadd.s32 v1, v3  }
0x215: {  	[hbm4b:s22+s2] =	stream.indirect_vreg.scatter [tilespmem:s3], [sflag:$0xE], $0x80, v4, vm0, $0xb8;
	[tilespmem:$0x1E280] =	vst v63  }
0x216: {  	s3 =	simm.s32 $0x13280  }
0x217: {  	[hbm4b:s24+s2] =	stream.indirect_vreg.scatter [tilespmem:s3], [sflag:$0xE], $0x80, v4, vm0, $0xb8;
	[tilespmem:$0x1E280] =	vst v63  }
0x218: {  	s3 =	simm.s32 $0x13A80  }
0x219: {  	[hbm4b:s19+s2] =	stream.indirect_vreg.scatter [tilespmem:s3], [sflag:$0xE], $0x80, v3, vm0, $0xb8;
	[tilespmem:$0x1E280] =	vst v63  }
0x21a: {  	s3 =	simm.s32 $0x14280  }
0x21b: {  	[hbm4b:s22+s2] =	stream.indirect_vreg.scatter [tilespmem:s3], [sflag:$0xE], $0x80, v3, vm0, $0xb8;
	[tilespmem:$0x1E280] =	vst v63  }
0x21c: {  	s3 =	simm.s32 $0x14A80  }
0x21d: {  	[hbm4b:s24+s2] =	stream.indirect_vreg.scatter [tilespmem:s3], [sflag:$0xE], $0x80, v3, vm0, $0xb8;
	[tilespmem:$0x1E280] =	vst v63  }
0x21e: {  	v3 =	vld [tilespmem:$0x190];
	_ =	sdelay $0x4  }
0x21f: {  	v41 =	vshrl.u32 v3, $0x3  }
0x220: {  	v4 =	vmul.u32 $0x30, v41  }
0x221: {  	v3 =	vand.u32 $0x7, v3  }
0x222: {  	v3 =	vor.u32 v3, v4  }
0x223: {  	v4 =	vperm.xlane v3, v0;
	_ =	sdelay $0x1  }
0x224: {  	v4 =	vadd.s32 v1, v4;
	_ =	sdelay $0x3  }
0x225: {  	s3 =	simm.s32 $0x15280;
	v3 =	vperm.xlane v3, v2  }
0x226: {  	[hbm4b:s19+s2] =	stream.indirect_vreg.scatter [tilespmem:s3], [sflag:$0xE], $0x80, v4, vm0, $0xb8;
	[tilespmem:$0x1E280] =	vst v63  }
0x227: {  	v3 =	vadd.s32 v1, v3;
	s3 =	simm.s32 $0x15A80  }
0x228: {  	[hbm4b:s22+s2] =	stream.indirect_vreg.scatter [tilespmem:s3], [sflag:$0xE], $0x80, v4, vm0, $0xb8;
	[tilespmem:$0x1E280] =	vst v63  }
0x229: {  	s3 =	simm.s32 $0x16280  }
0x22a: {  	[hbm4b:s24+s2] =	stream.indirect_vreg.scatter [tilespmem:s3], [sflag:$0xE], $0x80, v4, vm0, $0xb8;
	[tilespmem:$0x1E280] =	vst v63  }
0x22b: {  	s3 =	simm.s32 $0x16A80  }
0x22c: {  	[hbm4b:s19+s2] =	stream.indirect_vreg.scatter [tilespmem:s3], [sflag:$0xE], $0x80, v3, vm0, $0xb8;
	[tilespmem:$0x1E280] =	vst v63  }
0x22d: {  	s3 =	simm.s32 $0x17280  }
0x22e: {  	[hbm4b:s22+s2] =	stream.indirect_vreg.scatter [tilespmem:s3], [sflag:$0xE], $0x80, v3, vm0, $0xb8;
	[tilespmem:$0x1E280] =	vst v63  }
0x22f: {  	s3 =	simm.s32 $0x17A80  }
0x230: {  	[hbm4b:s24+s2] =	stream.indirect_vreg.scatter [tilespmem:s3], [sflag:$0xE], $0x80, v3, vm0, $0xb8;
	[tilespmem:$0x1E280] =	vst v63  }
0x231: {  	_ =	swait.ge [sflag:s6], $0x6000  }
0x232: {  	s0 =	sld [smem:$0x7F5]  }
0x233: {  	[sflag:s6] =	ssyncset.done $0x0  }
0x234: {  	s3 =	simm.s32 $0x100;
	[sflag:s6] =	ssyncadd.s32 $0xFFFFA000  }
0x235: {  	[tilespmem:s3], [sflag:$0x3] =	stream.linear.gather [hbm4b:s0+s2], $0x20, $0x38;
	[tilespmem:$0x1E280] =	vst v63  }
0x236: {  	s15 =	simm.s32 $0xC280;
	s29 =	rddreg [dreg:$0x12]  }
0x237: {  	[tilespmem:s15], [sflag:$0x8] =	stream.linear.gather [hbm4b:s29+s2], $0x6000, $0x38;
	[tilespmem:$0x1E280] =	vst v63  }
0x238: {  	_ =	swait.ge [sflag:s11], $0x20  }
0x239: {  	[sflag:s11] =	ssyncset.done $0x0  }
0x23a: {  	[sflag:s11] =	ssyncadd.s32 $0xFFFFFFE0  }
0x23b: {  	_ =	swait.ge [sflag:s12], $0x6000  }
0x23c: {  	[sflag:s12] =	ssyncset.done $0x0  }
0x23d: {  	[sflag:s12] =	ssyncadd.s32 $0xFFFFA000  }
0x23e: {  	v3 =	vld [tilespmem:$0x200];
	_ =	sdelay $0x4  }
0x23f: {  	v42 =	vshrl.u32 v3, $0x3  }
0x240: {  	v4 =	vmul.u32 $0x30, v42  }
0x241: {  	v3 =	vand.u32 $0x7, v3  }
0x242: {  	v3 =	vor.u32 v3, v4  }
0x243: {  	v4 =	vperm.xlane v3, v0;
	_ =	sdelay $0x1  }
0x244: {  	v4 =	vadd.s32 v1, v4;
	_ =	sdelay $0x3  }
0x245: {  	s30 =	simm.s32 $0x18280;
	v3 =	vperm.xlane v3, v2  }
0x246: {  	[hbm4b:s19+s2] =	stream.indirect_vreg.scatter [tilespmem:s30], [sflag:$0xF], $0x80, v4, vm0, $0xb8;
	[tilespmem:$0x1E280] =	vst v63  }
0x247: {  	v3 =	vadd.s32 v1, v3;
	s30 =	simm.s32 $0x18A80  }
0x248: {  	[hbm4b:s22+s2] =	stream.indirect_vreg.scatter [tilespmem:s30], [sflag:$0xF], $0x80, v4, vm0, $0xb8;
	[tilespmem:$0x1E280] =	vst v63  }
0x249: {  	s30 =	simm.s32 $0x19280  }
0x24a: {  	[hbm4b:s24+s2] =	stream.indirect_vreg.scatter [tilespmem:s30], [sflag:$0xF], $0x80, v4, vm0, $0xb8;
	[tilespmem:$0x1E280] =	vst v63  }
0x24b: {  	s30 =	simm.s32 $0x19A80  }
0x24c: {  	[hbm4b:s19+s2] =	stream.indirect_vreg.scatter [tilespmem:s30], [sflag:$0xF], $0x80, v3, vm0, $0xb8;
	[tilespmem:$0x1E280] =	vst v63  }
0x24d: {  	s30 =	simm.s32 $0x1A280  }
0x24e: {  	[hbm4b:s22+s2] =	stream.indirect_vreg.scatter [tilespmem:s30], [sflag:$0xF], $0x80, v3, vm0, $0xb8;
	[tilespmem:$0x1E280] =	vst v63  }
0x24f: {  	s30 =	simm.s32 $0x1AA80  }
0x250: {  	[hbm4b:s24+s2] =	stream.indirect_vreg.scatter [tilespmem:s30], [sflag:$0xF], $0x80, v3, vm0, $0xb8;
	[tilespmem:$0x1E280] =	vst v63  }
0x251: {  	v3 =	vld [tilespmem:$0x210];
	_ =	sdelay $0x4  }
0x252: {  	v43 =	vshrl.u32 v3, $0x3  }
0x253: {  	v4 =	vmul.u32 $0x30, v43  }
0x254: {  	v3 =	vand.u32 $0x7, v3  }
0x255: {  	v3 =	vor.u32 v3, v4  }
0x256: {  	v4 =	vperm.xlane v3, v0;
	_ =	sdelay $0x1  }
0x257: {  	v4 =	vadd.s32 v1, v4;
	_ =	sdelay $0x3  }
0x258: {  	s30 =	simm.s32 $0x1B280;
	v3 =	vperm.xlane v3, v2  }
0x259: {  	[hbm4b:s19+s2] =	stream.indirect_vreg.scatter [tilespmem:s30], [sflag:$0xF], $0x80, v4, vm0, $0xb8;
	[tilespmem:$0x1E280] =	vst v63  }
0x25a: {  	v3 =	vadd.s32 v1, v3;
	s30 =	simm.s32 $0x1BA80  }
0x25b: {  	[hbm4b:s22+s2] =	stream.indirect_vreg.scatter [tilespmem:s30], [sflag:$0xF], $0x80, v4, vm0, $0xb8;
	[tilespmem:$0x1E280] =	vst v63  }
0x25c: {  	s30 =	simm.s32 $0x1C280  }
0x25d: {  	[hbm4b:s24+s2] =	stream.indirect_vreg.scatter [tilespmem:s30], [sflag:$0xF], $0x80, v4, vm0, $0xb8;
	[tilespmem:$0x1E280] =	vst v63  }
0x25e: {  	s30 =	simm.s32 $0x1CA80  }
0x25f: {  	[hbm4b:s19+s2] =	stream.indirect_vreg.scatter [tilespmem:s30], [sflag:$0xF], $0x80, v3, vm0, $0xb8;
	[tilespmem:$0x1E280] =	vst v63  }
0x260: {  	s30 =	simm.s32 $0x1D280  }
0x261: {  	[hbm4b:s22+s2] =	stream.indirect_vreg.scatter [tilespmem:s30], [sflag:$0xF], $0x80, v3, vm0, $0xb8;
	[tilespmem:$0x1E280] =	vst v63  }
0x262: {  	s30 =	simm.s32 $0x1DA80  }
0x263: {  	[hbm4b:s24+s2] =	stream.indirect_vreg.scatter [tilespmem:s30], [sflag:$0xF], $0x80, v3, vm0, $0xb8;
	[tilespmem:$0x1E280] =	vst v63  }
0x264: {  	_ =	swait.ge [sflag:s13], $0x6000  }
0x265: {  	s0 =	sld [smem:$0x7F6]  }
0x266: {  	[sflag:s13] =	ssyncset.done $0x0  }
0x267: {  	s30 =	simm.s32 $0x180;
	[sflag:s13] =	ssyncadd.s32 $0xFFFFA000  }
0x268: {  	[tilespmem:s30], [sflag:$0x4] =	stream.linear.gather [hbm4b:s0+s2], $0x20, $0x38;
	[tilespmem:$0x1E280] =	vst v63  }
0x269: {  	s29 =	rddreg [dreg:$0x13]  }
0x26a: {  	[tilespmem:s1], [sflag:$0x9] =	stream.linear.gather [hbm4b:s29+s2], $0x6000, $0x38;
	[tilespmem:$0x1E280] =	vst v63  }
0x26b: {  	_ =	swait.ge [sflag:s7], $0x20  }
0x26c: {  	[sflag:s7] =	ssyncset.done $0x0  }
0x26d: {  	[sflag:s7] =	ssyncadd.s32 $0xFFFFFFE0  }
0x26e: {  	_ =	swait.ge [sflag:s31], $0x6000  }
0x26f: {  	[sflag:s31] =	ssyncset.done $0x0  }
0x270: {  	[sflag:s31] =	ssyncadd.s32 $0xFFFFA000  }
0x271: {  	v3 =	vld [tilespmem:$0x0];
	_ =	sdelay $0x4  }
0x272: {  	v44 =	vshrl.u32 v3, $0x3  }
0x273: {  	v4 =	vmul.u32 $0x30, v44  }
0x274: {  	v3 =	vand.u32 $0x7, v3  }
0x275: {  	v3 =	vor.u32 v3, v4  }
0x276: {  	v4 =	vperm.xlane v3, v0;
	_ =	sdelay $0x1  }
0x277: {  	v4 =	vadd.s32 v1, v4;
	_ =	sdelay $0x3  }
0x278: {  	s1 =	simm.s32 $0x280;
	v3 =	vperm.xlane v3, v2  }
0x279: {  	[hbm4b:s19+s2] =	stream.indirect_vreg.scatter [tilespmem:s1], [sflag:$0xB], $0x80, v4, vm0, $0xb8;
	[tilespmem:$0x1E280] =	vst v63  }
0x27a: {  	s30 =	simm.s32 $0xA80;
	v3 =	vadd.s32 v1, v3  }
0x27b: {  	[hbm4b:s22+s2] =	stream.indirect_vreg.scatter [tilespmem:s30], [sflag:$0xB], $0x80, v4, vm0, $0xb8;
	[tilespmem:$0x1E280] =	vst v63  }
0x27c: {  	s30 =	simm.s32 $0x1280  }
0x27d: {  	[hbm4b:s24+s2] =	stream.indirect_vreg.scatter [tilespmem:s30], [sflag:$0xB], $0x80, v4, vm0, $0xb8;
	[tilespmem:$0x1E280] =	vst v63  }
0x27e: {  	s30 =	simm.s32 $0x1A80  }
0x27f: {  	[hbm4b:s19+s2] =	stream.indirect_vreg.scatter [tilespmem:s30], [sflag:$0xB], $0x80, v3, vm0, $0xb8;
	[tilespmem:$0x1E280] =	vst v63  }
0x280: {  	s30 =	simm.s32 $0x2280  }
0x281: {  	[hbm4b:s22+s2] =	stream.indirect_vreg.scatter [tilespmem:s30], [sflag:$0xB], $0x80, v3, vm0, $0xb8;
	[tilespmem:$0x1E280] =	vst v63  }
0x282: {  	s30 =	simm.s32 $0x2A80  }
0x283: {  	[hbm4b:s24+s2] =	stream.indirect_vreg.scatter [tilespmem:s30], [sflag:$0xB], $0x80, v3, vm0, $0xb8;
	[tilespmem:$0x1E280] =	vst v63  }
0x284: {  	v3 =	vld [tilespmem:$0x10];
	_ =	sdelay $0x4  }
0x285: {  	v45 =	vshrl.u32 v3, $0x3  }
0x286: {  	v4 =	vmul.u32 $0x30, v45  }
0x287: {  	v3 =	vand.u32 $0x7, v3  }
0x288: {  	v3 =	vor.u32 v3, v4  }
0x289: {  	v4 =	vperm.xlane v3, v0;
	_ =	sdelay $0x1  }
0x28a: {  	v4 =	vadd.s32 v1, v4;
	_ =	sdelay $0x3  }
0x28b: {  	s30 =	simm.s32 $0x3280;
	v3 =	vperm.xlane v3, v2  }
0x28c: {  	[hbm4b:s19+s2] =	stream.indirect_vreg.scatter [tilespmem:s30], [sflag:$0xB], $0x80, v4, vm0, $0xb8;
	[tilespmem:$0x1E280] =	vst v63  }
0x28d: {  	v3 =	vadd.s32 v1, v3;
	s30 =	simm.s32 $0x3A80  }
0x28e: {  	[hbm4b:s22+s2] =	stream.indirect_vreg.scatter [tilespmem:s30], [sflag:$0xB], $0x80, v4, vm0, $0xb8;
	[tilespmem:$0x1E280] =	vst v63  }
0x28f: {  	s30 =	simm.s32 $0x4280  }
0x290: {  	[hbm4b:s24+s2] =	stream.indirect_vreg.scatter [tilespmem:s30], [sflag:$0xB], $0x80, v4, vm0, $0xb8;
	[tilespmem:$0x1E280] =	vst v63  }
0x291: {  	s30 =	simm.s32 $0x4A80  }
0x292: {  	[hbm4b:s19+s2] =	stream.indirect_vreg.scatter [tilespmem:s30], [sflag:$0xB], $0x80, v3, vm0, $0xb8;
	[tilespmem:$0x1E280] =	vst v63  }
0x293: {  	s30 =	simm.s32 $0x5280  }
0x294: {  	[hbm4b:s22+s2] =	stream.indirect_vreg.scatter [tilespmem:s30], [sflag:$0xB], $0x80, v3, vm0, $0xb8;
	[tilespmem:$0x1E280] =	vst v63  }
0x295: {  	s30 =	simm.s32 $0x5A80  }
0x296: {  	[hbm4b:s24+s2] =	stream.indirect_vreg.scatter [tilespmem:s30], [sflag:$0xB], $0x80, v3, vm0, $0xb8;
	[tilespmem:$0x1E280] =	vst v63  }
0x297: {  	_ =	swait.ge [sflag:s4], $0x6000  }
0x298: {  	s0 =	sld [smem:$0x7F7]  }
0x299: {  	[sflag:s4] =	ssyncset.done $0x0  }
0x29a: {  	s30 =	simm.s32 $0x200;
	[sflag:s4] =	ssyncadd.s32 $0xFFFFA000  }
0x29b: {  	[tilespmem:s30], [sflag:$0x5] =	stream.linear.gather [hbm4b:s0+s2], $0x20, $0x38;
	[tilespmem:$0x1E280] =	vst v63  }
0x29c: {  	s3 =	simm.s32 $0x18280;
	s29 =	rddreg [dreg:$0x14]  }
0x29d: {  	[tilespmem:s3], [sflag:$0xA] =	stream.linear.gather [hbm4b:s29+s2], $0x6000, $0x38;
	[tilespmem:$0x1E280] =	vst v63  }
0x29e: {  	_ =	swait.ge [sflag:s8], $0x20  }
0x29f: {  	[sflag:s8] =	ssyncset.done $0x0  }
0x2a0: {  	[sflag:s8] =	ssyncadd.s32 $0xFFFFFFE0  }
0x2a1: {  	_ =	swait.ge [sflag:s5], $0x6000  }
0x2a2: {  	[sflag:s5] =	ssyncset.done $0x0  }
0x2a3: {  	[sflag:s5] =	ssyncadd.s32 $0xFFFFA000  }
0x2a4: {  	v3 =	vld [tilespmem:$0x80];
	_ =	sdelay $0x4  }
0x2a5: {  	v46 =	vshrl.u32 v3, $0x3  }
0x2a6: {  	v4 =	vmul.u32 $0x30, v46  }
0x2a7: {  	v3 =	vand.u32 $0x7, v3  }
0x2a8: {  	v3 =	vor.u32 v3, v4  }
0x2a9: {  	v4 =	vperm.xlane v3, v0;
	_ =	sdelay $0x1  }
0x2aa: {  	v4 =	vadd.s32 v1, v4;
	_ =	sdelay $0x3  }
0x2ab: {  	s0 =	simm.s32 $0x6280;
	v3 =	vperm.xlane v3, v2  }
0x2ac: {  	[hbm4b:s19+s2] =	stream.indirect_vreg.scatter [tilespmem:s0], [sflag:$0xC], $0x80, v4, vm0, $0xb8;
	[tilespmem:$0x1E280] =	vst v63  }
0x2ad: {  	s30 =	simm.s32 $0x6A80;
	v3 =	vadd.s32 v1, v3  }
0x2ae: {  	[hbm4b:s22+s2] =	stream.indirect_vreg.scatter [tilespmem:s30], [sflag:$0xC], $0x80, v4, vm0, $0xb8;
	[tilespmem:$0x1E280] =	vst v63  }
0x2af: {  	s30 =	simm.s32 $0x7280  }
0x2b0: {  	[hbm4b:s24+s2] =	stream.indirect_vreg.scatter [tilespmem:s30], [sflag:$0xC], $0x80, v4, vm0, $0xb8;
	[tilespmem:$0x1E280] =	vst v63  }
0x2b1: {  	s30 =	simm.s32 $0x7A80  }
0x2b2: {  	[hbm4b:s19+s2] =	stream.indirect_vreg.scatter [tilespmem:s30], [sflag:$0xC], $0x80, v3, vm0, $0xb8;
	[tilespmem:$0x1E280] =	vst v63  }
0x2b3: {  	s30 =	simm.s32 $0x8280  }
0x2b4: {  	[hbm4b:s22+s2] =	stream.indirect_vreg.scatter [tilespmem:s30], [sflag:$0xC], $0x80, v3, vm0, $0xb8;
	[tilespmem:$0x1E280] =	vst v63  }
0x2b5: {  	s30 =	simm.s32 $0x8A80  }
0x2b6: {  	[hbm4b:s24+s2] =	stream.indirect_vreg.scatter [tilespmem:s30], [sflag:$0xC], $0x80, v3, vm0, $0xb8;
	[tilespmem:$0x1E280] =	vst v63  }
0x2b7: {  	v3 =	vld [tilespmem:$0x90];
	_ =	sdelay $0x4  }
0x2b8: {  	v47 =	vshrl.u32 v3, $0x3  }
0x2b9: {  	v4 =	vmul.u32 $0x30, v47  }
0x2ba: {  	v3 =	vand.u32 $0x7, v3  }
0x2bb: {  	v3 =	vor.u32 v3, v4  }
0x2bc: {  	v4 =	vperm.xlane v3, v0;
	_ =	sdelay $0x1  }
0x2bd: {  	v4 =	vadd.s32 v1, v4;
	_ =	sdelay $0x3  }
0x2be: {  	s30 =	simm.s32 $0x9280;
	v3 =	vperm.xlane v3, v2  }
0x2bf: {  	[hbm4b:s19+s2] =	stream.indirect_vreg.scatter [tilespmem:s30], [sflag:$0xC], $0x80, v4, vm0, $0xb8;
	[tilespmem:$0x1E280] =	vst v63  }
0x2c0: {  	v3 =	vadd.s32 v1, v3;
	s30 =	simm.s32 $0x9A80  }
0x2c1: {  	[hbm4b:s22+s2] =	stream.indirect_vreg.scatter [tilespmem:s30], [sflag:$0xC], $0x80, v4, vm0, $0xb8;
	[tilespmem:$0x1E280] =	vst v63  }
0x2c2: {  	s30 =	simm.s32 $0xA280  }
0x2c3: {  	[hbm4b:s24+s2] =	stream.indirect_vreg.scatter [tilespmem:s30], [sflag:$0xC], $0x80, v4, vm0, $0xb8;
	[tilespmem:$0x1E280] =	vst v63  }
0x2c4: {  	s30 =	simm.s32 $0xAA80  }
0x2c5: {  	[hbm4b:s19+s2] =	stream.indirect_vreg.scatter [tilespmem:s30], [sflag:$0xC], $0x80, v3, vm0, $0xb8;
	[tilespmem:$0x1E280] =	vst v63  }
0x2c6: {  	s30 =	simm.s32 $0xB280  }
0x2c7: {  	[hbm4b:s22+s2] =	stream.indirect_vreg.scatter [tilespmem:s30], [sflag:$0xC], $0x80, v3, vm0, $0xb8;
	[tilespmem:$0x1E280] =	vst v63  }
0x2c8: {  	s30 =	simm.s32 $0xBA80  }
0x2c9: {  	[hbm4b:s24+s2] =	stream.indirect_vreg.scatter [tilespmem:s30], [sflag:$0xC], $0x80, v3, vm0, $0xb8;
	[tilespmem:$0x1E280] =	vst v63  }
0x2ca: {  	_ =	swait.ge [sflag:s9], $0x6000  }
0x2cb: {  	s30 =	sld [smem:$0x7F8]  }
0x2cc: {  	[sflag:s9] =	ssyncset.done $0x0  }
0x2cd: {  	[sflag:s9] =	ssyncadd.s32 $0xFFFFA000  }
0x2ce: {  	[tilespmem:s2], [sflag:$0x1] =	stream.linear.gather [hbm4b:s30+s2], $0x20, $0x38;
	[tilespmem:$0x1E280] =	vst v63  }
0x2cf: {  	s1 =	simm.s32 $0x280;
	s29 =	rddreg [dreg:$0x15]  }
0x2d0: {  	[tilespmem:s1], [sflag:$0x6] =	stream.linear.gather [hbm4b:s29+s2], $0x6000, $0x38;
	[tilespmem:$0x1E280] =	vst v63  }
0x2d1: {  	_ =	swait.ge [sflag:s10], $0x20  }
0x2d2: {  	[sflag:s10] =	ssyncset.done $0x0  }
0x2d3: {  	[sflag:s10] =	ssyncadd.s32 $0xFFFFFFE0  }
0x2d4: {  	_ =	swait.ge [sflag:s14], $0x6000  }
0x2d5: {  	[sflag:s14] =	ssyncset.done $0x0  }
0x2d6: {  	[sflag:s14] =	ssyncadd.s32 $0xFFFFA000  }
0x2d7: {  	v3 =	vld [tilespmem:$0x100];
	_ =	sdelay $0x4  }
0x2d8: {  	v48 =	vshrl.u32 v3, $0x3  }
0x2d9: {  	v4 =	vmul.u32 $0x30, v48  }
0x2da: {  	v3 =	vand.u32 $0x7, v3  }
0x2db: {  	v3 =	vor.u32 v3, v4  }
0x2dc: {  	v4 =	vperm.xlane v3, v0;
	_ =	sdelay $0x1  }
0x2dd: {  	v4 =	vadd.s32 v1, v4;
	_ =	sdelay $0x3  }
0x2de: {  	s15 =	simm.s32 $0xC280;
	v3 =	vperm.xlane v3, v2  }
0x2df: {  	[hbm4b:s19+s2] =	stream.indirect_vreg.scatter [tilespmem:s15], [sflag:$0xD], $0x80, v4, vm0, $0xb8;
	[tilespmem:$0x1E280] =	vst v63  }
0x2e0: {  	s30 =	simm.s32 $0xCA80;
	v3 =	vadd.s32 v1, v3  }
0x2e1: {  	[hbm4b:s22+s2] =	stream.indirect_vreg.scatter [tilespmem:s30], [sflag:$0xD], $0x80, v4, vm0, $0xb8;
	[tilespmem:$0x1E280] =	vst v63  }
0x2e2: {  	s30 =	simm.s32 $0xD280  }
0x2e3: {  	[hbm4b:s24+s2] =	stream.indirect_vreg.scatter [tilespmem:s30], [sflag:$0xD], $0x80, v4, vm0, $0xb8;
	[tilespmem:$0x1E280] =	vst v63  }
0x2e4: {  	s30 =	simm.s32 $0xDA80  }
0x2e5: {  	[hbm4b:s19+s2] =	stream.indirect_vreg.scatter [tilespmem:s30], [sflag:$0xD], $0x80, v3, vm0, $0xb8;
	[tilespmem:$0x1E280] =	vst v63  }
0x2e6: {  	s30 =	simm.s32 $0xE280  }
0x2e7: {  	[hbm4b:s22+s2] =	stream.indirect_vreg.scatter [tilespmem:s30], [sflag:$0xD], $0x80, v3, vm0, $0xb8;
	[tilespmem:$0x1E280] =	vst v63  }
0x2e8: {  	s30 =	simm.s32 $0xEA80  }
0x2e9: {  	[hbm4b:s24+s2] =	stream.indirect_vreg.scatter [tilespmem:s30], [sflag:$0xD], $0x80, v3, vm0, $0xb8;
	[tilespmem:$0x1E280] =	vst v63  }
0x2ea: {  	v3 =	vld [tilespmem:$0x110];
	_ =	sdelay $0x4  }
0x2eb: {  	v49 =	vshrl.u32 v3, $0x3  }
0x2ec: {  	v4 =	vmul.u32 $0x30, v49  }
0x2ed: {  	v3 =	vand.u32 $0x7, v3  }
0x2ee: {  	v3 =	vor.u32 v3, v4  }
0x2ef: {  	v4 =	vperm.xlane v3, v0;
	_ =	sdelay $0x1  }
0x2f0: {  	v4 =	vadd.s32 v1, v4;
	_ =	sdelay $0x3  }
0x2f1: {  	s30 =	simm.s32 $0xF280;
	v3 =	vperm.xlane v3, v2  }
0x2f2: {  	[hbm4b:s19+s2] =	stream.indirect_vreg.scatter [tilespmem:s30], [sflag:$0xD], $0x80, v4, vm0, $0xb8;
	[tilespmem:$0x1E280] =	vst v63  }
0x2f3: {  	v3 =	vadd.s32 v1, v3;
	s30 =	simm.s32 $0xFA80  }
0x2f4: {  	[hbm4b:s22+s2] =	stream.indirect_vreg.scatter [tilespmem:s30], [sflag:$0xD], $0x80, v4, vm0, $0xb8;
	[tilespmem:$0x1E280] =	vst v63  }
0x2f5: {  	s30 =	simm.s32 $0x10280  }
0x2f6: {  	[hbm4b:s24+s2] =	stream.indirect_vreg.scatter [tilespmem:s30], [sflag:$0xD], $0x80, v4, vm0, $0xb8;
	[tilespmem:$0x1E280] =	vst v63  }
0x2f7: {  	s30 =	simm.s32 $0x10A80  }
0x2f8: {  	[hbm4b:s19+s2] =	stream.indirect_vreg.scatter [tilespmem:s30], [sflag:$0xD], $0x80, v3, vm0, $0xb8;
	[tilespmem:$0x1E280] =	vst v63  }
0x2f9: {  	s30 =	simm.s32 $0x11280  }
0x2fa: {  	[hbm4b:s22+s2] =	stream.indirect_vreg.scatter [tilespmem:s30], [sflag:$0xD], $0x80, v3, vm0, $0xb8;
	[tilespmem:$0x1E280] =	vst v63  }
0x2fb: {  	s30 =	simm.s32 $0x11A80  }
0x2fc: {  	[hbm4b:s24+s2] =	stream.indirect_vreg.scatter [tilespmem:s30], [sflag:$0xD], $0x80, v3, vm0, $0xb8;
	[tilespmem:$0x1E280] =	vst v63  }
0x2fd: {  	_ =	swait.ge [sflag:s17], $0x6000  }
0x2fe: {  	s3 =	sld [smem:$0x7E1]  }
0x2ff: {  	[sflag:s17] =	ssyncset.done $0x0  }
0x300: {  	s30 =	simm.s32 $0x80;
	[sflag:s17] =	ssyncadd.s32 $0xFFFFA000  }
0x301: {  	[tilespmem:s30], [sflag:$0x2] =	stream.linear.gather [hbm4b:s3+s2], $0x20, $0x38;
	[tilespmem:$0x1E280] =	vst v63  }
0x302: {  	s29 =	rddreg [dreg:$0x16]  }
0x303: {  	[tilespmem:s0], [sflag:$0x7] =	stream.linear.gather [hbm4b:s29+s2], $0x6000, $0x38;
	[tilespmem:$0x1E280] =	vst v63  }
0x304: {  	_ =	swait.ge [sflag:s16], $0x20  }
0x305: {  	[sflag:s16] =	ssyncset.done $0x0  }
0x306: {  	[sflag:s16] =	ssyncadd.s32 $0xFFFFFFE0  }
0x307: {  	_ =	swait.ge [sflag:s18], $0x6000  }
0x308: {  	[sflag:s18] =	ssyncset.done $0x0  }
0x309: {  	[sflag:s18] =	ssyncadd.s32 $0xFFFFA000  }
0x30a: {  	v3 =	vld [tilespmem:$0x180];
	_ =	sdelay $0x4  }
0x30b: {  	v50 =	vshrl.u32 v3, $0x3  }
0x30c: {  	v4 =	vmul.u32 $0x30, v50  }
0x30d: {  	v3 =	vand.u32 $0x7, v3  }
0x30e: {  	v3 =	vor.u32 v3, v4  }
0x30f: {  	v4 =	vperm.xlane v3, v0;
	_ =	sdelay $0x1  }
0x310: {  	v4 =	vadd.s32 v1, v4;
	_ =	sdelay $0x3  }
0x311: {  	s30 =	simm.s32 $0x12280;
	v3 =	vperm.xlane v3, v2  }
0x312: {  	[hbm4b:s19+s2] =	stream.indirect_vreg.scatter [tilespmem:s30], [sflag:$0xE], $0x80, v4, vm0, $0xb8;
	[tilespmem:$0x1E280] =	vst v63  }
0x313: {  	s3 =	simm.s32 $0x12A80;
	v3 =	vadd.s32 v1, v3  }
0x314: {  	[hbm4b:s22+s2] =	stream.indirect_vreg.scatter [tilespmem:s3], [sflag:$0xE], $0x80, v4, vm0, $0xb8;
	[tilespmem:$0x1E280] =	vst v63  }
0x315: {  	s3 =	simm.s32 $0x13280  }
0x316: {  	[hbm4b:s24+s2] =	stream.indirect_vreg.scatter [tilespmem:s3], [sflag:$0xE], $0x80, v4, vm0, $0xb8;
	[tilespmem:$0x1E280] =	vst v63  }
0x317: {  	s3 =	simm.s32 $0x13A80  }
0x318: {  	[hbm4b:s19+s2] =	stream.indirect_vreg.scatter [tilespmem:s3], [sflag:$0xE], $0x80, v3, vm0, $0xb8;
	[tilespmem:$0x1E280] =	vst v63  }
0x319: {  	s3 =	simm.s32 $0x14280  }
0x31a: {  	[hbm4b:s22+s2] =	stream.indirect_vreg.scatter [tilespmem:s3], [sflag:$0xE], $0x80, v3, vm0, $0xb8;
	[tilespmem:$0x1E280] =	vst v63  }
0x31b: {  	s3 =	simm.s32 $0x14A80  }
0x31c: {  	[hbm4b:s24+s2] =	stream.indirect_vreg.scatter [tilespmem:s3], [sflag:$0xE], $0x80, v3, vm0, $0xb8;
	[tilespmem:$0x1E280] =	vst v63  }
0x31d: {  	v3 =	vld [tilespmem:$0x190];
	_ =	sdelay $0x4  }
0x31e: {  	v51 =	vshrl.u32 v3, $0x3  }
0x31f: {  	v4 =	vmul.u32 $0x30, v51  }
0x320: {  	v3 =	vand.u32 $0x7, v3  }
0x321: {  	v3 =	vor.u32 v3, v4  }
0x322: {  	v4 =	vperm.xlane v3, v0;
	_ =	sdelay $0x1  }
0x323: {  	v4 =	vadd.s32 v1, v4;
	_ =	sdelay $0x3  }
0x324: {  	s3 =	simm.s32 $0x15280;
	v3 =	vperm.xlane v3, v2  }
0x325: {  	[hbm4b:s19+s2] =	stream.indirect_vreg.scatter [tilespmem:s3], [sflag:$0xE], $0x80, v4, vm0, $0xb8;
	[tilespmem:$0x1E280] =	vst v63  }
0x326: {  	v3 =	vadd.s32 v1, v3;
	s3 =	simm.s32 $0x15A80  }
0x327: {  	[hbm4b:s22+s2] =	stream.indirect_vreg.scatter [tilespmem:s3], [sflag:$0xE], $0x80, v4, vm0, $0xb8;
	[tilespmem:$0x1E280] =	vst v63  }
0x328: {  	s3 =	simm.s32 $0x16280  }
0x329: {  	[hbm4b:s24+s2] =	stream.indirect_vreg.scatter [tilespmem:s3], [sflag:$0xE], $0x80, v4, vm0, $0xb8;
	[tilespmem:$0x1E280] =	vst v63  }
0x32a: {  	s3 =	simm.s32 $0x16A80  }
0x32b: {  	[hbm4b:s19+s2] =	stream.indirect_vreg.scatter [tilespmem:s3], [sflag:$0xE], $0x80, v3, vm0, $0xb8;
	[tilespmem:$0x1E280] =	vst v63  }
0x32c: {  	s3 =	simm.s32 $0x17280  }
0x32d: {  	[hbm4b:s22+s2] =	stream.indirect_vreg.scatter [tilespmem:s3], [sflag:$0xE], $0x80, v3, vm0, $0xb8;
	[tilespmem:$0x1E280] =	vst v63  }
0x32e: {  	s3 =	simm.s32 $0x17A80  }
0x32f: {  	[hbm4b:s24+s2] =	stream.indirect_vreg.scatter [tilespmem:s3], [sflag:$0xE], $0x80, v3, vm0, $0xb8;
	[tilespmem:$0x1E280] =	vst v63  }
0x330: {  	_ =	swait.ge [sflag:s6], $0x6000  }
0x331: {  	s3 =	sld [smem:$0x7E3]  }
0x332: {  	[sflag:s6] =	ssyncset.done $0x0  }
0x333: {  	s0 =	simm.s32 $0x100;
	[sflag:s6] =	ssyncadd.s32 $0xFFFFA000  }
0x334: {  	[tilespmem:s0], [sflag:$0x3] =	stream.linear.gather [hbm4b:s3+s2], $0x20, $0x38;
	[tilespmem:$0x1E280] =	vst v63  }
0x335: {  	s29 =	rddreg [dreg:$0x17]  }
0x336: {  	[tilespmem:s15], [sflag:$0x8] =	stream.linear.gather [hbm4b:s29+s2], $0x6000, $0x38;
	[tilespmem:$0x1E280] =	vst v63  }
0x337: {  	_ =	swait.ge [sflag:s11], $0x20  }
0x338: {  	[sflag:s11] =	ssyncset.done $0x0  }
0x339: {  	[sflag:s11] =	ssyncadd.s32 $0xFFFFFFE0  }
0x33a: {  	_ =	swait.ge [sflag:s12], $0x6000  }
0x33b: {  	[sflag:s12] =	ssyncset.done $0x0  }
0x33c: {  	[sflag:s12] =	ssyncadd.s32 $0xFFFFA000  }
0x33d: {  	v3 =	vld [tilespmem:$0x200];
	_ =	sdelay $0x4  }
0x33e: {  	v52 =	vshrl.u32 v3, $0x3  }
0x33f: {  	v4 =	vmul.u32 $0x30, v52  }
0x340: {  	v3 =	vand.u32 $0x7, v3  }
0x341: {  	v3 =	vor.u32 v3, v4  }
0x342: {  	v4 =	vperm.xlane v3, v0;
	_ =	sdelay $0x1  }
0x343: {  	v4 =	vadd.s32 v1, v4;
	_ =	sdelay $0x3  }
0x344: {  	s0 =	simm.s32 $0x18280;
	v3 =	vperm.xlane v3, v2  }
0x345: {  	[hbm4b:s19+s2] =	stream.indirect_vreg.scatter [tilespmem:s0], [sflag:$0xF], $0x80, v4, vm0, $0xb8;
	[tilespmem:$0x1E280] =	vst v63  }
0x346: {  	s3 =	simm.s32 $0x18A80;
	v3 =	vadd.s32 v1, v3  }
0x347: {  	[hbm4b:s22+s2] =	stream.indirect_vreg.scatter [tilespmem:s3], [sflag:$0xF], $0x80, v4, vm0, $0xb8;
	[tilespmem:$0x1E280] =	vst v63  }
0x348: {  	s3 =	simm.s32 $0x19280  }
0x349: {  	[hbm4b:s24+s2] =	stream.indirect_vreg.scatter [tilespmem:s3], [sflag:$0xF], $0x80, v4, vm0, $0xb8;
	[tilespmem:$0x1E280] =	vst v63  }
0x34a: {  	s3 =	simm.s32 $0x19A80  }
0x34b: {  	[hbm4b:s19+s2] =	stream.indirect_vreg.scatter [tilespmem:s3], [sflag:$0xF], $0x80, v3, vm0, $0xb8;
	[tilespmem:$0x1E280] =	vst v63  }
0x34c: {  	s3 =	simm.s32 $0x1A280  }
0x34d: {  	[hbm4b:s22+s2] =	stream.indirect_vreg.scatter [tilespmem:s3], [sflag:$0xF], $0x80, v3, vm0, $0xb8;
	[tilespmem:$0x1E280] =	vst v63  }
0x34e: {  	s3 =	simm.s32 $0x1AA80  }
0x34f: {  	[hbm4b:s24+s2] =	stream.indirect_vreg.scatter [tilespmem:s3], [sflag:$0xF], $0x80, v3, vm0, $0xb8;
	[tilespmem:$0x1E280] =	vst v63  }
0x350: {  	v3 =	vld [tilespmem:$0x210];
	_ =	sdelay $0x4  }
0x351: {  	v53 =	vshrl.u32 v3, $0x3  }
0x352: {  	v4 =	vmul.u32 $0x30, v53  }
0x353: {  	v3 =	vand.u32 $0x7, v3  }
0x354: {  	v3 =	vor.u32 v3, v4  }
0x355: {  	v4 =	vperm.xlane v3, v0;
	_ =	sdelay $0x1  }
0x356: {  	v4 =	vadd.s32 v1, v4;
	_ =	sdelay $0x3  }
0x357: {  	s3 =	simm.s32 $0x1B280;
	v3 =	vperm.xlane v3, v2  }
0x358: {  	[hbm4b:s19+s2] =	stream.indirect_vreg.scatter [tilespmem:s3], [sflag:$0xF], $0x80, v4, vm0, $0xb8;
	[tilespmem:$0x1E280] =	vst v63  }
0x359: {  	v3 =	vadd.s32 v1, v3;
	s3 =	simm.s32 $0x1BA80  }
0x35a: {  	[hbm4b:s22+s2] =	stream.indirect_vreg.scatter [tilespmem:s3], [sflag:$0xF], $0x80, v4, vm0, $0xb8;
	[tilespmem:$0x1E280] =	vst v63  }
0x35b: {  	s3 =	simm.s32 $0x1C280  }
0x35c: {  	[hbm4b:s24+s2] =	stream.indirect_vreg.scatter [tilespmem:s3], [sflag:$0xF], $0x80, v4, vm0, $0xb8;
	[tilespmem:$0x1E280] =	vst v63  }
0x35d: {  	s3 =	simm.s32 $0x1CA80  }
0x35e: {  	[hbm4b:s19+s2] =	stream.indirect_vreg.scatter [tilespmem:s3], [sflag:$0xF], $0x80, v3, vm0, $0xb8;
	[tilespmem:$0x1E280] =	vst v63  }
0x35f: {  	s3 =	simm.s32 $0x1D280  }
0x360: {  	[hbm4b:s22+s2] =	stream.indirect_vreg.scatter [tilespmem:s3], [sflag:$0xF], $0x80, v3, vm0, $0xb8;
	[tilespmem:$0x1E280] =	vst v63  }
0x361: {  	s3 =	simm.s32 $0x1DA80  }
0x362: {  	[hbm4b:s24+s2] =	stream.indirect_vreg.scatter [tilespmem:s3], [sflag:$0xF], $0x80, v3, vm0, $0xb8;
	[tilespmem:$0x1E280] =	vst v63  }
0x363: {  	_ =	swait.ge [sflag:s13], $0x6000  }
0x364: {  	s3 =	sld [smem:$0x7E5]  }
0x365: {  	[sflag:s13] =	ssyncset.done $0x0  }
0x366: {  	s0 =	simm.s32 $0x180;
	[sflag:s13] =	ssyncadd.s32 $0xFFFFA000  }
0x367: {  	[tilespmem:s0], [sflag:$0x4] =	stream.linear.gather [hbm4b:s3+s2], $0x20, $0x38;
	[tilespmem:$0x1E280] =	vst v63  }
0x368: {  	s29 =	rddreg [dreg:$0x18]  }
0x369: {  	[tilespmem:s30], [sflag:$0x9] =	stream.linear.gather [hbm4b:s29+s2], $0x6000, $0x38;
	[tilespmem:$0x1E280] =	vst v63  }
0x36a: {  	_ =	swait.ge [sflag:s7], $0x20  }
0x36b: {  	[sflag:s7] =	ssyncset.done $0x0  }
0x36c: {  	[sflag:s7] =	ssyncadd.s32 $0xFFFFFFE0  }
0x36d: {  	_ =	swait.ge [sflag:s31], $0x6000  }
0x36e: {  	[sflag:s31] =	ssyncset.done $0x0  }
0x36f: {  	[sflag:s31] =	ssyncadd.s32 $0xFFFFA000  }
0x370: {  	v3 =	vld [tilespmem:$0x0];
	_ =	sdelay $0x4  }
0x371: {  	v54 =	vshrl.u32 v3, $0x3  }
0x372: {  	v4 =	vmul.u32 $0x30, v54  }
0x373: {  	v3 =	vand.u32 $0x7, v3  }
0x374: {  	v3 =	vor.u32 v3, v4  }
0x375: {  	v4 =	vperm.xlane v3, v0;
	_ =	sdelay $0x1  }
0x376: {  	v4 =	vadd.s32 v1, v4;
	_ =	sdelay $0x3  }
0x377: {  	s1 =	simm.s32 $0x280;
	v3 =	vperm.xlane v3, v2  }
0x378: {  	[hbm4b:s19+s2] =	stream.indirect_vreg.scatter [tilespmem:s1], [sflag:$0xB], $0x80, v4, vm0, $0xb8;
	[tilespmem:$0x1E280] =	vst v63  }
0x379: {  	s30 =	simm.s32 $0xA80;
	v3 =	vadd.s32 v1, v3  }
0x37a: {  	[hbm4b:s22+s2] =	stream.indirect_vreg.scatter [tilespmem:s30], [sflag:$0xB], $0x80, v4, vm0, $0xb8;
	[tilespmem:$0x1E280] =	vst v63  }
0x37b: {  	s1 =	simm.s32 $0x1280  }
0x37c: {  	[hbm4b:s24+s2] =	stream.indirect_vreg.scatter [tilespmem:s1], [sflag:$0xB], $0x80, v4, vm0, $0xb8;
	[tilespmem:$0x1E280] =	vst v63  }
0x37d: {  	s30 =	simm.s32 $0x1A80  }
0x37e: {  	[hbm4b:s19+s2] =	stream.indirect_vreg.scatter [tilespmem:s30], [sflag:$0xB], $0x80, v3, vm0, $0xb8;
	[tilespmem:$0x1E280] =	vst v63  }
0x37f: {  	s1 =	simm.s32 $0x2280  }
0x380: {  	[hbm4b:s22+s2] =	stream.indirect_vreg.scatter [tilespmem:s1], [sflag:$0xB], $0x80, v3, vm0, $0xb8;
	[tilespmem:$0x1E280] =	vst v63  }
0x381: {  	s30 =	simm.s32 $0x2A80  }
0x382: {  	[hbm4b:s24+s2] =	stream.indirect_vreg.scatter [tilespmem:s30], [sflag:$0xB], $0x80, v3, vm0, $0xb8;
	[tilespmem:$0x1E280] =	vst v63  }
0x383: {  	v3 =	vld [tilespmem:$0x10];
	_ =	sdelay $0x4  }
0x384: {  	v55 =	vshrl.u32 v3, $0x3  }
0x385: {  	v4 =	vmul.u32 $0x30, v55  }
0x386: {  	v3 =	vand.u32 $0x7, v3  }
0x387: {  	v3 =	vor.u32 v3, v4  }
0x388: {  	v4 =	vperm.xlane v3, v0;
	_ =	sdelay $0x1  }
0x389: {  	v4 =	vadd.s32 v1, v4;
	_ =	sdelay $0x3  }
0x38a: {  	s1 =	simm.s32 $0x3280;
	v3 =	vperm.xlane v3, v2  }
0x38b: {  	[hbm4b:s19+s2] =	stream.indirect_vreg.scatter [tilespmem:s1], [sflag:$0xB], $0x80, v4, vm0, $0xb8;
	[tilespmem:$0x1E280] =	vst v63  }
0x38c: {  	s30 =	simm.s32 $0x3A80;
	v3 =	vadd.s32 v1, v3  }
0x38d: {  	[hbm4b:s22+s2] =	stream.indirect_vreg.scatter [tilespmem:s30], [sflag:$0xB], $0x80, v4, vm0, $0xb8;
	[tilespmem:$0x1E280] =	vst v63  }
0x38e: {  	s1 =	simm.s32 $0x4280  }
0x38f: {  	[hbm4b:s24+s2] =	stream.indirect_vreg.scatter [tilespmem:s1], [sflag:$0xB], $0x80, v4, vm0, $0xb8;
	[tilespmem:$0x1E280] =	vst v63  }
0x390: {  	s30 =	simm.s32 $0x4A80  }
0x391: {  	[hbm4b:s19+s2] =	stream.indirect_vreg.scatter [tilespmem:s30], [sflag:$0xB], $0x80, v3, vm0, $0xb8;
	[tilespmem:$0x1E280] =	vst v63  }
0x392: {  	s1 =	simm.s32 $0x5280  }
0x393: {  	[hbm4b:s22+s2] =	stream.indirect_vreg.scatter [tilespmem:s1], [sflag:$0xB], $0x80, v3, vm0, $0xb8;
	[tilespmem:$0x1E280] =	vst v63  }
0x394: {  	s30 =	simm.s32 $0x5A80  }
0x395: {  	[hbm4b:s24+s2] =	stream.indirect_vreg.scatter [tilespmem:s30], [sflag:$0xB], $0x80, v3, vm0, $0xb8;
	[tilespmem:$0x1E280] =	vst v63  }
0x396: {  	_ =	swait.ge [sflag:s4], $0x6000  }
0x397: {  	s0 =	sld [smem:$0x7E7]  }
0x398: {  	[sflag:s4] =	ssyncset.done $0x0  }
0x399: {  	s30 =	simm.s32 $0x200;
	[sflag:s4] =	ssyncadd.s32 $0xFFFFA000  }
0x39a: {  	[tilespmem:s30], [sflag:$0x5] =	stream.linear.gather [hbm4b:s0+s2], $0x20, $0x38;
	[tilespmem:$0x1E280] =	vst v63  }
0x39b: {  	s15 =	simm.s32 $0x18280;
	s29 =	rddreg [dreg:$0x19]  }
0x39c: {  	[tilespmem:s15], [sflag:$0xA] =	stream.linear.gather [hbm4b:s29+s2], $0x6000, $0x38;
	[tilespmem:$0x1E280] =	vst v63  }
0x39d: {  	_ =	swait.ge [sflag:s8], $0x20  }
0x39e: {  	[sflag:s8] =	ssyncset.done $0x0  }
0x39f: {  	[sflag:s8] =	ssyncadd.s32 $0xFFFFFFE0  }
0x3a0: {  	_ =	swait.ge [sflag:s5], $0x6000  }
0x3a1: {  	[sflag:s5] =	ssyncset.done $0x0  }
0x3a2: {  	[sflag:s5] =	ssyncadd.s32 $0xFFFFA000  }
0x3a3: {  	v3 =	vld [tilespmem:$0x80];
	_ =	sdelay $0x4  }
0x3a4: {  	v56 =	vshrl.u32 v3, $0x3  }
0x3a5: {  	v4 =	vmul.u32 $0x30, v56  }
0x3a6: {  	v3 =	vand.u32 $0x7, v3  }
0x3a7: {  	v3 =	vor.u32 v3, v4  }
0x3a8: {  	v4 =	vperm.xlane v3, v0;
	_ =	sdelay $0x1  }
0x3a9: {  	v4 =	vadd.s32 v1, v4;
	_ =	sdelay $0x3  }
0x3aa: {  	s15 =	simm.s32 $0x6280;
	v3 =	vperm.xlane v3, v2  }
0x3ab: {  	[hbm4b:s20+s2] =	stream.indirect_vreg.scatter [tilespmem:s15], [sflag:$0xC], $0x80, v4, vm0, $0xb8;
	[tilespmem:$0x1E280] =	vst v63  }
0x3ac: {  	s30 =	simm.s32 $0x6A80;
	v3 =	vadd.s32 v1, v3  }
0x3ad: {  	[hbm4b:s23+s2] =	stream.indirect_vreg.scatter [tilespmem:s30], [sflag:$0xC], $0x80, v4, vm0, $0xb8;
	[tilespmem:$0x1E280] =	vst v63  }
0x3ae: {  	s1 =	simm.s32 $0x7280  }
0x3af: {  	[hbm4b:s25+s2] =	stream.indirect_vreg.scatter [tilespmem:s1], [sflag:$0xC], $0x80, v4, vm0, $0xb8;
	[tilespmem:$0x1E280] =	vst v63  }
0x3b0: {  	s30 =	simm.s32 $0x7A80  }
0x3b1: {  	[hbm4b:s20+s2] =	stream.indirect_vreg.scatter [tilespmem:s30], [sflag:$0xC], $0x80, v3, vm0, $0xb8;
	[tilespmem:$0x1E280] =	vst v63  }
0x3b2: {  	s1 =	simm.s32 $0x8280  }
0x3b3: {  	[hbm4b:s23+s2] =	stream.indirect_vreg.scatter [tilespmem:s1], [sflag:$0xC], $0x80, v3, vm0, $0xb8;
	[tilespmem:$0x1E280] =	vst v63  }
0x3b4: {  	s30 =	simm.s32 $0x8A80  }
0x3b5: {  	[hbm4b:s25+s2] =	stream.indirect_vreg.scatter [tilespmem:s30], [sflag:$0xC], $0x80, v3, vm0, $0xb8;
	[tilespmem:$0x1E280] =	vst v63  }
0x3b6: {  	v3 =	vld [tilespmem:$0x90];
	_ =	sdelay $0x4  }
0x3b7: {  	v57 =	vshrl.u32 v3, $0x3  }
0x3b8: {  	v4 =	vmul.u32 $0x30, v57  }
0x3b9: {  	v3 =	vand.u32 $0x7, v3  }
0x3ba: {  	v3 =	vor.u32 v3, v4  }
0x3bb: {  	v4 =	vperm.xlane v3, v0;
	_ =	sdelay $0x1  }
0x3bc: {  	v4 =	vadd.s32 v1, v4;
	_ =	sdelay $0x3  }
0x3bd: {  	s1 =	simm.s32 $0x9280;
	v3 =	vperm.xlane v3, v2  }
0x3be: {  	[hbm4b:s20+s2] =	stream.indirect_vreg.scatter [tilespmem:s1], [sflag:$0xC], $0x80, v4, vm0, $0xb8;
	[tilespmem:$0x1E280] =	vst v63  }
0x3bf: {  	s30 =	simm.s32 $0x9A80;
	v3 =	vadd.s32 v1, v3  }
0x3c0: {  	[hbm4b:s23+s2] =	stream.indirect_vreg.scatter [tilespmem:s30], [sflag:$0xC], $0x80, v4, vm0, $0xb8;
	[tilespmem:$0x1E280] =	vst v63  }
0x3c1: {  	s1 =	simm.s32 $0xA280  }
0x3c2: {  	[hbm4b:s25+s2] =	stream.indirect_vreg.scatter [tilespmem:s1], [sflag:$0xC], $0x80, v4, vm0, $0xb8;
	[tilespmem:$0x1E280] =	vst v63  }
0x3c3: {  	s30 =	simm.s32 $0xAA80  }
0x3c4: {  	[hbm4b:s20+s2] =	stream.indirect_vreg.scatter [tilespmem:s30], [sflag:$0xC], $0x80, v3, vm0, $0xb8;
	[tilespmem:$0x1E280] =	vst v63  }
0x3c5: {  	s1 =	simm.s32 $0xB280  }
0x3c6: {  	[hbm4b:s23+s2] =	stream.indirect_vreg.scatter [tilespmem:s1], [sflag:$0xC], $0x80, v3, vm0, $0xb8;
	[tilespmem:$0x1E280] =	vst v63  }
0x3c7: {  	s30 =	simm.s32 $0xBA80  }
0x3c8: {  	[hbm4b:s25+s2] =	stream.indirect_vreg.scatter [tilespmem:s30], [sflag:$0xC], $0x80, v3, vm0, $0xb8;
	[tilespmem:$0x1E280] =	vst v63  }
0x3c9: {  	_ =	swait.ge [sflag:s9], $0x6000  }
0x3ca: {  	s1 =	sld [smem:$0x7E9]  }
0x3cb: {  	[sflag:s9] =	ssyncset.done $0x0  }
0x3cc: {  	[sflag:s9] =	ssyncadd.s32 $0xFFFFA000  }
0x3cd: {  	[tilespmem:s2], [sflag:$0x1] =	stream.linear.gather [hbm4b:s1+s2], $0x20, $0x38;
	[tilespmem:$0x1E280] =	vst v63  }
0x3ce: {  	s3 =	simm.s32 $0x280;
	s29 =	rddreg [dreg:$0x1a]  }
0x3cf: {  	[tilespmem:s3], [sflag:$0x6] =	stream.linear.gather [hbm4b:s29+s2], $0x6000, $0x38;
	[tilespmem:$0x1E280] =	vst v63  }
0x3d0: {  	_ =	swait.ge [sflag:s10], $0x20  }
0x3d1: {  	[sflag:s10] =	ssyncset.done $0x0  }
0x3d2: {  	[sflag:s10] =	ssyncadd.s32 $0xFFFFFFE0  }
0x3d3: {  	_ =	swait.ge [sflag:s14], $0x6000  }
0x3d4: {  	[sflag:s14] =	ssyncset.done $0x0  }
0x3d5: {  	[sflag:s14] =	ssyncadd.s32 $0xFFFFA000  }
0x3d6: {  	v3 =	vld [tilespmem:$0x100];
	_ =	sdelay $0x4  }
0x3d7: {  	v58 =	vshrl.u32 v3, $0x3  }
0x3d8: {  	v4 =	vmul.u32 $0x30, v58  }
0x3d9: {  	v3 =	vand.u32 $0x7, v3  }
0x3da: {  	v3 =	vor.u32 v3, v4  }
0x3db: {  	v4 =	vperm.xlane v3, v0;
	_ =	sdelay $0x1  }
0x3dc: {  	v4 =	vadd.s32 v1, v4;
	_ =	sdelay $0x3  }
0x3dd: {  	s3 =	simm.s32 $0xC280;
	v3 =	vperm.xlane v3, v2  }
0x3de: {  	[hbm4b:s20+s2] =	stream.indirect_vreg.scatter [tilespmem:s3], [sflag:$0xD], $0x80, v4, vm0, $0xb8;
	[tilespmem:$0x1E280] =	vst v63  }
0x3df: {  	s30 =	simm.s32 $0xCA80;
	v3 =	vadd.s32 v1, v3  }
0x3e0: {  	[hbm4b:s23+s2] =	stream.indirect_vreg.scatter [tilespmem:s30], [sflag:$0xD], $0x80, v4, vm0, $0xb8;
	[tilespmem:$0x1E280] =	vst v63  }
0x3e1: {  	s1 =	simm.s32 $0xD280  }
0x3e2: {  	[hbm4b:s25+s2] =	stream.indirect_vreg.scatter [tilespmem:s1], [sflag:$0xD], $0x80, v4, vm0, $0xb8;
	[tilespmem:$0x1E280] =	vst v63  }
0x3e3: {  	s30 =	simm.s32 $0xDA80  }
0x3e4: {  	[hbm4b:s20+s2] =	stream.indirect_vreg.scatter [tilespmem:s30], [sflag:$0xD], $0x80, v3, vm0, $0xb8;
	[tilespmem:$0x1E280] =	vst v63  }
0x3e5: {  	s1 =	simm.s32 $0xE280  }
0x3e6: {  	[hbm4b:s23+s2] =	stream.indirect_vreg.scatter [tilespmem:s1], [sflag:$0xD], $0x80, v3, vm0, $0xb8;
	[tilespmem:$0x1E280] =	vst v63  }
0x3e7: {  	s30 =	simm.s32 $0xEA80  }
0x3e8: {  	[hbm4b:s25+s2] =	stream.indirect_vreg.scatter [tilespmem:s30], [sflag:$0xD], $0x80, v3, vm0, $0xb8;
	[tilespmem:$0x1E280] =	vst v63  }
0x3e9: {  	v3 =	vld [tilespmem:$0x110];
	_ =	sdelay $0x4  }
0x3ea: {  	v59 =	vshrl.u32 v3, $0x3  }
0x3eb: {  	v4 =	vmul.u32 $0x30, v59  }
0x3ec: {  	v3 =	vand.u32 $0x7, v3  }
0x3ed: {  	v3 =	vor.u32 v3, v4  }
0x3ee: {  	v4 =	vperm.xlane v3, v0;
	_ =	sdelay $0x1  }
0x3ef: {  	v4 =	vadd.s32 v1, v4;
	_ =	sdelay $0x3  }
0x3f0: {  	s1 =	simm.s32 $0xF280;
	v3 =	vperm.xlane v3, v2  }
0x3f1: {  	[hbm4b:s20+s2] =	stream.indirect_vreg.scatter [tilespmem:s1], [sflag:$0xD], $0x80, v4, vm0, $0xb8;
	[tilespmem:$0x1E280] =	vst v63  }
0x3f2: {  	s30 =	simm.s32 $0xFA80;
	v3 =	vadd.s32 v1, v3  }
0x3f3: {  	[hbm4b:s23+s2] =	stream.indirect_vreg.scatter [tilespmem:s30], [sflag:$0xD], $0x80, v4, vm0, $0xb8;
	[tilespmem:$0x1E280] =	vst v63  }
0x3f4: {  	s1 =	simm.s32 $0x10280  }
0x3f5: {  	[hbm4b:s25+s2] =	stream.indirect_vreg.scatter [tilespmem:s1], [sflag:$0xD], $0x80, v4, vm0, $0xb8;
	[tilespmem:$0x1E280] =	vst v63  }
0x3f6: {  	s30 =	simm.s32 $0x10A80  }
0x3f7: {  	[hbm4b:s20+s2] =	stream.indirect_vreg.scatter [tilespmem:s30], [sflag:$0xD], $0x80, v3, vm0, $0xb8;
	[tilespmem:$0x1E280] =	vst v63  }
0x3f8: {  	s1 =	simm.s32 $0x11280  }
0x3f9: {  	[hbm4b:s23+s2] =	stream.indirect_vreg.scatter [tilespmem:s1], [sflag:$0xD], $0x80, v3, vm0, $0xb8;
	[tilespmem:$0x1E280] =	vst v63  }
0x3fa: {  	s30 =	simm.s32 $0x11A80  }
0x3fb: {  	[hbm4b:s25+s2] =	stream.indirect_vreg.scatter [tilespmem:s30], [sflag:$0xD], $0x80, v3, vm0, $0xb8;
	[tilespmem:$0x1E280] =	vst v63  }
0x3fc: {  	_ =	swait.ge [sflag:s17], $0x6000  }
0x3fd: {  	s1 =	sld [smem:$0x7EB]  }
0x3fe: {  	[sflag:s17] =	ssyncset.done $0x0  }
0x3ff: {  	s30 =	simm.s32 $0x80;
	[sflag:s17] =	ssyncadd.s32 $0xFFFFA000  }
0x400: {  	[tilespmem:s30], [sflag:$0x2] =	stream.linear.gather [hbm4b:s1+s2], $0x20, $0x38;
	[tilespmem:$0x1E280] =	vst v63  }
0x401: {  	s29 =	rddreg [dreg:$0x1b]  }
0x402: {  	[tilespmem:s15], [sflag:$0x7] =	stream.linear.gather [hbm4b:s29+s2], $0x6000, $0x38;
	[tilespmem:$0x1E280] =	vst v63  }
0x403: {  	_ =	swait.ge [sflag:s16], $0x20  }
0x404: {  	[sflag:s16] =	ssyncset.done $0x0  }
0x405: {  	[sflag:s16] =	ssyncadd.s32 $0xFFFFFFE0  }
0x406: {  	_ =	swait.ge [sflag:s18], $0x6000  }
0x407: {  	[sflag:s18] =	ssyncset.done $0x0  }
0x408: {  	[sflag:s18] =	ssyncadd.s32 $0xFFFFA000  }
0x409: {  	v3 =	vld [tilespmem:$0x180];
	_ =	sdelay $0x4  }
0x40a: {  	v60 =	vshrl.u32 v3, $0x3  }
0x40b: {  	v4 =	vmul.u32 $0x30, v60  }
0x40c: {  	v3 =	vand.u32 $0x7, v3  }
0x40d: {  	v3 =	vor.u32 v3, v4  }
0x40e: {  	v4 =	vperm.xlane v3, v0;
	_ =	sdelay $0x1  }
0x40f: {  	v4 =	vadd.s32 v1, v4;
	_ =	sdelay $0x3  }
0x410: {  	s0 =	simm.s32 $0x12280;
	v3 =	vperm.xlane v3, v2  }
0x411: {  	[hbm4b:s20+s2] =	stream.indirect_vreg.scatter [tilespmem:s0], [sflag:$0xE], $0x80, v4, vm0, $0xb8;
	[tilespmem:$0x1E280] =	vst v63  }
0x412: {  	s30 =	simm.s32 $0x12A80;
	v3 =	vadd.s32 v1, v3  }
0x413: {  	[hbm4b:s23+s2] =	stream.indirect_vreg.scatter [tilespmem:s30], [sflag:$0xE], $0x80, v4, vm0, $0xb8;
	[tilespmem:$0x1E280] =	vst v63  }
0x414: {  	s15 =	simm.s32 $0x13280  }
0x415: {  	[hbm4b:s25+s2] =	stream.indirect_vreg.scatter [tilespmem:s15], [sflag:$0xE], $0x80, v4, vm0, $0xb8;
	[tilespmem:$0x1E280] =	vst v63  }
0x416: {  	s30 =	simm.s32 $0x13A80  }
0x417: {  	[hbm4b:s20+s2] =	stream.indirect_vreg.scatter [tilespmem:s30], [sflag:$0xE], $0x80, v3, vm0, $0xb8;
	[tilespmem:$0x1E280] =	vst v63  }
0x418: {  	s15 =	simm.s32 $0x14280  }
0x419: {  	[hbm4b:s23+s2] =	stream.indirect_vreg.scatter [tilespmem:s15], [sflag:$0xE], $0x80, v3, vm0, $0xb8;
	[tilespmem:$0x1E280] =	vst v63  }
0x41a: {  	s30 =	simm.s32 $0x14A80  }
0x41b: {  	[hbm4b:s25+s2] =	stream.indirect_vreg.scatter [tilespmem:s30], [sflag:$0xE], $0x80, v3, vm0, $0xb8;
	[tilespmem:$0x1E280] =	vst v63  }
0x41c: {  	v3 =	vld [tilespmem:$0x190];
	_ =	sdelay $0x4  }
0x41d: {  	v61 =	vshrl.u32 v3, $0x3  }
0x41e: {  	v4 =	vmul.u32 $0x30, v61  }
0x41f: {  	v3 =	vand.u32 $0x7, v3  }
0x420: {  	v3 =	vor.u32 v3, v4  }
0x421: {  	v4 =	vperm.xlane v3, v0;
	_ =	sdelay $0x1  }
0x422: {  	v4 =	vadd.s32 v1, v4;
	_ =	sdelay $0x3  }
0x423: {  	s15 =	simm.s32 $0x15280;
	v3 =	vperm.xlane v3, v2  }
0x424: {  	[hbm4b:s20+s2] =	stream.indirect_vreg.scatter [tilespmem:s15], [sflag:$0xE], $0x80, v4, vm0, $0xb8;
	[tilespmem:$0x1E280] =	vst v63  }
0x425: {  	s30 =	simm.s32 $0x15A80;
	v3 =	vadd.s32 v1, v3  }
0x426: {  	[hbm4b:s23+s2] =	stream.indirect_vreg.scatter [tilespmem:s30], [sflag:$0xE], $0x80, v4, vm0, $0xb8;
	[tilespmem:$0x1E280] =	vst v63  }
0x427: {  	s15 =	simm.s32 $0x16280  }
0x428: {  	[hbm4b:s25+s2] =	stream.indirect_vreg.scatter [tilespmem:s15], [sflag:$0xE], $0x80, v4, vm0, $0xb8;
	[tilespmem:$0x1E280] =	vst v63  }
0x429: {  	s30 =	simm.s32 $0x16A80  }
0x42a: {  	[hbm4b:s20+s2] =	stream.indirect_vreg.scatter [tilespmem:s30], [sflag:$0xE], $0x80, v3, vm0, $0xb8;
	[tilespmem:$0x1E280] =	vst v63  }
0x42b: {  	s15 =	simm.s32 $0x17280  }
0x42c: {  	[hbm4b:s23+s2] =	stream.indirect_vreg.scatter [tilespmem:s15], [sflag:$0xE], $0x80, v3, vm0, $0xb8;
	[tilespmem:$0x1E280] =	vst v63  }
0x42d: {  	s30 =	simm.s32 $0x17A80  }
0x42e: {  	[hbm4b:s25+s2] =	stream.indirect_vreg.scatter [tilespmem:s30], [sflag:$0xE], $0x80, v3, vm0, $0xb8;
	[tilespmem:$0x1E280] =	vst v63  }
0x42f: {  	_ =	swait.ge [sflag:s6], $0x6000  }
0x430: {  	s15 =	sld [smem:$0x7ED]  }
0x431: {  	[sflag:s6] =	ssyncset.done $0x0  }
0x432: {  	s30 =	simm.s32 $0x100;
	[sflag:s6] =	ssyncadd.s32 $0xFFFFA000  }
0x433: {  	[tilespmem:s30], [sflag:$0x3] =	stream.linear.gather [hbm4b:s15+s2], $0x20, $0x38;
	[tilespmem:$0x1E280] =	vst v63  }
0x434: {  	s29 =	rddreg [dreg:$0x1c]  }
0x435: {  	[tilespmem:s3], [sflag:$0x8] =	stream.linear.gather [hbm4b:s29+s2], $0x6000, $0x38;
	[tilespmem:$0x1E280] =	vst v63  }
0x436: {  	_ =	swait.ge [sflag:s11], $0x20  }
0x437: {  	[sflag:s11] =	ssyncset.done $0x0  }
0x438: {  	[sflag:s11] =	ssyncadd.s32 $0xFFFFFFE0  }
0x439: {  	_ =	swait.ge [sflag:s12], $0x6000  }
0x43a: {  	[sflag:s12] =	ssyncset.done $0x0  }
0x43b: {  	[sflag:s12] =	ssyncadd.s32 $0xFFFFA000  }
0x43c: {  	v3 =	vld [tilespmem:$0x200];
	_ =	sdelay $0x4  }
0x43d: {  	v62 =	vshrl.u32 v3, $0x3  }
0x43e: {  	v4 =	vmul.u32 $0x30, v62  }
0x43f: {  	v3 =	vand.u32 $0x7, v3  }
0x440: {  	v3 =	vor.u32 v3, v4  }
0x441: {  	v4 =	vperm.xlane v3, v0;
	_ =	sdelay $0x1  }
0x442: {  	v4 =	vadd.s32 v1, v4;
	_ =	sdelay $0x3  }
0x443: {  	s3 =	simm.s32 $0x18280;
	v3 =	vperm.xlane v3, v2  }
0x444: {  	[hbm4b:s20+s2] =	stream.indirect_vreg.scatter [tilespmem:s3], [sflag:$0xF], $0x80, v4, vm0, $0xb8;
	[tilespmem:$0x1E280] =	vst v63  }
0x445: {  	s30 =	simm.s32 $0x18A80;
	v3 =	vadd.s32 v1, v3  }
0x446: {  	[hbm4b:s23+s2] =	stream.indirect_vreg.scatter [tilespmem:s30], [sflag:$0xF], $0x80, v4, vm0, $0xb8;
	[tilespmem:$0x1E280] =	vst v63  }
0x447: {  	s15 =	simm.s32 $0x19280  }
0x448: {  	[hbm4b:s25+s2] =	stream.indirect_vreg.scatter [tilespmem:s15], [sflag:$0xF], $0x80, v4, vm0, $0xb8;
	[tilespmem:$0x1E280] =	vst v63  }
0x449: {  	s30 =	simm.s32 $0x19A80  }
0x44a: {  	[hbm4b:s20+s2] =	stream.indirect_vreg.scatter [tilespmem:s30], [sflag:$0xF], $0x80, v3, vm0, $0xb8;
	[tilespmem:$0x1E280] =	vst v63  }
0x44b: {  	s15 =	simm.s32 $0x1A280  }
0x44c: {  	[hbm4b:s23+s2] =	stream.indirect_vreg.scatter [tilespmem:s15], [sflag:$0xF], $0x80, v3, vm0, $0xb8;
	[tilespmem:$0x1E280] =	vst v63  }
0x44d: {  	s30 =	simm.s32 $0x1AA80  }
0x44e: {  	[hbm4b:s25+s2] =	stream.indirect_vreg.scatter [tilespmem:s30], [sflag:$0xF], $0x80, v3, vm0, $0xb8;
	[tilespmem:$0x1E280] =	vst v63  }
0x44f: {  	v3 =	vld [tilespmem:$0x210];
	_ =	sdelay $0x4  }
0x450: {  	v63 =	vshrl.u32 v3, $0x3  }
0x451: {  	v4 =	vmul.u32 $0x30, v63  }
0x452: {  	v3 =	vand.u32 $0x7, v3  }
0x453: {  	v3 =	vor.u32 v3, v4  }
0x454: {  	v4 =	vperm.xlane v3, v0;
	_ =	sdelay $0x1  }
0x455: {  	v4 =	vadd.s32 v1, v4;
	_ =	sdelay $0x3  }
0x456: {  	s15 =	simm.s32 $0x1B280;
	v3 =	vperm.xlane v3, v2  }
0x457: {  	[hbm4b:s20+s2] =	stream.indirect_vreg.scatter [tilespmem:s15], [sflag:$0xF], $0x80, v4, vm0, $0xb8;
	[tilespmem:$0x1E280] =	vst v63  }
0x458: {  	s30 =	simm.s32 $0x1BA80;
	v3 =	vadd.s32 v1, v3  }
0x459: {  	[hbm4b:s23+s2] =	stream.indirect_vreg.scatter [tilespmem:s30], [sflag:$0xF], $0x80, v4, vm0, $0xb8;
	[tilespmem:$0x1E280] =	vst v63  }
0x45a: {  	s15 =	simm.s32 $0x1C280  }
0x45b: {  	[hbm4b:s25+s2] =	stream.indirect_vreg.scatter [tilespmem:s15], [sflag:$0xF], $0x80, v4, vm0, $0xb8;
	[tilespmem:$0x1E280] =	vst v63  }
0x45c: {  	s30 =	simm.s32 $0x1CA80  }
0x45d: {  	[hbm4b:s20+s2] =	stream.indirect_vreg.scatter [tilespmem:s30], [sflag:$0xF], $0x80, v3, vm0, $0xb8;
	[tilespmem:$0x1E280] =	vst v63  }
0x45e: {  	s15 =	simm.s32 $0x1D280  }
0x45f: {  	[hbm4b:s23+s2] =	stream.indirect_vreg.scatter [tilespmem:s15], [sflag:$0xF], $0x80, v3, vm0, $0xb8;
	[tilespmem:$0x1E280] =	vst v63  }
0x460: {  	s30 =	simm.s32 $0x1DA80  }
0x461: {  	[hbm4b:s25+s2] =	stream.indirect_vreg.scatter [tilespmem:s30], [sflag:$0xF], $0x80, v3, vm0, $0xb8;
	[tilespmem:$0x1E280] =	vst v63  }
0x462: {  	_ =	swait.ge [sflag:s13], $0x6000  }
0x463: {  	s15 =	sld [smem:$0x7EF]  }
0x464: {  	[sflag:s13] =	ssyncset.done $0x0  }
0x465: {  	s30 =	simm.s32 $0x180;
	[sflag:s13] =	ssyncadd.s32 $0xFFFFA000  }
0x466: {  	[tilespmem:s30], [sflag:$0x4] =	stream.linear.gather [hbm4b:s15+s2], $0x20, $0x38;
	[tilespmem:$0x1E280] =	vst v63  }
0x467: {  	s29 =	rddreg [dreg:$0x1d]  }
0x468: {  	[tilespmem:s0], [sflag:$0x9] =	stream.linear.gather [hbm4b:s29+s2], $0x6000, $0x38;
	[tilespmem:$0x1E280] =	vst v63  }
0x469: {  	_ =	swait.ge [sflag:s7], $0x20  }
0x46a: {  	[sflag:s7] =	ssyncset.done $0x0  }
0x46b: {  	[sflag:s7] =	ssyncadd.s32 $0xFFFFFFE0  }
0x46c: {  	_ =	swait.ge [sflag:s31], $0x6000  }
0x46d: {  	[sflag:s31] =	ssyncset.done $0x0  }
0x46e: {  	[sflag:s31] =	ssyncadd.s32 $0xFFFFA000  }
0x46f: {  	v3 =	vld [tilespmem:$0x0];
	_ =	sdelay $0x4  }
0x470: {  	v8 =	vshrl.u32 v3, $0x3  }
0x471: {  	v4 =	vmul.u32 $0x30, v8  }
0x472: {  	v3 =	vand.u32 $0x7, v3  }
0x473: {  	v3 =	vor.u32 v3, v4  }
0x474: {  	v4 =	vperm.xlane v3, v0;
	_ =	sdelay $0x1  }
0x475: {  	v4 =	vadd.s32 v1, v4;
	_ =	sdelay $0x3  }
0x476: {  	s0 =	simm.s32 $0x280;
	v3 =	vperm.xlane v3, v2  }
0x477: {  	[hbm4b:s20+s2] =	stream.indirect_vreg.scatter [tilespmem:s0], [sflag:$0xB], $0x80, v4, vm0, $0xb8;
	[tilespmem:$0x1E280] =	vst v63  }
0x478: {  	s15 =	simm.s32 $0xA80;
	v3 =	vadd.s32 v1, v3  }
0x479: {  	[hbm4b:s23+s2] =	stream.indirect_vreg.scatter [tilespmem:s15], [sflag:$0xB], $0x80, v4, vm0, $0xb8;
	[tilespmem:$0x1E280] =	vst v63  }
0x47a: {  	s15 =	simm.s32 $0x1280  }
0x47b: {  	[hbm4b:s25+s2] =	stream.indirect_vreg.scatter [tilespmem:s15], [sflag:$0xB], $0x80, v4, vm0, $0xb8;
	[tilespmem:$0x1E280] =	vst v63  }
0x47c: {  	s15 =	simm.s32 $0x1A80  }
0x47d: {  	[hbm4b:s20+s2] =	stream.indirect_vreg.scatter [tilespmem:s15], [sflag:$0xB], $0x80, v3, vm0, $0xb8;
	[tilespmem:$0x1E280] =	vst v63  }
0x47e: {  	s15 =	simm.s32 $0x2280  }
0x47f: {  	[hbm4b:s23+s2] =	stream.indirect_vreg.scatter [tilespmem:s15], [sflag:$0xB], $0x80, v3, vm0, $0xb8;
	[tilespmem:$0x1E280] =	vst v63  }
0x480: {  	s15 =	simm.s32 $0x2A80  }
0x481: {  	[hbm4b:s25+s2] =	stream.indirect_vreg.scatter [tilespmem:s15], [sflag:$0xB], $0x80, v3, vm0, $0xb8;
	[tilespmem:$0x1E280] =	vst v63  }
0x482: {  	v3 =	vld [tilespmem:$0x10];
	_ =	sdelay $0x4  }
0x483: {  	v9 =	vshrl.u32 v3, $0x3  }
0x484: {  	v4 =	vmul.u32 $0x30, v9  }
0x485: {  	v3 =	vand.u32 $0x7, v3  }
0x486: {  	v3 =	vor.u32 v3, v4  }
0x487: {  	v4 =	vperm.xlane v3, v0;
	_ =	sdelay $0x1  }
0x488: {  	v4 =	vadd.s32 v1, v4;
	_ =	sdelay $0x3  }
0x489: {  	s15 =	simm.s32 $0x3280;
	v3 =	vperm.xlane v3, v2  }
0x48a: {  	[hbm4b:s20+s2] =	stream.indirect_vreg.scatter [tilespmem:s15], [sflag:$0xB], $0x80, v4, vm0, $0xb8;
	[tilespmem:$0x1E280] =	vst v63  }
0x48b: {  	v3 =	vadd.s32 v1, v3;
	s15 =	simm.s32 $0x3A80  }
0x48c: {  	[hbm4b:s23+s2] =	stream.indirect_vreg.scatter [tilespmem:s15], [sflag:$0xB], $0x80, v4, vm0, $0xb8;
	[tilespmem:$0x1E280] =	vst v63  }
0x48d: {  	s15 =	simm.s32 $0x4280  }
0x48e: {  	[hbm4b:s25+s2] =	stream.indirect_vreg.scatter [tilespmem:s15], [sflag:$0xB], $0x80, v4, vm0, $0xb8;
	[tilespmem:$0x1E280] =	vst v63  }
0x48f: {  	s15 =	simm.s32 $0x4A80  }
0x490: {  	[hbm4b:s20+s2] =	stream.indirect_vreg.scatter [tilespmem:s15], [sflag:$0xB], $0x80, v3, vm0, $0xb8;
	[tilespmem:$0x1E280] =	vst v63  }
0x491: {  	s15 =	simm.s32 $0x5280  }
0x492: {  	[hbm4b:s23+s2] =	stream.indirect_vreg.scatter [tilespmem:s15], [sflag:$0xB], $0x80, v3, vm0, $0xb8;
	[tilespmem:$0x1E280] =	vst v63  }
0x493: {  	s15 =	simm.s32 $0x5A80  }
0x494: {  	[hbm4b:s25+s2] =	stream.indirect_vreg.scatter [tilespmem:s15], [sflag:$0xB], $0x80, v3, vm0, $0xb8;
	[tilespmem:$0x1E280] =	vst v63  }
0x495: {  	_ =	swait.ge [sflag:s4], $0x6000  }
0x496: {  	s15 =	sld [smem:$0x7F1]  }
0x497: {  	[sflag:s4] =	ssyncset.done $0x0  }
0x498: {  	s1 =	simm.s32 $0x200;
	[sflag:s4] =	ssyncadd.s32 $0xFFFFA000  }
0x499: {  	[tilespmem:s1], [sflag:$0x5] =	stream.linear.gather [hbm4b:s15+s2], $0x20, $0x38;
	[tilespmem:$0x1E280] =	vst v63  }
0x49a: {  	s29 =	rddreg [dreg:$0x1e]  }
0x49b: {  	[tilespmem:s3], [sflag:$0xA] =	stream.linear.gather [hbm4b:s29+s2], $0x6000, $0x38;
	[tilespmem:$0x1E280] =	vst v63  }
0x49c: {  	_ =	swait.ge [sflag:s8], $0x20  }
0x49d: {  	[sflag:s8] =	ssyncset.done $0x0  }
0x49e: {  	[sflag:s8] =	ssyncadd.s32 $0xFFFFFFE0  }
0x49f: {  	_ =	swait.ge [sflag:s5], $0x6000  }
0x4a0: {  	[sflag:s5] =	ssyncset.done $0x0  }
0x4a1: {  	[sflag:s5] =	ssyncadd.s32 $0xFFFFA000  }
0x4a2: {  	v3 =	vld [tilespmem:$0x80];
	_ =	sdelay $0x4  }
0x4a3: {  	v10 =	vshrl.u32 v3, $0x3  }
0x4a4: {  	v4 =	vmul.u32 $0x30, v10  }
0x4a5: {  	v3 =	vand.u32 $0x7, v3  }
0x4a6: {  	v3 =	vor.u32 v3, v4  }
0x4a7: {  	v4 =	vperm.xlane v3, v0;
	_ =	sdelay $0x1  }
0x4a8: {  	v4 =	vadd.s32 v1, v4;
	_ =	sdelay $0x3  }
0x4a9: {  	s1 =	simm.s32 $0x6280;
	v3 =	vperm.xlane v3, v2  }
0x4aa: {  	[hbm4b:s20+s2] =	stream.indirect_vreg.scatter [tilespmem:s1], [sflag:$0xC], $0x80, v4, vm0, $0xb8;
	[tilespmem:$0x1E280] =	vst v63  }
0x4ab: {  	s3 =	simm.s32 $0x6A80;
	v3 =	vadd.s32 v1, v3  }
0x4ac: {  	[hbm4b:s23+s2] =	stream.indirect_vreg.scatter [tilespmem:s3], [sflag:$0xC], $0x80, v4, vm0, $0xb8;
	[tilespmem:$0x1E280] =	vst v63  }
0x4ad: {  	s15 =	simm.s32 $0x7280  }
0x4ae: {  	[hbm4b:s25+s2] =	stream.indirect_vreg.scatter [tilespmem:s15], [sflag:$0xC], $0x80, v4, vm0, $0xb8;
	[tilespmem:$0x1E280] =	vst v63  }
0x4af: {  	s15 =	simm.s32 $0x7A80  }
0x4b0: {  	[hbm4b:s20+s2] =	stream.indirect_vreg.scatter [tilespmem:s15], [sflag:$0xC], $0x80, v3, vm0, $0xb8;
	[tilespmem:$0x1E280] =	vst v63  }
0x4b1: {  	s15 =	simm.s32 $0x8280  }
0x4b2: {  	[hbm4b:s23+s2] =	stream.indirect_vreg.scatter [tilespmem:s15], [sflag:$0xC], $0x80, v3, vm0, $0xb8;
	[tilespmem:$0x1E280] =	vst v63  }
0x4b3: {  	s15 =	simm.s32 $0x8A80  }
0x4b4: {  	[hbm4b:s25+s2] =	stream.indirect_vreg.scatter [tilespmem:s15], [sflag:$0xC], $0x80, v3, vm0, $0xb8;
	[tilespmem:$0x1E280] =	vst v63  }
0x4b5: {  	v3 =	vld [tilespmem:$0x90];
	_ =	sdelay $0x4  }
0x4b6: {  	v11 =	vshrl.u32 v3, $0x3  }
0x4b7: {  	v4 =	vmul.u32 $0x30, v11  }
0x4b8: {  	v3 =	vand.u32 $0x7, v3  }
0x4b9: {  	v3 =	vor.u32 v3, v4  }
0x4ba: {  	v4 =	vperm.xlane v3, v0;
	_ =	sdelay $0x1  }
0x4bb: {  	v4 =	vadd.s32 v1, v4;
	_ =	sdelay $0x3  }
0x4bc: {  	s15 =	simm.s32 $0x9280;
	v3 =	vperm.xlane v3, v2  }
0x4bd: {  	[hbm4b:s20+s2] =	stream.indirect_vreg.scatter [tilespmem:s15], [sflag:$0xC], $0x80, v4, vm0, $0xb8;
	[tilespmem:$0x1E280] =	vst v63  }
0x4be: {  	v3 =	vadd.s32 v1, v3;
	s15 =	simm.s32 $0x9A80  }
0x4bf: {  	[hbm4b:s23+s2] =	stream.indirect_vreg.scatter [tilespmem:s15], [sflag:$0xC], $0x80, v4, vm0, $0xb8;
	[tilespmem:$0x1E280] =	vst v63  }
0x4c0: {  	s15 =	simm.s32 $0xA280  }
0x4c1: {  	[hbm4b:s25+s2] =	stream.indirect_vreg.scatter [tilespmem:s15], [sflag:$0xC], $0x80, v4, vm0, $0xb8;
	[tilespmem:$0x1E280] =	vst v63  }
0x4c2: {  	s15 =	simm.s32 $0xAA80  }
0x4c3: {  	[hbm4b:s20+s2] =	stream.indirect_vreg.scatter [tilespmem:s15], [sflag:$0xC], $0x80, v3, vm0, $0xb8;
	[tilespmem:$0x1E280] =	vst v63  }
0x4c4: {  	s15 =	simm.s32 $0xB280  }
0x4c5: {  	[hbm4b:s23+s2] =	stream.indirect_vreg.scatter [tilespmem:s15], [sflag:$0xC], $0x80, v3, vm0, $0xb8;
	[tilespmem:$0x1E280] =	vst v63  }
0x4c6: {  	s15 =	simm.s32 $0xBA80  }
0x4c7: {  	[hbm4b:s25+s2] =	stream.indirect_vreg.scatter [tilespmem:s15], [sflag:$0xC], $0x80, v3, vm0, $0xb8;
	[tilespmem:$0x1E280] =	vst v63  }
0x4c8: {  	_ =	swait.ge [sflag:s9], $0x6000  }
0x4c9: {  	s3 =	sld [smem:$0x7F2]  }
0x4ca: {  	[sflag:s9] =	ssyncset.done $0x0  }
0x4cb: {  	[sflag:s9] =	ssyncadd.s32 $0xFFFFA000  }
0x4cc: {  	[tilespmem:s2], [sflag:$0x1] =	stream.linear.gather [hbm4b:s3+s2], $0x20, $0x38;
	[tilespmem:$0x1E280] =	vst v63  }
0x4cd: {  	s29 =	rddreg [dreg:$0x1f]  }
0x4ce: {  	[tilespmem:s0], [sflag:$0x6] =	stream.linear.gather [hbm4b:s29+s2], $0x6000, $0x38;
	[tilespmem:$0x1E280] =	vst v63  }
0x4cf: {  	_ =	swait.ge [sflag:s10], $0x20  }
0x4d0: {  	[sflag:s10] =	ssyncset.done $0x0  }
0x4d1: {  	[sflag:s10] =	ssyncadd.s32 $0xFFFFFFE0  }
0x4d2: {  	_ =	swait.ge [sflag:s14], $0x6000  }
0x4d3: {  	[sflag:s14] =	ssyncset.done $0x0  }
0x4d4: {  	[sflag:s14] =	ssyncadd.s32 $0xFFFFA000  }
0x4d5: {  	v3 =	vld [tilespmem:$0x100];
	_ =	sdelay $0x4  }
0x4d6: {  	v12 =	vshrl.u32 v3, $0x3  }
0x4d7: {  	v4 =	vmul.u32 $0x30, v12  }
0x4d8: {  	v3 =	vand.u32 $0x7, v3  }
0x4d9: {  	v3 =	vor.u32 v3, v4  }
0x4da: {  	v4 =	vperm.xlane v3, v0;
	_ =	sdelay $0x1  }
0x4db: {  	v4 =	vadd.s32 v1, v4;
	_ =	sdelay $0x3  }
0x4dc: {  	s3 =	simm.s32 $0xC280;
	v3 =	vperm.xlane v3, v2  }
0x4dd: {  	[hbm4b:s20+s2] =	stream.indirect_vreg.scatter [tilespmem:s3], [sflag:$0xD], $0x80, v4, vm0, $0xb8;
	[tilespmem:$0x1E280] =	vst v63  }
0x4de: {  	s15 =	simm.s32 $0xCA80;
	v3 =	vadd.s32 v1, v3  }
0x4df: {  	[hbm4b:s23+s2] =	stream.indirect_vreg.scatter [tilespmem:s15], [sflag:$0xD], $0x80, v4, vm0, $0xb8;
	[tilespmem:$0x1E280] =	vst v63  }
0x4e0: {  	s15 =	simm.s32 $0xD280  }
0x4e1: {  	[hbm4b:s25+s2] =	stream.indirect_vreg.scatter [tilespmem:s15], [sflag:$0xD], $0x80, v4, vm0, $0xb8;
	[tilespmem:$0x1E280] =	vst v63  }
0x4e2: {  	s15 =	simm.s32 $0xDA80  }
0x4e3: {  	[hbm4b:s20+s2] =	stream.indirect_vreg.scatter [tilespmem:s15], [sflag:$0xD], $0x80, v3, vm0, $0xb8;
	[tilespmem:$0x1E280] =	vst v63  }
0x4e4: {  	s15 =	simm.s32 $0xE280  }
0x4e5: {  	[hbm4b:s23+s2] =	stream.indirect_vreg.scatter [tilespmem:s15], [sflag:$0xD], $0x80, v3, vm0, $0xb8;
	[tilespmem:$0x1E280] =	vst v63  }
0x4e6: {  	s15 =	simm.s32 $0xEA80  }
0x4e7: {  	[hbm4b:s25+s2] =	stream.indirect_vreg.scatter [tilespmem:s15], [sflag:$0xD], $0x80, v3, vm0, $0xb8;
	[tilespmem:$0x1E280] =	vst v63  }
0x4e8: {  	v3 =	vld [tilespmem:$0x110];
	_ =	sdelay $0x4  }
0x4e9: {  	v13 =	vshrl.u32 v3, $0x3  }
0x4ea: {  	v4 =	vmul.u32 $0x30, v13  }
0x4eb: {  	v3 =	vand.u32 $0x7, v3  }
0x4ec: {  	v3 =	vor.u32 v3, v4  }
0x4ed: {  	v4 =	vperm.xlane v3, v0;
	_ =	sdelay $0x1  }
0x4ee: {  	v4 =	vadd.s32 v1, v4;
	_ =	sdelay $0x3  }
0x4ef: {  	s15 =	simm.s32 $0xF280;
	v3 =	vperm.xlane v3, v2  }
0x4f0: {  	[hbm4b:s20+s2] =	stream.indirect_vreg.scatter [tilespmem:s15], [sflag:$0xD], $0x80, v4, vm0, $0xb8;
	[tilespmem:$0x1E280] =	vst v63  }
0x4f1: {  	v3 =	vadd.s32 v1, v3;
	s15 =	simm.s32 $0xFA80  }
0x4f2: {  	[hbm4b:s23+s2] =	stream.indirect_vreg.scatter [tilespmem:s15], [sflag:$0xD], $0x80, v4, vm0, $0xb8;
	[tilespmem:$0x1E280] =	vst v63  }
0x4f3: {  	s15 =	simm.s32 $0x10280  }
0x4f4: {  	[hbm4b:s25+s2] =	stream.indirect_vreg.scatter [tilespmem:s15], [sflag:$0xD], $0x80, v4, vm0, $0xb8;
	[tilespmem:$0x1E280] =	vst v63  }
0x4f5: {  	s15 =	simm.s32 $0x10A80  }
0x4f6: {  	[hbm4b:s20+s2] =	stream.indirect_vreg.scatter [tilespmem:s15], [sflag:$0xD], $0x80, v3, vm0, $0xb8;
	[tilespmem:$0x1E280] =	vst v63  }
0x4f7: {  	s15 =	simm.s32 $0x11280  }
0x4f8: {  	[hbm4b:s23+s2] =	stream.indirect_vreg.scatter [tilespmem:s15], [sflag:$0xD], $0x80, v3, vm0, $0xb8;
	[tilespmem:$0x1E280] =	vst v63  }
0x4f9: {  	s15 =	simm.s32 $0x11A80  }
0x4fa: {  	[hbm4b:s25+s2] =	stream.indirect_vreg.scatter [tilespmem:s15], [sflag:$0xD], $0x80, v3, vm0, $0xb8;
	[tilespmem:$0x1E280] =	vst v63  }
0x4fb: {  	_ =	swait.ge [sflag:s17], $0x6000  }
0x4fc: {  	s15 =	sld [smem:$0x7F3]  }
0x4fd: {  	[sflag:s17] =	ssyncset.done $0x0  }
0x4fe: {  	s0 =	simm.s32 $0x80;
	s29 =	sld [smem:$0x7CF];
	[sflag:s17] =	ssyncadd.s32 $0xFFFFA000  }
0x4ff: {  	[tilespmem:s0], [sflag:$0x2] =	stream.linear.gather [hbm4b:s15+s2], $0x20, $0x38;
	[tilespmem:$0x1E280] =	vst v63  }
0x500: {  	_ = 	snop  }
0x501: {  	[tilespmem:s1], [sflag:$0x7] =	stream.linear.gather [hbm4b:s29+s2], $0x6000, $0x38;
	[tilespmem:$0x1E280] =	vst v63  }
0x502: {  	_ =	swait.ge [sflag:s16], $0x20  }
0x503: {  	[sflag:s16] =	ssyncset.done $0x0  }
0x504: {  	[sflag:s16] =	ssyncadd.s32 $0xFFFFFFE0  }
0x505: {  	_ =	swait.ge [sflag:s18], $0x6000  }
0x506: {  	[sflag:s18] =	ssyncset.done $0x0  }
0x507: {  	[sflag:s18] =	ssyncadd.s32 $0xFFFFA000  }
0x508: {  	v3 =	vld [tilespmem:$0x180];
	_ =	sdelay $0x4  }
0x509: {  	v14 =	vshrl.u32 v3, $0x3  }
0x50a: {  	v4 =	vmul.u32 $0x30, v14  }
0x50b: {  	v3 =	vand.u32 $0x7, v3  }
0x50c: {  	v3 =	vor.u32 v3, v4  }
0x50d: {  	v4 =	vperm.xlane v3, v0;
	_ =	sdelay $0x1  }
0x50e: {  	v4 =	vadd.s32 v1, v4;
	_ =	sdelay $0x3  }
0x50f: {  	s30 =	simm.s32 $0x12280;
	v3 =	vperm.xlane v3, v2  }
0x510: {  	[hbm4b:s20+s2] =	stream.indirect_vreg.scatter [tilespmem:s30], [sflag:$0xE], $0x80, v4, vm0, $0xb8;
	[tilespmem:$0x1E280] =	vst v63  }
0x511: {  	s15 =	simm.s32 $0x12A80;
	v3 =	vadd.s32 v1, v3  }
0x512: {  	[hbm4b:s23+s2] =	stream.indirect_vreg.scatter [tilespmem:s15], [sflag:$0xE], $0x80, v4, vm0, $0xb8;
	[tilespmem:$0x1E280] =	vst v63  }
0x513: {  	s1 =	simm.s32 $0x13280  }
0x514: {  	[hbm4b:s25+s2] =	stream.indirect_vreg.scatter [tilespmem:s1], [sflag:$0xE], $0x80, v4, vm0, $0xb8;
	[tilespmem:$0x1E280] =	vst v63  }
0x515: {  	s15 =	simm.s32 $0x13A80  }
0x516: {  	[hbm4b:s20+s2] =	stream.indirect_vreg.scatter [tilespmem:s15], [sflag:$0xE], $0x80, v3, vm0, $0xb8;
	[tilespmem:$0x1E280] =	vst v63  }
0x517: {  	s1 =	simm.s32 $0x14280  }
0x518: {  	[hbm4b:s23+s2] =	stream.indirect_vreg.scatter [tilespmem:s1], [sflag:$0xE], $0x80, v3, vm0, $0xb8;
	[tilespmem:$0x1E280] =	vst v63  }
0x519: {  	s15 =	simm.s32 $0x14A80  }
0x51a: {  	[hbm4b:s25+s2] =	stream.indirect_vreg.scatter [tilespmem:s15], [sflag:$0xE], $0x80, v3, vm0, $0xb8;
	[tilespmem:$0x1E280] =	vst v63  }
0x51b: {  	v3 =	vld [tilespmem:$0x190];
	_ =	sdelay $0x4  }
0x51c: {  	v15 =	vshrl.u32 v3, $0x3  }
0x51d: {  	v4 =	vmul.u32 $0x30, v15  }
0x51e: {  	v3 =	vand.u32 $0x7, v3  }
0x51f: {  	v3 =	vor.u32 v3, v4  }
0x520: {  	v4 =	vperm.xlane v3, v0;
	_ =	sdelay $0x1  }
0x521: {  	v4 =	vadd.s32 v1, v4;
	_ =	sdelay $0x3  }
0x522: {  	s1 =	simm.s32 $0x15280;
	v3 =	vperm.xlane v3, v2  }
0x523: {  	[hbm4b:s20+s2] =	stream.indirect_vreg.scatter [tilespmem:s1], [sflag:$0xE], $0x80, v4, vm0, $0xb8;
	[tilespmem:$0x1E280] =	vst v63  }
0x524: {  	s15 =	simm.s32 $0x15A80;
	v3 =	vadd.s32 v1, v3  }
0x525: {  	[hbm4b:s23+s2] =	stream.indirect_vreg.scatter [tilespmem:s15], [sflag:$0xE], $0x80, v4, vm0, $0xb8;
	[tilespmem:$0x1E280] =	vst v63  }
0x526: {  	s1 =	simm.s32 $0x16280  }
0x527: {  	[hbm4b:s25+s2] =	stream.indirect_vreg.scatter [tilespmem:s1], [sflag:$0xE], $0x80, v4, vm0, $0xb8;
	[tilespmem:$0x1E280] =	vst v63  }
0x528: {  	s15 =	simm.s32 $0x16A80  }
0x529: {  	[hbm4b:s20+s2] =	stream.indirect_vreg.scatter [tilespmem:s15], [sflag:$0xE], $0x80, v3, vm0, $0xb8;
	[tilespmem:$0x1E280] =	vst v63  }
0x52a: {  	s1 =	simm.s32 $0x17280  }
0x52b: {  	[hbm4b:s23+s2] =	stream.indirect_vreg.scatter [tilespmem:s1], [sflag:$0xE], $0x80, v3, vm0, $0xb8;
	[tilespmem:$0x1E280] =	vst v63  }
0x52c: {  	s15 =	simm.s32 $0x17A80  }
0x52d: {  	[hbm4b:s25+s2] =	stream.indirect_vreg.scatter [tilespmem:s15], [sflag:$0xE], $0x80, v3, vm0, $0xb8;
	[tilespmem:$0x1E280] =	vst v63  }
0x52e: {  	_ =	swait.ge [sflag:s6], $0x6000  }
0x52f: {  	s0 =	sld [smem:$0x7F4]  }
0x530: {  	[sflag:s6] =	ssyncset.done $0x0  }
0x531: {  	s1 =	simm.s32 $0x100;
	s29 =	sld [smem:$0x7D0];
	[sflag:s6] =	ssyncadd.s32 $0xFFFFA000  }
0x532: {  	[tilespmem:s1], [sflag:$0x3] =	stream.linear.gather [hbm4b:s0+s2], $0x20, $0x38;
	[tilespmem:$0x1E280] =	vst v63  }
0x533: {  	_ = 	snop  }
0x534: {  	[tilespmem:s3], [sflag:$0x8] =	stream.linear.gather [hbm4b:s29+s2], $0x6000, $0x38;
	[tilespmem:$0x1E280] =	vst v63  }
0x535: {  	_ =	swait.ge [sflag:s11], $0x20  }
0x536: {  	[sflag:s11] =	ssyncset.done $0x0  }
0x537: {  	[sflag:s11] =	ssyncadd.s32 $0xFFFFFFE0  }
0x538: {  	_ =	swait.ge [sflag:s12], $0x6000  }
0x539: {  	[sflag:s12] =	ssyncset.done $0x0  }
0x53a: {  	[sflag:s12] =	ssyncadd.s32 $0xFFFFA000  }
0x53b: {  	v3 =	vld [tilespmem:$0x200];
	_ =	sdelay $0x4  }
0x53c: {  	v16 =	vshrl.u32 v3, $0x3  }
0x53d: {  	v4 =	vmul.u32 $0x30, v16  }
0x53e: {  	v3 =	vand.u32 $0x7, v3  }
0x53f: {  	v3 =	vor.u32 v3, v4  }
0x540: {  	v4 =	vperm.xlane v3, v0;
	_ =	sdelay $0x1  }
0x541: {  	v4 =	vadd.s32 v1, v4;
	_ =	sdelay $0x3  }
0x542: {  	s3 =	simm.s32 $0x18280;
	v3 =	vperm.xlane v3, v2  }
0x543: {  	[hbm4b:s20+s2] =	stream.indirect_vreg.scatter [tilespmem:s3], [sflag:$0xF], $0x80, v4, vm0, $0xb8;
	[tilespmem:$0x1E280] =	vst v63  }
0x544: {  	s15 =	simm.s32 $0x18A80;
	v3 =	vadd.s32 v1, v3  }
0x545: {  	[hbm4b:s23+s2] =	stream.indirect_vreg.scatter [tilespmem:s15], [sflag:$0xF], $0x80, v4, vm0, $0xb8;
	[tilespmem:$0x1E280] =	vst v63  }
0x546: {  	s0 =	simm.s32 $0x19280  }
0x547: {  	[hbm4b:s25+s2] =	stream.indirect_vreg.scatter [tilespmem:s0], [sflag:$0xF], $0x80, v4, vm0, $0xb8;
	[tilespmem:$0x1E280] =	vst v63  }
0x548: {  	s15 =	simm.s32 $0x19A80  }
0x549: {  	[hbm4b:s20+s2] =	stream.indirect_vreg.scatter [tilespmem:s15], [sflag:$0xF], $0x80, v3, vm0, $0xb8;
	[tilespmem:$0x1E280] =	vst v63  }
0x54a: {  	s0 =	simm.s32 $0x1A280  }
0x54b: {  	[hbm4b:s23+s2] =	stream.indirect_vreg.scatter [tilespmem:s0], [sflag:$0xF], $0x80, v3, vm0, $0xb8;
	[tilespmem:$0x1E280] =	vst v63  }
0x54c: {  	s15 =	simm.s32 $0x1AA80  }
0x54d: {  	[hbm4b:s25+s2] =	stream.indirect_vreg.scatter [tilespmem:s15], [sflag:$0xF], $0x80, v3, vm0, $0xb8;
	[tilespmem:$0x1E280] =	vst v63  }
0x54e: {  	v3 =	vld [tilespmem:$0x210];
	_ =	sdelay $0x4  }
0x54f: {  	v17 =	vshrl.u32 v3, $0x3  }
0x550: {  	v4 =	vmul.u32 $0x30, v17  }
0x551: {  	v3 =	vand.u32 $0x7, v3  }
0x552: {  	v3 =	vor.u32 v3, v4  }
0x553: {  	v4 =	vperm.xlane v3, v0;
	_ =	sdelay $0x1  }
0x554: {  	v4 =	vadd.s32 v1, v4;
	_ =	sdelay $0x3  }
0x555: {  	s0 =	simm.s32 $0x1B280;
	v3 =	vperm.xlane v3, v2  }
0x556: {  	[hbm4b:s20+s2] =	stream.indirect_vreg.scatter [tilespmem:s0], [sflag:$0xF], $0x80, v4, vm0, $0xb8;
	[tilespmem:$0x1E280] =	vst v63  }
0x557: {  	s15 =	simm.s32 $0x1BA80;
	v3 =	vadd.s32 v1, v3  }
0x558: {  	[hbm4b:s23+s2] =	stream.indirect_vreg.scatter [tilespmem:s15], [sflag:$0xF], $0x80, v4, vm0, $0xb8;
	[tilespmem:$0x1E280] =	vst v63  }
0x559: {  	s0 =	simm.s32 $0x1C280  }
0x55a: {  	[hbm4b:s25+s2] =	stream.indirect_vreg.scatter [tilespmem:s0], [sflag:$0xF], $0x80, v4, vm0, $0xb8;
	[tilespmem:$0x1E280] =	vst v63  }
0x55b: {  	s15 =	simm.s32 $0x1CA80  }
0x55c: {  	[hbm4b:s20+s2] =	stream.indirect_vreg.scatter [tilespmem:s15], [sflag:$0xF], $0x80, v3, vm0, $0xb8;
	[tilespmem:$0x1E280] =	vst v63  }
0x55d: {  	s0 =	simm.s32 $0x1D280  }
0x55e: {  	[hbm4b:s23+s2] =	stream.indirect_vreg.scatter [tilespmem:s0], [sflag:$0xF], $0x80, v3, vm0, $0xb8;
	[tilespmem:$0x1E280] =	vst v63  }
0x55f: {  	s15 =	simm.s32 $0x1DA80  }
0x560: {  	[hbm4b:s25+s2] =	stream.indirect_vreg.scatter [tilespmem:s15], [sflag:$0xF], $0x80, v3, vm0, $0xb8;
	[tilespmem:$0x1E280] =	vst v63  }
0x561: {  	_ =	swait.ge [sflag:s13], $0x6000  }
0x562: {  	s0 =	sld [smem:$0x7F5]  }
0x563: {  	[sflag:s13] =	ssyncset.done $0x0  }
0x564: {  	s1 =	simm.s32 $0x180;
	s29 =	sld [smem:$0x7D1];
	[sflag:s13] =	ssyncadd.s32 $0xFFFFA000  }
0x565: {  	[tilespmem:s1], [sflag:$0x4] =	stream.linear.gather [hbm4b:s0+s2], $0x20, $0x38;
	[tilespmem:$0x1E280] =	vst v63  }
0x566: {  	_ = 	snop  }
0x567: {  	[tilespmem:s30], [sflag:$0x9] =	stream.linear.gather [hbm4b:s29+s2], $0x6000, $0x38;
	[tilespmem:$0x1E280] =	vst v63  }
0x568: {  	_ =	swait.ge [sflag:s7], $0x20  }
0x569: {  	[sflag:s7] =	ssyncset.done $0x0  }
0x56a: {  	[sflag:s7] =	ssyncadd.s32 $0xFFFFFFE0  }
0x56b: {  	_ =	swait.ge [sflag:s31], $0x6000  }
0x56c: {  	[sflag:s31] =	ssyncset.done $0x0  }
0x56d: {  	[sflag:s31] =	ssyncadd.s32 $0xFFFFA000  }
0x56e: {  	v3 =	vld [tilespmem:$0x0];
	_ =	sdelay $0x4  }
0x56f: {  	v18 =	vshrl.u32 v3, $0x3  }
0x570: {  	v4 =	vmul.u32 $0x30, v18  }
0x571: {  	v3 =	vand.u32 $0x7, v3  }
0x572: {  	v3 =	vor.u32 v3, v4  }
0x573: {  	v4 =	vperm.xlane v3, v0;
	_ =	sdelay $0x1  }
0x574: {  	v4 =	vadd.s32 v1, v4;
	_ =	sdelay $0x3  }
0x575: {  	s1 =	simm.s32 $0x280;
	v3 =	vperm.xlane v3, v2  }
0x576: {  	[hbm4b:s20+s2] =	stream.indirect_vreg.scatter [tilespmem:s1], [sflag:$0xB], $0x80, v4, vm0, $0xb8;
	[tilespmem:$0x1E280] =	vst v63  }
0x577: {  	s30 =	simm.s32 $0xA80;
	v3 =	vadd.s32 v1, v3  }
0x578: {  	[hbm4b:s23+s2] =	stream.indirect_vreg.scatter [tilespmem:s30], [sflag:$0xB], $0x80, v4, vm0, $0xb8;
	[tilespmem:$0x1E280] =	vst v63  }
0x579: {  	s15 =	simm.s32 $0x1280  }
0x57a: {  	[hbm4b:s25+s2] =	stream.indirect_vreg.scatter [tilespmem:s15], [sflag:$0xB], $0x80, v4, vm0, $0xb8;
	[tilespmem:$0x1E280] =	vst v63  }
0x57b: {  	s30 =	simm.s32 $0x1A80  }
0x57c: {  	[hbm4b:s20+s2] =	stream.indirect_vreg.scatter [tilespmem:s30], [sflag:$0xB], $0x80, v3, vm0, $0xb8;
	[tilespmem:$0x1E280] =	vst v63  }
0x57d: {  	s15 =	simm.s32 $0x2280  }
0x57e: {  	[hbm4b:s23+s2] =	stream.indirect_vreg.scatter [tilespmem:s15], [sflag:$0xB], $0x80, v3, vm0, $0xb8;
	[tilespmem:$0x1E280] =	vst v63  }
0x57f: {  	s30 =	simm.s32 $0x2A80  }
0x580: {  	[hbm4b:s25+s2] =	stream.indirect_vreg.scatter [tilespmem:s30], [sflag:$0xB], $0x80, v3, vm0, $0xb8;
	[tilespmem:$0x1E280] =	vst v63  }
0x581: {  	v3 =	vld [tilespmem:$0x10];
	_ =	sdelay $0x4  }
0x582: {  	v19 =	vshrl.u32 v3, $0x3  }
0x583: {  	v4 =	vmul.u32 $0x30, v19  }
0x584: {  	v3 =	vand.u32 $0x7, v3  }
0x585: {  	v3 =	vor.u32 v3, v4  }
0x586: {  	v4 =	vperm.xlane v3, v0;
	_ =	sdelay $0x1  }
0x587: {  	v4 =	vadd.s32 v1, v4;
	_ =	sdelay $0x3  }
0x588: {  	s15 =	simm.s32 $0x3280;
	v3 =	vperm.xlane v3, v2  }
0x589: {  	[hbm4b:s20+s2] =	stream.indirect_vreg.scatter [tilespmem:s15], [sflag:$0xB], $0x80, v4, vm0, $0xb8;
	[tilespmem:$0x1E280] =	vst v63  }
0x58a: {  	s30 =	simm.s32 $0x3A80;
	v3 =	vadd.s32 v1, v3  }
0x58b: {  	[hbm4b:s23+s2] =	stream.indirect_vreg.scatter [tilespmem:s30], [sflag:$0xB], $0x80, v4, vm0, $0xb8;
	[tilespmem:$0x1E280] =	vst v63  }
0x58c: {  	s15 =	simm.s32 $0x4280  }
0x58d: {  	[hbm4b:s25+s2] =	stream.indirect_vreg.scatter [tilespmem:s15], [sflag:$0xB], $0x80, v4, vm0, $0xb8;
	[tilespmem:$0x1E280] =	vst v63  }
0x58e: {  	s30 =	simm.s32 $0x4A80  }
0x58f: {  	[hbm4b:s20+s2] =	stream.indirect_vreg.scatter [tilespmem:s30], [sflag:$0xB], $0x80, v3, vm0, $0xb8;
	[tilespmem:$0x1E280] =	vst v63  }
0x590: {  	s15 =	simm.s32 $0x5280  }
0x591: {  	[hbm4b:s23+s2] =	stream.indirect_vreg.scatter [tilespmem:s15], [sflag:$0xB], $0x80, v3, vm0, $0xb8;
	[tilespmem:$0x1E280] =	vst v63  }
0x592: {  	s30 =	simm.s32 $0x5A80  }
0x593: {  	[hbm4b:s25+s2] =	stream.indirect_vreg.scatter [tilespmem:s30], [sflag:$0xB], $0x80, v3, vm0, $0xb8;
	[tilespmem:$0x1E280] =	vst v63  }
0x594: {  	_ =	swait.ge [sflag:s4], $0x6000  }
0x595: {  	s0 =	sld [smem:$0x7F6]  }
0x596: {  	[sflag:s4] =	ssyncset.done $0x0  }
0x597: {  	s30 =	simm.s32 $0x200;
	s29 =	sld [smem:$0x7D2];
	[sflag:s4] =	ssyncadd.s32 $0xFFFFA000  }
0x598: {  	[tilespmem:s30], [sflag:$0x5] =	stream.linear.gather [hbm4b:s0+s2], $0x20, $0x38;
	[tilespmem:$0x1E280] =	vst v63  }
0x599: {  	_ = 	snop  }
0x59a: {  	[tilespmem:s3], [sflag:$0xA] =	stream.linear.gather [hbm4b:s29+s2], $0x6000, $0x38;
	[tilespmem:$0x1E280] =	vst v63  }
0x59b: {  	_ =	swait.ge [sflag:s8], $0x20  }
0x59c: {  	[sflag:s8] =	ssyncset.done $0x0  }
0x59d: {  	[sflag:s8] =	ssyncadd.s32 $0xFFFFFFE0  }
0x59e: {  	_ =	swait.ge [sflag:s5], $0x6000  }
0x59f: {  	[sflag:s5] =	ssyncset.done $0x0  }
0x5a0: {  	[sflag:s5] =	ssyncadd.s32 $0xFFFFA000  }
0x5a1: {  	v3 =	vld [tilespmem:$0x80];
	_ =	sdelay $0x4  }
0x5a2: {  	v20 =	vshrl.u32 v3, $0x3  }
0x5a3: {  	v4 =	vmul.u32 $0x30, v20  }
0x5a4: {  	v3 =	vand.u32 $0x7, v3  }
0x5a5: {  	v3 =	vor.u32 v3, v4  }
0x5a6: {  	v4 =	vperm.xlane v3, v0;
	_ =	sdelay $0x1  }
0x5a7: {  	v4 =	vadd.s32 v1, v4;
	_ =	sdelay $0x3  }
0x5a8: {  	s0 =	simm.s32 $0x6280;
	v3 =	vperm.xlane v3, v2  }
0x5a9: {  	[hbm4b:s20+s2] =	stream.indirect_vreg.scatter [tilespmem:s0], [sflag:$0xC], $0x80, v4, vm0, $0xb8;
	[tilespmem:$0x1E280] =	vst v63  }
0x5aa: {  	s30 =	simm.s32 $0x6A80;
	v3 =	vadd.s32 v1, v3  }
0x5ab: {  	[hbm4b:s23+s2] =	stream.indirect_vreg.scatter [tilespmem:s30], [sflag:$0xC], $0x80, v4, vm0, $0xb8;
	[tilespmem:$0x1E280] =	vst v63  }
0x5ac: {  	s15 =	simm.s32 $0x7280  }
0x5ad: {  	[hbm4b:s25+s2] =	stream.indirect_vreg.scatter [tilespmem:s15], [sflag:$0xC], $0x80, v4, vm0, $0xb8;
	[tilespmem:$0x1E280] =	vst v63  }
0x5ae: {  	s30 =	simm.s32 $0x7A80  }
0x5af: {  	[hbm4b:s20+s2] =	stream.indirect_vreg.scatter [tilespmem:s30], [sflag:$0xC], $0x80, v3, vm0, $0xb8;
	[tilespmem:$0x1E280] =	vst v63  }
0x5b0: {  	s15 =	simm.s32 $0x8280  }
0x5b1: {  	[hbm4b:s23+s2] =	stream.indirect_vreg.scatter [tilespmem:s15], [sflag:$0xC], $0x80, v3, vm0, $0xb8;
	[tilespmem:$0x1E280] =	vst v63  }
0x5b2: {  	s30 =	simm.s32 $0x8A80  }
0x5b3: {  	[hbm4b:s25+s2] =	stream.indirect_vreg.scatter [tilespmem:s30], [sflag:$0xC], $0x80, v3, vm0, $0xb8;
	[tilespmem:$0x1E280] =	vst v63  }
0x5b4: {  	v3 =	vld [tilespmem:$0x90];
	_ =	sdelay $0x4  }
0x5b5: {  	v21 =	vshrl.u32 v3, $0x3  }
0x5b6: {  	v4 =	vmul.u32 $0x30, v21  }
0x5b7: {  	v3 =	vand.u32 $0x7, v3  }
0x5b8: {  	v3 =	vor.u32 v3, v4  }
0x5b9: {  	v4 =	vperm.xlane v3, v0;
	_ =	sdelay $0x1  }
0x5ba: {  	v4 =	vadd.s32 v1, v4;
	_ =	sdelay $0x3  }
0x5bb: {  	s15 =	simm.s32 $0x9280;
	v3 =	vperm.xlane v3, v2  }
0x5bc: {  	[hbm4b:s20+s2] =	stream.indirect_vreg.scatter [tilespmem:s15], [sflag:$0xC], $0x80, v4, vm0, $0xb8;
	[tilespmem:$0x1E280] =	vst v63  }
0x5bd: {  	s30 =	simm.s32 $0x9A80;
	v3 =	vadd.s32 v1, v3  }
0x5be: {  	[hbm4b:s23+s2] =	stream.indirect_vreg.scatter [tilespmem:s30], [sflag:$0xC], $0x80, v4, vm0, $0xb8;
	[tilespmem:$0x1E280] =	vst v63  }
0x5bf: {  	s15 =	simm.s32 $0xA280  }
0x5c0: {  	[hbm4b:s25+s2] =	stream.indirect_vreg.scatter [tilespmem:s15], [sflag:$0xC], $0x80, v4, vm0, $0xb8;
	[tilespmem:$0x1E280] =	vst v63  }
0x5c1: {  	s30 =	simm.s32 $0xAA80  }
0x5c2: {  	[hbm4b:s20+s2] =	stream.indirect_vreg.scatter [tilespmem:s30], [sflag:$0xC], $0x80, v3, vm0, $0xb8;
	[tilespmem:$0x1E280] =	vst v63  }
0x5c3: {  	s15 =	simm.s32 $0xB280  }
0x5c4: {  	[hbm4b:s23+s2] =	stream.indirect_vreg.scatter [tilespmem:s15], [sflag:$0xC], $0x80, v3, vm0, $0xb8;
	[tilespmem:$0x1E280] =	vst v63  }
0x5c5: {  	s30 =	simm.s32 $0xBA80  }
0x5c6: {  	[hbm4b:s25+s2] =	stream.indirect_vreg.scatter [tilespmem:s30], [sflag:$0xC], $0x80, v3, vm0, $0xb8;
	[tilespmem:$0x1E280] =	vst v63  }
0x5c7: {  	_ =	swait.ge [sflag:s9], $0x6000  }
0x5c8: {  	s3 =	sld [smem:$0x7F7]  }
0x5c9: {  	[sflag:s9] =	ssyncset.done $0x0  }
0x5ca: {  	s29 =	sld [smem:$0x7D3];
	[sflag:s9] =	ssyncadd.s32 $0xFFFFA000  }
0x5cb: {  	[tilespmem:s2], [sflag:$0x1] =	stream.linear.gather [hbm4b:s3+s2], $0x20, $0x38;
	[tilespmem:$0x1E280] =	vst v63  }
0x5cc: {  	_ = 	snop  }
0x5cd: {  	[tilespmem:s1], [sflag:$0x6] =	stream.linear.gather [hbm4b:s29+s2], $0x6000, $0x38;
	[tilespmem:$0x1E280] =	vst v63  }
0x5ce: {  	_ =	swait.ge [sflag:s10], $0x20  }
0x5cf: {  	[sflag:s10] =	ssyncset.done $0x0  }
0x5d0: {  	[sflag:s10] =	ssyncadd.s32 $0xFFFFFFE0  }
0x5d1: {  	_ =	swait.ge [sflag:s14], $0x6000  }
0x5d2: {  	[sflag:s14] =	ssyncset.done $0x0  }
0x5d3: {  	[sflag:s14] =	ssyncadd.s32 $0xFFFFA000  }
0x5d4: {  	v3 =	vld [tilespmem:$0x100];
	_ =	sdelay $0x4  }
0x5d5: {  	v22 =	vshrl.u32 v3, $0x3  }
0x5d6: {  	v4 =	vmul.u32 $0x30, v22  }
0x5d7: {  	v3 =	vand.u32 $0x7, v3  }
0x5d8: {  	v3 =	vor.u32 v3, v4  }
0x5d9: {  	v4 =	vperm.xlane v3, v0;
	_ =	sdelay $0x1  }
0x5da: {  	v4 =	vadd.s32 v1, v4;
	_ =	sdelay $0x3  }
0x5db: {  	s1 =	simm.s32 $0xC280;
	v3 =	vperm.xlane v3, v2  }
0x5dc: {  	[hbm4b:s20+s2] =	stream.indirect_vreg.scatter [tilespmem:s1], [sflag:$0xD], $0x80, v4, vm0, $0xb8;
	[tilespmem:$0x1E280] =	vst v63  }
0x5dd: {  	s30 =	simm.s32 $0xCA80;
	v3 =	vadd.s32 v1, v3  }
0x5de: {  	[hbm4b:s23+s2] =	stream.indirect_vreg.scatter [tilespmem:s30], [sflag:$0xD], $0x80, v4, vm0, $0xb8;
	[tilespmem:$0x1E280] =	vst v63  }
0x5df: {  	s15 =	simm.s32 $0xD280  }
0x5e0: {  	[hbm4b:s25+s2] =	stream.indirect_vreg.scatter [tilespmem:s15], [sflag:$0xD], $0x80, v4, vm0, $0xb8;
	[tilespmem:$0x1E280] =	vst v63  }
0x5e1: {  	s30 =	simm.s32 $0xDA80  }
0x5e2: {  	[hbm4b:s20+s2] =	stream.indirect_vreg.scatter [tilespmem:s30], [sflag:$0xD], $0x80, v3, vm0, $0xb8;
	[tilespmem:$0x1E280] =	vst v63  }
0x5e3: {  	s15 =	simm.s32 $0xE280  }
0x5e4: {  	[hbm4b:s23+s2] =	stream.indirect_vreg.scatter [tilespmem:s15], [sflag:$0xD], $0x80, v3, vm0, $0xb8;
	[tilespmem:$0x1E280] =	vst v63  }
0x5e5: {  	s30 =	simm.s32 $0xEA80  }
0x5e6: {  	[hbm4b:s25+s2] =	stream.indirect_vreg.scatter [tilespmem:s30], [sflag:$0xD], $0x80, v3, vm0, $0xb8;
	[tilespmem:$0x1E280] =	vst v63  }
0x5e7: {  	v3 =	vld [tilespmem:$0x110];
	_ =	sdelay $0x4  }
0x5e8: {  	v23 =	vshrl.u32 v3, $0x3  }
0x5e9: {  	v4 =	vmul.u32 $0x30, v23  }
0x5ea: {  	v3 =	vand.u32 $0x7, v3  }
0x5eb: {  	v3 =	vor.u32 v3, v4  }
0x5ec: {  	v4 =	vperm.xlane v3, v0;
	_ =	sdelay $0x1  }
0x5ed: {  	v4 =	vadd.s32 v1, v4;
	_ =	sdelay $0x3  }
0x5ee: {  	s15 =	simm.s32 $0xF280;
	v3 =	vperm.xlane v3, v2  }
0x5ef: {  	[hbm4b:s20+s2] =	stream.indirect_vreg.scatter [tilespmem:s15], [sflag:$0xD], $0x80, v4, vm0, $0xb8;
	[tilespmem:$0x1E280] =	vst v63  }
0x5f0: {  	s30 =	simm.s32 $0xFA80;
	v3 =	vadd.s32 v1, v3  }
0x5f1: {  	[hbm4b:s23+s2] =	stream.indirect_vreg.scatter [tilespmem:s30], [sflag:$0xD], $0x80, v4, vm0, $0xb8;
	[tilespmem:$0x1E280] =	vst v63  }
0x5f2: {  	s15 =	simm.s32 $0x10280  }
0x5f3: {  	[hbm4b:s25+s2] =	stream.indirect_vreg.scatter [tilespmem:s15], [sflag:$0xD], $0x80, v4, vm0, $0xb8;
	[tilespmem:$0x1E280] =	vst v63  }
0x5f4: {  	s30 =	simm.s32 $0x10A80  }
0x5f5: {  	[hbm4b:s20+s2] =	stream.indirect_vreg.scatter [tilespmem:s30], [sflag:$0xD], $0x80, v3, vm0, $0xb8;
	[tilespmem:$0x1E280] =	vst v63  }
0x5f6: {  	s15 =	simm.s32 $0x11280  }
0x5f7: {  	[hbm4b:s23+s2] =	stream.indirect_vreg.scatter [tilespmem:s15], [sflag:$0xD], $0x80, v3, vm0, $0xb8;
	[tilespmem:$0x1E280] =	vst v63  }
0x5f8: {  	s30 =	simm.s32 $0x11A80  }
0x5f9: {  	[hbm4b:s25+s2] =	stream.indirect_vreg.scatter [tilespmem:s30], [sflag:$0xD], $0x80, v3, vm0, $0xb8;
	[tilespmem:$0x1E280] =	vst v63  }
0x5fa: {  	_ =	swait.ge [sflag:s17], $0x6000  }
0x5fb: {  	s3 =	sld [smem:$0x7F8]  }
0x5fc: {  	[sflag:s17] =	ssyncset.done $0x0  }
0x5fd: {  	s30 =	simm.s32 $0x80;
	s29 =	sld [smem:$0x7D4];
	[sflag:s17] =	ssyncadd.s32 $0xFFFFA000  }
0x5fe: {  	[tilespmem:s30], [sflag:$0x2] =	stream.linear.gather [hbm4b:s3+s2], $0x20, $0x38;
	[tilespmem:$0x1E280] =	vst v63  }
0x5ff: {  	_ = 	snop  }
0x600: {  	[tilespmem:s0], [sflag:$0x7] =	stream.linear.gather [hbm4b:s29+s2], $0x6000, $0x38;
	[tilespmem:$0x1E280] =	vst v63  }
0x601: {  	_ =	swait.ge [sflag:s16], $0x20  }
0x602: {  	[sflag:s16] =	ssyncset.done $0x0  }
0x603: {  	[sflag:s16] =	ssyncadd.s32 $0xFFFFFFE0  }
0x604: {  	_ =	swait.ge [sflag:s18], $0x6000  }
0x605: {  	[sflag:s18] =	ssyncset.done $0x0  }
0x606: {  	[sflag:s18] =	ssyncadd.s32 $0xFFFFA000  }
0x607: {  	v3 =	vld [tilespmem:$0x180];
	_ =	sdelay $0x4  }
0x608: {  	v24 =	vshrl.u32 v3, $0x3  }
0x609: {  	v4 =	vmul.u32 $0x30, v24  }
0x60a: {  	v3 =	vand.u32 $0x7, v3  }
0x60b: {  	v3 =	vor.u32 v3, v4  }
0x60c: {  	v4 =	vperm.xlane v3, v0;
	_ =	sdelay $0x1  }
0x60d: {  	v4 =	vadd.s32 v1, v4;
	_ =	sdelay $0x3  }
0x60e: {  	s30 =	simm.s32 $0x12280;
	v3 =	vperm.xlane v3, v2  }
0x60f: {  	[hbm4b:s20+s2] =	stream.indirect_vreg.scatter [tilespmem:s30], [sflag:$0xE], $0x80, v4, vm0, $0xb8;
	[tilespmem:$0x1E280] =	vst v63  }
0x610: {  	s3 =	simm.s32 $0x12A80;
	v3 =	vadd.s32 v1, v3  }
0x611: {  	[hbm4b:s23+s2] =	stream.indirect_vreg.scatter [tilespmem:s3], [sflag:$0xE], $0x80, v4, vm0, $0xb8;
	[tilespmem:$0x1E280] =	vst v63  }
0x612: {  	s15 =	simm.s32 $0x13280  }
0x613: {  	[hbm4b:s25+s2] =	stream.indirect_vreg.scatter [tilespmem:s15], [sflag:$0xE], $0x80, v4, vm0, $0xb8;
	[tilespmem:$0x1E280] =	vst v63  }
0x614: {  	s3 =	simm.s32 $0x13A80  }
0x615: {  	[hbm4b:s20+s2] =	stream.indirect_vreg.scatter [tilespmem:s3], [sflag:$0xE], $0x80, v3, vm0, $0xb8;
	[tilespmem:$0x1E280] =	vst v63  }
0x616: {  	s15 =	simm.s32 $0x14280  }
0x617: {  	[hbm4b:s23+s2] =	stream.indirect_vreg.scatter [tilespmem:s15], [sflag:$0xE], $0x80, v3, vm0, $0xb8;
	[tilespmem:$0x1E280] =	vst v63  }
0x618: {  	s3 =	simm.s32 $0x14A80  }
0x619: {  	[hbm4b:s25+s2] =	stream.indirect_vreg.scatter [tilespmem:s3], [sflag:$0xE], $0x80, v3, vm0, $0xb8;
	[tilespmem:$0x1E280] =	vst v63  }
0x61a: {  	v3 =	vld [tilespmem:$0x190];
	_ =	sdelay $0x4  }
0x61b: {  	v25 =	vshrl.u32 v3, $0x3  }
0x61c: {  	v4 =	vmul.u32 $0x30, v25  }
0x61d: {  	v3 =	vand.u32 $0x7, v3  }
0x61e: {  	v3 =	vor.u32 v3, v4  }
0x61f: {  	v4 =	vperm.xlane v3, v0;
	_ =	sdelay $0x1  }
0x620: {  	v4 =	vadd.s32 v1, v4;
	_ =	sdelay $0x3  }
0x621: {  	s15 =	simm.s32 $0x15280;
	v3 =	vperm.xlane v3, v2  }
0x622: {  	[hbm4b:s20+s2] =	stream.indirect_vreg.scatter [tilespmem:s15], [sflag:$0xE], $0x80, v4, vm0, $0xb8;
	[tilespmem:$0x1E280] =	vst v63  }
0x623: {  	s3 =	simm.s32 $0x15A80;
	v3 =	vadd.s32 v1, v3  }
0x624: {  	[hbm4b:s23+s2] =	stream.indirect_vreg.scatter [tilespmem:s3], [sflag:$0xE], $0x80, v4, vm0, $0xb8;
	[tilespmem:$0x1E280] =	vst v63  }
0x625: {  	s15 =	simm.s32 $0x16280  }
0x626: {  	[hbm4b:s25+s2] =	stream.indirect_vreg.scatter [tilespmem:s15], [sflag:$0xE], $0x80, v4, vm0, $0xb8;
	[tilespmem:$0x1E280] =	vst v63  }
0x627: {  	s3 =	simm.s32 $0x16A80  }
0x628: {  	[hbm4b:s20+s2] =	stream.indirect_vreg.scatter [tilespmem:s3], [sflag:$0xE], $0x80, v3, vm0, $0xb8;
	[tilespmem:$0x1E280] =	vst v63  }
0x629: {  	s15 =	simm.s32 $0x17280  }
0x62a: {  	[hbm4b:s23+s2] =	stream.indirect_vreg.scatter [tilespmem:s15], [sflag:$0xE], $0x80, v3, vm0, $0xb8;
	[tilespmem:$0x1E280] =	vst v63  }
0x62b: {  	s3 =	simm.s32 $0x17A80  }
0x62c: {  	[hbm4b:s25+s2] =	stream.indirect_vreg.scatter [tilespmem:s3], [sflag:$0xE], $0x80, v3, vm0, $0xb8;
	[tilespmem:$0x1E280] =	vst v63  }
0x62d: {  	_ =	swait.ge [sflag:s6], $0x6000  }
0x62e: {  	s15 =	sld [smem:$0x7E1]  }
0x62f: {  	[sflag:s6] =	ssyncset.done $0x0  }
0x630: {  	s3 =	simm.s32 $0x100;
	s29 =	sld [smem:$0x7D5];
	[sflag:s6] =	ssyncadd.s32 $0xFFFFA000  }
0x631: {  	[tilespmem:s3], [sflag:$0x3] =	stream.linear.gather [hbm4b:s15+s2], $0x20, $0x38;
	[tilespmem:$0x1E280] =	vst v63  }
0x632: {  	_ = 	snop  }
0x633: {  	[tilespmem:s1], [sflag:$0x8] =	stream.linear.gather [hbm4b:s29+s2], $0x6000, $0x38;
	[tilespmem:$0x1E280] =	vst v63  }
0x634: {  	_ =	swait.ge [sflag:s11], $0x20  }
0x635: {  	[sflag:s11] =	ssyncset.done $0x0  }
0x636: {  	[sflag:s11] =	ssyncadd.s32 $0xFFFFFFE0  }
0x637: {  	_ =	swait.ge [sflag:s12], $0x6000  }
0x638: {  	[sflag:s12] =	ssyncset.done $0x0  }
0x639: {  	[sflag:s12] =	ssyncadd.s32 $0xFFFFA000  }
0x63a: {  	v3 =	vld [tilespmem:$0x200];
	_ =	sdelay $0x4  }
0x63b: {  	v26 =	vshrl.u32 v3, $0x3  }
0x63c: {  	v4 =	vmul.u32 $0x30, v26  }
0x63d: {  	v3 =	vand.u32 $0x7, v3  }
0x63e: {  	v3 =	vor.u32 v3, v4  }
0x63f: {  	v4 =	vperm.xlane v3, v0;
	_ =	sdelay $0x1  }
0x640: {  	v4 =	vadd.s32 v1, v4;
	_ =	sdelay $0x3  }
0x641: {  	s0 =	simm.s32 $0x18280;
	v3 =	vperm.xlane v3, v2  }
0x642: {  	[hbm4b:s20+s2] =	stream.indirect_vreg.scatter [tilespmem:s0], [sflag:$0xF], $0x80, v4, vm0, $0xb8;
	[tilespmem:$0x1E280] =	vst v63  }
0x643: {  	s3 =	simm.s32 $0x18A80;
	v3 =	vadd.s32 v1, v3  }
0x644: {  	[hbm4b:s23+s2] =	stream.indirect_vreg.scatter [tilespmem:s3], [sflag:$0xF], $0x80, v4, vm0, $0xb8;
	[tilespmem:$0x1E280] =	vst v63  }
0x645: {  	s1 =	simm.s32 $0x19280  }
0x646: {  	[hbm4b:s25+s2] =	stream.indirect_vreg.scatter [tilespmem:s1], [sflag:$0xF], $0x80, v4, vm0, $0xb8;
	[tilespmem:$0x1E280] =	vst v63  }
0x647: {  	s3 =	simm.s32 $0x19A80  }
0x648: {  	[hbm4b:s20+s2] =	stream.indirect_vreg.scatter [tilespmem:s3], [sflag:$0xF], $0x80, v3, vm0, $0xb8;
	[tilespmem:$0x1E280] =	vst v63  }
0x649: {  	s1 =	simm.s32 $0x1A280  }
0x64a: {  	[hbm4b:s23+s2] =	stream.indirect_vreg.scatter [tilespmem:s1], [sflag:$0xF], $0x80, v3, vm0, $0xb8;
	[tilespmem:$0x1E280] =	vst v63  }
0x64b: {  	s3 =	simm.s32 $0x1AA80  }
0x64c: {  	[hbm4b:s25+s2] =	stream.indirect_vreg.scatter [tilespmem:s3], [sflag:$0xF], $0x80, v3, vm0, $0xb8;
	[tilespmem:$0x1E280] =	vst v63  }
0x64d: {  	v3 =	vld [tilespmem:$0x210];
	_ =	sdelay $0x4  }
0x64e: {  	v27 =	vshrl.u32 v3, $0x3  }
0x64f: {  	v4 =	vmul.u32 $0x30, v27  }
0x650: {  	v3 =	vand.u32 $0x7, v3  }
0x651: {  	v3 =	vor.u32 v3, v4  }
0x652: {  	v4 =	vperm.xlane v3, v0;
	_ =	sdelay $0x1  }
0x653: {  	v4 =	vadd.s32 v1, v4;
	_ =	sdelay $0x3  }
0x654: {  	s1 =	simm.s32 $0x1B280;
	v3 =	vperm.xlane v3, v2  }
0x655: {  	[hbm4b:s20+s2] =	stream.indirect_vreg.scatter [tilespmem:s1], [sflag:$0xF], $0x80, v4, vm0, $0xb8;
	[tilespmem:$0x1E280] =	vst v63  }
0x656: {  	s3 =	simm.s32 $0x1BA80;
	v3 =	vadd.s32 v1, v3  }
0x657: {  	[hbm4b:s23+s2] =	stream.indirect_vreg.scatter [tilespmem:s3], [sflag:$0xF], $0x80, v4, vm0, $0xb8;
	[tilespmem:$0x1E280] =	vst v63  }
0x658: {  	s1 =	simm.s32 $0x1C280  }
0x659: {  	[hbm4b:s25+s2] =	stream.indirect_vreg.scatter [tilespmem:s1], [sflag:$0xF], $0x80, v4, vm0, $0xb8;
	[tilespmem:$0x1E280] =	vst v63  }
0x65a: {  	s3 =	simm.s32 $0x1CA80  }
0x65b: {  	[hbm4b:s20+s2] =	stream.indirect_vreg.scatter [tilespmem:s3], [sflag:$0xF], $0x80, v3, vm0, $0xb8;
	[tilespmem:$0x1E280] =	vst v63  }
0x65c: {  	s1 =	simm.s32 $0x1D280  }
0x65d: {  	[hbm4b:s23+s2] =	stream.indirect_vreg.scatter [tilespmem:s1], [sflag:$0xF], $0x80, v3, vm0, $0xb8;
	[tilespmem:$0x1E280] =	vst v63  }
0x65e: {  	s3 =	simm.s32 $0x1DA80  }
0x65f: {  	[hbm4b:s25+s2] =	stream.indirect_vreg.scatter [tilespmem:s3], [sflag:$0xF], $0x80, v3, vm0, $0xb8;
	[tilespmem:$0x1E280] =	vst v63  }
0x660: {  	_ =	swait.ge [sflag:s13], $0x6000  }
0x661: {  	s1 =	sld [smem:$0x7E3]  }
0x662: {  	[sflag:s13] =	ssyncset.done $0x0  }
0x663: {  	s3 =	simm.s32 $0x180;
	s29 =	sld [smem:$0x7D6];
	[sflag:s13] =	ssyncadd.s32 $0xFFFFA000  }
0x664: {  	[tilespmem:s3], [sflag:$0x4] =	stream.linear.gather [hbm4b:s1+s2], $0x20, $0x38;
	[tilespmem:$0x1E280] =	vst v63  }
0x665: {  	_ = 	snop  }
0x666: {  	[tilespmem:s30], [sflag:$0x9] =	stream.linear.gather [hbm4b:s29+s2], $0x6000, $0x38;
	[tilespmem:$0x1E280] =	vst v63  }
0x667: {  	_ =	swait.ge [sflag:s7], $0x20  }
0x668: {  	[sflag:s7] =	ssyncset.done $0x0  }
0x669: {  	[sflag:s7] =	ssyncadd.s32 $0xFFFFFFE0  }
0x66a: {  	_ =	swait.ge [sflag:s31], $0x6000  }
0x66b: {  	[sflag:s31] =	ssyncset.done $0x0  }
0x66c: {  	[sflag:s31] =	ssyncadd.s32 $0xFFFFA000  }
0x66d: {  	v3 =	vld [tilespmem:$0x0];
	_ =	sdelay $0x4  }
0x66e: {  	v28 =	vshrl.u32 v3, $0x3  }
0x66f: {  	v4 =	vmul.u32 $0x30, v28  }
0x670: {  	v3 =	vand.u32 $0x7, v3  }
0x671: {  	v3 =	vor.u32 v3, v4  }
0x672: {  	v4 =	vperm.xlane v3, v0;
	_ =	sdelay $0x1  }
0x673: {  	v4 =	vadd.s32 v1, v4;
	_ =	sdelay $0x3  }
0x674: {  	s1 =	simm.s32 $0x280;
	v3 =	vperm.xlane v3, v2  }
0x675: {  	[hbm4b:s20+s2] =	stream.indirect_vreg.scatter [tilespmem:s1], [sflag:$0xB], $0x80, v4, vm0, $0xb8;
	[tilespmem:$0x1E280] =	vst v63  }
0x676: {  	s3 =	simm.s32 $0xA80;
	v3 =	vadd.s32 v1, v3  }
0x677: {  	[hbm4b:s23+s2] =	stream.indirect_vreg.scatter [tilespmem:s3], [sflag:$0xB], $0x80, v4, vm0, $0xb8;
	[tilespmem:$0x1E280] =	vst v63  }
0x678: {  	s3 =	simm.s32 $0x1280  }
0x679: {  	[hbm4b:s25+s2] =	stream.indirect_vreg.scatter [tilespmem:s3], [sflag:$0xB], $0x80, v4, vm0, $0xb8;
	[tilespmem:$0x1E280] =	vst v63  }
0x67a: {  	s3 =	simm.s32 $0x1A80  }
0x67b: {  	[hbm4b:s20+s2] =	stream.indirect_vreg.scatter [tilespmem:s3], [sflag:$0xB], $0x80, v3, vm0, $0xb8;
	[tilespmem:$0x1E280] =	vst v63  }
0x67c: {  	s3 =	simm.s32 $0x2280  }
0x67d: {  	[hbm4b:s23+s2] =	stream.indirect_vreg.scatter [tilespmem:s3], [sflag:$0xB], $0x80, v3, vm0, $0xb8;
	[tilespmem:$0x1E280] =	vst v63  }
0x67e: {  	s3 =	simm.s32 $0x2A80  }
0x67f: {  	[hbm4b:s25+s2] =	stream.indirect_vreg.scatter [tilespmem:s3], [sflag:$0xB], $0x80, v3, vm0, $0xb8;
	[tilespmem:$0x1E280] =	vst v63  }
0x680: {  	v3 =	vld [tilespmem:$0x10];
	_ =	sdelay $0x4  }
0x681: {  	v29 =	vshrl.u32 v3, $0x3  }
0x682: {  	v4 =	vmul.u32 $0x30, v29  }
0x683: {  	v3 =	vand.u32 $0x7, v3  }
0x684: {  	v3 =	vor.u32 v3, v4  }
0x685: {  	v4 =	vperm.xlane v3, v0;
	_ =	sdelay $0x1  }
0x686: {  	v4 =	vadd.s32 v1, v4;
	_ =	sdelay $0x3  }
0x687: {  	s3 =	simm.s32 $0x3280;
	v3 =	vperm.xlane v3, v2  }
0x688: {  	[hbm4b:s20+s2] =	stream.indirect_vreg.scatter [tilespmem:s3], [sflag:$0xB], $0x80, v4, vm0, $0xb8;
	[tilespmem:$0x1E280] =	vst v63  }
0x689: {  	v3 =	vadd.s32 v1, v3;
	s3 =	simm.s32 $0x3A80  }
0x68a: {  	[hbm4b:s23+s2] =	stream.indirect_vreg.scatter [tilespmem:s3], [sflag:$0xB], $0x80, v4, vm0, $0xb8;
	[tilespmem:$0x1E280] =	vst v63  }
0x68b: {  	s3 =	simm.s32 $0x4280  }
0x68c: {  	[hbm4b:s25+s2] =	stream.indirect_vreg.scatter [tilespmem:s3], [sflag:$0xB], $0x80, v4, vm0, $0xb8;
	[tilespmem:$0x1E280] =	vst v63  }
0x68d: {  	s3 =	simm.s32 $0x4A80  }
0x68e: {  	[hbm4b:s20+s2] =	stream.indirect_vreg.scatter [tilespmem:s3], [sflag:$0xB], $0x80, v3, vm0, $0xb8;
	[tilespmem:$0x1E280] =	vst v63  }
0x68f: {  	s3 =	simm.s32 $0x5280  }
0x690: {  	[hbm4b:s23+s2] =	stream.indirect_vreg.scatter [tilespmem:s3], [sflag:$0xB], $0x80, v3, vm0, $0xb8;
	[tilespmem:$0x1E280] =	vst v63  }
0x691: {  	s3 =	simm.s32 $0x5A80  }
0x692: {  	[hbm4b:s25+s2] =	stream.indirect_vreg.scatter [tilespmem:s3], [sflag:$0xB], $0x80, v3, vm0, $0xb8;
	[tilespmem:$0x1E280] =	vst v63  }
0x693: {  	_ =	swait.ge [sflag:s4], $0x6000  }
0x694: {  	s15 =	sld [smem:$0x7E5]  }
0x695: {  	[sflag:s4] =	ssyncset.done $0x0  }
0x696: {  	s3 =	simm.s32 $0x200;
	s29 =	sld [smem:$0x7D7];
	[sflag:s4] =	ssyncadd.s32 $0xFFFFA000  }
0x697: {  	[tilespmem:s3], [sflag:$0x5] =	stream.linear.gather [hbm4b:s15+s2], $0x20, $0x38;
	[tilespmem:$0x1E280] =	vst v63  }
0x698: {  	_ = 	snop  }
0x699: {  	[tilespmem:s0], [sflag:$0xA] =	stream.linear.gather [hbm4b:s29+s2], $0x6000, $0x38;
	[tilespmem:$0x1E280] =	vst v63  }
0x69a: {  	_ =	swait.ge [sflag:s8], $0x20  }
0x69b: {  	[sflag:s8] =	ssyncset.done $0x0  }
0x69c: {  	[sflag:s8] =	ssyncadd.s32 $0xFFFFFFE0  }
0x69d: {  	_ =	swait.ge [sflag:s5], $0x6000  }
0x69e: {  	[sflag:s5] =	ssyncset.done $0x0  }
0x69f: {  	[sflag:s5] =	ssyncadd.s32 $0xFFFFA000  }
0x6a0: {  	v3 =	vld [tilespmem:$0x80];
	_ =	sdelay $0x4  }
0x6a1: {  	v30 =	vshrl.u32 v3, $0x3  }
0x6a2: {  	v4 =	vmul.u32 $0x30, v30  }
0x6a3: {  	v3 =	vand.u32 $0x7, v3  }
0x6a4: {  	v3 =	vor.u32 v3, v4  }
0x6a5: {  	v4 =	vperm.xlane v3, v0;
	_ =	sdelay $0x1  }
0x6a6: {  	v4 =	vadd.s32 v1, v4;
	_ =	sdelay $0x3  }
0x6a7: {  	s3 =	simm.s32 $0x6280;
	v3 =	vperm.xlane v3, v2  }
0x6a8: {  	[hbm4b:s20+s2] =	stream.indirect_vreg.scatter [tilespmem:s3], [sflag:$0xC], $0x80, v4, vm0, $0xb8;
	[tilespmem:$0x1E280] =	vst v63  }
0x6a9: {  	s15 =	simm.s32 $0x6A80;
	v3 =	vadd.s32 v1, v3  }
0x6aa: {  	[hbm4b:s23+s2] =	stream.indirect_vreg.scatter [tilespmem:s15], [sflag:$0xC], $0x80, v4, vm0, $0xb8;
	[tilespmem:$0x1E280] =	vst v63  }
0x6ab: {  	s15 =	simm.s32 $0x7280  }
0x6ac: {  	[hbm4b:s25+s2] =	stream.indirect_vreg.scatter [tilespmem:s15], [sflag:$0xC], $0x80, v4, vm0, $0xb8;
	[tilespmem:$0x1E280] =	vst v63  }
0x6ad: {  	s15 =	simm.s32 $0x7A80  }
0x6ae: {  	[hbm4b:s20+s2] =	stream.indirect_vreg.scatter [tilespmem:s15], [sflag:$0xC], $0x80, v3, vm0, $0xb8;
	[tilespmem:$0x1E280] =	vst v63  }
0x6af: {  	s15 =	simm.s32 $0x8280  }
0x6b0: {  	[hbm4b:s23+s2] =	stream.indirect_vreg.scatter [tilespmem:s15], [sflag:$0xC], $0x80, v3, vm0, $0xb8;
	[tilespmem:$0x1E280] =	vst v63  }
0x6b1: {  	s15 =	simm.s32 $0x8A80  }
0x6b2: {  	[hbm4b:s25+s2] =	stream.indirect_vreg.scatter [tilespmem:s15], [sflag:$0xC], $0x80, v3, vm0, $0xb8;
	[tilespmem:$0x1E280] =	vst v63  }
0x6b3: {  	v3 =	vld [tilespmem:$0x90];
	_ =	sdelay $0x4  }
0x6b4: {  	v31 =	vshrl.u32 v3, $0x3  }
0x6b5: {  	v4 =	vmul.u32 $0x30, v31  }
0x6b6: {  	v3 =	vand.u32 $0x7, v3  }
0x6b7: {  	v3 =	vor.u32 v3, v4  }
0x6b8: {  	v4 =	vperm.xlane v3, v0;
	_ =	sdelay $0x1  }
0x6b9: {  	v4 =	vadd.s32 v1, v4;
	_ =	sdelay $0x3  }
0x6ba: {  	s15 =	simm.s32 $0x9280;
	v3 =	vperm.xlane v3, v2  }
0x6bb: {  	[hbm4b:s20+s2] =	stream.indirect_vreg.scatter [tilespmem:s15], [sflag:$0xC], $0x80, v4, vm0, $0xb8;
	[tilespmem:$0x1E280] =	vst v63  }
0x6bc: {  	v3 =	vadd.s32 v1, v3;
	s15 =	simm.s32 $0x9A80  }
0x6bd: {  	[hbm4b:s23+s2] =	stream.indirect_vreg.scatter [tilespmem:s15], [sflag:$0xC], $0x80, v4, vm0, $0xb8;
	[tilespmem:$0x1E280] =	vst v63  }
0x6be: {  	s15 =	simm.s32 $0xA280  }
0x6bf: {  	[hbm4b:s25+s2] =	stream.indirect_vreg.scatter [tilespmem:s15], [sflag:$0xC], $0x80, v4, vm0, $0xb8;
	[tilespmem:$0x1E280] =	vst v63  }
0x6c0: {  	s15 =	simm.s32 $0xAA80  }
0x6c1: {  	[hbm4b:s20+s2] =	stream.indirect_vreg.scatter [tilespmem:s15], [sflag:$0xC], $0x80, v3, vm0, $0xb8;
	[tilespmem:$0x1E280] =	vst v63  }
0x6c2: {  	s15 =	simm.s32 $0xB280  }
0x6c3: {  	[hbm4b:s23+s2] =	stream.indirect_vreg.scatter [tilespmem:s15], [sflag:$0xC], $0x80, v3, vm0, $0xb8;
	[tilespmem:$0x1E280] =	vst v63  }
0x6c4: {  	s15 =	simm.s32 $0xBA80  }
0x6c5: {  	[hbm4b:s25+s2] =	stream.indirect_vreg.scatter [tilespmem:s15], [sflag:$0xC], $0x80, v3, vm0, $0xb8;
	[tilespmem:$0x1E280] =	vst v63  }
0x6c6: {  	_ =	swait.ge [sflag:s9], $0x6000  }
0x6c7: {  	s0 =	sld [smem:$0x7E7]  }
0x6c8: {  	[sflag:s9] =	ssyncset.done $0x0  }
0x6c9: {  	s29 =	sld [smem:$0x7D8];
	[sflag:s9] =	ssyncadd.s32 $0xFFFFA000  }
0x6ca: {  	[tilespmem:s2], [sflag:$0x1] =	stream.linear.gather [hbm4b:s0+s2], $0x20, $0x38;
	[tilespmem:$0x1E280] =	vst v63  }
0x6cb: {  	_ = 	snop  }
0x6cc: {  	[tilespmem:s1], [sflag:$0x6] =	stream.linear.gather [hbm4b:s29+s2], $0x6000, $0x38;
	[tilespmem:$0x1E280] =	vst v63  }
0x6cd: {  	_ =	swait.ge [sflag:s10], $0x20  }
0x6ce: {  	[sflag:s10] =	ssyncset.done $0x0  }
0x6cf: {  	[sflag:s10] =	ssyncadd.s32 $0xFFFFFFE0  }
0x6d0: {  	_ =	swait.ge [sflag:s14], $0x6000  }
0x6d1: {  	[sflag:s14] =	ssyncset.done $0x0  }
0x6d2: {  	[sflag:s14] =	ssyncadd.s32 $0xFFFFA000  }
0x6d3: {  	v3 =	vld [tilespmem:$0x100];
	_ =	sdelay $0x4  }
0x6d4: {  	v32 =	vshrl.u32 v3, $0x3  }
0x6d5: {  	v4 =	vmul.u32 $0x30, v32  }
0x6d6: {  	v3 =	vand.u32 $0x7, v3  }
0x6d7: {  	v3 =	vor.u32 v3, v4  }
0x6d8: {  	v4 =	vperm.xlane v3, v0;
	_ =	sdelay $0x1  }
0x6d9: {  	v4 =	vadd.s32 v1, v4;
	_ =	sdelay $0x3  }
0x6da: {  	s1 =	simm.s32 $0xC280;
	v3 =	vperm.xlane v3, v2  }
0x6db: {  	[hbm4b:s21+s2] =	stream.indirect_vreg.scatter [tilespmem:s1], [sflag:$0xD], $0x80, v4, vm0, $0xb8;
	[tilespmem:$0x1E280] =	vst v63  }
0x6dc: {  	s15 =	simm.s32 $0xCA80;
	v3 =	vadd.s32 v1, v3  }
0x6dd: {  	[hbm4b:s26+s2] =	stream.indirect_vreg.scatter [tilespmem:s15], [sflag:$0xD], $0x80, v4, vm0, $0xb8;
	[tilespmem:$0x1E280] =	vst v63  }
0x6de: {  	s15 =	simm.s32 $0xD280  }
0x6df: {  	[hbm4b:s28+s2] =	stream.indirect_vreg.scatter [tilespmem:s15], [sflag:$0xD], $0x80, v4, vm0, $0xb8;
	[tilespmem:$0x1E280] =	vst v63  }
0x6e0: {  	s15 =	simm.s32 $0xDA80  }
0x6e1: {  	[hbm4b:s21+s2] =	stream.indirect_vreg.scatter [tilespmem:s15], [sflag:$0xD], $0x80, v3, vm0, $0xb8;
	[tilespmem:$0x1E280] =	vst v63  }
0x6e2: {  	s15 =	simm.s32 $0xE280  }
0x6e3: {  	[hbm4b:s26+s2] =	stream.indirect_vreg.scatter [tilespmem:s15], [sflag:$0xD], $0x80, v3, vm0, $0xb8;
	[tilespmem:$0x1E280] =	vst v63  }
0x6e4: {  	s15 =	simm.s32 $0xEA80  }
0x6e5: {  	[hbm4b:s28+s2] =	stream.indirect_vreg.scatter [tilespmem:s15], [sflag:$0xD], $0x80, v3, vm0, $0xb8;
	[tilespmem:$0x1E280] =	vst v63  }
0x6e6: {  	v3 =	vld [tilespmem:$0x110];
	_ =	sdelay $0x4  }
0x6e7: {  	v33 =	vshrl.u32 v3, $0x3  }
0x6e8: {  	v4 =	vmul.u32 $0x30, v33  }
0x6e9: {  	v3 =	vand.u32 $0x7, v3  }
0x6ea: {  	v3 =	vor.u32 v3, v4  }
0x6eb: {  	v4 =	vperm.xlane v3, v0;
	_ =	sdelay $0x1  }
0x6ec: {  	v4 =	vadd.s32 v1, v4;
	_ =	sdelay $0x3  }
0x6ed: {  	s15 =	simm.s32 $0xF280;
	v3 =	vperm.xlane v3, v2  }
0x6ee: {  	[hbm4b:s21+s2] =	stream.indirect_vreg.scatter [tilespmem:s15], [sflag:$0xD], $0x80, v4, vm0, $0xb8;
	[tilespmem:$0x1E280] =	vst v63  }
0x6ef: {  	v3 =	vadd.s32 v1, v3;
	s15 =	simm.s32 $0xFA80  }
0x6f0: {  	[hbm4b:s26+s2] =	stream.indirect_vreg.scatter [tilespmem:s15], [sflag:$0xD], $0x80, v4, vm0, $0xb8;
	[tilespmem:$0x1E280] =	vst v63  }
0x6f1: {  	s15 =	simm.s32 $0x10280  }
0x6f2: {  	[hbm4b:s28+s2] =	stream.indirect_vreg.scatter [tilespmem:s15], [sflag:$0xD], $0x80, v4, vm0, $0xb8;
	[tilespmem:$0x1E280] =	vst v63  }
0x6f3: {  	s15 =	simm.s32 $0x10A80  }
0x6f4: {  	[hbm4b:s21+s2] =	stream.indirect_vreg.scatter [tilespmem:s15], [sflag:$0xD], $0x80, v3, vm0, $0xb8;
	[tilespmem:$0x1E280] =	vst v63  }
0x6f5: {  	s15 =	simm.s32 $0x11280  }
0x6f6: {  	[hbm4b:s26+s2] =	stream.indirect_vreg.scatter [tilespmem:s15], [sflag:$0xD], $0x80, v3, vm0, $0xb8;
	[tilespmem:$0x1E280] =	vst v63  }
0x6f7: {  	s15 =	simm.s32 $0x11A80  }
0x6f8: {  	[hbm4b:s28+s2] =	stream.indirect_vreg.scatter [tilespmem:s15], [sflag:$0xD], $0x80, v3, vm0, $0xb8;
	[tilespmem:$0x1E280] =	vst v63  }
0x6f9: {  	_ =	swait.ge [sflag:s17], $0x6000  }
0x6fa: {  	s0 =	sld [smem:$0x7E9]  }
0x6fb: {  	[sflag:s17] =	ssyncset.done $0x0  }
0x6fc: {  	s15 =	simm.s32 $0x80;
	s29 =	sld [smem:$0x7D9];
	[sflag:s17] =	ssyncadd.s32 $0xFFFFA000  }
0x6fd: {  	[tilespmem:s15], [sflag:$0x2] =	stream.linear.gather [hbm4b:s0+s2], $0x20, $0x38;
	[tilespmem:$0x1E280] =	vst v63  }
0x6fe: {  	_ = 	snop  }
0x6ff: {  	[tilespmem:s3], [sflag:$0x7] =	stream.linear.gather [hbm4b:s29+s2], $0x6000, $0x38;
	[tilespmem:$0x1E280] =	vst v63  }
0x700: {  	_ =	swait.ge [sflag:s16], $0x20  }
0x701: {  	[sflag:s16] =	ssyncset.done $0x0  }
0x702: {  	[sflag:s16] =	ssyncadd.s32 $0xFFFFFFE0  }
0x703: {  	_ =	swait.ge [sflag:s18], $0x6000  }
0x704: {  	[sflag:s18] =	ssyncset.done $0x0  }
0x705: {  	[sflag:s18] =	ssyncadd.s32 $0xFFFFA000  }
0x706: {  	v3 =	vld [tilespmem:$0x180];
	_ =	sdelay $0x4  }
0x707: {  	v34 =	vshrl.u32 v3, $0x3  }
0x708: {  	v4 =	vmul.u32 $0x30, v34  }
0x709: {  	v3 =	vand.u32 $0x7, v3  }
0x70a: {  	v3 =	vor.u32 v3, v4  }
0x70b: {  	v4 =	vperm.xlane v3, v0;
	_ =	sdelay $0x1  }
0x70c: {  	v4 =	vadd.s32 v1, v4;
	_ =	sdelay $0x3  }
0x70d: {  	s30 =	simm.s32 $0x12280;
	v3 =	vperm.xlane v3, v2  }
0x70e: {  	[hbm4b:s21+s2] =	stream.indirect_vreg.scatter [tilespmem:s30], [sflag:$0xE], $0x80, v4, vm0, $0xb8;
	[tilespmem:$0x1E280] =	vst v63  }
0x70f: {  	s15 =	simm.s32 $0x12A80;
	v3 =	vadd.s32 v1, v3  }
0x710: {  	[hbm4b:s26+s2] =	stream.indirect_vreg.scatter [tilespmem:s15], [sflag:$0xE], $0x80, v4, vm0, $0xb8;
	[tilespmem:$0x1E280] =	vst v63  }
0x711: {  	s3 =	simm.s32 $0x13280  }
0x712: {  	[hbm4b:s28+s2] =	stream.indirect_vreg.scatter [tilespmem:s3], [sflag:$0xE], $0x80, v4, vm0, $0xb8;
	[tilespmem:$0x1E280] =	vst v63  }
0x713: {  	s15 =	simm.s32 $0x13A80  }
0x714: {  	[hbm4b:s21+s2] =	stream.indirect_vreg.scatter [tilespmem:s15], [sflag:$0xE], $0x80, v3, vm0, $0xb8;
	[tilespmem:$0x1E280] =	vst v63  }
0x715: {  	s3 =	simm.s32 $0x14280  }
0x716: {  	[hbm4b:s26+s2] =	stream.indirect_vreg.scatter [tilespmem:s3], [sflag:$0xE], $0x80, v3, vm0, $0xb8;
	[tilespmem:$0x1E280] =	vst v63  }
0x717: {  	s15 =	simm.s32 $0x14A80  }
0x718: {  	[hbm4b:s28+s2] =	stream.indirect_vreg.scatter [tilespmem:s15], [sflag:$0xE], $0x80, v3, vm0, $0xb8;
	[tilespmem:$0x1E280] =	vst v63  }
0x719: {  	v3 =	vld [tilespmem:$0x190];
	_ =	sdelay $0x4  }
0x71a: {  	v35 =	vshrl.u32 v3, $0x3  }
0x71b: {  	v4 =	vmul.u32 $0x30, v35  }
0x71c: {  	v3 =	vand.u32 $0x7, v3  }
0x71d: {  	v3 =	vor.u32 v3, v4  }
0x71e: {  	v4 =	vperm.xlane v3, v0;
	_ =	sdelay $0x1  }
0x71f: {  	v4 =	vadd.s32 v1, v4;
	_ =	sdelay $0x3  }
0x720: {  	s3 =	simm.s32 $0x15280;
	v3 =	vperm.xlane v3, v2  }
0x721: {  	[hbm4b:s21+s2] =	stream.indirect_vreg.scatter [tilespmem:s3], [sflag:$0xE], $0x80, v4, vm0, $0xb8;
	[tilespmem:$0x1E280] =	vst v63  }
0x722: {  	s15 =	simm.s32 $0x15A80;
	v3 =	vadd.s32 v1, v3  }
0x723: {  	[hbm4b:s26+s2] =	stream.indirect_vreg.scatter [tilespmem:s15], [sflag:$0xE], $0x80, v4, vm0, $0xb8;
	[tilespmem:$0x1E280] =	vst v63  }
0x724: {  	s3 =	simm.s32 $0x16280  }
0x725: {  	[hbm4b:s28+s2] =	stream.indirect_vreg.scatter [tilespmem:s3], [sflag:$0xE], $0x80, v4, vm0, $0xb8;
	[tilespmem:$0x1E280] =	vst v63  }
0x726: {  	s15 =	simm.s32 $0x16A80  }
0x727: {  	[hbm4b:s21+s2] =	stream.indirect_vreg.scatter [tilespmem:s15], [sflag:$0xE], $0x80, v3, vm0, $0xb8;
	[tilespmem:$0x1E280] =	vst v63  }
0x728: {  	s3 =	simm.s32 $0x17280  }
0x729: {  	[hbm4b:s26+s2] =	stream.indirect_vreg.scatter [tilespmem:s3], [sflag:$0xE], $0x80, v3, vm0, $0xb8;
	[tilespmem:$0x1E280] =	vst v63  }
0x72a: {  	s15 =	simm.s32 $0x17A80  }
0x72b: {  	[hbm4b:s28+s2] =	stream.indirect_vreg.scatter [tilespmem:s15], [sflag:$0xE], $0x80, v3, vm0, $0xb8;
	[tilespmem:$0x1E280] =	vst v63  }
0x72c: {  	_ =	swait.ge [sflag:s6], $0x6000  }
0x72d: {  	s0 =	sld [smem:$0x7EB]  }
0x72e: {  	[sflag:s6] =	ssyncset.done $0x0  }
0x72f: {  	s15 =	simm.s32 $0x100;
	s29 =	sld [smem:$0x7DA];
	[sflag:s6] =	ssyncadd.s32 $0xFFFFA000  }
0x730: {  	[tilespmem:s15], [sflag:$0x3] =	stream.linear.gather [hbm4b:s0+s2], $0x20, $0x38;
	[tilespmem:$0x1E280] =	vst v63  }
0x731: {  	_ = 	snop  }
0x732: {  	[tilespmem:s1], [sflag:$0x8] =	stream.linear.gather [hbm4b:s29+s2], $0x6000, $0x38;
	[tilespmem:$0x1E280] =	vst v63  }
0x733: {  	_ =	swait.ge [sflag:s11], $0x20  }
0x734: {  	[sflag:s11] =	ssyncset.done $0x0  }
0x735: {  	[sflag:s11] =	ssyncadd.s32 $0xFFFFFFE0  }
0x736: {  	_ =	swait.ge [sflag:s12], $0x6000  }
0x737: {  	[sflag:s12] =	ssyncset.done $0x0  }
0x738: {  	[sflag:s12] =	ssyncadd.s32 $0xFFFFA000  }
0x739: {  	v3 =	vld [tilespmem:$0x200];
	_ =	sdelay $0x4  }
0x73a: {  	v36 =	vshrl.u32 v3, $0x3  }
0x73b: {  	v4 =	vmul.u32 $0x30, v36  }
0x73c: {  	v3 =	vand.u32 $0x7, v3  }
0x73d: {  	v3 =	vor.u32 v3, v4  }
0x73e: {  	v4 =	vperm.xlane v3, v0;
	_ =	sdelay $0x1  }
0x73f: {  	v4 =	vadd.s32 v1, v4;
	_ =	sdelay $0x3  }
0x740: {  	s3 =	simm.s32 $0x18280;
	v3 =	vperm.xlane v3, v2  }
0x741: {  	[hbm4b:s21+s2] =	stream.indirect_vreg.scatter [tilespmem:s3], [sflag:$0xF], $0x80, v4, vm0, $0xb8;
	[tilespmem:$0x1E280] =	vst v63  }
0x742: {  	s1 =	simm.s32 $0x18A80;
	v3 =	vadd.s32 v1, v3  }
0x743: {  	[hbm4b:s26+s2] =	stream.indirect_vreg.scatter [tilespmem:s1], [sflag:$0xF], $0x80, v4, vm0, $0xb8;
	[tilespmem:$0x1E280] =	vst v63  }
0x744: {  	s1 =	simm.s32 $0x19280  }
0x745: {  	[hbm4b:s28+s2] =	stream.indirect_vreg.scatter [tilespmem:s1], [sflag:$0xF], $0x80, v4, vm0, $0xb8;
	[tilespmem:$0x1E280] =	vst v63  }
0x746: {  	s1 =	simm.s32 $0x19A80  }
0x747: {  	[hbm4b:s21+s2] =	stream.indirect_vreg.scatter [tilespmem:s1], [sflag:$0xF], $0x80, v3, vm0, $0xb8;
	[tilespmem:$0x1E280] =	vst v63  }
0x748: {  	s1 =	simm.s32 $0x1A280  }
0x749: {  	[hbm4b:s26+s2] =	stream.indirect_vreg.scatter [tilespmem:s1], [sflag:$0xF], $0x80, v3, vm0, $0xb8;
	[tilespmem:$0x1E280] =	vst v63  }
0x74a: {  	s1 =	simm.s32 $0x1AA80  }
0x74b: {  	[hbm4b:s28+s2] =	stream.indirect_vreg.scatter [tilespmem:s1], [sflag:$0xF], $0x80, v3, vm0, $0xb8;
	[tilespmem:$0x1E280] =	vst v63  }
0x74c: {  	v3 =	vld [tilespmem:$0x210];
	_ =	sdelay $0x4  }
0x74d: {  	v37 =	vshrl.u32 v3, $0x3  }
0x74e: {  	v4 =	vmul.u32 $0x30, v37  }
0x74f: {  	v3 =	vand.u32 $0x7, v3  }
0x750: {  	v3 =	vor.u32 v3, v4  }
0x751: {  	v4 =	vperm.xlane v3, v0;
	_ =	sdelay $0x1  }
0x752: {  	v4 =	vadd.s32 v1, v4;
	_ =	sdelay $0x3  }
0x753: {  	s1 =	simm.s32 $0x1B280;
	v3 =	vperm.xlane v3, v2  }
0x754: {  	[hbm4b:s21+s2] =	stream.indirect_vreg.scatter [tilespmem:s1], [sflag:$0xF], $0x80, v4, vm0, $0xb8;
	[tilespmem:$0x1E280] =	vst v63  }
0x755: {  	v3 =	vadd.s32 v1, v3;
	s1 =	simm.s32 $0x1BA80  }
0x756: {  	[hbm4b:s26+s2] =	stream.indirect_vreg.scatter [tilespmem:s1], [sflag:$0xF], $0x80, v4, vm0, $0xb8;
	[tilespmem:$0x1E280] =	vst v63  }
0x757: {  	s1 =	simm.s32 $0x1C280  }
0x758: {  	[hbm4b:s28+s2] =	stream.indirect_vreg.scatter [tilespmem:s1], [sflag:$0xF], $0x80, v4, vm0, $0xb8;
	[tilespmem:$0x1E280] =	vst v63  }
0x759: {  	s1 =	simm.s32 $0x1CA80  }
0x75a: {  	[hbm4b:s21+s2] =	stream.indirect_vreg.scatter [tilespmem:s1], [sflag:$0xF], $0x80, v3, vm0, $0xb8;
	[tilespmem:$0x1E280] =	vst v63  }
0x75b: {  	s1 =	simm.s32 $0x1D280  }
0x75c: {  	[hbm4b:s26+s2] =	stream.indirect_vreg.scatter [tilespmem:s1], [sflag:$0xF], $0x80, v3, vm0, $0xb8;
	[tilespmem:$0x1E280] =	vst v63  }
0x75d: {  	s1 =	simm.s32 $0x1DA80  }
0x75e: {  	[hbm4b:s28+s2] =	stream.indirect_vreg.scatter [tilespmem:s1], [sflag:$0xF], $0x80, v3, vm0, $0xb8;
	[tilespmem:$0x1E280] =	vst v63  }
0x75f: {  	_ =	swait.ge [sflag:s13], $0x6000  }
0x760: {  	s0 =	sld [smem:$0x7ED]  }
0x761: {  	[sflag:s13] =	ssyncset.done $0x0  }
0x762: {  	s1 =	simm.s32 $0x180;
	s29 =	sld [smem:$0x7DB];
	[sflag:s13] =	ssyncadd.s32 $0xFFFFA000  }
0x763: {  	[tilespmem:s1], [sflag:$0x4] =	stream.linear.gather [hbm4b:s0+s2], $0x20, $0x38;
	[tilespmem:$0x1E280] =	vst v63  }
0x764: {  	_ = 	snop  }
0x765: {  	[tilespmem:s30], [sflag:$0x9] =	stream.linear.gather [hbm4b:s29+s2], $0x6000, $0x38;
	[tilespmem:$0x1E280] =	vst v63  }
0x766: {  	_ =	swait.ge [sflag:s7], $0x20  }
0x767: {  	[sflag:s7] =	ssyncset.done $0x0  }
0x768: {  	[sflag:s7] =	ssyncadd.s32 $0xFFFFFFE0  }
0x769: {  	_ =	swait.ge [sflag:s31], $0x6000  }
0x76a: {  	[sflag:s31] =	ssyncset.done $0x0  }
0x76b: {  	[sflag:s31] =	ssyncadd.s32 $0xFFFFA000  }
0x76c: {  	v3 =	vld [tilespmem:$0x0];
	_ =	sdelay $0x4  }
0x76d: {  	v38 =	vshrl.u32 v3, $0x3  }
0x76e: {  	v4 =	vmul.u32 $0x30, v38  }
0x76f: {  	v3 =	vand.u32 $0x7, v3  }
0x770: {  	v3 =	vor.u32 v3, v4  }
0x771: {  	v4 =	vperm.xlane v3, v0;
	_ =	sdelay $0x1  }
0x772: {  	v4 =	vadd.s32 v1, v4;
	_ =	sdelay $0x3  }
0x773: {  	s1 =	simm.s32 $0x280;
	v3 =	vperm.xlane v3, v2  }
0x774: {  	[hbm4b:s21+s2] =	stream.indirect_vreg.scatter [tilespmem:s1], [sflag:$0xB], $0x80, v4, vm0, $0xb8;
	[tilespmem:$0x1E280] =	vst v63  }
0x775: {  	s30 =	simm.s32 $0xA80;
	v3 =	vadd.s32 v1, v3  }
0x776: {  	[hbm4b:s26+s2] =	stream.indirect_vreg.scatter [tilespmem:s30], [sflag:$0xB], $0x80, v4, vm0, $0xb8;
	[tilespmem:$0x1E280] =	vst v63  }
0x777: {  	s30 =	simm.s32 $0x1280  }
0x778: {  	[hbm4b:s28+s2] =	stream.indirect_vreg.scatter [tilespmem:s30], [sflag:$0xB], $0x80, v4, vm0, $0xb8;
	[tilespmem:$0x1E280] =	vst v63  }
0x779: {  	s30 =	simm.s32 $0x1A80  }
0x77a: {  	[hbm4b:s21+s2] =	stream.indirect_vreg.scatter [tilespmem:s30], [sflag:$0xB], $0x80, v3, vm0, $0xb8;
	[tilespmem:$0x1E280] =	vst v63  }
0x77b: {  	s30 =	simm.s32 $0x2280  }
0x77c: {  	[hbm4b:s26+s2] =	stream.indirect_vreg.scatter [tilespmem:s30], [sflag:$0xB], $0x80, v3, vm0, $0xb8;
	[tilespmem:$0x1E280] =	vst v63  }
0x77d: {  	s30 =	simm.s32 $0x2A80  }
0x77e: {  	[hbm4b:s28+s2] =	stream.indirect_vreg.scatter [tilespmem:s30], [sflag:$0xB], $0x80, v3, vm0, $0xb8;
	[tilespmem:$0x1E280] =	vst v63  }
0x77f: {  	v3 =	vld [tilespmem:$0x10];
	_ =	sdelay $0x4  }
0x780: {  	v39 =	vshrl.u32 v3, $0x3  }
0x781: {  	v4 =	vmul.u32 $0x30, v39  }
0x782: {  	v3 =	vand.u32 $0x7, v3  }
0x783: {  	v3 =	vor.u32 v3, v4  }
0x784: {  	v4 =	vperm.xlane v3, v0;
	_ =	sdelay $0x1  }
0x785: {  	v4 =	vadd.s32 v1, v4;
	_ =	sdelay $0x3  }
0x786: {  	s30 =	simm.s32 $0x3280;
	v3 =	vperm.xlane v3, v2  }
0x787: {  	[hbm4b:s21+s2] =	stream.indirect_vreg.scatter [tilespmem:s30], [sflag:$0xB], $0x80, v4, vm0, $0xb8;
	[tilespmem:$0x1E280] =	vst v63  }
0x788: {  	v3 =	vadd.s32 v1, v3;
	s30 =	simm.s32 $0x3A80  }
0x789: {  	[hbm4b:s26+s2] =	stream.indirect_vreg.scatter [tilespmem:s30], [sflag:$0xB], $0x80, v4, vm0, $0xb8;
	[tilespmem:$0x1E280] =	vst v63  }
0x78a: {  	s30 =	simm.s32 $0x4280  }
0x78b: {  	[hbm4b:s28+s2] =	stream.indirect_vreg.scatter [tilespmem:s30], [sflag:$0xB], $0x80, v4, vm0, $0xb8;
	[tilespmem:$0x1E280] =	vst v63  }
0x78c: {  	s30 =	simm.s32 $0x4A80  }
0x78d: {  	[hbm4b:s21+s2] =	stream.indirect_vreg.scatter [tilespmem:s30], [sflag:$0xB], $0x80, v3, vm0, $0xb8;
	[tilespmem:$0x1E280] =	vst v63  }
0x78e: {  	s30 =	simm.s32 $0x5280  }
0x78f: {  	[hbm4b:s26+s2] =	stream.indirect_vreg.scatter [tilespmem:s30], [sflag:$0xB], $0x80, v3, vm0, $0xb8;
	[tilespmem:$0x1E280] =	vst v63  }
0x790: {  	s30 =	simm.s32 $0x5A80  }
0x791: {  	[hbm4b:s28+s2] =	stream.indirect_vreg.scatter [tilespmem:s30], [sflag:$0xB], $0x80, v3, vm0, $0xb8;
	[tilespmem:$0x1E280] =	vst v63  }
0x792: {  	_ =	swait.ge [sflag:s4], $0x6000  }
0x793: {  	s0 =	sld [smem:$0x7EF]  }
0x794: {  	[sflag:s4] =	ssyncset.done $0x0  }
0x795: {  	s30 =	simm.s32 $0x200;
	s29 =	sld [smem:$0x7DC];
	[sflag:s4] =	ssyncadd.s32 $0xFFFFA000  }
0x796: {  	[tilespmem:s30], [sflag:$0x5] =	stream.linear.gather [hbm4b:s0+s2], $0x20, $0x38;
	[tilespmem:$0x1E280] =	vst v63  }
0x797: {  	_ = 	snop  }
0x798: {  	[tilespmem:s3], [sflag:$0xA] =	stream.linear.gather [hbm4b:s29+s2], $0x6000, $0x38;
	[tilespmem:$0x1E280] =	vst v63  }
0x799: {  	_ =	swait.ge [sflag:s8], $0x20  }
0x79a: {  	[sflag:s8] =	ssyncset.done $0x0  }
0x79b: {  	[sflag:s8] =	ssyncadd.s32 $0xFFFFFFE0  }
0x79c: {  	_ =	swait.ge [sflag:s5], $0x6000  }
0x79d: {  	[sflag:s5] =	ssyncset.done $0x0  }
0x79e: {  	[sflag:s5] =	ssyncadd.s32 $0xFFFFA000  }
0x79f: {  	v3 =	vld [tilespmem:$0x80];
	_ =	sdelay $0x4  }
0x7a0: {  	v40 =	vshrl.u32 v3, $0x3  }
0x7a1: {  	v4 =	vmul.u32 $0x30, v40  }
0x7a2: {  	v3 =	vand.u32 $0x7, v3  }
0x7a3: {  	v3 =	vor.u32 v3, v4  }
0x7a4: {  	v4 =	vperm.xlane v3, v0;
	_ =	sdelay $0x1  }
0x7a5: {  	v4 =	vadd.s32 v1, v4;
	_ =	sdelay $0x3  }
0x7a6: {  	s5 =	simm.s32 $0x6280;
	v3 =	vperm.xlane v3, v2  }
0x7a7: {  	[hbm4b:s21+s2] =	stream.indirect_vreg.scatter [tilespmem:s5], [sflag:$0xC], $0x80, v4, vm0, $0xb8;
	[tilespmem:$0x1E280] =	vst v63  }
0x7a8: {  	s30 =	simm.s32 $0x6A80;
	v3 =	vadd.s32 v1, v3  }
0x7a9: {  	[hbm4b:s26+s2] =	stream.indirect_vreg.scatter [tilespmem:s30], [sflag:$0xC], $0x80, v4, vm0, $0xb8;
	[tilespmem:$0x1E280] =	vst v63  }
0x7aa: {  	s30 =	simm.s32 $0x7280  }
0x7ab: {  	[hbm4b:s28+s2] =	stream.indirect_vreg.scatter [tilespmem:s30], [sflag:$0xC], $0x80, v4, vm0, $0xb8;
	[tilespmem:$0x1E280] =	vst v63  }
0x7ac: {  	s30 =	simm.s32 $0x7A80  }
0x7ad: {  	[hbm4b:s21+s2] =	stream.indirect_vreg.scatter [tilespmem:s30], [sflag:$0xC], $0x80, v3, vm0, $0xb8;
	[tilespmem:$0x1E280] =	vst v63  }
0x7ae: {  	s30 =	simm.s32 $0x8280  }
0x7af: {  	[hbm4b:s26+s2] =	stream.indirect_vreg.scatter [tilespmem:s30], [sflag:$0xC], $0x80, v3, vm0, $0xb8;
	[tilespmem:$0x1E280] =	vst v63  }
0x7b0: {  	s30 =	simm.s32 $0x8A80  }
0x7b1: {  	[hbm4b:s28+s2] =	stream.indirect_vreg.scatter [tilespmem:s30], [sflag:$0xC], $0x80, v3, vm0, $0xb8;
	[tilespmem:$0x1E280] =	vst v63  }
0x7b2: {  	v3 =	vld [tilespmem:$0x90];
	_ =	sdelay $0x4  }
0x7b3: {  	v41 =	vshrl.u32 v3, $0x3  }
0x7b4: {  	v4 =	vmul.u32 $0x30, v41  }
0x7b5: {  	v3 =	vand.u32 $0x7, v3  }
0x7b6: {  	v3 =	vor.u32 v3, v4  }
0x7b7: {  	v4 =	vperm.xlane v3, v0;
	_ =	sdelay $0x1  }
0x7b8: {  	v4 =	vadd.s32 v1, v4;
	_ =	sdelay $0x3  }
0x7b9: {  	s30 =	simm.s32 $0x9280;
	v3 =	vperm.xlane v3, v2  }
0x7ba: {  	[hbm4b:s21+s2] =	stream.indirect_vreg.scatter [tilespmem:s30], [sflag:$0xC], $0x80, v4, vm0, $0xb8;
	[tilespmem:$0x1E280] =	vst v63  }
0x7bb: {  	v3 =	vadd.s32 v1, v3;
	s30 =	simm.s32 $0x9A80  }
0x7bc: {  	[hbm4b:s26+s2] =	stream.indirect_vreg.scatter [tilespmem:s30], [sflag:$0xC], $0x80, v4, vm0, $0xb8;
	[tilespmem:$0x1E280] =	vst v63  }
0x7bd: {  	s30 =	simm.s32 $0xA280  }
0x7be: {  	[hbm4b:s28+s2] =	stream.indirect_vreg.scatter [tilespmem:s30], [sflag:$0xC], $0x80, v4, vm0, $0xb8;
	[tilespmem:$0x1E280] =	vst v63  }
0x7bf: {  	s30 =	simm.s32 $0xAA80  }
0x7c0: {  	[hbm4b:s21+s2] =	stream.indirect_vreg.scatter [tilespmem:s30], [sflag:$0xC], $0x80, v3, vm0, $0xb8;
	[tilespmem:$0x1E280] =	vst v63  }
0x7c1: {  	s30 =	simm.s32 $0xB280  }
0x7c2: {  	[hbm4b:s26+s2] =	stream.indirect_vreg.scatter [tilespmem:s30], [sflag:$0xC], $0x80, v3, vm0, $0xb8;
	[tilespmem:$0x1E280] =	vst v63  }
0x7c3: {  	s30 =	simm.s32 $0xBA80  }
0x7c4: {  	[hbm4b:s28+s2] =	stream.indirect_vreg.scatter [tilespmem:s30], [sflag:$0xC], $0x80, v3, vm0, $0xb8;
	[tilespmem:$0x1E280] =	vst v63  }
0x7c5: {  	_ =	swait.ge [sflag:s9], $0x6000  }
0x7c6: {  	s30 =	sld [smem:$0x7F1]  }
0x7c7: {  	[sflag:s9] =	ssyncset.done $0x0  }
0x7c8: {  	s29 =	sld [smem:$0x7DD];
	[sflag:s9] =	ssyncadd.s32 $0xFFFFA000  }
0x7c9: {  	[tilespmem:s2], [sflag:$0x1] =	stream.linear.gather [hbm4b:s30+s2], $0x20, $0x38;
	[tilespmem:$0x1E280] =	vst v63  }
0x7ca: {  	_ = 	snop  }
0x7cb: {  	[tilespmem:s1], [sflag:$0x6] =	stream.linear.gather [hbm4b:s29+s2], $0x6000, $0x38;
	[tilespmem:$0x1E280] =	vst v63  }
0x7cc: {  	_ =	swait.ge [sflag:s10], $0x20  }
0x7cd: {  	[sflag:s10] =	ssyncset.done $0x0  }
0x7ce: {  	[sflag:s10] =	ssyncadd.s32 $0xFFFFFFE0  }
0x7cf: {  	_ =	swait.ge [sflag:s14], $0x6000  }
0x7d0: {  	[sflag:s14] =	ssyncset.done $0x0  }
0x7d1: {  	[sflag:s14] =	ssyncadd.s32 $0xFFFFA000  }
0x7d2: {  	v3 =	vld [tilespmem:$0x100];
	_ =	sdelay $0x4  }
0x7d3: {  	v42 =	vshrl.u32 v3, $0x3  }
0x7d4: {  	v4 =	vmul.u32 $0x30, v42  }
0x7d5: {  	v3 =	vand.u32 $0x7, v3  }
0x7d6: {  	v3 =	vor.u32 v3, v4  }
0x7d7: {  	v4 =	vperm.xlane v3, v0;
	_ =	sdelay $0x1  }
0x7d8: {  	v4 =	vadd.s32 v1, v4;
	_ =	sdelay $0x3  }
0x7d9: {  	s15 =	simm.s32 $0xC280;
	v3 =	vperm.xlane v3, v2  }
0x7da: {  	[hbm4b:s21+s2] =	stream.indirect_vreg.scatter [tilespmem:s15], [sflag:$0xD], $0x80, v4, vm0, $0xb8;
	[tilespmem:$0x1E280] =	vst v63  }
0x7db: {  	s30 =	simm.s32 $0xCA80;
	v3 =	vadd.s32 v1, v3  }
0x7dc: {  	[hbm4b:s26+s2] =	stream.indirect_vreg.scatter [tilespmem:s30], [sflag:$0xD], $0x80, v4, vm0, $0xb8;
	[tilespmem:$0x1E280] =	vst v63  }
0x7dd: {  	s1 =	simm.s32 $0xD280  }
0x7de: {  	[hbm4b:s28+s2] =	stream.indirect_vreg.scatter [tilespmem:s1], [sflag:$0xD], $0x80, v4, vm0, $0xb8;
	[tilespmem:$0x1E280] =	vst v63  }
0x7df: {  	s1 =	simm.s32 $0xDA80  }
0x7e0: {  	[hbm4b:s21+s2] =	stream.indirect_vreg.scatter [tilespmem:s1], [sflag:$0xD], $0x80, v3, vm0, $0xb8;
	[tilespmem:$0x1E280] =	vst v63  }
0x7e1: {  	s1 =	simm.s32 $0xE280  }
0x7e2: {  	[hbm4b:s26+s2] =	stream.indirect_vreg.scatter [tilespmem:s1], [sflag:$0xD], $0x80, v3, vm0, $0xb8;
	[tilespmem:$0x1E280] =	vst v63  }
0x7e3: {  	s1 =	simm.s32 $0xEA80  }
0x7e4: {  	[hbm4b:s28+s2] =	stream.indirect_vreg.scatter [tilespmem:s1], [sflag:$0xD], $0x80, v3, vm0, $0xb8;
	[tilespmem:$0x1E280] =	vst v63  }
0x7e5: {  	v3 =	vld [tilespmem:$0x110];
	_ =	sdelay $0x4  }
0x7e6: {  	v43 =	vshrl.u32 v3, $0x3  }
0x7e7: {  	v4 =	vmul.u32 $0x30, v43  }
0x7e8: {  	v3 =	vand.u32 $0x7, v3  }
0x7e9: {  	v3 =	vor.u32 v3, v4  }
0x7ea: {  	v4 =	vperm.xlane v3, v0;
	_ =	sdelay $0x1  }
0x7eb: {  	v4 =	vadd.s32 v1, v4;
	_ =	sdelay $0x3  }
0x7ec: {  	s1 =	simm.s32 $0xF280;
	v3 =	vperm.xlane v3, v2  }
0x7ed: {  	[hbm4b:s21+s2] =	stream.indirect_vreg.scatter [tilespmem:s1], [sflag:$0xD], $0x80, v4, vm0, $0xb8;
	[tilespmem:$0x1E280] =	vst v63  }
0x7ee: {  	v3 =	vadd.s32 v1, v3;
	s1 =	simm.s32 $0xFA80  }
0x7ef: {  	[hbm4b:s26+s2] =	stream.indirect_vreg.scatter [tilespmem:s1], [sflag:$0xD], $0x80, v4, vm0, $0xb8;
	[tilespmem:$0x1E280] =	vst v63  }
0x7f0: {  	s1 =	simm.s32 $0x10280  }
0x7f1: {  	[hbm4b:s28+s2] =	stream.indirect_vreg.scatter [tilespmem:s1], [sflag:$0xD], $0x80, v4, vm0, $0xb8;
	[tilespmem:$0x1E280] =	vst v63  }
0x7f2: {  	s1 =	simm.s32 $0x10A80  }
0x7f3: {  	[hbm4b:s21+s2] =	stream.indirect_vreg.scatter [tilespmem:s1], [sflag:$0xD], $0x80, v3, vm0, $0xb8;
	[tilespmem:$0x1E280] =	vst v63  }
0x7f4: {  	s1 =	simm.s32 $0x11280  }
0x7f5: {  	[hbm4b:s26+s2] =	stream.indirect_vreg.scatter [tilespmem:s1], [sflag:$0xD], $0x80, v3, vm0, $0xb8;
	[tilespmem:$0x1E280] =	vst v63  }
0x7f6: {  	s1 =	simm.s32 $0x11A80  }
0x7f7: {  	[hbm4b:s28+s2] =	stream.indirect_vreg.scatter [tilespmem:s1], [sflag:$0xD], $0x80, v3, vm0, $0xb8;
	[tilespmem:$0x1E280] =	vst v63  }
0x7f8: {  	_ =	swait.ge [sflag:s17], $0x6000  }
0x7f9: {  	s0 =	sld [smem:$0x7F2]  }
0x7fa: {  	[sflag:s17] =	ssyncset.done $0x0  }
0x7fb: {  	s1 =	simm.s32 $0x80;
	s29 =	sld [smem:$0x7DF];
	[sflag:s17] =	ssyncadd.s32 $0xFFFFA000  }
0x7fc: {  	[tilespmem:s1], [sflag:$0x2] =	stream.linear.gather [hbm4b:s0+s2], $0x20, $0x38;
	[tilespmem:$0x1E280] =	vst v63  }
0x7fd: {  	_ = 	snop  }
0x7fe: {  	[tilespmem:s5], [sflag:$0x7] =	stream.linear.gather [hbm4b:s29+s2], $0x6000, $0x38;
	[tilespmem:$0x1E280] =	vst v63  }
0x7ff: {  	_ =	swait.ge [sflag:s16], $0x20  }
0x800: {  	[sflag:s16] =	ssyncset.done $0x0  }
0x801: {  	[sflag:s16] =	ssyncadd.s32 $0xFFFFFFE0  }
0x802: {  	_ =	swait.ge [sflag:s18], $0x6000  }
0x803: {  	[sflag:s18] =	ssyncset.done $0x0  }
0x804: {  	[sflag:s18] =	ssyncadd.s32 $0xFFFFA000  }
0x805: {  	v3 =	vld [tilespmem:$0x180];
	_ =	sdelay $0x4  }
0x806: {  	v44 =	vshrl.u32 v3, $0x3  }
0x807: {  	v4 =	vmul.u32 $0x30, v44  }
0x808: {  	v3 =	vand.u32 $0x7, v3  }
0x809: {  	v3 =	vor.u32 v3, v4  }
0x80a: {  	v4 =	vperm.xlane v3, v0;
	_ =	sdelay $0x1  }
0x80b: {  	v4 =	vadd.s32 v1, v4;
	_ =	sdelay $0x3  }
0x80c: {  	s5 =	simm.s32 $0x12280;
	v3 =	vperm.xlane v3, v2  }
0x80d: {  	[hbm4b:s21+s2] =	stream.indirect_vreg.scatter [tilespmem:s5], [sflag:$0xE], $0x80, v4, vm0, $0xb8;
	[tilespmem:$0x1E280] =	vst v63  }
0x80e: {  	s1 =	simm.s32 $0x12A80;
	v3 =	vadd.s32 v1, v3  }
0x80f: {  	[hbm4b:s26+s2] =	stream.indirect_vreg.scatter [tilespmem:s1], [sflag:$0xE], $0x80, v4, vm0, $0xb8;
	[tilespmem:$0x1E280] =	vst v63  }
0x810: {  	s1 =	simm.s32 $0x13280  }
0x811: {  	[hbm4b:s28+s2] =	stream.indirect_vreg.scatter [tilespmem:s1], [sflag:$0xE], $0x80, v4, vm0, $0xb8;
	[tilespmem:$0x1E280] =	vst v63  }
0x812: {  	s1 =	simm.s32 $0x13A80  }
0x813: {  	[hbm4b:s21+s2] =	stream.indirect_vreg.scatter [tilespmem:s1], [sflag:$0xE], $0x80, v3, vm0, $0xb8;
	[tilespmem:$0x1E280] =	vst v63  }
0x814: {  	s1 =	simm.s32 $0x14280  }
0x815: {  	[hbm4b:s26+s2] =	stream.indirect_vreg.scatter [tilespmem:s1], [sflag:$0xE], $0x80, v3, vm0, $0xb8;
	[tilespmem:$0x1E280] =	vst v63  }
0x816: {  	s1 =	simm.s32 $0x14A80  }
0x817: {  	[hbm4b:s28+s2] =	stream.indirect_vreg.scatter [tilespmem:s1], [sflag:$0xE], $0x80, v3, vm0, $0xb8;
	[tilespmem:$0x1E280] =	vst v63  }
0x818: {  	v3 =	vld [tilespmem:$0x190];
	_ =	sdelay $0x4  }
0x819: {  	v45 =	vshrl.u32 v3, $0x3  }
0x81a: {  	v4 =	vmul.u32 $0x30, v45  }
0x81b: {  	v3 =	vand.u32 $0x7, v3  }
0x81c: {  	v3 =	vor.u32 v3, v4  }
0x81d: {  	v4 =	vperm.xlane v3, v0;
	_ =	sdelay $0x1  }
0x81e: {  	v4 =	vadd.s32 v1, v4;
	_ =	sdelay $0x3  }
0x81f: {  	s1 =	simm.s32 $0x15280;
	v3 =	vperm.xlane v3, v2  }
0x820: {  	[hbm4b:s21+s2] =	stream.indirect_vreg.scatter [tilespmem:s1], [sflag:$0xE], $0x80, v4, vm0, $0xb8;
	[tilespmem:$0x1E280] =	vst v63  }
0x821: {  	v3 =	vadd.s32 v1, v3;
	s1 =	simm.s32 $0x15A80  }
0x822: {  	[hbm4b:s26+s2] =	stream.indirect_vreg.scatter [tilespmem:s1], [sflag:$0xE], $0x80, v4, vm0, $0xb8;
	[tilespmem:$0x1E280] =	vst v63  }
0x823: {  	s1 =	simm.s32 $0x16280  }
0x824: {  	[hbm4b:s28+s2] =	stream.indirect_vreg.scatter [tilespmem:s1], [sflag:$0xE], $0x80, v4, vm0, $0xb8;
	[tilespmem:$0x1E280] =	vst v63  }
0x825: {  	s1 =	simm.s32 $0x16A80  }
0x826: {  	[hbm4b:s21+s2] =	stream.indirect_vreg.scatter [tilespmem:s1], [sflag:$0xE], $0x80, v3, vm0, $0xb8;
	[tilespmem:$0x1E280] =	vst v63  }
0x827: {  	s1 =	simm.s32 $0x17280  }
0x828: {  	[hbm4b:s26+s2] =	stream.indirect_vreg.scatter [tilespmem:s1], [sflag:$0xE], $0x80, v3, vm0, $0xb8;
	[tilespmem:$0x1E280] =	vst v63  }
0x829: {  	s1 =	simm.s32 $0x17A80  }
0x82a: {  	[hbm4b:s28+s2] =	stream.indirect_vreg.scatter [tilespmem:s1], [sflag:$0xE], $0x80, v3, vm0, $0xb8;
	[tilespmem:$0x1E280] =	vst v63  }
0x82b: {  	_ =	swait.ge [sflag:s6], $0x6000  }
0x82c: {  	s0 =	sld [smem:$0x7F3]  }
0x82d: {  	[sflag:s6] =	ssyncset.done $0x0  }
0x82e: {  	s1 =	simm.s32 $0x100;
	s29 =	sld [smem:$0x7E0];
	[sflag:s6] =	ssyncadd.s32 $0xFFFFA000  }
0x82f: {  	[tilespmem:s1], [sflag:$0x3] =	stream.linear.gather [hbm4b:s0+s2], $0x20, $0x38;
	[tilespmem:$0x1E280] =	vst v63  }
0x830: {  	_ = 	snop  }
0x831: {  	[tilespmem:s15], [sflag:$0x8] =	stream.linear.gather [hbm4b:s29+s2], $0x6000, $0x38;
	[tilespmem:$0x1E280] =	vst v63  }
0x832: {  	_ =	swait.ge [sflag:s11], $0x20  }
0x833: {  	[sflag:s11] =	ssyncset.done $0x0  }
0x834: {  	[sflag:s11] =	ssyncadd.s32 $0xFFFFFFE0  }
0x835: {  	_ =	swait.ge [sflag:s12], $0x6000  }
0x836: {  	[sflag:s12] =	ssyncset.done $0x0  }
0x837: {  	[sflag:s12] =	ssyncadd.s32 $0xFFFFA000  }
0x838: {  	v3 =	vld [tilespmem:$0x200];
	_ =	sdelay $0x4  }
0x839: {  	v46 =	vshrl.u32 v3, $0x3  }
0x83a: {  	v4 =	vmul.u32 $0x30, v46  }
0x83b: {  	v3 =	vand.u32 $0x7, v3  }
0x83c: {  	v3 =	vor.u32 v3, v4  }
0x83d: {  	v4 =	vperm.xlane v3, v0;
	_ =	sdelay $0x1  }
0x83e: {  	v4 =	vadd.s32 v1, v4;
	_ =	sdelay $0x3  }
0x83f: {  	s3 =	simm.s32 $0x18280;
	v3 =	vperm.xlane v3, v2  }
0x840: {  	[hbm4b:s21+s2] =	stream.indirect_vreg.scatter [tilespmem:s3], [sflag:$0xF], $0x80, v4, vm0, $0xb8;
	[tilespmem:$0x1E280] =	vst v63  }
0x841: {  	s15 =	simm.s32 $0x18A80;
	v3 =	vadd.s32 v1, v3  }
0x842: {  	[hbm4b:s26+s2] =	stream.indirect_vreg.scatter [tilespmem:s15], [sflag:$0xF], $0x80, v4, vm0, $0xb8;
	[tilespmem:$0x1E280] =	vst v63  }
0x843: {  	s1 =	simm.s32 $0x19280  }
0x844: {  	[hbm4b:s28+s2] =	stream.indirect_vreg.scatter [tilespmem:s1], [sflag:$0xF], $0x80, v4, vm0, $0xb8;
	[tilespmem:$0x1E280] =	vst v63  }
0x845: {  	s15 =	simm.s32 $0x19A80  }
0x846: {  	[hbm4b:s21+s2] =	stream.indirect_vreg.scatter [tilespmem:s15], [sflag:$0xF], $0x80, v3, vm0, $0xb8;
	[tilespmem:$0x1E280] =	vst v63  }
0x847: {  	s1 =	simm.s32 $0x1A280  }
0x848: {  	[hbm4b:s26+s2] =	stream.indirect_vreg.scatter [tilespmem:s1], [sflag:$0xF], $0x80, v3, vm0, $0xb8;
	[tilespmem:$0x1E280] =	vst v63  }
0x849: {  	s15 =	simm.s32 $0x1AA80  }
0x84a: {  	[hbm4b:s28+s2] =	stream.indirect_vreg.scatter [tilespmem:s15], [sflag:$0xF], $0x80, v3, vm0, $0xb8;
	[tilespmem:$0x1E280] =	vst v63  }
0x84b: {  	v3 =	vld [tilespmem:$0x210];
	_ =	sdelay $0x4  }
0x84c: {  	v47 =	vshrl.u32 v3, $0x3  }
0x84d: {  	v4 =	vmul.u32 $0x30, v47  }
0x84e: {  	v3 =	vand.u32 $0x7, v3  }
0x84f: {  	v3 =	vor.u32 v3, v4  }
0x850: {  	v4 =	vperm.xlane v3, v0;
	_ =	sdelay $0x1  }
0x851: {  	v4 =	vadd.s32 v1, v4;
	_ =	sdelay $0x3  }
0x852: {  	s1 =	simm.s32 $0x1B280;
	v3 =	vperm.xlane v3, v2  }
0x853: {  	[hbm4b:s21+s2] =	stream.indirect_vreg.scatter [tilespmem:s1], [sflag:$0xF], $0x80, v4, vm0, $0xb8;
	[tilespmem:$0x1E280] =	vst v63  }
0x854: {  	s15 =	simm.s32 $0x1BA80;
	v3 =	vadd.s32 v1, v3  }
0x855: {  	[hbm4b:s26+s2] =	stream.indirect_vreg.scatter [tilespmem:s15], [sflag:$0xF], $0x80, v4, vm0, $0xb8;
	[tilespmem:$0x1E280] =	vst v63  }
0x856: {  	s1 =	simm.s32 $0x1C280  }
0x857: {  	[hbm4b:s28+s2] =	stream.indirect_vreg.scatter [tilespmem:s1], [sflag:$0xF], $0x80, v4, vm0, $0xb8;
	[tilespmem:$0x1E280] =	vst v63  }
0x858: {  	s15 =	simm.s32 $0x1CA80  }
0x859: {  	[hbm4b:s21+s2] =	stream.indirect_vreg.scatter [tilespmem:s15], [sflag:$0xF], $0x80, v3, vm0, $0xb8;
	[tilespmem:$0x1E280] =	vst v63  }
0x85a: {  	s1 =	simm.s32 $0x1D280  }
0x85b: {  	[hbm4b:s26+s2] =	stream.indirect_vreg.scatter [tilespmem:s1], [sflag:$0xF], $0x80, v3, vm0, $0xb8;
	[tilespmem:$0x1E280] =	vst v63  }
0x85c: {  	s15 =	simm.s32 $0x1DA80  }
0x85d: {  	[hbm4b:s28+s2] =	stream.indirect_vreg.scatter [tilespmem:s15], [sflag:$0xF], $0x80, v3, vm0, $0xb8;
	[tilespmem:$0x1E280] =	vst v63  }
0x85e: {  	_ =	swait.ge [sflag:s13], $0x6000  }
0x85f: {  	s1 =	sld [smem:$0x7F4]  }
0x860: {  	[sflag:s13] =	ssyncset.done $0x0  }
0x861: {  	s15 =	simm.s32 $0x180;
	s29 =	sld [smem:$0x7F9];
	[sflag:s13] =	ssyncadd.s32 $0xFFFFA000  }
0x862: {  	[tilespmem:s15], [sflag:$0x4] =	stream.linear.gather [hbm4b:s1+s2], $0x20, $0x38;
	[tilespmem:$0x1E280] =	vst v63  }
0x863: {  	_ = 	snop  }
0x864: {  	[tilespmem:s5], [sflag:$0x9] =	stream.linear.gather [hbm4b:s29+s2], $0x6000, $0x38;
	[tilespmem:$0x1E280] =	vst v63  }
0x865: {  	_ =	swait.ge [sflag:s7], $0x20  }
0x866: {  	[sflag:s7] =	ssyncset.done $0x0  }
0x867: {  	[sflag:s7] =	ssyncadd.s32 $0xFFFFFFE0  }
0x868: {  	_ =	swait.ge [sflag:s31], $0x6000  }
0x869: {  	[sflag:s31] =	ssyncset.done $0x0  }
0x86a: {  	[sflag:s31] =	ssyncadd.s32 $0xFFFFA000  }
0x86b: {  	v3 =	vld [tilespmem:$0x0];
	_ =	sdelay $0x4  }
0x86c: {  	v48 =	vshrl.u32 v3, $0x3  }
0x86d: {  	v4 =	vmul.u32 $0x30, v48  }
0x86e: {  	v3 =	vand.u32 $0x7, v3  }
0x86f: {  	v3 =	vor.u32 v3, v4  }
0x870: {  	v4 =	vperm.xlane v3, v0;
	_ =	sdelay $0x1  }
0x871: {  	v4 =	vadd.s32 v1, v4;
	_ =	sdelay $0x3  }
0x872: {  	s15 =	simm.s32 $0x280;
	v3 =	vperm.xlane v3, v2  }
0x873: {  	[hbm4b:s21+s2] =	stream.indirect_vreg.scatter [tilespmem:s15], [sflag:$0xB], $0x80, v4, vm0, $0xb8;
	[tilespmem:$0x1E280] =	vst v63  }
0x874: {  	s5 =	simm.s32 $0xA80;
	v3 =	vadd.s32 v1, v3  }
0x875: {  	[hbm4b:s26+s2] =	stream.indirect_vreg.scatter [tilespmem:s5], [sflag:$0xB], $0x80, v4, vm0, $0xb8;
	[tilespmem:$0x1E280] =	vst v63  }
0x876: {  	s1 =	simm.s32 $0x1280  }
0x877: {  	[hbm4b:s28+s2] =	stream.indirect_vreg.scatter [tilespmem:s1], [sflag:$0xB], $0x80, v4, vm0, $0xb8;
	[tilespmem:$0x1E280] =	vst v63  }
0x878: {  	s5 =	simm.s32 $0x1A80  }
0x879: {  	[hbm4b:s21+s2] =	stream.indirect_vreg.scatter [tilespmem:s5], [sflag:$0xB], $0x80, v3, vm0, $0xb8;
	[tilespmem:$0x1E280] =	vst v63  }
0x87a: {  	s1 =	simm.s32 $0x2280  }
0x87b: {  	[hbm4b:s26+s2] =	stream.indirect_vreg.scatter [tilespmem:s1], [sflag:$0xB], $0x80, v3, vm0, $0xb8;
	[tilespmem:$0x1E280] =	vst v63  }
0x87c: {  	s5 =	simm.s32 $0x2A80  }
0x87d: {  	[hbm4b:s28+s2] =	stream.indirect_vreg.scatter [tilespmem:s5], [sflag:$0xB], $0x80, v3, vm0, $0xb8;
	[tilespmem:$0x1E280] =	vst v63  }
0x87e: {  	v3 =	vld [tilespmem:$0x10];
	_ =	sdelay $0x4  }
0x87f: {  	v49 =	vshrl.u32 v3, $0x3  }
0x880: {  	v4 =	vmul.u32 $0x30, v49  }
0x881: {  	v3 =	vand.u32 $0x7, v3  }
0x882: {  	v3 =	vor.u32 v3, v4  }
0x883: {  	v4 =	vperm.xlane v3, v0;
	_ =	sdelay $0x1  }
0x884: {  	v4 =	vadd.s32 v1, v4;
	_ =	sdelay $0x3  }
0x885: {  	s1 =	simm.s32 $0x3280;
	v3 =	vperm.xlane v3, v2  }
0x886: {  	[hbm4b:s21+s2] =	stream.indirect_vreg.scatter [tilespmem:s1], [sflag:$0xB], $0x80, v4, vm0, $0xb8;
	[tilespmem:$0x1E280] =	vst v63  }
0x887: {  	s5 =	simm.s32 $0x3A80;
	v3 =	vadd.s32 v1, v3  }
0x888: {  	[hbm4b:s26+s2] =	stream.indirect_vreg.scatter [tilespmem:s5], [sflag:$0xB], $0x80, v4, vm0, $0xb8;
	[tilespmem:$0x1E280] =	vst v63  }
0x889: {  	s1 =	simm.s32 $0x4280  }
0x88a: {  	[hbm4b:s28+s2] =	stream.indirect_vreg.scatter [tilespmem:s1], [sflag:$0xB], $0x80, v4, vm0, $0xb8;
	[tilespmem:$0x1E280] =	vst v63  }
0x88b: {  	s5 =	simm.s32 $0x4A80  }
0x88c: {  	[hbm4b:s21+s2] =	stream.indirect_vreg.scatter [tilespmem:s5], [sflag:$0xB], $0x80, v3, vm0, $0xb8;
	[tilespmem:$0x1E280] =	vst v63  }
0x88d: {  	s1 =	simm.s32 $0x5280  }
0x88e: {  	[hbm4b:s26+s2] =	stream.indirect_vreg.scatter [tilespmem:s1], [sflag:$0xB], $0x80, v3, vm0, $0xb8;
	[tilespmem:$0x1E280] =	vst v63  }
0x88f: {  	s5 =	simm.s32 $0x5A80  }
0x890: {  	[hbm4b:s28+s2] =	stream.indirect_vreg.scatter [tilespmem:s5], [sflag:$0xB], $0x80, v3, vm0, $0xb8;
	[tilespmem:$0x1E280] =	vst v63  }
0x891: {  	_ =	swait.ge [sflag:s4], $0x6000  }
0x892: {  	s1 =	sld [smem:$0x7F5]  }
0x893: {  	[sflag:s4] =	ssyncset.done $0x0  }
0x894: {  	s5 =	simm.s32 $0x200;
	s29 =	sld [smem:$0x7FA];
	[sflag:s4] =	ssyncadd.s32 $0xFFFFA000  }
0x895: {  	[tilespmem:s5], [sflag:$0x5] =	stream.linear.gather [hbm4b:s1+s2], $0x20, $0x38;
	[tilespmem:$0x1E280] =	vst v63  }
0x896: {  	_ = 	snop  }
0x897: {  	[tilespmem:s3], [sflag:$0xA] =	stream.linear.gather [hbm4b:s29+s2], $0x6000, $0x38;
	[tilespmem:$0x1E280] =	vst v63  }
0x898: {  	_ =	swait.ge [sflag:s8], $0x20  }
0x899: {  	[sflag:s8] =	ssyncset.done $0x0  }
0x89a: {  	s1 =	simm.s32 $0x7;
	[sflag:s8] =	ssyncadd.s32 $0xFFFFFFE0  }
0x89b: {  	_ =	swait.ge [sflag:s1], $0x6000  }
0x89c: {  	[sflag:s1] =	ssyncset.done $0x0  }
0x89d: {  	[sflag:s1] =	ssyncadd.s32 $0xFFFFA000  }
0x89e: {  	v3 =	vld [tilespmem:$0x80];
	_ =	sdelay $0x4  }
0x89f: {  	v50 =	vshrl.u32 v3, $0x3  }
0x8a0: {  	v4 =	vmul.u32 $0x30, v50  }
0x8a1: {  	v3 =	vand.u32 $0x7, v3  }
0x8a2: {  	v3 =	vor.u32 v3, v4  }
0x8a3: {  	v4 =	vperm.xlane v3, v0;
	_ =	sdelay $0x1  }
0x8a4: {  	v4 =	vadd.s32 v1, v4;
	_ =	sdelay $0x3  }
0x8a5: {  	s1 =	simm.s32 $0x6280;
	v3 =	vperm.xlane v3, v2  }
0x8a6: {  	[hbm4b:s21+s2] =	stream.indirect_vreg.scatter [tilespmem:s1], [sflag:$0xC], $0x80, v4, vm0, $0xb8;
	[tilespmem:$0x1E280] =	vst v63  }
0x8a7: {  	s3 =	simm.s32 $0x6A80;
	v3 =	vadd.s32 v1, v3  }
0x8a8: {  	[hbm4b:s26+s2] =	stream.indirect_vreg.scatter [tilespmem:s3], [sflag:$0xC], $0x80, v4, vm0, $0xb8;
	[tilespmem:$0x1E280] =	vst v63  }
0x8a9: {  	s3 =	simm.s32 $0x7280  }
0x8aa: {  	[hbm4b:s28+s2] =	stream.indirect_vreg.scatter [tilespmem:s3], [sflag:$0xC], $0x80, v4, vm0, $0xb8;
	[tilespmem:$0x1E280] =	vst v63  }
0x8ab: {  	s3 =	simm.s32 $0x7A80  }
0x8ac: {  	[hbm4b:s21+s2] =	stream.indirect_vreg.scatter [tilespmem:s3], [sflag:$0xC], $0x80, v3, vm0, $0xb8;
	[tilespmem:$0x1E280] =	vst v63  }
0x8ad: {  	s3 =	simm.s32 $0x8280  }
0x8ae: {  	[hbm4b:s26+s2] =	stream.indirect_vreg.scatter [tilespmem:s3], [sflag:$0xC], $0x80, v3, vm0, $0xb8;
	[tilespmem:$0x1E280] =	vst v63  }
0x8af: {  	s3 =	simm.s32 $0x8A80  }
0x8b0: {  	[hbm4b:s28+s2] =	stream.indirect_vreg.scatter [tilespmem:s3], [sflag:$0xC], $0x80, v3, vm0, $0xb8;
	[tilespmem:$0x1E280] =	vst v63  }
0x8b1: {  	v3 =	vld [tilespmem:$0x90];
	_ =	sdelay $0x4  }
0x8b2: {  	v51 =	vshrl.u32 v3, $0x3  }
0x8b3: {  	v4 =	vmul.u32 $0x30, v51  }
0x8b4: {  	v3 =	vand.u32 $0x7, v3  }
0x8b5: {  	v3 =	vor.u32 v3, v4  }
0x8b6: {  	v4 =	vperm.xlane v3, v0;
	_ =	sdelay $0x1  }
0x8b7: {  	v4 =	vadd.s32 v1, v4;
	_ =	sdelay $0x3  }
0x8b8: {  	s3 =	simm.s32 $0x9280;
	v3 =	vperm.xlane v3, v2  }
0x8b9: {  	[hbm4b:s21+s2] =	stream.indirect_vreg.scatter [tilespmem:s3], [sflag:$0xC], $0x80, v4, vm0, $0xb8;
	[tilespmem:$0x1E280] =	vst v63  }
0x8ba: {  	v3 =	vadd.s32 v1, v3;
	s3 =	simm.s32 $0x9A80  }
0x8bb: {  	[hbm4b:s26+s2] =	stream.indirect_vreg.scatter [tilespmem:s3], [sflag:$0xC], $0x80, v4, vm0, $0xb8;
	[tilespmem:$0x1E280] =	vst v63  }
0x8bc: {  	s3 =	simm.s32 $0xA280  }
0x8bd: {  	[hbm4b:s28+s2] =	stream.indirect_vreg.scatter [tilespmem:s3], [sflag:$0xC], $0x80, v4, vm0, $0xb8;
	[tilespmem:$0x1E280] =	vst v63  }
0x8be: {  	s3 =	simm.s32 $0xAA80  }
0x8bf: {  	[hbm4b:s21+s2] =	stream.indirect_vreg.scatter [tilespmem:s3], [sflag:$0xC], $0x80, v3, vm0, $0xb8;
	[tilespmem:$0x1E280] =	vst v63  }
0x8c0: {  	s3 =	simm.s32 $0xB280  }
0x8c1: {  	[hbm4b:s26+s2] =	stream.indirect_vreg.scatter [tilespmem:s3], [sflag:$0xC], $0x80, v3, vm0, $0xb8;
	[tilespmem:$0x1E280] =	vst v63  }
0x8c2: {  	s3 =	simm.s32 $0xBA80  }
0x8c3: {  	[hbm4b:s28+s2] =	stream.indirect_vreg.scatter [tilespmem:s3], [sflag:$0xC], $0x80, v3, vm0, $0xb8;
	[tilespmem:$0x1E280] =	vst v63  }
0x8c4: {  	_ =	swait.ge [sflag:s9], $0x6000  }
0x8c5: {  	s3 =	sld [smem:$0x7F6]  }
0x8c6: {  	[sflag:s9] =	ssyncset.done $0x0  }
0x8c7: {  	s29 =	sld [smem:$0x7FB];
	[sflag:s9] =	ssyncadd.s32 $0xFFFFA000  }
0x8c8: {  	[tilespmem:s2], [sflag:$0x1] =	stream.linear.gather [hbm4b:s3+s2], $0x20, $0x38;
	[tilespmem:$0x1E280] =	vst v63  }
0x8c9: {  	_ = 	snop  }
0x8ca: {  	[tilespmem:s15], [sflag:$0x6] =	stream.linear.gather [hbm4b:s29+s2], $0x6000, $0x38;
	[tilespmem:$0x1E280] =	vst v63  }
0x8cb: {  	_ =	swait.ge [sflag:s10], $0x20  }
0x8cc: {  	[sflag:s10] =	ssyncset.done $0x0  }
0x8cd: {  	[sflag:s10] =	ssyncadd.s32 $0xFFFFFFE0  }
0x8ce: {  	_ =	swait.ge [sflag:s14], $0x6000  }
0x8cf: {  	[sflag:s14] =	ssyncset.done $0x0  }
0x8d0: {  	[sflag:s14] =	ssyncadd.s32 $0xFFFFA000  }
0x8d1: {  	v3 =	vld [tilespmem:$0x100];
	_ =	sdelay $0x4  }
0x8d2: {  	v52 =	vshrl.u32 v3, $0x3  }
0x8d3: {  	v4 =	vmul.u32 $0x30, v52  }
0x8d4: {  	v3 =	vand.u32 $0x7, v3  }
0x8d5: {  	v3 =	vor.u32 v3, v4  }
0x8d6: {  	v4 =	vperm.xlane v3, v0;
	_ =	sdelay $0x1  }
0x8d7: {  	v4 =	vadd.s32 v1, v4;
	_ =	sdelay $0x3  }
0x8d8: {  	s0 =	simm.s32 $0xC280;
	v3 =	vperm.xlane v3, v2  }
0x8d9: {  	[hbm4b:s21+s2] =	stream.indirect_vreg.scatter [tilespmem:s0], [sflag:$0xD], $0x80, v4, vm0, $0xb8;
	[tilespmem:$0x1E280] =	vst v63  }
0x8da: {  	s30 =	simm.s32 $0xCA80;
	v3 =	vadd.s32 v1, v3  }
0x8db: {  	[hbm4b:s26+s2] =	stream.indirect_vreg.scatter [tilespmem:s30], [sflag:$0xD], $0x80, v4, vm0, $0xb8;
	[tilespmem:$0x1E280] =	vst v63  }
0x8dc: {  	s30 =	simm.s32 $0xD280  }
0x8dd: {  	[hbm4b:s28+s2] =	stream.indirect_vreg.scatter [tilespmem:s30], [sflag:$0xD], $0x80, v4, vm0, $0xb8;
	[tilespmem:$0x1E280] =	vst v63  }
0x8de: {  	s30 =	simm.s32 $0xDA80  }
0x8df: {  	[hbm4b:s21+s2] =	stream.indirect_vreg.scatter [tilespmem:s30], [sflag:$0xD], $0x80, v3, vm0, $0xb8;
	[tilespmem:$0x1E280] =	vst v63  }
0x8e0: {  	s30 =	simm.s32 $0xE280  }
0x8e1: {  	[hbm4b:s26+s2] =	stream.indirect_vreg.scatter [tilespmem:s30], [sflag:$0xD], $0x80, v3, vm0, $0xb8;
	[tilespmem:$0x1E280] =	vst v63  }
0x8e2: {  	s30 =	simm.s32 $0xEA80  }
0x8e3: {  	[hbm4b:s28+s2] =	stream.indirect_vreg.scatter [tilespmem:s30], [sflag:$0xD], $0x80, v3, vm0, $0xb8;
	[tilespmem:$0x1E280] =	vst v63  }
0x8e4: {  	v3 =	vld [tilespmem:$0x110];
	_ =	sdelay $0x4  }
0x8e5: {  	v53 =	vshrl.u32 v3, $0x3  }
0x8e6: {  	v4 =	vmul.u32 $0x30, v53  }
0x8e7: {  	v3 =	vand.u32 $0x7, v3  }
0x8e8: {  	v3 =	vor.u32 v3, v4  }
0x8e9: {  	v4 =	vperm.xlane v3, v0;
	_ =	sdelay $0x1  }
0x8ea: {  	v4 =	vadd.s32 v1, v4;
	_ =	sdelay $0x3  }
0x8eb: {  	s30 =	simm.s32 $0xF280;
	v3 =	vperm.xlane v3, v2  }
0x8ec: {  	[hbm4b:s21+s2] =	stream.indirect_vreg.scatter [tilespmem:s30], [sflag:$0xD], $0x80, v4, vm0, $0xb8;
	[tilespmem:$0x1E280] =	vst v63  }
0x8ed: {  	v3 =	vadd.s32 v1, v3;
	s30 =	simm.s32 $0xFA80  }
0x8ee: {  	[hbm4b:s26+s2] =	stream.indirect_vreg.scatter [tilespmem:s30], [sflag:$0xD], $0x80, v4, vm0, $0xb8;
	[tilespmem:$0x1E280] =	vst v63  }
0x8ef: {  	s30 =	simm.s32 $0x10280  }
0x8f0: {  	[hbm4b:s28+s2] =	stream.indirect_vreg.scatter [tilespmem:s30], [sflag:$0xD], $0x80, v4, vm0, $0xb8;
	[tilespmem:$0x1E280] =	vst v63  }
0x8f1: {  	s30 =	simm.s32 $0x10A80  }
0x8f2: {  	[hbm4b:s21+s2] =	stream.indirect_vreg.scatter [tilespmem:s30], [sflag:$0xD], $0x80, v3, vm0, $0xb8;
	[tilespmem:$0x1E280] =	vst v63  }
0x8f3: {  	s30 =	simm.s32 $0x11280  }
0x8f4: {  	[hbm4b:s26+s2] =	stream.indirect_vreg.scatter [tilespmem:s30], [sflag:$0xD], $0x80, v3, vm0, $0xb8;
	[tilespmem:$0x1E280] =	vst v63  }
0x8f5: {  	s30 =	simm.s32 $0x11A80  }
0x8f6: {  	[hbm4b:s28+s2] =	stream.indirect_vreg.scatter [tilespmem:s30], [sflag:$0xD], $0x80, v3, vm0, $0xb8;
	[tilespmem:$0x1E280] =	vst v63  }
0x8f7: {  	_ =	swait.ge [sflag:s17], $0x6000  }
0x8f8: {  	s30 =	sld [smem:$0x7F7]  }
0x8f9: {  	[sflag:s17] =	ssyncset.done $0x0  }
0x8fa: {  	s3 =	simm.s32 $0x80;
	s29 =	sld [smem:$0x7FC];
	[sflag:s17] =	ssyncadd.s32 $0xFFFFA000  }
0x8fb: {  	[tilespmem:s3], [sflag:$0x2] =	stream.linear.gather [hbm4b:s30+s2], $0x20, $0x38;
	[tilespmem:$0x1E280] =	vst v63  }
0x8fc: {  	_ = 	snop  }
0x8fd: {  	[tilespmem:s1], [sflag:$0x7] =	stream.linear.gather [hbm4b:s29+s2], $0x6000, $0x38;
	[tilespmem:$0x1E280] =	vst v63  }
0x8fe: {  	_ =	swait.ge [sflag:s16], $0x20  }
0x8ff: {  	[sflag:s16] =	ssyncset.done $0x0  }
0x900: {  	[sflag:s16] =	ssyncadd.s32 $0xFFFFFFE0  }
0x901: {  	_ =	swait.ge [sflag:s18], $0x6000  }
0x902: {  	[sflag:s18] =	ssyncset.done $0x0  }
0x903: {  	[sflag:s18] =	ssyncadd.s32 $0xFFFFA000  }
0x904: {  	v3 =	vld [tilespmem:$0x180];
	_ =	sdelay $0x4  }
0x905: {  	v54 =	vshrl.u32 v3, $0x3  }
0x906: {  	v4 =	vmul.u32 $0x30, v54  }
0x907: {  	v3 =	vand.u32 $0x7, v3  }
0x908: {  	v3 =	vor.u32 v3, v4  }
0x909: {  	v4 =	vperm.xlane v3, v0;
	_ =	sdelay $0x1  }
0x90a: {  	v4 =	vadd.s32 v1, v4;
	_ =	sdelay $0x3  }
0x90b: {  	s16 =	simm.s32 $0x12280;
	v3 =	vperm.xlane v3, v2  }
0x90c: {  	[hbm4b:s21+s2] =	stream.indirect_vreg.scatter [tilespmem:s16], [sflag:$0xE], $0x80, v4, vm0, $0xb8;
	[tilespmem:$0x1E280] =	vst v63  }
0x90d: {  	s30 =	simm.s32 $0x12A80;
	v3 =	vadd.s32 v1, v3  }
0x90e: {  	[hbm4b:s26+s2] =	stream.indirect_vreg.scatter [tilespmem:s30], [sflag:$0xE], $0x80, v4, vm0, $0xb8;
	[tilespmem:$0x1E280] =	vst v63  }
0x90f: {  	s16 =	simm.s32 $0x13280  }
0x910: {  	[hbm4b:s28+s2] =	stream.indirect_vreg.scatter [tilespmem:s16], [sflag:$0xE], $0x80, v4, vm0, $0xb8;
	[tilespmem:$0x1E280] =	vst v63  }
0x911: {  	s30 =	simm.s32 $0x13A80  }
0x912: {  	[hbm4b:s21+s2] =	stream.indirect_vreg.scatter [tilespmem:s30], [sflag:$0xE], $0x80, v3, vm0, $0xb8;
	[tilespmem:$0x1E280] =	vst v63  }
0x913: {  	s16 =	simm.s32 $0x14280  }
0x914: {  	[hbm4b:s26+s2] =	stream.indirect_vreg.scatter [tilespmem:s16], [sflag:$0xE], $0x80, v3, vm0, $0xb8;
	[tilespmem:$0x1E280] =	vst v63  }
0x915: {  	s30 =	simm.s32 $0x14A80  }
0x916: {  	[hbm4b:s28+s2] =	stream.indirect_vreg.scatter [tilespmem:s30], [sflag:$0xE], $0x80, v3, vm0, $0xb8;
	[tilespmem:$0x1E280] =	vst v63  }
0x917: {  	v3 =	vld [tilespmem:$0x190];
	_ =	sdelay $0x4  }
0x918: {  	v55 =	vshrl.u32 v3, $0x3  }
0x919: {  	v4 =	vmul.u32 $0x30, v55  }
0x91a: {  	v3 =	vand.u32 $0x7, v3  }
0x91b: {  	v3 =	vor.u32 v3, v4  }
0x91c: {  	v4 =	vperm.xlane v3, v0;
	_ =	sdelay $0x1  }
0x91d: {  	v4 =	vadd.s32 v1, v4;
	_ =	sdelay $0x3  }
0x91e: {  	s16 =	simm.s32 $0x15280;
	v3 =	vperm.xlane v3, v2  }
0x91f: {  	[hbm4b:s21+s2] =	stream.indirect_vreg.scatter [tilespmem:s16], [sflag:$0xE], $0x80, v4, vm0, $0xb8;
	[tilespmem:$0x1E280] =	vst v63  }
0x920: {  	s30 =	simm.s32 $0x15A80;
	v3 =	vadd.s32 v1, v3  }
0x921: {  	[hbm4b:s26+s2] =	stream.indirect_vreg.scatter [tilespmem:s30], [sflag:$0xE], $0x80, v4, vm0, $0xb8;
	[tilespmem:$0x1E280] =	vst v63  }
0x922: {  	s16 =	simm.s32 $0x16280  }
0x923: {  	[hbm4b:s28+s2] =	stream.indirect_vreg.scatter [tilespmem:s16], [sflag:$0xE], $0x80, v4, vm0, $0xb8;
	[tilespmem:$0x1E280] =	vst v63  }
0x924: {  	s30 =	simm.s32 $0x16A80  }
0x925: {  	[hbm4b:s21+s2] =	stream.indirect_vreg.scatter [tilespmem:s30], [sflag:$0xE], $0x80, v3, vm0, $0xb8;
	[tilespmem:$0x1E280] =	vst v63  }
0x926: {  	s16 =	simm.s32 $0x17280  }
0x927: {  	[hbm4b:s26+s2] =	stream.indirect_vreg.scatter [tilespmem:s16], [sflag:$0xE], $0x80, v3, vm0, $0xb8;
	[tilespmem:$0x1E280] =	vst v63  }
0x928: {  	s30 =	simm.s32 $0x17A80  }
0x929: {  	[hbm4b:s28+s2] =	stream.indirect_vreg.scatter [tilespmem:s30], [sflag:$0xE], $0x80, v3, vm0, $0xb8;
	[tilespmem:$0x1E280] =	vst v63  }
0x92a: {  	_ =	swait.ge [sflag:s6], $0x6000  }
0x92b: {  	s16 =	sld [smem:$0x7F8]  }
0x92c: {  	[sflag:s6] =	ssyncset.done $0x0  }
0x92d: {  	s30 =	simm.s32 $0x100;
	s29 =	sld [smem:$0x7FD];
	[sflag:s6] =	ssyncadd.s32 $0xFFFFA000  }
0x92e: {  	[tilespmem:s30], [sflag:$0x3] =	stream.linear.gather [hbm4b:s16+s2], $0x20, $0x38;
	[tilespmem:$0x1E280] =	vst v63  }
0x92f: {  	_ = 	snop  }
0x930: {  	[tilespmem:s0], [sflag:$0x8] =	stream.linear.gather [hbm4b:s29+s2], $0x6000, $0x38;
	[tilespmem:$0x1E280] =	vst v63  }
0x931: {  	s29 =	sld [smem:$0x7CE];
	_ =	swait.ge [sflag:s11], $0x20  }
0x932: {  	[sflag:s11] =	ssyncset.done $0x0  }
0x933: {  	[sflag:s11] =	ssyncadd.s32 $0xFFFFFFE0  }
0x934: {  	_ =	swait.ge [sflag:s12], $0x6000  }
0x935: {  	[sflag:s12] =	ssyncset.done $0x0  }
0x936: {  	[sflag:s12] =	ssyncadd.s32 $0xFFFFA000  }
0x937: {  	v3 =	vld [tilespmem:$0x200];
	_ =	sdelay $0x4  }
0x938: {  	v56 =	vshrl.u32 v3, $0x3  }
0x939: {  	v4 =	vmul.u32 $0x30, v56  }
0x93a: {  	v3 =	vand.u32 $0x7, v3  }
0x93b: {  	v3 =	vor.u32 v3, v4  }
0x93c: {  	v4 =	vperm.xlane v3, v0;
	_ =	sdelay $0x1  }
0x93d: {  	v4 =	vadd.s32 v1, v4;
	_ =	sdelay $0x3  }
0x93e: {  	s16 =	simm.s32 $0x18280;
	v3 =	vperm.xlane v3, v2  }
0x93f: {  	[hbm4b:s21+s2] =	stream.indirect_vreg.scatter [tilespmem:s16], [sflag:$0xF], $0x80, v4, vm0, $0xb8;
	[tilespmem:$0x1E280] =	vst v63  }
0x940: {  	s30 =	simm.s32 $0x18A80;
	v3 =	vadd.s32 v1, v3  }
0x941: {  	[hbm4b:s26+s2] =	stream.indirect_vreg.scatter [tilespmem:s30], [sflag:$0xF], $0x80, v4, vm0, $0xb8;
	[tilespmem:$0x1E280] =	vst v63  }
0x942: {  	s11 =	simm.s32 $0x19280  }
0x943: {  	[hbm4b:s28+s2] =	stream.indirect_vreg.scatter [tilespmem:s11], [sflag:$0xF], $0x80, v4, vm0, $0xb8;
	[tilespmem:$0x1E280] =	vst v63  }
0x944: {  	s16 =	simm.s32 $0x19A80  }
0x945: {  	[hbm4b:s21+s2] =	stream.indirect_vreg.scatter [tilespmem:s16], [sflag:$0xF], $0x80, v3, vm0, $0xb8;
	[tilespmem:$0x1E280] =	vst v63  }
0x946: {  	s30 =	simm.s32 $0x1A280  }
0x947: {  	[hbm4b:s26+s2] =	stream.indirect_vreg.scatter [tilespmem:s30], [sflag:$0xF], $0x80, v3, vm0, $0xb8;
	[tilespmem:$0x1E280] =	vst v63  }
0x948: {  	s11 =	simm.s32 $0x1AA80  }
0x949: {  	[hbm4b:s28+s2] =	stream.indirect_vreg.scatter [tilespmem:s11], [sflag:$0xF], $0x80, v3, vm0, $0xb8;
	[tilespmem:$0x1E280] =	vst v63  }
0x94a: {  	v3 =	vld [tilespmem:$0x210];
	_ =	sdelay $0x4  }
0x94b: {  	v57 =	vshrl.u32 v3, $0x3  }
0x94c: {  	v4 =	vmul.u32 $0x30, v57  }
0x94d: {  	v3 =	vand.u32 $0x7, v3  }
0x94e: {  	v3 =	vor.u32 v3, v4  }
0x94f: {  	v4 =	vperm.xlane v3, v0;
	_ =	sdelay $0x1  }
0x950: {  	v4 =	vadd.s32 v1, v4;
	_ =	sdelay $0x3  }
0x951: {  	s16 =	simm.s32 $0x1B280;
	v3 =	vperm.xlane v3, v2  }
0x952: {  	[hbm4b:s21+s2] =	stream.indirect_vreg.scatter [tilespmem:s16], [sflag:$0xF], $0x80, v4, vm0, $0xb8;
	[tilespmem:$0x1E280] =	vst v63  }
0x953: {  	s30 =	simm.s32 $0x1BA80;
	v3 =	vadd.s32 v1, v3  }
0x954: {  	[hbm4b:s26+s2] =	stream.indirect_vreg.scatter [tilespmem:s30], [sflag:$0xF], $0x80, v4, vm0, $0xb8;
	[tilespmem:$0x1E280] =	vst v63  }
0x955: {  	s11 =	simm.s32 $0x1C280  }
0x956: {  	[hbm4b:s28+s2] =	stream.indirect_vreg.scatter [tilespmem:s11], [sflag:$0xF], $0x80, v4, vm0, $0xb8;
	[tilespmem:$0x1E280] =	vst v63  }
0x957: {  	s16 =	simm.s32 $0x1CA80  }
0x958: {  	[hbm4b:s21+s2] =	stream.indirect_vreg.scatter [tilespmem:s16], [sflag:$0xF], $0x80, v3, vm0, $0xb8;
	[tilespmem:$0x1E280] =	vst v63  }
0x959: {  	s30 =	simm.s32 $0x1D280  }
0x95a: {  	[hbm4b:s26+s2] =	stream.indirect_vreg.scatter [tilespmem:s30], [sflag:$0xF], $0x80, v3, vm0, $0xb8;
	[tilespmem:$0x1E280] =	vst v63  }
0x95b: {  	s11 =	simm.s32 $0x1DA80  }
0x95c: {  	[hbm4b:s28+s2] =	stream.indirect_vreg.scatter [tilespmem:s11], [sflag:$0xF], $0x80, v3, vm0, $0xb8;
	[tilespmem:$0x1E280] =	vst v63  }
0x95d: {  	_ =	swait.ge [sflag:s13], $0x6000  }
0x95e: {  	[sflag:s13] =	ssyncset.done $0x0  }
0x95f: {  	[sflag:s13] =	ssyncadd.s32 $0xFFFFA000  }
0x960: {  	_ =	swait.ge [sflag:s7], $0x20  }
0x961: {  	[sflag:s7] =	ssyncset.done $0x0  }
0x962: {  	[sflag:s7] =	ssyncadd.s32 $0xFFFFFFE0  }
0x963: {  	_ =	swait.ge [sflag:s31], $0x6000  }
0x964: {  	[sflag:s31] =	ssyncset.done $0x0  }
0x965: {  	[sflag:s31] =	ssyncadd.s32 $0xFFFFA000  }
0x966: {  	v3 =	vld [tilespmem:$0x0];
	_ =	sdelay $0x4  }
0x967: {  	v58 =	vshrl.u32 v3, $0x3  }
0x968: {  	v4 =	vmul.u32 $0x30, v58  }
0x969: {  	v3 =	vand.u32 $0x7, v3  }
0x96a: {  	v3 =	vor.u32 v3, v4  }
0x96b: {  	v4 =	vperm.xlane v3, v0;
	_ =	sdelay $0x1  }
0x96c: {  	v4 =	vadd.s32 v1, v4;
	_ =	sdelay $0x3  }
0x96d: {  	s15 =	simm.s32 $0x280;
	v3 =	vperm.xlane v3, v2  }
0x96e: {  	[hbm4b:s21+s2] =	stream.indirect_vreg.scatter [tilespmem:s15], [sflag:$0xB], $0x80, v4, vm0, $0xb8;
	[tilespmem:$0x1E280] =	vst v63  }
0x96f: {  	v3 =	vadd.s32 v1, v3;
	s15 =	simm.s32 $0xA80  }
0x970: {  	[hbm4b:s26+s2] =	stream.indirect_vreg.scatter [tilespmem:s15], [sflag:$0xB], $0x80, v4, vm0, $0xb8;
	[tilespmem:$0x1E280] =	vst v63  }
0x971: {  	s16 =	simm.s32 $0x1280  }
0x972: {  	[hbm4b:s28+s2] =	stream.indirect_vreg.scatter [tilespmem:s16], [sflag:$0xB], $0x80, v4, vm0, $0xb8;
	[tilespmem:$0x1E280] =	vst v63  }
0x973: {  	s30 =	simm.s32 $0x1A80  }
0x974: {  	[hbm4b:s21+s2] =	stream.indirect_vreg.scatter [tilespmem:s30], [sflag:$0xB], $0x80, v3, vm0, $0xb8;
	[tilespmem:$0x1E280] =	vst v63  }
0x975: {  	s11 =	simm.s32 $0x2280  }
0x976: {  	[hbm4b:s26+s2] =	stream.indirect_vreg.scatter [tilespmem:s11], [sflag:$0xB], $0x80, v3, vm0, $0xb8;
	[tilespmem:$0x1E280] =	vst v63  }
0x977: {  	s15 =	simm.s32 $0x2A80  }
0x978: {  	[hbm4b:s28+s2] =	stream.indirect_vreg.scatter [tilespmem:s15], [sflag:$0xB], $0x80, v3, vm0, $0xb8;
	[tilespmem:$0x1E280] =	vst v63  }
0x979: {  	v3 =	vld [tilespmem:$0x10];
	_ =	sdelay $0x4  }
0x97a: {  	v59 =	vshrl.u32 v3, $0x3  }
0x97b: {  	v4 =	vmul.u32 $0x30, v59  }
0x97c: {  	v3 =	vand.u32 $0x7, v3  }
0x97d: {  	v3 =	vor.u32 v3, v4  }
0x97e: {  	v4 =	vperm.xlane v3, v0;
	_ =	sdelay $0x1  }
0x97f: {  	v4 =	vadd.s32 v1, v4;
	_ =	sdelay $0x3  }
0x980: {  	s16 =	simm.s32 $0x3280;
	v3 =	vperm.xlane v3, v2  }
0x981: {  	[hbm4b:s21+s2] =	stream.indirect_vreg.scatter [tilespmem:s16], [sflag:$0xB], $0x80, v4, vm0, $0xb8;
	[tilespmem:$0x1E280] =	vst v63  }
0x982: {  	s30 =	simm.s32 $0x3A80;
	v3 =	vadd.s32 v1, v3  }
0x983: {  	[hbm4b:s26+s2] =	stream.indirect_vreg.scatter [tilespmem:s30], [sflag:$0xB], $0x80, v4, vm0, $0xb8;
	[tilespmem:$0x1E280] =	vst v63  }
0x984: {  	s11 =	simm.s32 $0x4280  }
0x985: {  	[hbm4b:s28+s2] =	stream.indirect_vreg.scatter [tilespmem:s11], [sflag:$0xB], $0x80, v4, vm0, $0xb8;
	[tilespmem:$0x1E280] =	vst v63  }
0x986: {  	s15 =	simm.s32 $0x4A80  }
0x987: {  	[hbm4b:s21+s2] =	stream.indirect_vreg.scatter [tilespmem:s15], [sflag:$0xB], $0x80, v3, vm0, $0xb8;
	[tilespmem:$0x1E280] =	vst v63  }
0x988: {  	s16 =	simm.s32 $0x5280  }
0x989: {  	[hbm4b:s26+s2] =	stream.indirect_vreg.scatter [tilespmem:s16], [sflag:$0xB], $0x80, v3, vm0, $0xb8;
	[tilespmem:$0x1E280] =	vst v63  }
0x98a: {  	s30 =	simm.s32 $0x5A80  }
0x98b: {  	[hbm4b:s28+s2] =	stream.indirect_vreg.scatter [tilespmem:s30], [sflag:$0xB], $0x80, v3, vm0, $0xb8;
	[tilespmem:$0x1E280] =	vst v63  }
0x98c: {  	_ =	swait.ge [sflag:s4], $0x6000  }
0x98d: {  	[sflag:s4] =	ssyncset.done $0x0  }
0x98e: {  	[sflag:s4] =	ssyncadd.s32 $0xFFFFA000  }
0x98f: {  	_ =	swait.ge [sflag:s8], $0x20  }
0x990: {  	[sflag:s8] =	ssyncset.done $0x0  }
0x991: {  	s5 =	simm.s32 $0x7;
	[sflag:s8] =	ssyncadd.s32 $0xFFFFFFE0  }
0x992: {  	_ =	swait.ge [sflag:s5], $0x6000  }
0x993: {  	[sflag:s5] =	ssyncset.done $0x0  }
0x994: {  	[sflag:s5] =	ssyncadd.s32 $0xFFFFA000  }
0x995: {  	v3 =	vld [tilespmem:$0x80];
	_ =	sdelay $0x4  }
0x996: {  	v60 =	vshrl.u32 v3, $0x3  }
0x997: {  	v4 =	vmul.u32 $0x30, v60  }
0x998: {  	v3 =	vand.u32 $0x7, v3  }
0x999: {  	v3 =	vor.u32 v3, v4  }
0x99a: {  	v4 =	vperm.xlane v3, v0;
	_ =	sdelay $0x1  }
0x99b: {  	v4 =	vadd.s32 v1, v4;
	_ =	sdelay $0x3  }
0x99c: {  	s1 =	simm.s32 $0x6280;
	v3 =	vperm.xlane v3, v2  }
0x99d: {  	[hbm4b:s21+s2] =	stream.indirect_vreg.scatter [tilespmem:s1], [sflag:$0xC], $0x80, v4, vm0, $0xb8;
	[tilespmem:$0x1E280] =	vst v63  }
0x99e: {  	v3 =	vadd.s32 v1, v3;
	s1 =	simm.s32 $0x6A80  }
0x99f: {  	[hbm4b:s26+s2] =	stream.indirect_vreg.scatter [tilespmem:s1], [sflag:$0xC], $0x80, v4, vm0, $0xb8;
	[tilespmem:$0x1E280] =	vst v63  }
0x9a0: {  	s4 =	simm.s32 $0x7280  }
0x9a1: {  	[hbm4b:s28+s2] =	stream.indirect_vreg.scatter [tilespmem:s4], [sflag:$0xC], $0x80, v4, vm0, $0xb8;
	[tilespmem:$0x1E280] =	vst v63  }
0x9a2: {  	s5 =	simm.s32 $0x7A80  }
0x9a3: {  	[hbm4b:s21+s2] =	stream.indirect_vreg.scatter [tilespmem:s5], [sflag:$0xC], $0x80, v3, vm0, $0xb8;
	[tilespmem:$0x1E280] =	vst v63  }
0x9a4: {  	s11 =	simm.s32 $0x8280  }
0x9a5: {  	[hbm4b:s26+s2] =	stream.indirect_vreg.scatter [tilespmem:s11], [sflag:$0xC], $0x80, v3, vm0, $0xb8;
	[tilespmem:$0x1E280] =	vst v63  }
0x9a6: {  	s15 =	simm.s32 $0x8A80  }
0x9a7: {  	[hbm4b:s28+s2] =	stream.indirect_vreg.scatter [tilespmem:s15], [sflag:$0xC], $0x80, v3, vm0, $0xb8;
	[tilespmem:$0x1E280] =	vst v63  }
0x9a8: {  	v3 =	vld [tilespmem:$0x90];
	_ =	sdelay $0x4  }
0x9a9: {  	v61 =	vshrl.u32 v3, $0x3  }
0x9aa: {  	v4 =	vmul.u32 $0x30, v61  }
0x9ab: {  	v3 =	vand.u32 $0x7, v3  }
0x9ac: {  	v3 =	vor.u32 v3, v4  }
0x9ad: {  	v4 =	vperm.xlane v3, v0;
	_ =	sdelay $0x1  }
0x9ae: {  	v4 =	vadd.s32 v1, v4;
	_ =	sdelay $0x3  }
0x9af: {  	s16 =	simm.s32 $0x9280;
	v3 =	vperm.xlane v3, v2  }
0x9b0: {  	[hbm4b:s21+s2] =	stream.indirect_vreg.scatter [tilespmem:s16], [sflag:$0xC], $0x80, v4, vm0, $0xb8;
	[tilespmem:$0x1E280] =	vst v63  }
0x9b1: {  	s30 =	simm.s32 $0x9A80;
	v3 =	vadd.s32 v1, v3  }
0x9b2: {  	[hbm4b:s26+s2] =	stream.indirect_vreg.scatter [tilespmem:s30], [sflag:$0xC], $0x80, v4, vm0, $0xb8;
	[tilespmem:$0x1E280] =	vst v63  }
0x9b3: {  	s1 =	simm.s32 $0xA280  }
0x9b4: {  	[hbm4b:s28+s2] =	stream.indirect_vreg.scatter [tilespmem:s1], [sflag:$0xC], $0x80, v4, vm0, $0xb8;
	[tilespmem:$0x1E280] =	vst v63  }
0x9b5: {  	s4 =	simm.s32 $0xAA80  }
0x9b6: {  	[hbm4b:s21+s2] =	stream.indirect_vreg.scatter [tilespmem:s4], [sflag:$0xC], $0x80, v3, vm0, $0xb8;
	[tilespmem:$0x1E280] =	vst v63  }
0x9b7: {  	s5 =	simm.s32 $0xB280  }
0x9b8: {  	[hbm4b:s26+s2] =	stream.indirect_vreg.scatter [tilespmem:s5], [sflag:$0xC], $0x80, v3, vm0, $0xb8;
	[tilespmem:$0x1E280] =	vst v63  }
0x9b9: {  	s11 =	simm.s32 $0xBA80  }
0x9ba: {  	[hbm4b:s28+s2] =	stream.indirect_vreg.scatter [tilespmem:s11], [sflag:$0xC], $0x80, v3, vm0, $0xb8;
	[tilespmem:$0x1E280] =	vst v63  }
0x9bb: {  	_ =	swait.ge [sflag:s9], $0x6000  }
0x9bc: {  	[sflag:s9] =	ssyncset.done $0x0  }
0x9bd: {  	[sflag:s9] =	ssyncadd.s32 $0xFFFFA000  }
0x9be: {  	_ =	swait.ge [sflag:s10], $0x20  }
0x9bf: {  	[sflag:s10] =	ssyncset.done $0x0  }
0x9c0: {  	[sflag:s10] =	ssyncadd.s32 $0xFFFFFFE0  }
0x9c1: {  	_ =	swait.ge [sflag:s14], $0x6000  }
0x9c2: {  	[sflag:s14] =	ssyncset.done $0x0  }
0x9c3: {  	[sflag:s14] =	ssyncadd.s32 $0xFFFFA000  }
0x9c4: {  	v3 =	vld [tilespmem:$0x100];
	_ =	sdelay $0x4  }
0x9c5: {  	v62 =	vshrl.u32 v3, $0x3  }
0x9c6: {  	v4 =	vmul.u32 $0x30, v62  }
0x9c7: {  	v3 =	vand.u32 $0x7, v3  }
0x9c8: {  	v3 =	vor.u32 v3, v4  }
0x9c9: {  	v4 =	vperm.xlane v3, v0;
	_ =	sdelay $0x1  }
0x9ca: {  	v4 =	vadd.s32 v1, v4;
	_ =	sdelay $0x3  }
0x9cb: {  	s3 =	simm.s32 $0xC280;
	v3 =	vperm.xlane v3, v2  }
0x9cc: {  	[hbm4b:s21+s2] =	stream.indirect_vreg.scatter [tilespmem:s3], [sflag:$0xD], $0x80, v4, vm0, $0xb8;
	[tilespmem:$0x1E280] =	vst v63  }
0x9cd: {  	s15 =	simm.s32 $0xCA80;
	v3 =	vadd.s32 v1, v3  }
0x9ce: {  	[hbm4b:s26+s2] =	stream.indirect_vreg.scatter [tilespmem:s15], [sflag:$0xD], $0x80, v4, vm0, $0xb8;
	[tilespmem:$0x1E280] =	vst v63  }
0x9cf: {  	s16 =	simm.s32 $0xD280  }
0x9d0: {  	[hbm4b:s28+s2] =	stream.indirect_vreg.scatter [tilespmem:s16], [sflag:$0xD], $0x80, v4, vm0, $0xb8;
	[tilespmem:$0x1E280] =	vst v63  }
0x9d1: {  	s30 =	simm.s32 $0xDA80  }
0x9d2: {  	[hbm4b:s21+s2] =	stream.indirect_vreg.scatter [tilespmem:s30], [sflag:$0xD], $0x80, v3, vm0, $0xb8;
	[tilespmem:$0x1E280] =	vst v63  }
0x9d3: {  	s1 =	simm.s32 $0xE280  }
0x9d4: {  	[hbm4b:s26+s2] =	stream.indirect_vreg.scatter [tilespmem:s1], [sflag:$0xD], $0x80, v3, vm0, $0xb8;
	[tilespmem:$0x1E280] =	vst v63  }
0x9d5: {  	s3 =	simm.s32 $0xEA80  }
0x9d6: {  	[hbm4b:s28+s2] =	stream.indirect_vreg.scatter [tilespmem:s3], [sflag:$0xD], $0x80, v3, vm0, $0xb8;
	[tilespmem:$0x1E280] =	vst v63  }
0x9d7: {  	v3 =	vld [tilespmem:$0x110];
	_ =	sdelay $0x4  }
0x9d8: {  	v63 =	vshrl.u32 v3, $0x3  }
0x9d9: {  	v4 =	vmul.u32 $0x30, v63  }
0x9da: {  	v3 =	vand.u32 $0x7, v3  }
0x9db: {  	v3 =	vor.u32 v3, v4  }
0x9dc: {  	v4 =	vperm.xlane v3, v0;
	_ =	sdelay $0x1  }
0x9dd: {  	v4 =	vadd.s32 v1, v4;
	_ =	sdelay $0x3  }
0x9de: {  	s4 =	simm.s32 $0xF280;
	v3 =	vperm.xlane v3, v2  }
0x9df: {  	[hbm4b:s21+s2] =	stream.indirect_vreg.scatter [tilespmem:s4], [sflag:$0xD], $0x80, v4, vm0, $0xb8;
	[tilespmem:$0x1E280] =	vst v63  }
0x9e0: {  	s5 =	simm.s32 $0xFA80;
	v3 =	vadd.s32 v1, v3  }
0x9e1: {  	[hbm4b:s26+s2] =	stream.indirect_vreg.scatter [tilespmem:s5], [sflag:$0xD], $0x80, v4, vm0, $0xb8;
	[tilespmem:$0x1E280] =	vst v63  }
0x9e2: {  	s11 =	simm.s32 $0x10280  }
0x9e3: {  	[hbm4b:s28+s2] =	stream.indirect_vreg.scatter [tilespmem:s11], [sflag:$0xD], $0x80, v4, vm0, $0xb8;
	[tilespmem:$0x1E280] =	vst v63  }
0x9e4: {  	s15 =	simm.s32 $0x10A80  }
0x9e5: {  	[hbm4b:s21+s2] =	stream.indirect_vreg.scatter [tilespmem:s15], [sflag:$0xD], $0x80, v3, vm0, $0xb8;
	[tilespmem:$0x1E280] =	vst v63  }
0x9e6: {  	s16 =	simm.s32 $0x11280  }
0x9e7: {  	[hbm4b:s26+s2] =	stream.indirect_vreg.scatter [tilespmem:s16], [sflag:$0xD], $0x80, v3, vm0, $0xb8;
	[tilespmem:$0x1E280] =	vst v63  }
0x9e8: {  	s30 =	simm.s32 $0x11A80  }
0x9e9: {  	[hbm4b:s28+s2] =	stream.indirect_vreg.scatter [tilespmem:s30], [sflag:$0xD], $0x80, v3, vm0, $0xb8;
	[tilespmem:$0x1E280] =	vst v63  }
0x9ea: {  	p0 =	sne.s32 s29, $0x1;
	_ =	swait.ge [sflag:s17], $0x6000  }
.Ltmp0:
0x9eb: {  	[sflag:s17] =	ssyncset.done $0x0;
	(pc) =	sbr.rel @p0 .LBB2_1-.Ltmp0, $4  }
0x9ec: {  	[sflag:s17] =	ssyncadd.s32 $0xFFFFA000  }
0x9ed: {  	_ =	swait.ge [sflag:s6], $0x6000  }
0x9ee: {  	[sflag:s6] =	ssyncset.done $0x0  }
0x9ef: {  	s29 =	sadd.s32 $0xFFFFFFFF, s29;
	[sflag:s6] =	ssyncadd.s32 $0xFFFFA000  }
0x9f0: {  	_ =	sfence.sel $0x180000  }
0x9f1: {  	[bflag:$0x0] =	sbarrier.arrive $0xFFFF  }
0x9f2: {  	_ =	strace $0x90000047  }
0x9f3: {  	s0 =	stileid.u32;
	[bflag:$0x2] =	sbarrier.arrive $0xFFFF  }
0x9f4: {  	p0 =	sne.s32 s0, $0x0;
	s0 =	rddreg [dreg:$0x5]  }
0x9f5: {  	s0 =	sadd.s32 @!p0 $0x100000, s0  }
0x9f6: {  	[sflag:s0] =	ssyncadd.tile.s32 @!p0 $0x1;
	_ =	shalt  }
.Lfunc_end2:
_tile_overlayer_lowered:
.L_overlay_start_2:
0x9f7: {  	(tag) =	ssettag $0x2  }
0x9f8: {  	s0 =	rddreg [dreg:$0x0];
	s2 =	stileid.u32  }
0x9f9: {  	s1 =	rddreg [dreg:$0x1];
	p0 =	sne.s32 s2, $0x0  }
0x9fa: {  	s3 =	rddreg [dreg:$0x2];
	[bflag:$0x3] =	sbarrier.arrive $0xFFFF;
	s2 =	simm.s32 @!p0 $0x1C10  }
0x9fb: {  	[timem:s3], [sflag:s2] =	dma.local @!p0 [hbm:s0], s1  }
0x9fc: {  	s0 =	simm.s32 @!p0 $0x10  }
0x9fd: {  	_ =	swait.ge @!p0 [sflag:s0], s1  }
0x9fe: {  	s1 =	ssub.s32 @!p0 $0x0, s1;
	[sflag:s0] =	ssyncset.done @!p0 $0x0  }
0x9ff: {  	[sflag:s0] =	ssyncadd.s32 @!p0 s1  }
0xa00: {  	[bflag:$0x3] =	sbarrier.arrive $0xFFFF  }
0xa01: {  	_ =	shalt  }

</sc_bundles>
